<compile_context>
chip_gen: v7x
topology: tpu7x:2x2x1
jax: 0.10.2.dev20260603
libtpu: 0.0.44.dev20260713+nightly
codegen_flags: <defaults>
</compile_context>

<pallas_src>
import functools
import math

import jax
import jax.numpy as jnp
from jax import lax
from jax.experimental import pallas as pl
from jax.experimental.pallas import tpu as pltpu
from jax.experimental.pallas import tpu_sc as plsc

N_NODES = 10000
N_EDGES = 320000
D_FEAT = 128
D_ATTR = 4
D_RADIAL = 8
D_HID = 64
AVG_NUM_NEIGHBORS = 32.0

_NC = 2
_NS = 16
_LANES = 16

_C = 80
_EPT = N_EDGES // (_NC * _NS)
_STEPS = _EPT // _C
_NPAD = 10240
_RPT = _NPAD // _NS



def _h_body(nf_ref, w_ref, o_ref):
    o_ref[...] = jnp.dot(nf_ref[...], w_ref[...],
                         preferred_element_type=jnp.float32) * (1.0 / math.sqrt(D_FEAT))


def _compute_h(node_feats, W_up):
    blk = 2000
    grid = N_NODES // blk
    return pl.pallas_call(
        _h_body,
        grid=(grid,),
        in_specs=[
            pl.BlockSpec((blk, D_FEAT), lambda i: (i, 0)),
            pl.BlockSpec((D_FEAT, D_FEAT), lambda i: (0, 0)),
        ],
        out_specs=pl.BlockSpec((blk, D_FEAT), lambda i: (i, 0)),
        out_shape=jax.ShapeDtypeStruct((N_NODES, D_FEAT), jnp.float32),
    )(node_feats, W_up)



def _q_body(ef_ref, ea_ref, w1_ref, w2_ref, w3_ref, w4_ref, o_ref):
    t = jax.nn.silu(
        lax.dot_general(ef_ref[...], w1_ref[...], (((0,), (0,)), ((), ())),
                        preferred_element_type=jnp.float32) * (1.0 / math.sqrt(D_RADIAL)))
    t = jax.nn.silu(jnp.dot(t, w2_ref[...],
                            preferred_element_type=jnp.float32) * (1.0 / math.sqrt(D_HID)))
    t = jax.nn.silu(jnp.dot(t, w3_ref[...],
                            preferred_element_type=jnp.float32) * (1.0 / math.sqrt(D_HID)))
    w = jnp.dot(t, w4_ref[...], preferred_element_type=jnp.float32) * (1.0 / math.sqrt(D_HID))
    o_ref[...] = w * lax.transpose(ea_ref[...], (1, 0))


def _compute_q(edge_feats, edge_attrs, W1, W2, W3, W4):
    blk = 12800
    grid = N_EDGES // blk
    ef_t = edge_feats.T
    ea_t = edge_attrs.reshape(1, N_EDGES)
    return pl.pallas_call(
        _q_body,
        grid=(grid,),
        in_specs=[
            pl.BlockSpec((D_RADIAL, blk), lambda i: (0, i)),
            pl.BlockSpec((1, blk), lambda i: (0, i)),
            pl.BlockSpec((D_RADIAL, D_HID), lambda i: (0, 0)),
            pl.BlockSpec((D_HID, D_HID), lambda i: (0, 0)),
            pl.BlockSpec((D_HID, D_HID), lambda i: (0, 0)),
            pl.BlockSpec((D_HID, D_FEAT), lambda i: (0, 0)),
        ],
        out_specs=pl.BlockSpec((blk, D_FEAT), lambda i: (i, 0)),
        out_shape=jax.ShapeDtypeStruct((N_EDGES, D_FEAT), jnp.float32),
    )(ef_t, ea_t, W1, W2, W3, W4)



def _mul_chunk(q_v, g_v):
    def mbody(i, _):
        for u in range(4):
            e = 4 * i + u
            for j in range(D_FEAT // _LANES):
                sl = pl.ds(j * _LANES, _LANES)
                q_v[e, sl] = q_v[e, sl] * g_v[e, sl]
        return 0
    lax.fori_loop(0, _C // 4, mbody, 0)


def _sc_body(idx_hbm, q_hbm, h_hbm, out_hbm,
             idx_v, ridx_v, q_v, g_v, acc, isem0, isem1, qsem, gsem, ssem):
    c = lax.axis_index("c")
    s = lax.axis_index("s")
    wid = s * _NC + c
    isems = (isem0, isem1)

    def idxload(k, b):
        pltpu.async_copy(idx_hbm.at[wid, k], idx_v.at[b], isems[b])

    def wait_idx(b):
        pltpu.make_async_copy(idx_hbm.at[0, 0], idx_v.at[b], isems[b]).wait()

    def qgload(k, b):
        base = wid * _EPT + k * _C
        pltpu.async_copy(q_hbm.at[pl.ds(base, _C), :], q_v.at[b], qsem)
        pltpu.async_copy(h_hbm.at[idx_v.at[b, 0]], g_v.at[b], gsem)

    def wait_qg(b):
        pltpu.make_async_copy(q_hbm.at[pl.ds(0, _C), :], q_v.at[b], qsem).wait()
        pltpu.make_async_copy(h_hbm.at[idx_v.at[b, 0]], g_v.at[b], gsem).wait()

    def scatter(k, b):
        pltpu.async_copy(q_v.at[b], acc.at[ridx_v.at[b]], ssem, add=True)

    def wait_scatter(b):
        pltpu.make_async_copy(q_v.at[b], acc.at[ridx_v.at[b]], ssem).wait()

    idxload(0, 0)
    idxload(1, 1)

    def zbody(e, _):
        for j in range(D_FEAT // _LANES):
            g_v[0, e, pl.ds(j * _LANES, _LANES)] = jnp.zeros((_LANES,), jnp.float32)
        return 0
    lax.fori_loop(0, _C, zbody, 0)
    row0 = s * _RPT
    for m in range(_RPT // _C):
        pltpu.sync_copy(g_v.at[0], acc.at[pl.ds(row0 + m * _C, _C), :])
    plsc.subcore_barrier()

    wait_idx(0)
    qgload(0, 0)

    def body(k, b):
        wait_qg(b)
        for j in range(_C // _LANES):
            sl = pl.ds(j * _LANES, _LANES)
            ridx_v[b, sl] = idx_v[b, 1, sl]
        lax.cond(k + 2 < _STEPS, lambda: idxload(k + 2, b), lambda: None)

        def prep_next():
            lax.cond(k >= 1, lambda: wait_scatter(1 - b), lambda: None)
            wait_idx(1 - b)
            qgload(k + 1, 1 - b)
        lax.cond(k + 1 < _STEPS, prep_next, lambda: None)

        _mul_chunk(q_v.at[b], g_v.at[b])
        scatter(k, b)

    def step2(i, _):
        body(2 * i, 0)
        body(2 * i + 1, 1)
        return 0
    lax.fori_loop(0, _STEPS // 2, step2, 0)
    body(_STEPS - 1, 0)
    wait_scatter(1)
    wait_scatter(0)

    plsc.subcore_barrier()

    for m in range(_RPT // _C):
        r0 = row0 + m * _C
        pltpu.sync_copy(acc.at[pl.ds(r0, _C), :], g_v.at[0])
        pltpu.sync_copy(g_v.at[0], out_hbm.at[c, pl.ds(r0, _C), :])


def _scatter_gather(sender, receiver, q, h):
    mesh = plsc.VectorSubcoreMesh(core_axis_name="c", subcore_axis_name="s")
    f = pl.kernel(
        _sc_body,
        out_type=jax.ShapeDtypeStruct((_NC, _NPAD, D_FEAT), jnp.float32),
        mesh=mesh,
        scratch_types=[
            pltpu.VMEM((2, 2, _C), jnp.int32),
            pltpu.VMEM((2, _C), jnp.int32),
            pltpu.VMEM((2, _C, D_FEAT), jnp.float32),
            pltpu.VMEM((2, _C, D_FEAT), jnp.float32),
            pltpu.VMEM_SHARED((_NPAD, D_FEAT), jnp.float32),
            pltpu.SemaphoreType.DMA,
            pltpu.SemaphoreType.DMA,
            pltpu.SemaphoreType.DMA,
            pltpu.SemaphoreType.DMA,
            pltpu.SemaphoreType.DMA,
        ],
    )
    idx = jnp.stack([sender.reshape(_NC * _NS, _STEPS, _C),
                     receiver.reshape(_NC * _NS, _STEPS, _C)], axis=2)
    return f(idx, q, h)



def _fin_body(p_ref, w_ref, o_ref):
    scale = 1.0 / math.sqrt(D_FEAT) / AVG_NUM_NEIGHBORS
    msg = p_ref[0] + p_ref[1]
    o_ref[...] = jnp.dot(msg, w_ref[...], preferred_element_type=jnp.float32) * scale


def _finalize(partials, W_lin):
    blk = 1000
    grid = N_NODES // blk
    return pl.pallas_call(
        _fin_body,
        grid=(grid,),
        in_specs=[
            pl.BlockSpec((_NC, blk, D_FEAT), lambda i: (0, i, 0)),
            pl.BlockSpec((D_FEAT, D_FEAT), lambda i: (0, 0)),
        ],
        out_specs=pl.BlockSpec((blk, D_FEAT), lambda i: (i, 0)),
        out_shape=jax.ShapeDtypeStruct((N_NODES, D_FEAT), jnp.float32),
    )(partials, W_lin)



def kernel(node_attrs, node_feats, edge_attrs, edge_feats, edge_index,
           W_up, W1, W2, W3, W4, W_lin, W_skip):
    sender = edge_index[0].astype(jnp.int32)
    receiver = edge_index[1].astype(jnp.int32)
    h = _compute_h(node_feats, W_up)
    q = _compute_q(edge_feats, edge_attrs, W1, W2, W3, W4)
    partials = _scatter_gather(sender, receiver, q, h)
    return _finalize(partials, W_lin)

# --- scband reference (transcript-rebuilt; emitter-appended) ---
"""Pipeline reference for scband-node-message-block-79551384256579 (READ-ONLY COPY).

The authoritative reference and input builder live on the scoring server;
editing this copy changes nothing except your own understanding.
"""

import jax, jax.numpy as jnp
import numpy as np

N_NODES = 10000
N_EDGES = 320000
D_FEAT = 128
D_ATTR = 4
D_RADIAL = 8
D_HID = 64
AVG_NUM_NEIGHBORS = 32.0


def setup_inputs(seed: int = 0) -> dict:
    key = jax.random.key(seed)
    ks = jax.random.split(key, 12)
    node_attrs = jax.random.uniform(ks[0], (N_NODES, D_ATTR), dtype=jnp.float32)
    node_feats = jax.random.normal(ks[1], (N_NODES, D_FEAT), dtype=jnp.float32)
    edge_attrs = jax.random.normal(ks[2], (N_EDGES, 1), dtype=jnp.float32)
    edge_feats = jax.random.normal(ks[3], (N_EDGES, D_RADIAL), dtype=jnp.float32)
    edge_index = jax.random.randint(ks[4], (2, N_EDGES), 0, N_NODES, dtype=jnp.int64)
    # learned parameters (all-scalar irreps -> plain dense weights)
    W_up = jax.random.normal(ks[5], (D_FEAT, D_FEAT), dtype=jnp.float32)      # o3.Linear 128x0e->128x0e
    W1 = jax.random.normal(ks[6], (D_RADIAL, D_HID), dtype=jnp.float32)       # FullyConnectedNet layer 1
    W2 = jax.random.normal(ks[7], (D_HID, D_HID), dtype=jnp.float32)          # layer 2
    W3 = jax.random.normal(ks[8], (D_HID, D_HID), dtype=jnp.float32)          # layer 3
    W4 = jax.random.normal(ks[9], (D_HID, D_FEAT), dtype=jnp.float32)         # layer 4 -> conv_tp.weight_numel=128
    W_lin = jax.random.normal(ks[10], (D_FEAT, D_FEAT), dtype=jnp.float32)    # o3.Linear irreps_mid->target
    W_skip = jax.random.normal(ks[11], (D_FEAT, D_ATTR, D_FEAT), dtype=jnp.float32)  # FullyConnectedTensorProduct
    return {
        'node_attrs': node_attrs, 'node_feats': node_feats,
        'edge_attrs': edge_attrs, 'edge_feats': edge_feats,
        'edge_index': edge_index,
        'W_up': W_up, 'W1': W1, 'W2': W2, 'W3': W3, 'W4': W4,
        'W_lin': W_lin, 'W_skip': W_skip,
    }


def reference(node_attrs, node_feats, edge_attrs, edge_feats, edge_index,
              W_up, W1, W2, W3, W4, W_lin, W_skip):
    sender = edge_index[0]
    receiver = edge_index[1]
    num_nodes = node_feats.shape[0]
    # skip_tp: FullyConnectedTensorProduct(node_feats, node_attrs) -> hidden (scalar irreps => bilinear)
    sc = jnp.einsum('ni,nj,ijk->nk', node_feats, node_attrs, W_skip) / jnp.sqrt(float(D_FEAT * D_ATTR))
    # linear_up (e3nn path-normalized linear on scalars)
    h = (node_feats @ W_up) / jnp.sqrt(float(D_FEAT))
    # conv_tp_weights: FullyConnectedNet [8,64,64,64,128] with SiLU, e3nn-style fan-in normalization
    t = jax.nn.silu((edge_feats @ W1) / jnp.sqrt(float(D_RADIAL)))
    t = jax.nn.silu((t @ W2) / jnp.sqrt(float(D_HID)))
    t = jax.nn.silu((t @ W3) / jnp.sqrt(float(D_HID)))
    tp_weights = (t @ W4) / jnp.sqrt(float(D_HID))
    # conv_tp: TensorProduct(128x0e, 1x0e -> 128x0e, uvu, per-edge weights) = elementwise product
    mji = h[sender] * edge_attrs * tp_weights
    # scatter_sum over receivers
    message = jax.ops.segment_sum(mji, receiver, num_segments=num_nodes)
    # linear + degree normalization
    message = (message @ W_lin) / jnp.sqrt(float(D_FEAT)) / AVG_NUM_NEIGHBORS
    del sc  # computed by the module but not returned
    return message

if __name__ == "__main__":
    import jax
    _d = setup_inputs()
    print(jax.jit(kernel)(*tuple(_d.values())))

</pallas_src>

<mosaic_0001>
#map = affine_map<(d0, d1) -> (0, 0, 0, 0)>
#map1 = affine_map<(d0, d1) -> (0, 0)>
#map2 = affine_map<(d0, d1) -> (0, 0, 0)>
module attributes {stable_mosaic.version = 14 : i64} {
  func.func @_sc_body(%arg0: i32, %arg1: i32, %arg2: memref<32x125x2x80xi32, #tpu.memory_space<hbm>>, %arg3: memref<320000x128xf32, #tpu.memory_space<hbm>>, %arg4: memref<10000x128xf32, #tpu.memory_space<hbm>>, %arg5: memref<2x10240x128xf32, #tpu.memory_space<hbm>>, %arg6: memref<2x2x80xi32, #tpu.memory_space<vmem>>, %arg7: memref<2x80xi32, #tpu.memory_space<vmem>>, %arg8: memref<2x80x128xf32, #tpu.memory_space<vmem>>, %arg9: memref<2x80x128xf32, #tpu.memory_space<vmem>>, %arg10: memref<10240x128xf32, #tpu.memory_space<vmem_shared>>, %arg11: memref<!tpu.dma_semaphore, #tpu.memory_space<semaphore_mem>>, %arg12: memref<!tpu.dma_semaphore, #tpu.memory_space<semaphore_mem>>, %arg13: memref<!tpu.dma_semaphore, #tpu.memory_space<semaphore_mem>>, %arg14: memref<!tpu.dma_semaphore, #tpu.memory_space<semaphore_mem>>, %arg15: memref<!tpu.dma_semaphore, #tpu.memory_space<semaphore_mem>>) attributes {dimension_semantics = [#tpu.dimension_semantics<core_parallel>, #tpu.dimension_semantics<subcore_parallel>], iteration_bounds = array<i64: 2, 16>, scalar_prefetch = 0 : i64, scratch_operands = 10 : i64, tpu.core_type = #tpu.core_type<sc_vector_subcore>, window_params = [{transform_indices = #map}, {transform_indices = #map1}, {transform_indices = #map1}, {transform_indices = #map2}]} {
    %mul3A = arith.constant 2 : i32
    %mul3A_0 = arith.muli %arg1, %mul3A : i32
    %add3A = arith.addi %mul3A_0, %arg0 : i32
    %dma_start3A = arith.constant 0 : i32
    %dma_start3A_1 = arith.constant 0 : i32
    %dma_start3A_2 = arith.constant 0 : i32
    %dma_start3A_3 = arith.constant 0 : i32
    %dma_start3A_4 = tpu.memref_slice %arg6[%dma_start3A_1, %dma_start3A_2, %dma_start3A_3] : memref<2x2x80xi32, #tpu.memory_space<vmem>> -> memref<1x2x80xi32, #tpu.memory_space<vmem>>
    %dma_start3A_5 = tpu.memref_squeeze %dma_start3A_4 : memref<1x2x80xi32, #tpu.memory_space<vmem>> -> memref<2x80xi32, #tpu.memory_space<vmem>>
    %dma_start3A_6 = arith.constant 0 : i32
    %dma_start3A_7 = arith.constant 0 : i32
    %dma_start3A_8 = tpu.memref_slice %arg2[%add3A, %dma_start3A, %dma_start3A_6, %dma_start3A_7] : memref<32x125x2x80xi32, #tpu.memory_space<hbm>> -> memref<1x1x2x80xi32, #tpu.memory_space<hbm>>
    %dma_start3A_9 = tpu.memref_squeeze %dma_start3A_8 : memref<1x1x2x80xi32, #tpu.memory_space<hbm>> -> memref<2x80xi32, #tpu.memory_space<hbm>>
    %dma_start3A_10 = arith.constant 0 : i32
    %dma_start3A_11 = arith.constant 0 : i32
    %dma_start3A_12 = tpu.memref_slice %arg6[%dma_start3A_1, %dma_start3A_10, %dma_start3A_11] : memref<2x2x80xi32, #tpu.memory_space<vmem>> -> memref<1x2x80xi32, #tpu.memory_space<vmem>>
    %dma_start3A_13 = tpu.memref_squeeze %dma_start3A_12 : memref<1x2x80xi32, #tpu.memory_space<vmem>> -> memref<2x80xi32, #tpu.memory_space<vmem>>
    %dma_start3A_14 = arith.constant 0 : i32
    %dma_start3A_15 = arith.constant 0 : i32
    %dma_start3A_16 = tpu.memref_slice %arg2[%add3A, %dma_start3A, %dma_start3A_14, %dma_start3A_15] : memref<32x125x2x80xi32, #tpu.memory_space<hbm>> -> memref<1x1x2x80xi32, #tpu.memory_space<hbm>>
    %dma_start3A_17 = tpu.memref_squeeze %dma_start3A_16 : memref<1x1x2x80xi32, #tpu.memory_space<hbm>> -> memref<2x80xi32, #tpu.memory_space<hbm>>
    tpu.enqueue_dma source(%dma_start3A_17 : memref<2x80xi32, #tpu.memory_space<hbm>>) target(%dma_start3A_13 : memref<2x80xi32, #tpu.memory_space<vmem>>) target_semaphore(%arg11 : memref<!tpu.dma_semaphore, #tpu.memory_space<semaphore_mem>>)
    %dma_start3A_18 = arith.constant 1 : i32
    %dma_start3A_19 = arith.constant 1 : i32
    %dma_start3A_20 = arith.constant 0 : i32
    %dma_start3A_21 = arith.constant 0 : i32
    %dma_start3A_22 = tpu.memref_slice %arg6[%dma_start3A_19, %dma_start3A_20, %dma_start3A_21] : memref<2x2x80xi32, #tpu.memory_space<vmem>> -> memref<1x2x80xi32, #tpu.memory_space<vmem>>
    %dma_start3A_23 = tpu.memref_squeeze %dma_start3A_22 : memref<1x2x80xi32, #tpu.memory_space<vmem>> -> memref<2x80xi32, #tpu.memory_space<vmem>>
    %dma_start3A_24 = arith.constant 0 : i32
    %dma_start3A_25 = arith.constant 0 : i32
    %dma_start3A_26 = tpu.memref_slice %arg2[%add3A, %dma_start3A_18, %dma_start3A_24, %dma_start3A_25] : memref<32x125x2x80xi32, #tpu.memory_space<hbm>> -> memref<1x1x2x80xi32, #tpu.memory_space<hbm>>
    %dma_start3A_27 = tpu.memref_squeeze %dma_start3A_26 : memref<1x1x2x80xi32, #tpu.memory_space<hbm>> -> memref<2x80xi32, #tpu.memory_space<hbm>>
    %dma_start3A_28 = arith.constant 0 : i32
    %dma_start3A_29 = arith.constant 0 : i32
    %dma_start3A_30 = tpu.memref_slice %arg6[%dma_start3A_19, %dma_start3A_28, %dma_start3A_29] : memref<2x2x80xi32, #tpu.memory_space<vmem>> -> memref<1x2x80xi32, #tpu.memory_space<vmem>>
    %dma_start3A_31 = tpu.memref_squeeze %dma_start3A_30 : memref<1x2x80xi32, #tpu.memory_space<vmem>> -> memref<2x80xi32, #tpu.memory_space<vmem>>
    %dma_start3A_32 = arith.constant 0 : i32
    %dma_start3A_33 = arith.constant 0 : i32
    %dma_start3A_34 = tpu.memref_slice %arg2[%add3A, %dma_start3A_18, %dma_start3A_32, %dma_start3A_33] : memref<32x125x2x80xi32, #tpu.memory_space<hbm>> -> memref<1x1x2x80xi32, #tpu.memory_space<hbm>>
    %dma_start3A_35 = tpu.memref_squeeze %dma_start3A_34 : memref<1x1x2x80xi32, #tpu.memory_space<hbm>> -> memref<2x80xi32, #tpu.memory_space<hbm>>
    tpu.enqueue_dma source(%dma_start3A_35 : memref<2x80xi32, #tpu.memory_space<hbm>>) target(%dma_start3A_31 : memref<2x80xi32, #tpu.memory_space<vmem>>) target_semaphore(%arg12 : memref<!tpu.dma_semaphore, #tpu.memory_space<semaphore_mem>>)
    %scan3A = arith.constant 0 : i32
    %scan3A_36 = arith.constant 0 : i32
    %scan3A_37 = arith.constant 80 : i32
    %scan3A_38 = arith.addi %scan3A_36, %scan3A_37 : i32
    %scan3A_39 = arith.constant 1 : i32
    %scan3A_40 = scf.for %scan3A_292 = %scan3A_36 to %scan3A_38 step %scan3A_39 iter_args(%scan3A_293 = %scan3A) -> (i32)  : i32 {
      %broadcast_in_dim3A = arith.constant 0.000000e+00 : f32
      %broadcast_in_dim3A_294 = vector.broadcast %broadcast_in_dim3A : f32 to vector<16xf32>
      %swap3A_295 = arith.constant 0 : i32
      %swap3A_296 = arith.index_cast %swap3A_295 : i32 to index
      %swap3A_297 = arith.index_cast %scan3A_292 : i32 to index
      %swap3A_298 = arith.constant 0 : index
      %swap3A_299 = tpu.vector_load %arg9[%swap3A_296, %swap3A_297, %swap3A_298] {strides = array<i32>} : memref<2x80x128xf32, #tpu.memory_space<vmem>>, vector<1x1x16xf32>,
      %swap3A_300 = vector.shape_cast %swap3A_299 : vector<1x1x16xf32> to vector<16xf32>
      %swap3A_301 = vector.shape_cast %broadcast_in_dim3A_294 : vector<16xf32> to vector<1x1x16xf32>
      tpu.vector_store %arg9[%swap3A_296, %swap3A_297, %swap3A_298], %swap3A_301 {strides = array<i32>} : memref<2x80x128xf32, #tpu.memory_space<vmem>>, vector<1x1x16xf32>,
      %broadcast_in_dim3A_302 = arith.constant 0.000000e+00 : f32
      %broadcast_in_dim3A_303 = vector.broadcast %broadcast_in_dim3A_302 : f32 to vector<16xf32>
      %swap3A_304 = arith.constant 0 : i32
      %swap3A_305 = arith.index_cast %swap3A_304 : i32 to index
      %swap3A_306 = arith.index_cast %scan3A_292 : i32 to index
      %swap3A_307 = arith.constant 16 : index
      %swap3A_308 = tpu.vector_load %arg9[%swap3A_305, %swap3A_306, %swap3A_307] {strides = array<i32>} : memref<2x80x128xf32, #tpu.memory_space<vmem>>, vector<1x1x16xf32>,
      %swap3A_309 = vector.shape_cast %swap3A_308 : vector<1x1x16xf32> to vector<16xf32>
      %swap3A_310 = vector.shape_cast %broadcast_in_dim3A_303 : vector<16xf32> to vector<1x1x16xf32>
      tpu.vector_store %arg9[%swap3A_305, %swap3A_306, %swap3A_307], %swap3A_310 {strides = array<i32>} : memref<2x80x128xf32, #tpu.memory_space<vmem>>, vector<1x1x16xf32>,
      %broadcast_in_dim3A_311 = arith.constant 0.000000e+00 : f32
      %broadcast_in_dim3A_312 = vector.broadcast %broadcast_in_dim3A_311 : f32 to vector<16xf32>
      %swap3A_313 = arith.constant 0 : i32
      %swap3A_314 = arith.index_cast %swap3A_313 : i32 to index
      %swap3A_315 = arith.index_cast %scan3A_292 : i32 to index
      %swap3A_316 = arith.constant 32 : index
      %swap3A_317 = tpu.vector_load %arg9[%swap3A_314, %swap3A_315, %swap3A_316] {strides = array<i32>} : memref<2x80x128xf32, #tpu.memory_space<vmem>>, vector<1x1x16xf32>,
      %swap3A_318 = vector.shape_cast %swap3A_317 : vector<1x1x16xf32> to vector<16xf32>
      %swap3A_319 = vector.shape_cast %broadcast_in_dim3A_312 : vector<16xf32> to vector<1x1x16xf32>
      tpu.vector_store %arg9[%swap3A_314, %swap3A_315, %swap3A_316], %swap3A_319 {strides = array<i32>} : memref<2x80x128xf32, #tpu.memory_space<vmem>>, vector<1x1x16xf32>,
      %broadcast_in_dim3A_320 = arith.constant 0.000000e+00 : f32
      %broadcast_in_dim3A_321 = vector.broadcast %broadcast_in_dim3A_320 : f32 to vector<16xf32>
      %swap3A_322 = arith.constant 0 : i32
      %swap3A_323 = arith.index_cast %swap3A_322 : i32 to index
      %swap3A_324 = arith.index_cast %scan3A_292 : i32 to index
      %swap3A_325 = arith.constant 48 : index
      %swap3A_326 = tpu.vector_load %arg9[%swap3A_323, %swap3A_324, %swap3A_325] {strides = array<i32>} : memref<2x80x128xf32, #tpu.memory_space<vmem>>, vector<1x1x16xf32>,
      %swap3A_327 = vector.shape_cast %swap3A_326 : vector<1x1x16xf32> to vector<16xf32>
      %swap3A_328 = vector.shape_cast %broadcast_in_dim3A_321 : vector<16xf32> to vector<1x1x16xf32>
      tpu.vector_store %arg9[%swap3A_323, %swap3A_324, %swap3A_325], %swap3A_328 {strides = array<i32>} : memref<2x80x128xf32, #tpu.memory_space<vmem>>, vector<1x1x16xf32>,
      %broadcast_in_dim3A_329 = arith.constant 0.000000e+00 : f32
      %broadcast_in_dim3A_330 = vector.broadcast %broadcast_in_dim3A_329 : f32 to vector<16xf32>
      %swap3A_331 = arith.constant 0 : i32
      %swap3A_332 = arith.index_cast %swap3A_331 : i32 to index
      %swap3A_333 = arith.index_cast %scan3A_292 : i32 to index
      %swap3A_334 = arith.constant 64 : index
      %swap3A_335 = tpu.vector_load %arg9[%swap3A_332, %swap3A_333, %swap3A_334] {strides = array<i32>} : memref<2x80x128xf32, #tpu.memory_space<vmem>>, vector<1x1x16xf32>,
      %swap3A_336 = vector.shape_cast %swap3A_335 : vector<1x1x16xf32> to vector<16xf32>
      %swap3A_337 = vector.shape_cast %broadcast_in_dim3A_330 : vector<16xf32> to vector<1x1x16xf32>
      tpu.vector_store %arg9[%swap3A_332, %swap3A_333, %swap3A_334], %swap3A_337 {strides = array<i32>} : memref<2x80x128xf32, #tpu.memory_space<vmem>>, vector<1x1x16xf32>,
      %broadcast_in_dim3A_338 = arith.constant 0.000000e+00 : f32
      %broadcast_in_dim3A_339 = vector.broadcast %broadcast_in_dim3A_338 : f32 to vector<16xf32>
      %swap3A_340 = arith.constant 0 : i32
      %swap3A_341 = arith.index_cast %swap3A_340 : i32 to index
      %swap3A_342 = arith.index_cast %scan3A_292 : i32 to index
      %swap3A_343 = arith.constant 80 : index
      %swap3A_344 = tpu.vector_load %arg9[%swap3A_341, %swap3A_342, %swap3A_343] {strides = array<i32>} : memref<2x80x128xf32, #tpu.memory_space<vmem>>, vector<1x1x16xf32>,
      %swap3A_345 = vector.shape_cast %swap3A_344 : vector<1x1x16xf32> to vector<16xf32>
      %swap3A_346 = vector.shape_cast %broadcast_in_dim3A_339 : vector<16xf32> to vector<1x1x16xf32>
      tpu.vector_store %arg9[%swap3A_341, %swap3A_342, %swap3A_343], %swap3A_346 {strides = array<i32>} : memref<2x80x128xf32, #tpu.memory_space<vmem>>, vector<1x1x16xf32>,
      %broadcast_in_dim3A_347 = arith.constant 0.000000e+00 : f32
      %broadcast_in_dim3A_348 = vector.broadcast %broadcast_in_dim3A_347 : f32 to vector<16xf32>
      %swap3A_349 = arith.constant 0 : i32
      %swap3A_350 = arith.index_cast %swap3A_349 : i32 to index
      %swap3A_351 = arith.index_cast %scan3A_292 : i32 to index
      %swap3A_352 = arith.constant 96 : index
      %swap3A_353 = tpu.vector_load %arg9[%swap3A_350, %swap3A_351, %swap3A_352] {strides = array<i32>} : memref<2x80x128xf32, #tpu.memory_space<vmem>>, vector<1x1x16xf32>,
      %swap3A_354 = vector.shape_cast %swap3A_353 : vector<1x1x16xf32> to vector<16xf32>
      %swap3A_355 = vector.shape_cast %broadcast_in_dim3A_348 : vector<16xf32> to vector<1x1x16xf32>
      tpu.vector_store %arg9[%swap3A_350, %swap3A_351, %swap3A_352], %swap3A_355 {strides = array<i32>} : memref<2x80x128xf32, #tpu.memory_space<vmem>>, vector<1x1x16xf32>,
      %broadcast_in_dim3A_356 = arith.constant 0.000000e+00 : f32
      %broadcast_in_dim3A_357 = vector.broadcast %broadcast_in_dim3A_356 : f32 to vector<16xf32>
      %swap3A_358 = arith.constant 0 : i32
      %swap3A_359 = arith.index_cast %swap3A_358 : i32 to index
      %swap3A_360 = arith.index_cast %scan3A_292 : i32 to index
      %swap3A_361 = arith.constant 112 : index
      %swap3A_362 = tpu.vector_load %arg9[%swap3A_359, %swap3A_360, %swap3A_361] {strides = array<i32>} : memref<2x80x128xf32, #tpu.memory_space<vmem>>, vector<1x1x16xf32>,
      %swap3A_363 = vector.shape_cast %swap3A_362 : vector<1x1x16xf32> to vector<16xf32>
      %swap3A_364 = vector.shape_cast %broadcast_in_dim3A_357 : vector<16xf32> to vector<1x1x16xf32>
      tpu.vector_store %arg9[%swap3A_359, %swap3A_360, %swap3A_361], %swap3A_364 {strides = array<i32>} : memref<2x80x128xf32, #tpu.memory_space<vmem>>, vector<1x1x16xf32>,
      %scan3A_365 = arith.constant 0 : i32
      scf.yield %scan3A_365 : i32
    }
    %scan3A_41 = arith.constant 80 : i32
    %mul3A_42 = arith.constant 640 : i32
    %mul3A_43 = arith.muli %arg1, %mul3A_42 : i32
    %add3A_44 = arith.constant 0 : i32
    %add3A_45 = arith.addi %mul3A_43, %add3A_44 : i32
    %run_scoped3A = arith.constant 0 : i32
    "tpu.region"() ({
      %run_scoped3A_292 = tpu.sem_alloc : memref<!tpu.dma_semaphore, #tpu.memory_space<semaphore_mem>>
      %dma_start3A_293 = arith.constant 0 : i32
      %dma_start3A_294 = arith.constant 0 : i32
      %dma_start3A_295 = tpu.memref_slice %arg9[%run_scoped3A, %dma_start3A_293, %dma_start3A_294] : memref<2x80x128xf32, #tpu.memory_space<vmem>> -> memref<1x80x128xf32, #tpu.memory_space<vmem>>
      %dma_start3A_296 = tpu.memref_squeeze %dma_start3A_295 : memref<1x80x128xf32, #tpu.memory_space<vmem>> -> memref<80x128xf32, #tpu.memory_space<vmem>>
      %dma_start3A_297 = arith.constant 0 : i32
      %dma_start3A_298 = tpu.memref_slice %arg10[%add3A_45, %dma_start3A_297] : memref<10240x128xf32, #tpu.memory_space<vmem_shared>> -> memref<80x128xf32, #tpu.memory_space<vmem_shared>>
      %dma_start3A_299 = arith.constant 0 : i32
      %dma_start3A_300 = tpu.memref_slice %arg10[%add3A_45, %dma_start3A_299] : memref<10240x128xf32, #tpu.memory_space<vmem_shared>> -> memref<80x128xf32, #tpu.memory_space<vmem_shared>>
      %dma_start3A_301 = arith.constant 0 : i32
      %dma_start3A_302 = arith.constant 0 : i32
      %dma_start3A_303 = tpu.memref_slice %arg9[%run_scoped3A, %dma_start3A_301, %dma_start3A_302] : memref<2x80x128xf32, #tpu.memory_space<vmem>> -> memref<1x80x128xf32, #tpu.memory_space<vmem>>
      %dma_start3A_304 = tpu.memref_squeeze %dma_start3A_303 : memref<1x80x128xf32, #tpu.memory_space<vmem>> -> memref<80x128xf32, #tpu.memory_space<vmem>>
      tpu.enqueue_dma source(%dma_start3A_304 : memref<80x128xf32, #tpu.memory_space<vmem>>) target(%dma_start3A_300 : memref<80x128xf32, #tpu.memory_space<vmem_shared>>) target_semaphore(%run_scoped3A_292 : memref<!tpu.dma_semaphore, #tpu.memory_space<semaphore_mem>>)
      %dma_wait3A_305 = arith.constant 0 : i32
      %dma_wait3A_306 = arith.constant 0 : i32
      %dma_wait3A_307 = tpu.memref_slice %arg9[%run_scoped3A, %dma_wait3A_305, %dma_wait3A_306] : memref<2x80x128xf32, #tpu.memory_space<vmem>> -> memref<1x80x128xf32, #tpu.memory_space<vmem>>
      %dma_wait3A_308 = tpu.memref_squeeze %dma_wait3A_307 : memref<1x80x128xf32, #tpu.memory_space<vmem>> -> memref<80x128xf32, #tpu.memory_space<vmem>>
      %dma_wait3A_309 = arith.constant 0 : i32
      %dma_wait3A_310 = tpu.memref_slice %arg10[%add3A_45, %dma_wait3A_309] : memref<10240x128xf32, #tpu.memory_space<vmem_shared>> -> memref<80x128xf32, #tpu.memory_space<vmem_shared>>
      %dma_wait3A_311 = arith.constant 0 : i32
      %dma_wait3A_312 = tpu.memref_slice %arg10[%add3A_45, %dma_wait3A_311] : memref<10240x128xf32, #tpu.memory_space<vmem_shared>> -> memref<80x128xf32, #tpu.memory_space<vmem_shared>>
      %dma_wait3A_313 = arith.constant 0 : i32
      %dma_wait3A_314 = arith.constant 0 : i32
      %dma_wait3A_315 = tpu.memref_slice %arg9[%run_scoped3A, %dma_wait3A_313, %dma_wait3A_314] : memref<2x80x128xf32, #tpu.memory_space<vmem>> -> memref<1x80x128xf32, #tpu.memory_space<vmem>>
      %dma_wait3A_316 = tpu.memref_squeeze %dma_wait3A_315 : memref<1x80x128xf32, #tpu.memory_space<vmem>> -> memref<80x128xf32, #tpu.memory_space<vmem>>
      tpu.wait_dma2 semaphore(%run_scoped3A_292 : memref<!tpu.dma_semaphore, #tpu.memory_space<semaphore_mem>>) src(%dma_wait3A_316 : memref<80x128xf32, #tpu.memory_space<vmem>>) dst(%dma_wait3A_312 : memref<80x128xf32, #tpu.memory_space<vmem_shared>>)
      tpu.yield
    }) : () -> ()
    %add3A_46 = arith.constant 80 : i32
    %add3A_47 = arith.addi %mul3A_43, %add3A_46 : i32
    %run_scoped3A_48 = arith.constant 0 : i32
    "tpu.region"() ({
      %run_scoped3A_292 = tpu.sem_alloc : memref<!tpu.dma_semaphore, #tpu.memory_space<semaphore_mem>>
      %dma_start3A_293 = arith.constant 0 : i32
      %dma_start3A_294 = arith.constant 0 : i32
      %dma_start3A_295 = tpu.memref_slice %arg9[%run_scoped3A_48, %dma_start3A_293, %dma_start3A_294] : memref<2x80x128xf32, #tpu.memory_space<vmem>> -> memref<1x80x128xf32, #tpu.memory_space<vmem>>
      %dma_start3A_296 = tpu.memref_squeeze %dma_start3A_295 : memref<1x80x128xf32, #tpu.memory_space<vmem>> -> memref<80x128xf32, #tpu.memory_space<vmem>>
      %dma_start3A_297 = arith.constant 0 : i32
      %dma_start3A_298 = tpu.memref_slice %arg10[%add3A_47, %dma_start3A_297] : memref<10240x128xf32, #tpu.memory_space<vmem_shared>> -> memref<80x128xf32, #tpu.memory_space<vmem_shared>>
      %dma_start3A_299 = arith.constant 0 : i32
      %dma_start3A_300 = tpu.memref_slice %arg10[%add3A_47, %dma_start3A_299] : memref<10240x128xf32, #tpu.memory_space<vmem_shared>> -> memref<80x128xf32, #tpu.memory_space<vmem_shared>>
      %dma_start3A_301 = arith.constant 0 : i32
      %dma_start3A_302 = arith.constant 0 : i32
      %dma_start3A_303 = tpu.memref_slice %arg9[%run_scoped3A_48, %dma_start3A_301, %dma_start3A_302] : memref<2x80x128xf32, #tpu.memory_space<vmem>> -> memref<1x80x128xf32, #tpu.memory_space<vmem>>
      %dma_start3A_304 = tpu.memref_squeeze %dma_start3A_303 : memref<1x80x128xf32, #tpu.memory_space<vmem>> -> memref<80x128xf32, #tpu.memory_space<vmem>>
      tpu.enqueue_dma source(%dma_start3A_304 : memref<80x128xf32, #tpu.memory_space<vmem>>) target(%dma_start3A_300 : memref<80x128xf32, #tpu.memory_space<vmem_shared>>) target_semaphore(%run_scoped3A_292 : memref<!tpu.dma_semaphore, #tpu.memory_space<semaphore_mem>>)
      %dma_wait3A_305 = arith.constant 0 : i32
      %dma_wait3A_306 = arith.constant 0 : i32
      %dma_wait3A_307 = tpu.memref_slice %arg9[%run_scoped3A_48, %dma_wait3A_305, %dma_wait3A_306] : memref<2x80x128xf32, #tpu.memory_space<vmem>> -> memref<1x80x128xf32, #tpu.memory_space<vmem>>
      %dma_wait3A_308 = tpu.memref_squeeze %dma_wait3A_307 : memref<1x80x128xf32, #tpu.memory_space<vmem>> -> memref<80x128xf32, #tpu.memory_space<vmem>>
      %dma_wait3A_309 = arith.constant 0 : i32
      %dma_wait3A_310 = tpu.memref_slice %arg10[%add3A_47, %dma_wait3A_309] : memref<10240x128xf32, #tpu.memory_space<vmem_shared>> -> memref<80x128xf32, #tpu.memory_space<vmem_shared>>
      %dma_wait3A_311 = arith.constant 0 : i32
      %dma_wait3A_312 = tpu.memref_slice %arg10[%add3A_47, %dma_wait3A_311] : memref<10240x128xf32, #tpu.memory_space<vmem_shared>> -> memref<80x128xf32, #tpu.memory_space<vmem_shared>>
      %dma_wait3A_313 = arith.constant 0 : i32
      %dma_wait3A_314 = arith.constant 0 : i32
      %dma_wait3A_315 = tpu.memref_slice %arg9[%run_scoped3A_48, %dma_wait3A_313, %dma_wait3A_314] : memref<2x80x128xf32, #tpu.memory_space<vmem>> -> memref<1x80x128xf32, #tpu.memory_space<vmem>>
      %dma_wait3A_316 = tpu.memref_squeeze %dma_wait3A_315 : memref<1x80x128xf32, #tpu.memory_space<vmem>> -> memref<80x128xf32, #tpu.memory_space<vmem>>
      tpu.wait_dma2 semaphore(%run_scoped3A_292 : memref<!tpu.dma_semaphore, #tpu.memory_space<semaphore_mem>>) src(%dma_wait3A_316 : memref<80x128xf32, #tpu.memory_space<vmem>>) dst(%dma_wait3A_312 : memref<80x128xf32, #tpu.memory_space<vmem_shared>>)
      tpu.yield
    }) : () -> ()
    %add3A_49 = arith.constant 160 : i32
    %add3A_50 = arith.addi %mul3A_43, %add3A_49 : i32
    %run_scoped3A_51 = arith.constant 0 : i32
    "tpu.region"() ({
      %run_scoped3A_292 = tpu.sem_alloc : memref<!tpu.dma_semaphore, #tpu.memory_space<semaphore_mem>>
      %dma_start3A_293 = arith.constant 0 : i32
      %dma_start3A_294 = arith.constant 0 : i32
      %dma_start3A_295 = tpu.memref_slice %arg9[%run_scoped3A_51, %dma_start3A_293, %dma_start3A_294] : memref<2x80x128xf32, #tpu.memory_space<vmem>> -> memref<1x80x128xf32, #tpu.memory_space<vmem>>
      %dma_start3A_296 = tpu.memref_squeeze %dma_start3A_295 : memref<1x80x128xf32, #tpu.memory_space<vmem>> -> memref<80x128xf32, #tpu.memory_space<vmem>>
      %dma_start3A_297 = arith.constant 0 : i32
      %dma_start3A_298 = tpu.memref_slice %arg10[%add3A_50, %dma_start3A_297] : memref<10240x128xf32, #tpu.memory_space<vmem_shared>> -> memref<80x128xf32, #tpu.memory_space<vmem_shared>>
      %dma_start3A_299 = arith.constant 0 : i32
      %dma_start3A_300 = tpu.memref_slice %arg10[%add3A_50, %dma_start3A_299] : memref<10240x128xf32, #tpu.memory_space<vmem_shared>> -> memref<80x128xf32, #tpu.memory_space<vmem_shared>>
      %dma_start3A_301 = arith.constant 0 : i32
      %dma_start3A_302 = arith.constant 0 : i32
      %dma_start3A_303 = tpu.memref_slice %arg9[%run_scoped3A_51, %dma_start3A_301, %dma_start3A_302] : memref<2x80x128xf32, #tpu.memory_space<vmem>> -> memref<1x80x128xf32, #tpu.memory_space<vmem>>
      %dma_start3A_304 = tpu.memref_squeeze %dma_start3A_303 : memref<1x80x128xf32, #tpu.memory_space<vmem>> -> memref<80x128xf32, #tpu.memory_space<vmem>>
      tpu.enqueue_dma source(%dma_start3A_304 : memref<80x128xf32, #tpu.memory_space<vmem>>) target(%dma_start3A_300 : memref<80x128xf32, #tpu.memory_space<vmem_shared>>) target_semaphore(%run_scoped3A_292 : memref<!tpu.dma_semaphore, #tpu.memory_space<semaphore_mem>>)
      %dma_wait3A_305 = arith.constant 0 : i32
      %dma_wait3A_306 = arith.constant 0 : i32
      %dma_wait3A_307 = tpu.memref_slice %arg9[%run_scoped3A_51, %dma_wait3A_305, %dma_wait3A_306] : memref<2x80x128xf32, #tpu.memory_space<vmem>> -> memref<1x80x128xf32, #tpu.memory_space<vmem>>
      %dma_wait3A_308 = tpu.memref_squeeze %dma_wait3A_307 : memref<1x80x128xf32, #tpu.memory_space<vmem>> -> memref<80x128xf32, #tpu.memory_space<vmem>>
      %dma_wait3A_309 = arith.constant 0 : i32
      %dma_wait3A_310 = tpu.memref_slice %arg10[%add3A_50, %dma_wait3A_309] : memref<10240x128xf32, #tpu.memory_space<vmem_shared>> -> memref<80x128xf32, #tpu.memory_space<vmem_shared>>
      %dma_wait3A_311 = arith.constant 0 : i32
      %dma_wait3A_312 = tpu.memref_slice %arg10[%add3A_50, %dma_wait3A_311] : memref<10240x128xf32, #tpu.memory_space<vmem_shared>> -> memref<80x128xf32, #tpu.memory_space<vmem_shared>>
      %dma_wait3A_313 = arith.constant 0 : i32
      %dma_wait3A_314 = arith.constant 0 : i32
      %dma_wait3A_315 = tpu.memref_slice %arg9[%run_scoped3A_51, %dma_wait3A_313, %dma_wait3A_314] : memref<2x80x128xf32, #tpu.memory_space<vmem>> -> memref<1x80x128xf32, #tpu.memory_space<vmem>>
      %dma_wait3A_316 = tpu.memref_squeeze %dma_wait3A_315 : memref<1x80x128xf32, #tpu.memory_space<vmem>> -> memref<80x128xf32, #tpu.memory_space<vmem>>
      tpu.wait_dma2 semaphore(%run_scoped3A_292 : memref<!tpu.dma_semaphore, #tpu.memory_space<semaphore_mem>>) src(%dma_wait3A_316 : memref<80x128xf32, #tpu.memory_space<vmem>>) dst(%dma_wait3A_312 : memref<80x128xf32, #tpu.memory_space<vmem_shared>>)
      tpu.yield
    }) : () -> ()
    %add3A_52 = arith.constant 240 : i32
    %add3A_53 = arith.addi %mul3A_43, %add3A_52 : i32
    %run_scoped3A_54 = arith.constant 0 : i32
    "tpu.region"() ({
      %run_scoped3A_292 = tpu.sem_alloc : memref<!tpu.dma_semaphore, #tpu.memory_space<semaphore_mem>>
      %dma_start3A_293 = arith.constant 0 : i32
      %dma_start3A_294 = arith.constant 0 : i32
      %dma_start3A_295 = tpu.memref_slice %arg9[%run_scoped3A_54, %dma_start3A_293, %dma_start3A_294] : memref<2x80x128xf32, #tpu.memory_space<vmem>> -> memref<1x80x128xf32, #tpu.memory_space<vmem>>
      %dma_start3A_296 = tpu.memref_squeeze %dma_start3A_295 : memref<1x80x128xf32, #tpu.memory_space<vmem>> -> memref<80x128xf32, #tpu.memory_space<vmem>>
      %dma_start3A_297 = arith.constant 0 : i32
      %dma_start3A_298 = tpu.memref_slice %arg10[%add3A_53, %dma_start3A_297] : memref<10240x128xf32, #tpu.memory_space<vmem_shared>> -> memref<80x128xf32, #tpu.memory_space<vmem_shared>>
      %dma_start3A_299 = arith.constant 0 : i32
      %dma_start3A_300 = tpu.memref_slice %arg10[%add3A_53, %dma_start3A_299] : memref<10240x128xf32, #tpu.memory_space<vmem_shared>> -> memref<80x128xf32, #tpu.memory_space<vmem_shared>>
      %dma_start3A_301 = arith.constant 0 : i32
      %dma_start3A_302 = arith.constant 0 : i32
      %dma_start3A_303 = tpu.memref_slice %arg9[%run_scoped3A_54, %dma_start3A_301, %dma_start3A_302] : memref<2x80x128xf32, #tpu.memory_space<vmem>> -> memref<1x80x128xf32, #tpu.memory_space<vmem>>
      %dma_start3A_304 = tpu.memref_squeeze %dma_start3A_303 : memref<1x80x128xf32, #tpu.memory_space<vmem>> -> memref<80x128xf32, #tpu.memory_space<vmem>>
      tpu.enqueue_dma source(%dma_start3A_304 : memref<80x128xf32, #tpu.memory_space<vmem>>) target(%dma_start3A_300 : memref<80x128xf32, #tpu.memory_space<vmem_shared>>) target_semaphore(%run_scoped3A_292 : memref<!tpu.dma_semaphore, #tpu.memory_space<semaphore_mem>>)
      %dma_wait3A_305 = arith.constant 0 : i32
      %dma_wait3A_306 = arith.constant 0 : i32
      %dma_wait3A_307 = tpu.memref_slice %arg9[%run_scoped3A_54, %dma_wait3A_305, %dma_wait3A_306] : memref<2x80x128xf32, #tpu.memory_space<vmem>> -> memref<1x80x128xf32, #tpu.memory_space<vmem>>
      %dma_wait3A_308 = tpu.memref_squeeze %dma_wait3A_307 : memref<1x80x128xf32, #tpu.memory_space<vmem>> -> memref<80x128xf32, #tpu.memory_space<vmem>>
      %dma_wait3A_309 = arith.constant 0 : i32
      %dma_wait3A_310 = tpu.memref_slice %arg10[%add3A_53, %dma_wait3A_309] : memref<10240x128xf32, #tpu.memory_space<vmem_shared>> -> memref<80x128xf32, #tpu.memory_space<vmem_shared>>
      %dma_wait3A_311 = arith.constant 0 : i32
      %dma_wait3A_312 = tpu.memref_slice %arg10[%add3A_53, %dma_wait3A_311] : memref<10240x128xf32, #tpu.memory_space<vmem_shared>> -> memref<80x128xf32, #tpu.memory_space<vmem_shared>>
      %dma_wait3A_313 = arith.constant 0 : i32
      %dma_wait3A_314 = arith.constant 0 : i32
      %dma_wait3A_315 = tpu.memref_slice %arg9[%run_scoped3A_54, %dma_wait3A_313, %dma_wait3A_314] : memref<2x80x128xf32, #tpu.memory_space<vmem>> -> memref<1x80x128xf32, #tpu.memory_space<vmem>>
      %dma_wait3A_316 = tpu.memref_squeeze %dma_wait3A_315 : memref<1x80x128xf32, #tpu.memory_space<vmem>> -> memref<80x128xf32, #tpu.memory_space<vmem>>
      tpu.wait_dma2 semaphore(%run_scoped3A_292 : memref<!tpu.dma_semaphore, #tpu.memory_space<semaphore_mem>>) src(%dma_wait3A_316 : memref<80x128xf32, #tpu.memory_space<vmem>>) dst(%dma_wait3A_312 : memref<80x128xf32, #tpu.memory_space<vmem_shared>>)
      tpu.yield
    }) : () -> ()
    %add3A_55 = arith.constant 320 : i32
    %add3A_56 = arith.addi %mul3A_43, %add3A_55 : i32
    %run_scoped3A_57 = arith.constant 0 : i32
    "tpu.region"() ({
      %run_scoped3A_292 = tpu.sem_alloc : memref<!tpu.dma_semaphore, #tpu.memory_space<semaphore_mem>>
      %dma_start3A_293 = arith.constant 0 : i32
      %dma_start3A_294 = arith.constant 0 : i32
      %dma_start3A_295 = tpu.memref_slice %arg9[%run_scoped3A_57, %dma_start3A_293, %dma_start3A_294] : memref<2x80x128xf32, #tpu.memory_space<vmem>> -> memref<1x80x128xf32, #tpu.memory_space<vmem>>
      %dma_start3A_296 = tpu.memref_squeeze %dma_start3A_295 : memref<1x80x128xf32, #tpu.memory_space<vmem>> -> memref<80x128xf32, #tpu.memory_space<vmem>>
      %dma_start3A_297 = arith.constant 0 : i32
      %dma_start3A_298 = tpu.memref_slice %arg10[%add3A_56, %dma_start3A_297] : memref<10240x128xf32, #tpu.memory_space<vmem_shared>> -> memref<80x128xf32, #tpu.memory_space<vmem_shared>>
      %dma_start3A_299 = arith.constant 0 : i32
      %dma_start3A_300 = tpu.memref_slice %arg10[%add3A_56, %dma_start3A_299] : memref<10240x128xf32, #tpu.memory_space<vmem_shared>> -> memref<80x128xf32, #tpu.memory_space<vmem_shared>>
      %dma_start3A_301 = arith.constant 0 : i32
      %dma_start3A_302 = arith.constant 0 : i32
      %dma_start3A_303 = tpu.memref_slice %arg9[%run_scoped3A_57, %dma_start3A_301, %dma_start3A_302] : memref<2x80x128xf32, #tpu.memory_space<vmem>> -> memref<1x80x128xf32, #tpu.memory_space<vmem>>
      %dma_start3A_304 = tpu.memref_squeeze %dma_start3A_303 : memref<1x80x128xf32, #tpu.memory_space<vmem>> -> memref<80x128xf32, #tpu.memory_space<vmem>>
      tpu.enqueue_dma source(%dma_start3A_304 : memref<80x128xf32, #tpu.memory_space<vmem>>) target(%dma_start3A_300 : memref<80x128xf32, #tpu.memory_space<vmem_shared>>) target_semaphore(%run_scoped3A_292 : memref<!tpu.dma_semaphore, #tpu.memory_space<semaphore_mem>>)
      %dma_wait3A_305 = arith.constant 0 : i32
      %dma_wait3A_306 = arith.constant 0 : i32
      %dma_wait3A_307 = tpu.memref_slice %arg9[%run_scoped3A_57, %dma_wait3A_305, %dma_wait3A_306] : memref<2x80x128xf32, #tpu.memory_space<vmem>> -> memref<1x80x128xf32, #tpu.memory_space<vmem>>
      %dma_wait3A_308 = tpu.memref_squeeze %dma_wait3A_307 : memref<1x80x128xf32, #tpu.memory_space<vmem>> -> memref<80x128xf32, #tpu.memory_space<vmem>>
      %dma_wait3A_309 = arith.constant 0 : i32
      %dma_wait3A_310 = tpu.memref_slice %arg10[%add3A_56, %dma_wait3A_309] : memref<10240x128xf32, #tpu.memory_space<vmem_shared>> -> memref<80x128xf32, #tpu.memory_space<vmem_shared>>
      %dma_wait3A_311 = arith.constant 0 : i32
      %dma_wait3A_312 = tpu.memref_slice %arg10[%add3A_56, %dma_wait3A_311] : memref<10240x128xf32, #tpu.memory_space<vmem_shared>> -> memref<80x128xf32, #tpu.memory_space<vmem_shared>>
      %dma_wait3A_313 = arith.constant 0 : i32
      %dma_wait3A_314 = arith.constant 0 : i32
      %dma_wait3A_315 = tpu.memref_slice %arg9[%run_scoped3A_57, %dma_wait3A_313, %dma_wait3A_314] : memref<2x80x128xf32, #tpu.memory_space<vmem>> -> memref<1x80x128xf32, #tpu.memory_space<vmem>>
      %dma_wait3A_316 = tpu.memref_squeeze %dma_wait3A_315 : memref<1x80x128xf32, #tpu.memory_space<vmem>> -> memref<80x128xf32, #tpu.memory_space<vmem>>
      tpu.wait_dma2 semaphore(%run_scoped3A_292 : memref<!tpu.dma_semaphore, #tpu.memory_space<semaphore_mem>>) src(%dma_wait3A_316 : memref<80x128xf32, #tpu.memory_space<vmem>>) dst(%dma_wait3A_312 : memref<80x128xf32, #tpu.memory_space<vmem_shared>>)
      tpu.yield
    }) : () -> ()
    %add3A_58 = arith.constant 400 : i32
    %add3A_59 = arith.addi %mul3A_43, %add3A_58 : i32
    %run_scoped3A_60 = arith.constant 0 : i32
    "tpu.region"() ({
      %run_scoped3A_292 = tpu.sem_alloc : memref<!tpu.dma_semaphore, #tpu.memory_space<semaphore_mem>>
      %dma_start3A_293 = arith.constant 0 : i32
      %dma_start3A_294 = arith.constant 0 : i32
      %dma_start3A_295 = tpu.memref_slice %arg9[%run_scoped3A_60, %dma_start3A_293, %dma_start3A_294] : memref<2x80x128xf32, #tpu.memory_space<vmem>> -> memref<1x80x128xf32, #tpu.memory_space<vmem>>
      %dma_start3A_296 = tpu.memref_squeeze %dma_start3A_295 : memref<1x80x128xf32, #tpu.memory_space<vmem>> -> memref<80x128xf32, #tpu.memory_space<vmem>>
      %dma_start3A_297 = arith.constant 0 : i32
      %dma_start3A_298 = tpu.memref_slice %arg10[%add3A_59, %dma_start3A_297] : memref<10240x128xf32, #tpu.memory_space<vmem_shared>> -> memref<80x128xf32, #tpu.memory_space<vmem_shared>>
      %dma_start3A_299 = arith.constant 0 : i32
      %dma_start3A_300 = tpu.memref_slice %arg10[%add3A_59, %dma_start3A_299] : memref<10240x128xf32, #tpu.memory_space<vmem_shared>> -> memref<80x128xf32, #tpu.memory_space<vmem_shared>>
      %dma_start3A_301 = arith.constant 0 : i32
      %dma_start3A_302 = arith.constant 0 : i32
      %dma_start3A_303 = tpu.memref_slice %arg9[%run_scoped3A_60, %dma_start3A_301, %dma_start3A_302] : memref<2x80x128xf32, #tpu.memory_space<vmem>> -> memref<1x80x128xf32, #tpu.memory_space<vmem>>
      %dma_start3A_304 = tpu.memref_squeeze %dma_start3A_303 : memref<1x80x128xf32, #tpu.memory_space<vmem>> -> memref<80x128xf32, #tpu.memory_space<vmem>>
      tpu.enqueue_dma source(%dma_start3A_304 : memref<80x128xf32, #tpu.memory_space<vmem>>) target(%dma_start3A_300 : memref<80x128xf32, #tpu.memory_space<vmem_shared>>) target_semaphore(%run_scoped3A_292 : memref<!tpu.dma_semaphore, #tpu.memory_space<semaphore_mem>>)
      %dma_wait3A_305 = arith.constant 0 : i32
      %dma_wait3A_306 = arith.constant 0 : i32
      %dma_wait3A_307 = tpu.memref_slice %arg9[%run_scoped3A_60, %dma_wait3A_305, %dma_wait3A_306] : memref<2x80x128xf32, #tpu.memory_space<vmem>> -> memref<1x80x128xf32, #tpu.memory_space<vmem>>
      %dma_wait3A_308 = tpu.memref_squeeze %dma_wait3A_307 : memref<1x80x128xf32, #tpu.memory_space<vmem>> -> memref<80x128xf32, #tpu.memory_space<vmem>>
      %dma_wait3A_309 = arith.constant 0 : i32
      %dma_wait3A_310 = tpu.memref_slice %arg10[%add3A_59, %dma_wait3A_309] : memref<10240x128xf32, #tpu.memory_space<vmem_shared>> -> memref<80x128xf32, #tpu.memory_space<vmem_shared>>
      %dma_wait3A_311 = arith.constant 0 : i32
      %dma_wait3A_312 = tpu.memref_slice %arg10[%add3A_59, %dma_wait3A_311] : memref<10240x128xf32, #tpu.memory_space<vmem_shared>> -> memref<80x128xf32, #tpu.memory_space<vmem_shared>>
      %dma_wait3A_313 = arith.constant 0 : i32
      %dma_wait3A_314 = arith.constant 0 : i32
      %dma_wait3A_315 = tpu.memref_slice %arg9[%run_scoped3A_60, %dma_wait3A_313, %dma_wait3A_314] : memref<2x80x128xf32, #tpu.memory_space<vmem>> -> memref<1x80x128xf32, #tpu.memory_space<vmem>>
      %dma_wait3A_316 = tpu.memref_squeeze %dma_wait3A_315 : memref<1x80x128xf32, #tpu.memory_space<vmem>> -> memref<80x128xf32, #tpu.memory_space<vmem>>
      tpu.wait_dma2 semaphore(%run_scoped3A_292 : memref<!tpu.dma_semaphore, #tpu.memory_space<semaphore_mem>>) src(%dma_wait3A_316 : memref<80x128xf32, #tpu.memory_space<vmem>>) dst(%dma_wait3A_312 : memref<80x128xf32, #tpu.memory_space<vmem_shared>>)
      tpu.yield
    }) : () -> ()
    %add3A_61 = arith.constant 480 : i32
    %add3A_62 = arith.addi %mul3A_43, %add3A_61 : i32
    %run_scoped3A_63 = arith.constant 0 : i32
    "tpu.region"() ({
      %run_scoped3A_292 = tpu.sem_alloc : memref<!tpu.dma_semaphore, #tpu.memory_space<semaphore_mem>>
      %dma_start3A_293 = arith.constant 0 : i32
      %dma_start3A_294 = arith.constant 0 : i32
      %dma_start3A_295 = tpu.memref_slice %arg9[%run_scoped3A_63, %dma_start3A_293, %dma_start3A_294] : memref<2x80x128xf32, #tpu.memory_space<vmem>> -> memref<1x80x128xf32, #tpu.memory_space<vmem>>
      %dma_start3A_296 = tpu.memref_squeeze %dma_start3A_295 : memref<1x80x128xf32, #tpu.memory_space<vmem>> -> memref<80x128xf32, #tpu.memory_space<vmem>>
      %dma_start3A_297 = arith.constant 0 : i32
      %dma_start3A_298 = tpu.memref_slice %arg10[%add3A_62, %dma_start3A_297] : memref<10240x128xf32, #tpu.memory_space<vmem_shared>> -> memref<80x128xf32, #tpu.memory_space<vmem_shared>>
      %dma_start3A_299 = arith.constant 0 : i32
      %dma_start3A_300 = tpu.memref_slice %arg10[%add3A_62, %dma_start3A_299] : memref<10240x128xf32, #tpu.memory_space<vmem_shared>> -> memref<80x128xf32, #tpu.memory_space<vmem_shared>>
      %dma_start3A_301 = arith.constant 0 : i32
      %dma_start3A_302 = arith.constant 0 : i32
      %dma_start3A_303 = tpu.memref_slice %arg9[%run_scoped3A_63, %dma_start3A_301, %dma_start3A_302] : memref<2x80x128xf32, #tpu.memory_space<vmem>> -> memref<1x80x128xf32, #tpu.memory_space<vmem>>
      %dma_start3A_304 = tpu.memref_squeeze %dma_start3A_303 : memref<1x80x128xf32, #tpu.memory_space<vmem>> -> memref<80x128xf32, #tpu.memory_space<vmem>>
      tpu.enqueue_dma source(%dma_start3A_304 : memref<80x128xf32, #tpu.memory_space<vmem>>) target(%dma_start3A_300 : memref<80x128xf32, #tpu.memory_space<vmem_shared>>) target_semaphore(%run_scoped3A_292 : memref<!tpu.dma_semaphore, #tpu.memory_space<semaphore_mem>>)
      %dma_wait3A_305 = arith.constant 0 : i32
      %dma_wait3A_306 = arith.constant 0 : i32
      %dma_wait3A_307 = tpu.memref_slice %arg9[%run_scoped3A_63, %dma_wait3A_305, %dma_wait3A_306] : memref<2x80x128xf32, #tpu.memory_space<vmem>> -> memref<1x80x128xf32, #tpu.memory_space<vmem>>
      %dma_wait3A_308 = tpu.memref_squeeze %dma_wait3A_307 : memref<1x80x128xf32, #tpu.memory_space<vmem>> -> memref<80x128xf32, #tpu.memory_space<vmem>>
      %dma_wait3A_309 = arith.constant 0 : i32
      %dma_wait3A_310 = tpu.memref_slice %arg10[%add3A_62, %dma_wait3A_309] : memref<10240x128xf32, #tpu.memory_space<vmem_shared>> -> memref<80x128xf32, #tpu.memory_space<vmem_shared>>
      %dma_wait3A_311 = arith.constant 0 : i32
      %dma_wait3A_312 = tpu.memref_slice %arg10[%add3A_62, %dma_wait3A_311] : memref<10240x128xf32, #tpu.memory_space<vmem_shared>> -> memref<80x128xf32, #tpu.memory_space<vmem_shared>>
      %dma_wait3A_313 = arith.constant 0 : i32
      %dma_wait3A_314 = arith.constant 0 : i32
      %dma_wait3A_315 = tpu.memref_slice %arg9[%run_scoped3A_63, %dma_wait3A_313, %dma_wait3A_314] : memref<2x80x128xf32, #tpu.memory_space<vmem>> -> memref<1x80x128xf32, #tpu.memory_space<vmem>>
      %dma_wait3A_316 = tpu.memref_squeeze %dma_wait3A_315 : memref<1x80x128xf32, #tpu.memory_space<vmem>> -> memref<80x128xf32, #tpu.memory_space<vmem>>
      tpu.wait_dma2 semaphore(%run_scoped3A_292 : memref<!tpu.dma_semaphore, #tpu.memory_space<semaphore_mem>>) src(%dma_wait3A_316 : memref<80x128xf32, #tpu.memory_space<vmem>>) dst(%dma_wait3A_312 : memref<80x128xf32, #tpu.memory_space<vmem_shared>>)
      tpu.yield
    }) : () -> ()
    %add3A_64 = arith.constant 560 : i32
    %add3A_65 = arith.addi %mul3A_43, %add3A_64 : i32
    %run_scoped3A_66 = arith.constant 0 : i32
    "tpu.region"() ({
      %run_scoped3A_292 = tpu.sem_alloc : memref<!tpu.dma_semaphore, #tpu.memory_space<semaphore_mem>>
      %dma_start3A_293 = arith.constant 0 : i32
      %dma_start3A_294 = arith.constant 0 : i32
      %dma_start3A_295 = tpu.memref_slice %arg9[%run_scoped3A_66, %dma_start3A_293, %dma_start3A_294] : memref<2x80x128xf32, #tpu.memory_space<vmem>> -> memref<1x80x128xf32, #tpu.memory_space<vmem>>
      %dma_start3A_296 = tpu.memref_squeeze %dma_start3A_295 : memref<1x80x128xf32, #tpu.memory_space<vmem>> -> memref<80x128xf32, #tpu.memory_space<vmem>>
      %dma_start3A_297 = arith.constant 0 : i32
      %dma_start3A_298 = tpu.memref_slice %arg10[%add3A_65, %dma_start3A_297] : memref<10240x128xf32, #tpu.memory_space<vmem_shared>> -> memref<80x128xf32, #tpu.memory_space<vmem_shared>>
      %dma_start3A_299 = arith.constant 0 : i32
      %dma_start3A_300 = tpu.memref_slice %arg10[%add3A_65, %dma_start3A_299] : memref<10240x128xf32, #tpu.memory_space<vmem_shared>> -> memref<80x128xf32, #tpu.memory_space<vmem_shared>>
      %dma_start3A_301 = arith.constant 0 : i32
      %dma_start3A_302 = arith.constant 0 : i32
      %dma_start3A_303 = tpu.memref_slice %arg9[%run_scoped3A_66, %dma_start3A_301, %dma_start3A_302] : memref<2x80x128xf32, #tpu.memory_space<vmem>> -> memref<1x80x128xf32, #tpu.memory_space<vmem>>
      %dma_start3A_304 = tpu.memref_squeeze %dma_start3A_303 : memref<1x80x128xf32, #tpu.memory_space<vmem>> -> memref<80x128xf32, #tpu.memory_space<vmem>>
      tpu.enqueue_dma source(%dma_start3A_304 : memref<80x128xf32, #tpu.memory_space<vmem>>) target(%dma_start3A_300 : memref<80x128xf32, #tpu.memory_space<vmem_shared>>) target_semaphore(%run_scoped3A_292 : memref<!tpu.dma_semaphore, #tpu.memory_space<semaphore_mem>>)
      %dma_wait3A_305 = arith.constant 0 : i32
      %dma_wait3A_306 = arith.constant 0 : i32
      %dma_wait3A_307 = tpu.memref_slice %arg9[%run_scoped3A_66, %dma_wait3A_305, %dma_wait3A_306] : memref<2x80x128xf32, #tpu.memory_space<vmem>> -> memref<1x80x128xf32, #tpu.memory_space<vmem>>
      %dma_wait3A_308 = tpu.memref_squeeze %dma_wait3A_307 : memref<1x80x128xf32, #tpu.memory_space<vmem>> -> memref<80x128xf32, #tpu.memory_space<vmem>>
      %dma_wait3A_309 = arith.constant 0 : i32
      %dma_wait3A_310 = tpu.memref_slice %arg10[%add3A_65, %dma_wait3A_309] : memref<10240x128xf32, #tpu.memory_space<vmem_shared>> -> memref<80x128xf32, #tpu.memory_space<vmem_shared>>
      %dma_wait3A_311 = arith.constant 0 : i32
      %dma_wait3A_312 = tpu.memref_slice %arg10[%add3A_65, %dma_wait3A_311] : memref<10240x128xf32, #tpu.memory_space<vmem_shared>> -> memref<80x128xf32, #tpu.memory_space<vmem_shared>>
      %dma_wait3A_313 = arith.constant 0 : i32
      %dma_wait3A_314 = arith.constant 0 : i32
      %dma_wait3A_315 = tpu.memref_slice %arg9[%run_scoped3A_66, %dma_wait3A_313, %dma_wait3A_314] : memref<2x80x128xf32, #tpu.memory_space<vmem>> -> memref<1x80x128xf32, #tpu.memory_space<vmem>>
      %dma_wait3A_316 = tpu.memref_squeeze %dma_wait3A_315 : memref<1x80x128xf32, #tpu.memory_space<vmem>> -> memref<80x128xf32, #tpu.memory_space<vmem>>
      tpu.wait_dma2 semaphore(%run_scoped3A_292 : memref<!tpu.dma_semaphore, #tpu.memory_space<semaphore_mem>>) src(%dma_wait3A_316 : memref<80x128xf32, #tpu.memory_space<vmem>>) dst(%dma_wait3A_312 : memref<80x128xf32, #tpu.memory_space<vmem_shared>>)
      tpu.yield
    }) : () -> ()
    %barrier3A = arith.constant 0 : index
    tpu.barrier barrier_id(%barrier3A)
    %dma_wait3A = arith.constant 0 : i32
    %dma_wait3A_67 = arith.constant 0 : i32
    %dma_wait3A_68 = arith.constant 0 : i32
    %dma_wait3A_69 = arith.constant 0 : i32
    %dma_wait3A_70 = arith.constant 0 : i32
    %dma_wait3A_71 = tpu.memref_slice %arg6[%dma_wait3A_68, %dma_wait3A_69, %dma_wait3A_70] : memref<2x2x80xi32, #tpu.memory_space<vmem>> -> memref<1x2x80xi32, #tpu.memory_space<vmem>>
    %dma_wait3A_72 = tpu.memref_squeeze %dma_wait3A_71 : memref<1x2x80xi32, #tpu.memory_space<vmem>> -> memref<2x80xi32, #tpu.memory_space<vmem>>
    %dma_wait3A_73 = arith.constant 0 : i32
    %dma_wait3A_74 = arith.constant 0 : i32
    %dma_wait3A_75 = tpu.memref_slice %arg2[%dma_wait3A, %dma_wait3A_67, %dma_wait3A_73, %dma_wait3A_74] : memref<32x125x2x80xi32, #tpu.memory_space<hbm>> -> memref<1x1x2x80xi32, #tpu.memory_space<hbm>>
    %dma_wait3A_76 = tpu.memref_squeeze %dma_wait3A_75 : memref<1x1x2x80xi32, #tpu.memory_space<hbm>> -> memref<2x80xi32, #tpu.memory_space<hbm>>
    %dma_wait3A_77 = arith.constant 0 : i32
    %dma_wait3A_78 = arith.constant 0 : i32
    %dma_wait3A_79 = tpu.memref_slice %arg6[%dma_wait3A_68, %dma_wait3A_77, %dma_wait3A_78] : memref<2x2x80xi32, #tpu.memory_space<vmem>> -> memref<1x2x80xi32, #tpu.memory_space<vmem>>
    %dma_wait3A_80 = tpu.memref_squeeze %dma_wait3A_79 : memref<1x2x80xi32, #tpu.memory_space<vmem>> -> memref<2x80xi32, #tpu.memory_space<vmem>>
    %dma_wait3A_81 = arith.constant 0 : i32
    %dma_wait3A_82 = arith.constant 0 : i32
    %dma_wait3A_83 = tpu.memref_slice %arg2[%dma_wait3A, %dma_wait3A_67, %dma_wait3A_81, %dma_wait3A_82] : memref<32x125x2x80xi32, #tpu.memory_space<hbm>> -> memref<1x1x2x80xi32, #tpu.memory_space<hbm>>
    %dma_wait3A_84 = tpu.memref_squeeze %dma_wait3A_83 : memref<1x1x2x80xi32, #tpu.memory_space<hbm>> -> memref<2x80xi32, #tpu.memory_space<hbm>>
    tpu.wait_dma2 semaphore(%arg11 : memref<!tpu.dma_semaphore, #tpu.memory_space<semaphore_mem>>) src(%dma_wait3A_84 : memref<2x80xi32, #tpu.memory_space<hbm>>) dst(%dma_wait3A_80 : memref<2x80xi32, #tpu.memory_space<vmem>>)
    %mul3A_85 = arith.constant 10000 : i32
    %mul3A_86 = arith.muli %add3A, %mul3A_85 : i32
    %add3A_87 = arith.constant 0 : i32
    %add3A_88 = arith.addi %mul3A_86, %add3A_87 : i32
    %dma_start3A_89 = arith.constant 0 : i32
    %dma_start3A_90 = arith.constant 0 : i32
    %dma_start3A_91 = arith.constant 0 : i32
    %dma_start3A_92 = tpu.memref_slice %arg8[%dma_start3A_89, %dma_start3A_90, %dma_start3A_91] : memref<2x80x128xf32, #tpu.memory_space<vmem>> -> memref<1x80x128xf32, #tpu.memory_space<vmem>>
    %dma_start3A_93 = tpu.memref_squeeze %dma_start3A_92 : memref<1x80x128xf32, #tpu.memory_space<vmem>> -> memref<80x128xf32, #tpu.memory_space<vmem>>
    %dma_start3A_94 = arith.constant 0 : i32
    %dma_start3A_95 = tpu.memref_slice %arg3[%add3A_88, %dma_start3A_94] : memref<320000x128xf32, #tpu.memory_space<hbm>> -> memref<80x128xf32, #tpu.memory_space<hbm>>
    %dma_start3A_96 = arith.constant 0 : i32
    %dma_start3A_97 = arith.constant 0 : i32
    %dma_start3A_98 = tpu.memref_slice %arg8[%dma_start3A_89, %dma_start3A_96, %dma_start3A_97] : memref<2x80x128xf32, #tpu.memory_space<vmem>> -> memref<1x80x128xf32, #tpu.memory_space<vmem>>
    %dma_start3A_99 = tpu.memref_squeeze %dma_start3A_98 : memref<1x80x128xf32, #tpu.memory_space<vmem>> -> memref<80x128xf32, #tpu.memory_space<vmem>>
    %dma_start3A_100 = arith.constant 0 : i32
    %dma_start3A_101 = tpu.memref_slice %arg3[%add3A_88, %dma_start3A_100] : memref<320000x128xf32, #tpu.memory_space<hbm>> -> memref<80x128xf32, #tpu.memory_space<hbm>>
    tpu.enqueue_dma source(%dma_start3A_101 : memref<80x128xf32, #tpu.memory_space<hbm>>) target(%dma_start3A_99 : memref<80x128xf32, #tpu.memory_space<vmem>>) target_semaphore(%arg13 : memref<!tpu.dma_semaphore, #tpu.memory_space<semaphore_mem>>)
    %dma_start3A_102 = arith.constant 0 : i32
    %dma_start3A_103 = arith.constant 0 : i32
    %dma_start3A_104 = arith.constant 0 : i32
    %dma_start3A_105 = arith.constant 0 : i32
    %dma_start3A_106 = arith.constant 0 : i32
    %dma_start3A_107 = tpu.memref_slice %arg9[%dma_start3A_104, %dma_start3A_105, %dma_start3A_106] : memref<2x80x128xf32, #tpu.memory_space<vmem>> -> memref<1x80x128xf32, #tpu.memory_space<vmem>>
    %dma_start3A_108 = tpu.memref_squeeze %dma_start3A_107 : memref<1x80x128xf32, #tpu.memory_space<vmem>> -> memref<80x128xf32, #tpu.memory_space<vmem>>
    %dma_start3A_109 = arith.constant 0 : i32
    %dma_start3A_110 = tpu.memref_slice %arg6[%dma_start3A_102, %dma_start3A_103, %dma_start3A_109] : memref<2x2x80xi32, #tpu.memory_space<vmem>> -> memref<1x1x80xi32, #tpu.memory_space<vmem>>
    %dma_start3A_111 = tpu.memref_squeeze %dma_start3A_110 : memref<1x1x80xi32, #tpu.memory_space<vmem>> -> memref<80xi32, #tpu.memory_space<vmem>>
    %dma_start3A_112 = arith.constant 0 : i32
    %dma_start3A_113 = arith.constant 0 : i32
    %dma_start3A_114 = tpu.memref_slice %arg4[%dma_start3A_112, %dma_start3A_113] : memref<10000x128xf32, #tpu.memory_space<hbm>> -> memref<10000x128xf32, #tpu.memory_space<hbm>>
    tpu.enqueue_indirect_dma source(%dma_start3A_114 : memref<10000x128xf32, #tpu.memory_space<hbm>>) target(%dma_start3A_108 : memref<80x128xf32, #tpu.memory_space<vmem>>) offsets(%dma_start3A_111 : memref<80xi32, #tpu.memory_space<vmem>>) semaphore(%arg14 : memref<!tpu.dma_semaphore, #tpu.memory_space<semaphore_mem>>)
    %scan3A_115 = arith.constant 0 : i32
    %scan3A_116 = arith.constant 0 : i32
    %scan3A_117 = arith.constant 62 : i32
    %scan3A_118 = arith.addi %scan3A_116, %scan3A_117 : i32
    %scan3A_119 = arith.constant 1 : i32
    %scan3A_120 = scf.for %scan3A_292 = %scan3A_116 to %scan3A_118 step %scan3A_119 iter_args(%scan3A_293 = %scan3A_115) -> (i32)  : i32 {
      %mul3A_294 = arith.constant 2 : i32
      %mul3A_295 = arith.muli %mul3A_294, %scan3A_292 : i32
      %dma_wait3A_296 = arith.constant 0 : i32
      %dma_wait3A_297 = arith.constant 0 : i32
      %dma_wait3A_298 = arith.constant 0 : i32
      %dma_wait3A_299 = tpu.memref_slice %arg8[%dma_wait3A_296, %dma_wait3A_297, %dma_wait3A_298] : memref<2x80x128xf32, #tpu.memory_space<vmem>> -> memref<1x80x128xf32, #tpu.memory_space<vmem>>
      %dma_wait3A_300 = tpu.memref_squeeze %dma_wait3A_299 : memref<1x80x128xf32, #tpu.memory_space<vmem>> -> memref<80x128xf32, #tpu.memory_space<vmem>>
      %dma_wait3A_301 = arith.constant 0 : i32
      %dma_wait3A_302 = arith.constant 0 : i32
      %dma_wait3A_303 = tpu.memref_slice %arg3[%dma_wait3A_301, %dma_wait3A_302] : memref<320000x128xf32, #tpu.memory_space<hbm>> -> memref<80x128xf32, #tpu.memory_space<hbm>>
      %dma_wait3A_304 = arith.constant 0 : i32
      %dma_wait3A_305 = arith.constant 0 : i32
      %dma_wait3A_306 = tpu.memref_slice %arg8[%dma_wait3A_296, %dma_wait3A_304, %dma_wait3A_305] : memref<2x80x128xf32, #tpu.memory_space<vmem>> -> memref<1x80x128xf32, #tpu.memory_space<vmem>>
      %dma_wait3A_307 = tpu.memref_squeeze %dma_wait3A_306 : memref<1x80x128xf32, #tpu.memory_space<vmem>> -> memref<80x128xf32, #tpu.memory_space<vmem>>
      %dma_wait3A_308 = arith.constant 0 : i32
      %dma_wait3A_309 = arith.constant 0 : i32
      %dma_wait3A_310 = tpu.memref_slice %arg3[%dma_wait3A_308, %dma_wait3A_309] : memref<320000x128xf32, #tpu.memory_space<hbm>> -> memref<80x128xf32, #tpu.memory_space<hbm>>
      tpu.wait_dma2 semaphore(%arg13 : memref<!tpu.dma_semaphore, #tpu.memory_space<semaphore_mem>>) src(%dma_wait3A_310 : memref<80x128xf32, #tpu.memory_space<hbm>>) dst(%dma_wait3A_307 : memref<80x128xf32, #tpu.memory_space<vmem>>)
      %dma_wait3A_311 = arith.constant 0 : i32
      %dma_wait3A_312 = arith.constant 0 : i32
      %dma_wait3A_313 = arith.constant 0 : i32
      %dma_wait3A_314 = arith.constant 0 : i32
      %dma_wait3A_315 = arith.constant 0 : i32
      %dma_wait3A_316 = tpu.memref_slice %arg9[%dma_wait3A_313, %dma_wait3A_314, %dma_wait3A_315] : memref<2x80x128xf32, #tpu.memory_space<vmem>> -> memref<1x80x128xf32, #tpu.memory_space<vmem>>
      %dma_wait3A_317 = tpu.memref_squeeze %dma_wait3A_316 : memref<1x80x128xf32, #tpu.memory_space<vmem>> -> memref<80x128xf32, #tpu.memory_space<vmem>>
      %dma_wait3A_318 = arith.constant 0 : i32
      %dma_wait3A_319 = tpu.memref_slice %arg6[%dma_wait3A_311, %dma_wait3A_312, %dma_wait3A_318] : memref<2x2x80xi32, #tpu.memory_space<vmem>> -> memref<1x1x80xi32, #tpu.memory_space<vmem>>
      %dma_wait3A_320 = tpu.memref_squeeze %dma_wait3A_319 : memref<1x1x80xi32, #tpu.memory_space<vmem>> -> memref<80xi32, #tpu.memory_space<vmem>>
      %dma_wait3A_321 = arith.constant 0 : i32
      %dma_wait3A_322 = arith.constant 0 : i32
      %dma_wait3A_323 = tpu.memref_slice %arg4[%dma_wait3A_321, %dma_wait3A_322] : memref<10000x128xf32, #tpu.memory_space<hbm>> -> memref<10000x128xf32, #tpu.memory_space<hbm>>
      tpu.wait_indirect_dma semaphore(%arg14 : memref<!tpu.dma_semaphore, #tpu.memory_space<semaphore_mem>>) src(%dma_wait3A_323 : memref<10000x128xf32, #tpu.memory_space<hbm>>) dst(%dma_wait3A_317 : memref<80x128xf32, #tpu.memory_space<vmem>>)
      %get3A_324 = arith.constant 0 : i32
      %get3A_325 = arith.constant 1 : i32
      %get3A_326 = arith.index_cast %get3A_324 : i32 to index
      %get3A_327 = arith.index_cast %get3A_325 : i32 to index
      %get3A_328 = arith.constant 0 : index
      %get3A_329 = tpu.vector_load %arg6[%get3A_326, %get3A_327, %get3A_328] {strides = array<i32>} : memref<2x2x80xi32, #tpu.memory_space<vmem>>, vector<1x1x16xi32>,
      %get3A_330 = vector.shape_cast %get3A_329 : vector<1x1x16xi32> to vector<16xi32>
      %swap3A_331 = arith.constant 0 : i32
      %swap3A_332 = arith.index_cast %swap3A_331 : i32 to index
      %swap3A_333 = arith.constant 0 : index
      %swap3A_334 = tpu.vector_load %arg7[%swap3A_332, %swap3A_333] {strides = array<i32>} : memref<2x80xi32, #tpu.memory_space<vmem>>, vector<1x16xi32>,
      %swap3A_335 = vector.shape_cast %swap3A_334 : vector<1x16xi32> to vector<16xi32>
      %swap3A_336 = vector.shape_cast %get3A_330 : vector<16xi32> to vector<1x16xi32>
      tpu.vector_store %arg7[%swap3A_332, %swap3A_333], %swap3A_336 {strides = array<i32>} : memref<2x80xi32, #tpu.memory_space<vmem>>, vector<1x16xi32>,
      %get3A_337 = arith.constant 0 : i32
      %get3A_338 = arith.constant 1 : i32
      %get3A_339 = arith.index_cast %get3A_337 : i32 to index
      %get3A_340 = arith.index_cast %get3A_338 : i32 to index
      %get3A_341 = arith.constant 16 : index
      %get3A_342 = tpu.vector_load %arg6[%get3A_339, %get3A_340, %get3A_341] {strides = array<i32>} : memref<2x2x80xi32, #tpu.memory_space<vmem>>, vector<1x1x16xi32>,
      %get3A_343 = vector.shape_cast %get3A_342 : vector<1x1x16xi32> to vector<16xi32>
      %swap3A_344 = arith.constant 0 : i32
      %swap3A_345 = arith.index_cast %swap3A_344 : i32 to index
      %swap3A_346 = arith.constant 16 : index
      %swap3A_347 = tpu.vector_load %arg7[%swap3A_345, %swap3A_346] {strides = array<i32>} : memref<2x80xi32, #tpu.memory_space<vmem>>, vector<1x16xi32>,
      %swap3A_348 = vector.shape_cast %swap3A_347 : vector<1x16xi32> to vector<16xi32>
      %swap3A_349 = vector.shape_cast %get3A_343 : vector<16xi32> to vector<1x16xi32>
      tpu.vector_store %arg7[%swap3A_345, %swap3A_346], %swap3A_349 {strides = array<i32>} : memref<2x80xi32, #tpu.memory_space<vmem>>, vector<1x16xi32>,
      %get3A_350 = arith.constant 0 : i32
      %get3A_351 = arith.constant 1 : i32
      %get3A_352 = arith.index_cast %get3A_350 : i32 to index
      %get3A_353 = arith.index_cast %get3A_351 : i32 to index
      %get3A_354 = arith.constant 32 : index
      %get3A_355 = tpu.vector_load %arg6[%get3A_352, %get3A_353, %get3A_354] {strides = array<i32>} : memref<2x2x80xi32, #tpu.memory_space<vmem>>, vector<1x1x16xi32>,
      %get3A_356 = vector.shape_cast %get3A_355 : vector<1x1x16xi32> to vector<16xi32>
      %swap3A_357 = arith.constant 0 : i32
      %swap3A_358 = arith.index_cast %swap3A_357 : i32 to index
      %swap3A_359 = arith.constant 32 : index
      %swap3A_360 = tpu.vector_load %arg7[%swap3A_358, %swap3A_359] {strides = array<i32>} : memref<2x80xi32, #tpu.memory_space<vmem>>, vector<1x16xi32>,
      %swap3A_361 = vector.shape_cast %swap3A_360 : vector<1x16xi32> to vector<16xi32>
      %swap3A_362 = vector.shape_cast %get3A_356 : vector<16xi32> to vector<1x16xi32>
      tpu.vector_store %arg7[%swap3A_358, %swap3A_359], %swap3A_362 {strides = array<i32>} : memref<2x80xi32, #tpu.memory_space<vmem>>, vector<1x16xi32>,
      %get3A_363 = arith.constant 0 : i32
      %get3A_364 = arith.constant 1 : i32
      %get3A_365 = arith.index_cast %get3A_363 : i32 to index
      %get3A_366 = arith.index_cast %get3A_364 : i32 to index
      %get3A_367 = arith.constant 48 : index
      %get3A_368 = tpu.vector_load %arg6[%get3A_365, %get3A_366, %get3A_367] {strides = array<i32>} : memref<2x2x80xi32, #tpu.memory_space<vmem>>, vector<1x1x16xi32>,
      %get3A_369 = vector.shape_cast %get3A_368 : vector<1x1x16xi32> to vector<16xi32>
      %swap3A_370 = arith.constant 0 : i32
      %swap3A_371 = arith.index_cast %swap3A_370 : i32 to index
      %swap3A_372 = arith.constant 48 : index
      %swap3A_373 = tpu.vector_load %arg7[%swap3A_371, %swap3A_372] {strides = array<i32>} : memref<2x80xi32, #tpu.memory_space<vmem>>, vector<1x16xi32>,
      %swap3A_374 = vector.shape_cast %swap3A_373 : vector<1x16xi32> to vector<16xi32>
      %swap3A_375 = vector.shape_cast %get3A_369 : vector<16xi32> to vector<1x16xi32>
      tpu.vector_store %arg7[%swap3A_371, %swap3A_372], %swap3A_375 {strides = array<i32>} : memref<2x80xi32, #tpu.memory_space<vmem>>, vector<1x16xi32>,
      %get3A_376 = arith.constant 0 : i32
      %get3A_377 = arith.constant 1 : i32
      %get3A_378 = arith.index_cast %get3A_376 : i32 to index
      %get3A_379 = arith.index_cast %get3A_377 : i32 to index
      %get3A_380 = arith.constant 64 : index
      %get3A_381 = tpu.vector_load %arg6[%get3A_378, %get3A_379, %get3A_380] {strides = array<i32>} : memref<2x2x80xi32, #tpu.memory_space<vmem>>, vector<1x1x16xi32>,
      %get3A_382 = vector.shape_cast %get3A_381 : vector<1x1x16xi32> to vector<16xi32>
      %swap3A_383 = arith.constant 0 : i32
      %swap3A_384 = arith.index_cast %swap3A_383 : i32 to index
      %swap3A_385 = arith.constant 64 : index
      %swap3A_386 = tpu.vector_load %arg7[%swap3A_384, %swap3A_385] {strides = array<i32>} : memref<2x80xi32, #tpu.memory_space<vmem>>, vector<1x16xi32>,
      %swap3A_387 = vector.shape_cast %swap3A_386 : vector<1x16xi32> to vector<16xi32>
      %swap3A_388 = vector.shape_cast %get3A_382 : vector<16xi32> to vector<1x16xi32>
      tpu.vector_store %arg7[%swap3A_384, %swap3A_385], %swap3A_388 {strides = array<i32>} : memref<2x80xi32, #tpu.memory_space<vmem>>, vector<1x16xi32>,
      %add3A_389 = arith.constant 2 : i32
      %add3A_390 = arith.addi %mul3A_295, %add3A_389 : i32
      %lt3A = arith.constant 125 : i32
      %lt3A_391 = arith.cmpi slt, %add3A_390, %lt3A : i32
      %convert_element_type3A = arith.extui %lt3A_391 : i1 to i32
      %cond3A_392 = arith.constant 0 : i32
      %cond3A_393 = arith.cmpi ne, %convert_element_type3A, %cond3A_392 : i32
      scf.if %cond3A_393 {
        %add3A_555 = arith.constant 2 : i32
        %add3A_556 = arith.addi %mul3A_295, %add3A_555 : i32
        %dma_start3A_557 = arith.constant 0 : i32
        %dma_start3A_558 = arith.constant 0 : i32
        %dma_start3A_559 = arith.constant 0 : i32
        %dma_start3A_560 = tpu.memref_slice %arg6[%dma_start3A_557, %dma_start3A_558, %dma_start3A_559] : memref<2x2x80xi32, #tpu.memory_space<vmem>> -> memref<1x2x80xi32, #tpu.memory_space<vmem>>
        %dma_start3A_561 = tpu.memref_squeeze %dma_start3A_560 : memref<1x2x80xi32, #tpu.memory_space<vmem>> -> memref<2x80xi32, #tpu.memory_space<vmem>>
        %dma_start3A_562 = arith.constant 0 : i32
        %dma_start3A_563 = arith.constant 0 : i32
        %dma_start3A_564 = tpu.memref_slice %arg2[%add3A, %add3A_556, %dma_start3A_562, %dma_start3A_563] : memref<32x125x2x80xi32, #tpu.memory_space<hbm>> -> memref<1x1x2x80xi32, #tpu.memory_space<hbm>>
        %dma_start3A_565 = tpu.memref_squeeze %dma_start3A_564 : memref<1x1x2x80xi32, #tpu.memory_space<hbm>> -> memref<2x80xi32, #tpu.memory_space<hbm>>
        %dma_start3A_566 = arith.constant 0 : i32
        %dma_start3A_567 = arith.constant 0 : i32
        %dma_start3A_568 = tpu.memref_slice %arg6[%dma_start3A_557, %dma_start3A_566, %dma_start3A_567] : memref<2x2x80xi32, #tpu.memory_space<vmem>> -> memref<1x2x80xi32, #tpu.memory_space<vmem>>
        %dma_start3A_569 = tpu.memref_squeeze %dma_start3A_568 : memref<1x2x80xi32, #tpu.memory_space<vmem>> -> memref<2x80xi32, #tpu.memory_space<vmem>>
        %dma_start3A_570 = arith.constant 0 : i32
        %dma_start3A_571 = arith.constant 0 : i32
        %dma_start3A_572 = tpu.memref_slice %arg2[%add3A, %add3A_556, %dma_start3A_570, %dma_start3A_571] : memref<32x125x2x80xi32, #tpu.memory_space<hbm>> -> memref<1x1x2x80xi32, #tpu.memory_space<hbm>>
        %dma_start3A_573 = tpu.memref_squeeze %dma_start3A_572 : memref<1x1x2x80xi32, #tpu.memory_space<hbm>> -> memref<2x80xi32, #tpu.memory_space<hbm>>
        tpu.enqueue_dma source(%dma_start3A_573 : memref<2x80xi32, #tpu.memory_space<hbm>>) target(%dma_start3A_569 : memref<2x80xi32, #tpu.memory_space<vmem>>) target_semaphore(%arg11 : memref<!tpu.dma_semaphore, #tpu.memory_space<semaphore_mem>>)
      } else {
      }
      %add3A_394 = arith.constant 1 : i32
      %add3A_395 = arith.addi %mul3A_295, %add3A_394 : i32
      %lt3A_396 = arith.constant 125 : i32
      %lt3A_397 = arith.cmpi slt, %add3A_395, %lt3A_396 : i32
      %convert_element_type3A_398 = arith.extui %lt3A_397 : i1 to i32
      %cond3A_399 = arith.constant 0 : i32
      %cond3A_400 = arith.cmpi ne, %convert_element_type3A_398, %cond3A_399 : i32
      scf.if %cond3A_400 {
        %ge3A = arith.constant 1 : i32
        %ge3A_555 = arith.cmpi sge, %mul3A_295, %ge3A : i32
        %convert_element_type3A_556 = arith.extui %ge3A_555 : i1 to i32
        %cond3A_557 = arith.constant 0 : i32
        %cond3A_558 = arith.cmpi ne, %convert_element_type3A_556, %cond3A_557 : i32
        scf.if %cond3A_558 {
          %dma_wait3A_611 = arith.constant 1 : i32
          %dma_wait3A_612 = arith.constant 1 : i32
          %dma_wait3A_613 = arith.constant 0 : i32
          %dma_wait3A_614 = arith.constant 0 : i32
          %dma_wait3A_615 = tpu.memref_slice %arg8[%dma_wait3A_611, %dma_wait3A_613, %dma_wait3A_614] : memref<2x80x128xf32, #tpu.memory_space<vmem>> -> memref<1x80x128xf32, #tpu.memory_space<vmem>>
          %dma_wait3A_616 = tpu.memref_squeeze %dma_wait3A_615 : memref<1x80x128xf32, #tpu.memory_space<vmem>> -> memref<80x128xf32, #tpu.memory_space<vmem>>
          %dma_wait3A_617 = arith.constant 0 : i32
          %dma_wait3A_618 = tpu.memref_slice %arg7[%dma_wait3A_612, %dma_wait3A_617] : memref<2x80xi32, #tpu.memory_space<vmem>> -> memref<1x80xi32, #tpu.memory_space<vmem>>
          %dma_wait3A_619 = tpu.memref_squeeze %dma_wait3A_618 : memref<1x80xi32, #tpu.memory_space<vmem>> -> memref<80xi32, #tpu.memory_space<vmem>>
          %dma_wait3A_620 = arith.constant 0 : i32
          %dma_wait3A_621 = arith.constant 0 : i32
          %dma_wait3A_622 = tpu.memref_slice %arg10[%dma_wait3A_620, %dma_wait3A_621] : memref<10240x128xf32, #tpu.memory_space<vmem_shared>> -> memref<10240x128xf32, #tpu.memory_space<vmem_shared>>
          tpu.wait_indirect_dma semaphore(%arg15 : memref<!tpu.dma_semaphore, #tpu.memory_space<semaphore_mem>>) src(%dma_wait3A_616 : memref<80x128xf32, #tpu.memory_space<vmem>>) dst(%dma_wait3A_622 : memref<10240x128xf32, #tpu.memory_space<vmem_shared>>)
        } else {
        }
        %dma_wait3A_559 = arith.constant 0 : i32
        %dma_wait3A_560 = arith.constant 0 : i32
        %dma_wait3A_561 = arith.constant 1 : i32
        %dma_wait3A_562 = arith.constant 0 : i32
        %dma_wait3A_563 = arith.constant 0 : i32
        %dma_wait3A_564 = tpu.memref_slice %arg6[%dma_wait3A_561, %dma_wait3A_562, %dma_wait3A_563] : memref<2x2x80xi32, #tpu.memory_space<vmem>> -> memref<1x2x80xi32, #tpu.memory_space<vmem>>
        %dma_wait3A_565 = tpu.memref_squeeze %dma_wait3A_564 : memref<1x2x80xi32, #tpu.memory_space<vmem>> -> memref<2x80xi32, #tpu.memory_space<vmem>>
        %dma_wait3A_566 = arith.constant 0 : i32
        %dma_wait3A_567 = arith.constant 0 : i32
        %dma_wait3A_568 = tpu.memref_slice %arg2[%dma_wait3A_559, %dma_wait3A_560, %dma_wait3A_566, %dma_wait3A_567] : memref<32x125x2x80xi32, #tpu.memory_space<hbm>> -> memref<1x1x2x80xi32, #tpu.memory_space<hbm>>
        %dma_wait3A_569 = tpu.memref_squeeze %dma_wait3A_568 : memref<1x1x2x80xi32, #tpu.memory_space<hbm>> -> memref<2x80xi32, #tpu.memory_space<hbm>>
        %dma_wait3A_570 = arith.constant 0 : i32
        %dma_wait3A_571 = arith.constant 0 : i32
        %dma_wait3A_572 = tpu.memref_slice %arg6[%dma_wait3A_561, %dma_wait3A_570, %dma_wait3A_571] : memref<2x2x80xi32, #tpu.memory_space<vmem>> -> memref<1x2x80xi32, #tpu.memory_space<vmem>>
        %dma_wait3A_573 = tpu.memref_squeeze %dma_wait3A_572 : memref<1x2x80xi32, #tpu.memory_space<vmem>> -> memref<2x80xi32, #tpu.memory_space<vmem>>
        %dma_wait3A_574 = arith.constant 0 : i32
        %dma_wait3A_575 = arith.constant 0 : i32
        %dma_wait3A_576 = tpu.memref_slice %arg2[%dma_wait3A_559, %dma_wait3A_560, %dma_wait3A_574, %dma_wait3A_575] : memref<32x125x2x80xi32, #tpu.memory_space<hbm>> -> memref<1x1x2x80xi32, #tpu.memory_space<hbm>>
        %dma_wait3A_577 = tpu.memref_squeeze %dma_wait3A_576 : memref<1x1x2x80xi32, #tpu.memory_space<hbm>> -> memref<2x80xi32, #tpu.memory_space<hbm>>
        tpu.wait_dma2 semaphore(%arg12 : memref<!tpu.dma_semaphore, #tpu.memory_space<semaphore_mem>>) src(%dma_wait3A_577 : memref<2x80xi32, #tpu.memory_space<hbm>>) dst(%dma_wait3A_573 : memref<2x80xi32, #tpu.memory_space<vmem>>)
        %add3A_578 = arith.constant 1 : i32
        %add3A_579 = arith.addi %mul3A_295, %add3A_578 : i32
        %mul3A_580 = arith.constant 10000 : i32
        %mul3A_581 = arith.muli %add3A, %mul3A_580 : i32
        %mul3A_582 = arith.constant 80 : i32
        %mul3A_583 = arith.muli %add3A_579, %mul3A_582 : i32
        %add3A_584 = arith.addi %mul3A_581, %mul3A_583 : i32
        %dma_start3A_585 = arith.constant 1 : i32
        %dma_start3A_586 = arith.constant 0 : i32
        %dma_start3A_587 = arith.constant 0 : i32
        %dma_start3A_588 = tpu.memref_slice %arg8[%dma_start3A_585, %dma_start3A_586, %dma_start3A_587] : memref<2x80x128xf32, #tpu.memory_space<vmem>> -> memref<1x80x128xf32, #tpu.memory_space<vmem>>
        %dma_start3A_589 = tpu.memref_squeeze %dma_start3A_588 : memref<1x80x128xf32, #tpu.memory_space<vmem>> -> memref<80x128xf32, #tpu.memory_space<vmem>>
        %dma_start3A_590 = arith.constant 0 : i32
        %dma_start3A_591 = tpu.memref_slice %arg3[%add3A_584, %dma_start3A_590] : memref<320000x128xf32, #tpu.memory_space<hbm>> -> memref<80x128xf32, #tpu.memory_space<hbm>>
        %dma_start3A_592 = arith.constant 0 : i32
        %dma_start3A_593 = arith.constant 0 : i32
        %dma_start3A_594 = tpu.memref_slice %arg8[%dma_start3A_585, %dma_start3A_592, %dma_start3A_593] : memref<2x80x128xf32, #tpu.memory_space<vmem>> -> memref<1x80x128xf32, #tpu.memory_space<vmem>>
        %dma_start3A_595 = tpu.memref_squeeze %dma_start3A_594 : memref<1x80x128xf32, #tpu.memory_space<vmem>> -> memref<80x128xf32, #tpu.memory_space<vmem>>
        %dma_start3A_596 = arith.constant 0 : i32
        %dma_start3A_597 = tpu.memref_slice %arg3[%add3A_584, %dma_start3A_596] : memref<320000x128xf32, #tpu.memory_space<hbm>> -> memref<80x128xf32, #tpu.memory_space<hbm>>
        tpu.enqueue_dma source(%dma_start3A_597 : memref<80x128xf32, #tpu.memory_space<hbm>>) target(%dma_start3A_595 : memref<80x128xf32, #tpu.memory_space<vmem>>) target_semaphore(%arg13 : memref<!tpu.dma_semaphore, #tpu.memory_space<semaphore_mem>>)
        %dma_start3A_598 = arith.constant 1 : i32
        %dma_start3A_599 = arith.constant 0 : i32
        %dma_start3A_600 = arith.constant 1 : i32
        %dma_start3A_601 = arith.constant 0 : i32
        %dma_start3A_602 = arith.constant 0 : i32
        %dma_start3A_603 = tpu.memref_slice %arg9[%dma_start3A_600, %dma_start3A_601, %dma_start3A_602] : memref<2x80x128xf32, #tpu.memory_space<vmem>> -> memref<1x80x128xf32, #tpu.memory_space<vmem>>
        %dma_start3A_604 = tpu.memref_squeeze %dma_start3A_603 : memref<1x80x128xf32, #tpu.memory_space<vmem>> -> memref<80x128xf32, #tpu.memory_space<vmem>>
        %dma_start3A_605 = arith.constant 0 : i32
        %dma_start3A_606 = tpu.memref_slice %arg6[%dma_start3A_598, %dma_start3A_599, %dma_start3A_605] : memref<2x2x80xi32, #tpu.memory_space<vmem>> -> memref<1x1x80xi32, #tpu.memory_space<vmem>>
        %dma_start3A_607 = tpu.memref_squeeze %dma_start3A_606 : memref<1x1x80xi32, #tpu.memory_space<vmem>> -> memref<80xi32, #tpu.memory_space<vmem>>
        %dma_start3A_608 = arith.constant 0 : i32
        %dma_start3A_609 = arith.constant 0 : i32
        %dma_start3A_610 = tpu.memref_slice %arg4[%dma_start3A_608, %dma_start3A_609] : memref<10000x128xf32, #tpu.memory_space<hbm>> -> memref<10000x128xf32, #tpu.memory_space<hbm>>
        tpu.enqueue_indirect_dma source(%dma_start3A_610 : memref<10000x128xf32, #tpu.memory_space<hbm>>) target(%dma_start3A_604 : memref<80x128xf32, #tpu.memory_space<vmem>>) offsets(%dma_start3A_607 : memref<80xi32, #tpu.memory_space<vmem>>) semaphore(%arg14 : memref<!tpu.dma_semaphore, #tpu.memory_space<semaphore_mem>>)
      } else {
      }
      %scan3A_401 = arith.constant 0 : i32
      %scan3A_402 = arith.constant 0 : i32
      %scan3A_403 = arith.constant 0 : i32
      %scan3A_404 = arith.constant 0 : i32
      %scan3A_405 = arith.constant 20 : i32
      %scan3A_406 = arith.addi %scan3A_404, %scan3A_405 : i32
      %scan3A_407 = arith.constant 1 : i32
      %scan3A_408 = scf.for %scan3A_555 = %scan3A_404 to %scan3A_406 step %scan3A_407 iter_args(%scan3A_556 = %scan3A_403) -> (i32)  : i32 {
        %mul3A_557 = arith.constant 4 : i32
        %mul3A_558 = arith.muli %mul3A_557, %scan3A_555 : i32
        %add3A_559 = arith.constant 0 : i32
        %add3A_560 = arith.addi %mul3A_558, %add3A_559 : i32
        %get3A_561 = arith.constant 0 : i32
        %get3A_562 = arith.constant 0 : i32
        %get3A_563 = tpu.memref_slice %arg8[%scan3A_401, %get3A_561, %get3A_562] : memref<2x80x128xf32, #tpu.memory_space<vmem>> -> memref<1x80x128xf32, #tpu.memory_space<vmem>>
        %get3A_564 = tpu.memref_squeeze %get3A_563 : memref<1x80x128xf32, #tpu.memory_space<vmem>> -> memref<80x128xf32, #tpu.memory_space<vmem>>
        %get3A_565 = arith.index_cast %add3A_560 : i32 to index
        %get3A_566 = arith.constant 0 : index
        %get3A_567 = tpu.vector_load %get3A_564[%get3A_565, %get3A_566] {strides = array<i32>} : memref<80x128xf32, #tpu.memory_space<vmem>>, vector<1x16xf32>,
        %get3A_568 = vector.shape_cast %get3A_567 : vector<1x16xf32> to vector<16xf32>
        %get3A_569 = arith.constant 0 : i32
        %get3A_570 = arith.constant 0 : i32
        %get3A_571 = tpu.memref_slice %arg9[%scan3A_402, %get3A_569, %get3A_570] : memref<2x80x128xf32, #tpu.memory_space<vmem>> -> memref<1x80x128xf32, #tpu.memory_space<vmem>>
        %get3A_572 = tpu.memref_squeeze %get3A_571 : memref<1x80x128xf32, #tpu.memory_space<vmem>> -> memref<80x128xf32, #tpu.memory_space<vmem>>
        %get3A_573 = arith.index_cast %add3A_560 : i32 to index
        %get3A_574 = arith.constant 0 : index
        %get3A_575 = tpu.vector_load %get3A_572[%get3A_573, %get3A_574] {strides = array<i32>} : memref<80x128xf32, #tpu.memory_space<vmem>>, vector<1x16xf32>,
        %get3A_576 = vector.shape_cast %get3A_575 : vector<1x16xf32> to vector<16xf32>
        %mul3A_577 = arith.mulf %get3A_568, %get3A_576 : vector<16xf32>
        %swap3A_578 = arith.constant 0 : i32
        %swap3A_579 = arith.constant 0 : i32
        %swap3A_580 = tpu.memref_slice %arg8[%scan3A_401, %swap3A_578, %swap3A_579] : memref<2x80x128xf32, #tpu.memory_space<vmem>> -> memref<1x80x128xf32, #tpu.memory_space<vmem>>
        %swap3A_581 = tpu.memref_squeeze %swap3A_580 : memref<1x80x128xf32, #tpu.memory_space<vmem>> -> memref<80x128xf32, #tpu.memory_space<vmem>>
        %swap3A_582 = arith.index_cast %add3A_560 : i32 to index
        %swap3A_583 = arith.constant 0 : index
        %swap3A_584 = tpu.vector_load %swap3A_581[%swap3A_582, %swap3A_583] {strides = array<i32>} : memref<80x128xf32, #tpu.memory_space<vmem>>, vector<1x16xf32>,
        %swap3A_585 = vector.shape_cast %swap3A_584 : vector<1x16xf32> to vector<16xf32>
        %swap3A_586 = vector.shape_cast %mul3A_577 : vector<16xf32> to vector<1x16xf32>
        tpu.vector_store %swap3A_581[%swap3A_582, %swap3A_583], %swap3A_586 {strides = array<i32>} : memref<80x128xf32, #tpu.memory_space<vmem>>, vector<1x16xf32>,
        %get3A_587 = arith.constant 0 : i32
        %get3A_588 = arith.constant 0 : i32
        %get3A_589 = tpu.memref_slice %arg8[%scan3A_401, %get3A_587, %get3A_588] : memref<2x80x128xf32, #tpu.memory_space<vmem>> -> memref<1x80x128xf32, #tpu.memory_space<vmem>>
        %get3A_590 = tpu.memref_squeeze %get3A_589 : memref<1x80x128xf32, #tpu.memory_space<vmem>> -> memref<80x128xf32, #tpu.memory_space<vmem>>
        %get3A_591 = arith.index_cast %add3A_560 : i32 to index
        %get3A_592 = arith.constant 16 : index
        %get3A_593 = tpu.vector_load %get3A_590[%get3A_591, %get3A_592] {strides = array<i32>} : memref<80x128xf32, #tpu.memory_space<vmem>>, vector<1x16xf32>,
        %get3A_594 = vector.shape_cast %get3A_593 : vector<1x16xf32> to vector<16xf32>
        %get3A_595 = arith.constant 0 : i32
        %get3A_596 = arith.constant 0 : i32
        %get3A_597 = tpu.memref_slice %arg9[%scan3A_402, %get3A_595, %get3A_596] : memref<2x80x128xf32, #tpu.memory_space<vmem>> -> memref<1x80x128xf32, #tpu.memory_space<vmem>>
        %get3A_598 = tpu.memref_squeeze %get3A_597 : memref<1x80x128xf32, #tpu.memory_space<vmem>> -> memref<80x128xf32, #tpu.memory_space<vmem>>
        %get3A_599 = arith.index_cast %add3A_560 : i32 to index
        %get3A_600 = arith.constant 16 : index
        %get3A_601 = tpu.vector_load %get3A_598[%get3A_599, %get3A_600] {strides = array<i32>} : memref<80x128xf32, #tpu.memory_space<vmem>>, vector<1x16xf32>,
        %get3A_602 = vector.shape_cast %get3A_601 : vector<1x16xf32> to vector<16xf32>
        %mul3A_603 = arith.mulf %get3A_594, %get3A_602 : vector<16xf32>
        %swap3A_604 = arith.constant 0 : i32
        %swap3A_605 = arith.constant 0 : i32
        %swap3A_606 = tpu.memref_slice %arg8[%scan3A_401, %swap3A_604, %swap3A_605] : memref<2x80x128xf32, #tpu.memory_space<vmem>> -> memref<1x80x128xf32, #tpu.memory_space<vmem>>
        %swap3A_607 = tpu.memref_squeeze %swap3A_606 : memref<1x80x128xf32, #tpu.memory_space<vmem>> -> memref<80x128xf32, #tpu.memory_space<vmem>>
        %swap3A_608 = arith.index_cast %add3A_560 : i32 to index
        %swap3A_609 = arith.constant 16 : index
        %swap3A_610 = tpu.vector_load %swap3A_607[%swap3A_608, %swap3A_609] {strides = array<i32>} : memref<80x128xf32, #tpu.memory_space<vmem>>, vector<1x16xf32>,
        %swap3A_611 = vector.shape_cast %swap3A_610 : vector<1x16xf32> to vector<16xf32>
        %swap3A_612 = vector.shape_cast %mul3A_603 : vector<16xf32> to vector<1x16xf32>
        tpu.vector_store %swap3A_607[%swap3A_608, %swap3A_609], %swap3A_612 {strides = array<i32>} : memref<80x128xf32, #tpu.memory_space<vmem>>, vector<1x16xf32>,
        %get3A_613 = arith.constant 0 : i32
        %get3A_614 = arith.constant 0 : i32
        %get3A_615 = tpu.memref_slice %arg8[%scan3A_401, %get3A_613, %get3A_614] : memref<2x80x128xf32, #tpu.memory_space<vmem>> -> memref<1x80x128xf32, #tpu.memory_space<vmem>>
        %get3A_616 = tpu.memref_squeeze %get3A_615 : memref<1x80x128xf32, #tpu.memory_space<vmem>> -> memref<80x128xf32, #tpu.memory_space<vmem>>
        %get3A_617 = arith.index_cast %add3A_560 : i32 to index
        %get3A_618 = arith.constant 32 : index
        %get3A_619 = tpu.vector_load %get3A_616[%get3A_617, %get3A_618] {strides = array<i32>} : memref<80x128xf32, #tpu.memory_space<vmem>>, vector<1x16xf32>,
        %get3A_620 = vector.shape_cast %get3A_619 : vector<1x16xf32> to vector<16xf32>
        %get3A_621 = arith.constant 0 : i32
        %get3A_622 = arith.constant 0 : i32
        %get3A_623 = tpu.memref_slice %arg9[%scan3A_402, %get3A_621, %get3A_622] : memref<2x80x128xf32, #tpu.memory_space<vmem>> -> memref<1x80x128xf32, #tpu.memory_space<vmem>>
        %get3A_624 = tpu.memref_squeeze %get3A_623 : memref<1x80x128xf32, #tpu.memory_space<vmem>> -> memref<80x128xf32, #tpu.memory_space<vmem>>
        %get3A_625 = arith.index_cast %add3A_560 : i32 to index
        %get3A_626 = arith.constant 32 : index
        %get3A_627 = tpu.vector_load %get3A_624[%get3A_625, %get3A_626] {strides = array<i32>} : memref<80x128xf32, #tpu.memory_space<vmem>>, vector<1x16xf32>,
        %get3A_628 = vector.shape_cast %get3A_627 : vector<1x16xf32> to vector<16xf32>
        %mul3A_629 = arith.mulf %get3A_620, %get3A_628 : vector<16xf32>
        %swap3A_630 = arith.constant 0 : i32
        %swap3A_631 = arith.constant 0 : i32
        %swap3A_632 = tpu.memref_slice %arg8[%scan3A_401, %swap3A_630, %swap3A_631] : memref<2x80x128xf32, #tpu.memory_space<vmem>> -> memref<1x80x128xf32, #tpu.memory_space<vmem>>
        %swap3A_633 = tpu.memref_squeeze %swap3A_632 : memref<1x80x128xf32, #tpu.memory_space<vmem>> -> memref<80x128xf32, #tpu.memory_space<vmem>>
        %swap3A_634 = arith.index_cast %add3A_560 : i32 to index
        %swap3A_635 = arith.constant 32 : index
        %swap3A_636 = tpu.vector_load %swap3A_633[%swap3A_634, %swap3A_635] {strides = array<i32>} : memref<80x128xf32, #tpu.memory_space<vmem>>, vector<1x16xf32>,
        %swap3A_637 = vector.shape_cast %swap3A_636 : vector<1x16xf32> to vector<16xf32>
        %swap3A_638 = vector.shape_cast %mul3A_629 : vector<16xf32> to vector<1x16xf32>
        tpu.vector_store %swap3A_633[%swap3A_634, %swap3A_635], %swap3A_638 {strides = array<i32>} : memref<80x128xf32, #tpu.memory_space<vmem>>, vector<1x16xf32>,
        %get3A_639 = arith.constant 0 : i32
        %get3A_640 = arith.constant 0 : i32
        %get3A_641 = tpu.memref_slice %arg8[%scan3A_401, %get3A_639, %get3A_640] : memref<2x80x128xf32, #tpu.memory_space<vmem>> -> memref<1x80x128xf32, #tpu.memory_space<vmem>>
        %get3A_642 = tpu.memref_squeeze %get3A_641 : memref<1x80x128xf32, #tpu.memory_space<vmem>> -> memref<80x128xf32, #tpu.memory_space<vmem>>
        %get3A_643 = arith.index_cast %add3A_560 : i32 to index
        %get3A_644 = arith.constant 48 : index
        %get3A_645 = tpu.vector_load %get3A_642[%get3A_643, %get3A_644] {strides = array<i32>} : memref<80x128xf32, #tpu.memory_space<vmem>>, vector<1x16xf32>,
        %get3A_646 = vector.shape_cast %get3A_645 : vector<1x16xf32> to vector<16xf32>
        %get3A_647 = arith.constant 0 : i32
        %get3A_648 = arith.constant 0 : i32
        %get3A_649 = tpu.memref_slice %arg9[%scan3A_402, %get3A_647, %get3A_648] : memref<2x80x128xf32, #tpu.memory_space<vmem>> -> memref<1x80x128xf32, #tpu.memory_space<vmem>>
        %get3A_650 = tpu.memref_squeeze %get3A_649 : memref<1x80x128xf32, #tpu.memory_space<vmem>> -> memref<80x128xf32, #tpu.memory_space<vmem>>
        %get3A_651 = arith.index_cast %add3A_560 : i32 to index
        %get3A_652 = arith.constant 48 : index
        %get3A_653 = tpu.vector_load %get3A_650[%get3A_651, %get3A_652] {strides = array<i32>} : memref<80x128xf32, #tpu.memory_space<vmem>>, vector<1x16xf32>,
        %get3A_654 = vector.shape_cast %get3A_653 : vector<1x16xf32> to vector<16xf32>
        %mul3A_655 = arith.mulf %get3A_646, %get3A_654 : vector<16xf32>
        %swap3A_656 = arith.constant 0 : i32
        %swap3A_657 = arith.constant 0 : i32
        %swap3A_658 = tpu.memref_slice %arg8[%scan3A_401, %swap3A_656, %swap3A_657] : memref<2x80x128xf32, #tpu.memory_space<vmem>> -> memref<1x80x128xf32, #tpu.memory_space<vmem>>
        %swap3A_659 = tpu.memref_squeeze %swap3A_658 : memref<1x80x128xf32, #tpu.memory_space<vmem>> -> memref<80x128xf32, #tpu.memory_space<vmem>>
        %swap3A_660 = arith.index_cast %add3A_560 : i32 to index
        %swap3A_661 = arith.constant 48 : index
        %swap3A_662 = tpu.vector_load %swap3A_659[%swap3A_660, %swap3A_661] {strides = array<i32>} : memref<80x128xf32, #tpu.memory_space<vmem>>, vector<1x16xf32>,
        %swap3A_663 = vector.shape_cast %swap3A_662 : vector<1x16xf32> to vector<16xf32>
        %swap3A_664 = vector.shape_cast %mul3A_655 : vector<16xf32> to vector<1x16xf32>
        tpu.vector_store %swap3A_659[%swap3A_660, %swap3A_661], %swap3A_664 {strides = array<i32>} : memref<80x128xf32, #tpu.memory_space<vmem>>, vector<1x16xf32>,
        %get3A_665 = arith.constant 0 : i32
        %get3A_666 = arith.constant 0 : i32
        %get3A_667 = tpu.memref_slice %arg8[%scan3A_401, %get3A_665, %get3A_666] : memref<2x80x128xf32, #tpu.memory_space<vmem>> -> memref<1x80x128xf32, #tpu.memory_space<vmem>>
        %get3A_668 = tpu.memref_squeeze %get3A_667 : memref<1x80x128xf32, #tpu.memory_space<vmem>> -> memref<80x128xf32, #tpu.memory_space<vmem>>
        %get3A_669 = arith.index_cast %add3A_560 : i32 to index
        %get3A_670 = arith.constant 64 : index
        %get3A_671 = tpu.vector_load %get3A_668[%get3A_669, %get3A_670] {strides = array<i32>} : memref<80x128xf32, #tpu.memory_space<vmem>>, vector<1x16xf32>,
        %get3A_672 = vector.shape_cast %get3A_671 : vector<1x16xf32> to vector<16xf32>
        %get3A_673 = arith.constant 0 : i32
        %get3A_674 = arith.constant 0 : i32
        %get3A_675 = tpu.memref_slice %arg9[%scan3A_402, %get3A_673, %get3A_674] : memref<2x80x128xf32, #tpu.memory_space<vmem>> -> memref<1x80x128xf32, #tpu.memory_space<vmem>>
        %get3A_676 = tpu.memref_squeeze %get3A_675 : memref<1x80x128xf32, #tpu.memory_space<vmem>> -> memref<80x128xf32, #tpu.memory_space<vmem>>
        %get3A_677 = arith.index_cast %add3A_560 : i32 to index
        %get3A_678 = arith.constant 64 : index
        %get3A_679 = tpu.vector_load %get3A_676[%get3A_677, %get3A_678] {strides = array<i32>} : memref<80x128xf32, #tpu.memory_space<vmem>>, vector<1x16xf32>,
        %get3A_680 = vector.shape_cast %get3A_679 : vector<1x16xf32> to vector<16xf32>
        %mul3A_681 = arith.mulf %get3A_672, %get3A_680 : vector<16xf32>
        %swap3A_682 = arith.constant 0 : i32
        %swap3A_683 = arith.constant 0 : i32
        %swap3A_684 = tpu.memref_slice %arg8[%scan3A_401, %swap3A_682, %swap3A_683] : memref<2x80x128xf32, #tpu.memory_space<vmem>> -> memref<1x80x128xf32, #tpu.memory_space<vmem>>
        %swap3A_685 = tpu.memref_squeeze %swap3A_684 : memref<1x80x128xf32, #tpu.memory_space<vmem>> -> memref<80x128xf32, #tpu.memory_space<vmem>>
        %swap3A_686 = arith.index_cast %add3A_560 : i32 to index
        %swap3A_687 = arith.constant 64 : index
        %swap3A_688 = tpu.vector_load %swap3A_685[%swap3A_686, %swap3A_687] {strides = array<i32>} : memref<80x128xf32, #tpu.memory_space<vmem>>, vector<1x16xf32>,
        %swap3A_689 = vector.shape_cast %swap3A_688 : vector<1x16xf32> to vector<16xf32>
        %swap3A_690 = vector.shape_cast %mul3A_681 : vector<16xf32> to vector<1x16xf32>
        tpu.vector_store %swap3A_685[%swap3A_686, %swap3A_687], %swap3A_690 {strides = array<i32>} : memref<80x128xf32, #tpu.memory_space<vmem>>, vector<1x16xf32>,
        %get3A_691 = arith.constant 0 : i32
        %get3A_692 = arith.constant 0 : i32
        %get3A_693 = tpu.memref_slice %arg8[%scan3A_401, %get3A_691, %get3A_692] : memref<2x80x128xf32, #tpu.memory_space<vmem>> -> memref<1x80x128xf32, #tpu.memory_space<vmem>>
        %get3A_694 = tpu.memref_squeeze %get3A_693 : memref<1x80x128xf32, #tpu.memory_space<vmem>> -> memref<80x128xf32, #tpu.memory_space<vmem>>
        %get3A_695 = arith.index_cast %add3A_560 : i32 to index
        %get3A_696 = arith.constant 80 : index
        %get3A_697 = tpu.vector_load %get3A_694[%get3A_695, %get3A_696] {strides = array<i32>} : memref<80x128xf32, #tpu.memory_space<vmem>>, vector<1x16xf32>,
        %get3A_698 = vector.shape_cast %get3A_697 : vector<1x16xf32> to vector<16xf32>
        %get3A_699 = arith.constant 0 : i32
        %get3A_700 = arith.constant 0 : i32
        %get3A_701 = tpu.memref_slice %arg9[%scan3A_402, %get3A_699, %get3A_700] : memref<2x80x128xf32, #tpu.memory_space<vmem>> -> memref<1x80x128xf32, #tpu.memory_space<vmem>>
        %get3A_702 = tpu.memref_squeeze %get3A_701 : memref<1x80x128xf32, #tpu.memory_space<vmem>> -> memref<80x128xf32, #tpu.memory_space<vmem>>
        %get3A_703 = arith.index_cast %add3A_560 : i32 to index
        %get3A_704 = arith.constant 80 : index
        %get3A_705 = tpu.vector_load %get3A_702[%get3A_703, %get3A_704] {strides = array<i32>} : memref<80x128xf32, #tpu.memory_space<vmem>>, vector<1x16xf32>,
        %get3A_706 = vector.shape_cast %get3A_705 : vector<1x16xf32> to vector<16xf32>
        %mul3A_707 = arith.mulf %get3A_698, %get3A_706 : vector<16xf32>
        %swap3A_708 = arith.constant 0 : i32
        %swap3A_709 = arith.constant 0 : i32
        %swap3A_710 = tpu.memref_slice %arg8[%scan3A_401, %swap3A_708, %swap3A_709] : memref<2x80x128xf32, #tpu.memory_space<vmem>> -> memref<1x80x128xf32, #tpu.memory_space<vmem>>
        %swap3A_711 = tpu.memref_squeeze %swap3A_710 : memref<1x80x128xf32, #tpu.memory_space<vmem>> -> memref<80x128xf32, #tpu.memory_space<vmem>>
        %swap3A_712 = arith.index_cast %add3A_560 : i32 to index
        %swap3A_713 = arith.constant 80 : index
        %swap3A_714 = tpu.vector_load %swap3A_711[%swap3A_712, %swap3A_713] {strides = array<i32>} : memref<80x128xf32, #tpu.memory_space<vmem>>, vector<1x16xf32>,
        %swap3A_715 = vector.shape_cast %swap3A_714 : vector<1x16xf32> to vector<16xf32>
        %swap3A_716 = vector.shape_cast %mul3A_707 : vector<16xf32> to vector<1x16xf32>
        tpu.vector_store %swap3A_711[%swap3A_712, %swap3A_713], %swap3A_716 {strides = array<i32>} : memref<80x128xf32, #tpu.memory_space<vmem>>, vector<1x16xf32>,
        %get3A_717 = arith.constant 0 : i32
        %get3A_718 = arith.constant 0 : i32
        %get3A_719 = tpu.memref_slice %arg8[%scan3A_401, %get3A_717, %get3A_718] : memref<2x80x128xf32, #tpu.memory_space<vmem>> -> memref<1x80x128xf32, #tpu.memory_space<vmem>>
        %get3A_720 = tpu.memref_squeeze %get3A_719 : memref<1x80x128xf32, #tpu.memory_space<vmem>> -> memref<80x128xf32, #tpu.memory_space<vmem>>
        %get3A_721 = arith.index_cast %add3A_560 : i32 to index
        %get3A_722 = arith.constant 96 : index
        %get3A_723 = tpu.vector_load %get3A_720[%get3A_721, %get3A_722] {strides = array<i32>} : memref<80x128xf32, #tpu.memory_space<vmem>>, vector<1x16xf32>,
        %get3A_724 = vector.shape_cast %get3A_723 : vector<1x16xf32> to vector<16xf32>
        %get3A_725 = arith.constant 0 : i32
        %get3A_726 = arith.constant 0 : i32
        %get3A_727 = tpu.memref_slice %arg9[%scan3A_402, %get3A_725, %get3A_726] : memref<2x80x128xf32, #tpu.memory_space<vmem>> -> memref<1x80x128xf32, #tpu.memory_space<vmem>>
        %get3A_728 = tpu.memref_squeeze %get3A_727 : memref<1x80x128xf32, #tpu.memory_space<vmem>> -> memref<80x128xf32, #tpu.memory_space<vmem>>
        %get3A_729 = arith.index_cast %add3A_560 : i32 to index
        %get3A_730 = arith.constant 96 : index
        %get3A_731 = tpu.vector_load %get3A_728[%get3A_729, %get3A_730] {strides = array<i32>} : memref<80x128xf32, #tpu.memory_space<vmem>>, vector<1x16xf32>,
        %get3A_732 = vector.shape_cast %get3A_731 : vector<1x16xf32> to vector<16xf32>
        %mul3A_733 = arith.mulf %get3A_724, %get3A_732 : vector<16xf32>
        %swap3A_734 = arith.constant 0 : i32
        %swap3A_735 = arith.constant 0 : i32
        %swap3A_736 = tpu.memref_slice %arg8[%scan3A_401, %swap3A_734, %swap3A_735] : memref<2x80x128xf32, #tpu.memory_space<vmem>> -> memref<1x80x128xf32, #tpu.memory_space<vmem>>
        %swap3A_737 = tpu.memref_squeeze %swap3A_736 : memref<1x80x128xf32, #tpu.memory_space<vmem>> -> memref<80x128xf32, #tpu.memory_space<vmem>>
        %swap3A_738 = arith.index_cast %add3A_560 : i32 to index
        %swap3A_739 = arith.constant 96 : index
        %swap3A_740 = tpu.vector_load %swap3A_737[%swap3A_738, %swap3A_739] {strides = array<i32>} : memref<80x128xf32, #tpu.memory_space<vmem>>, vector<1x16xf32>,
        %swap3A_741 = vector.shape_cast %swap3A_740 : vector<1x16xf32> to vector<16xf32>
        %swap3A_742 = vector.shape_cast %mul3A_733 : vector<16xf32> to vector<1x16xf32>
        tpu.vector_store %swap3A_737[%swap3A_738, %swap3A_739], %swap3A_742 {strides = array<i32>} : memref<80x128xf32, #tpu.memory_space<vmem>>, vector<1x16xf32>,
        %get3A_743 = arith.constant 0 : i32
        %get3A_744 = arith.constant 0 : i32
        %get3A_745 = tpu.memref_slice %arg8[%scan3A_401, %get3A_743, %get3A_744] : memref<2x80x128xf32, #tpu.memory_space<vmem>> -> memref<1x80x128xf32, #tpu.memory_space<vmem>>
        %get3A_746 = tpu.memref_squeeze %get3A_745 : memref<1x80x128xf32, #tpu.memory_space<vmem>> -> memref<80x128xf32, #tpu.memory_space<vmem>>
        %get3A_747 = arith.index_cast %add3A_560 : i32 to index
        %get3A_748 = arith.constant 112 : index
        %get3A_749 = tpu.vector_load %get3A_746[%get3A_747, %get3A_748] {strides = array<i32>} : memref<80x128xf32, #tpu.memory_space<vmem>>, vector<1x16xf32>,
        %get3A_750 = vector.shape_cast %get3A_749 : vector<1x16xf32> to vector<16xf32>
        %get3A_751 = arith.constant 0 : i32
        %get3A_752 = arith.constant 0 : i32
        %get3A_753 = tpu.memref_slice %arg9[%scan3A_402, %get3A_751, %get3A_752] : memref<2x80x128xf32, #tpu.memory_space<vmem>> -> memref<1x80x128xf32, #tpu.memory_space<vmem>>
        %get3A_754 = tpu.memref_squeeze %get3A_753 : memref<1x80x128xf32, #tpu.memory_space<vmem>> -> memref<80x128xf32, #tpu.memory_space<vmem>>
        %get3A_755 = arith.index_cast %add3A_560 : i32 to index
        %get3A_756 = arith.constant 112 : index
        %get3A_757 = tpu.vector_load %get3A_754[%get3A_755, %get3A_756] {strides = array<i32>} : memref<80x128xf32, #tpu.memory_space<vmem>>, vector<1x16xf32>,
        %get3A_758 = vector.shape_cast %get3A_757 : vector<1x16xf32> to vector<16xf32>
        %mul3A_759 = arith.mulf %get3A_750, %get3A_758 : vector<16xf32>
        %swap3A_760 = arith.constant 0 : i32
        %swap3A_761 = arith.constant 0 : i32
        %swap3A_762 = tpu.memref_slice %arg8[%scan3A_401, %swap3A_760, %swap3A_761] : memref<2x80x128xf32, #tpu.memory_space<vmem>> -> memref<1x80x128xf32, #tpu.memory_space<vmem>>
        %swap3A_763 = tpu.memref_squeeze %swap3A_762 : memref<1x80x128xf32, #tpu.memory_space<vmem>> -> memref<80x128xf32, #tpu.memory_space<vmem>>
        %swap3A_764 = arith.index_cast %add3A_560 : i32 to index
        %swap3A_765 = arith.constant 112 : index
        %swap3A_766 = tpu.vector_load %swap3A_763[%swap3A_764, %swap3A_765] {strides = array<i32>} : memref<80x128xf32, #tpu.memory_space<vmem>>, vector<1x16xf32>,
        %swap3A_767 = vector.shape_cast %swap3A_766 : vector<1x16xf32> to vector<16xf32>
        %swap3A_768 = vector.shape_cast %mul3A_759 : vector<16xf32> to vector<1x16xf32>
        tpu.vector_store %swap3A_763[%swap3A_764, %swap3A_765], %swap3A_768 {strides = array<i32>} : memref<80x128xf32, #tpu.memory_space<vmem>>, vector<1x16xf32>,
        %mul3A_769 = arith.constant 4 : i32
        %mul3A_770 = arith.muli %mul3A_769, %scan3A_555 : i32
        %add3A_771 = arith.constant 1 : i32
        %add3A_772 = arith.addi %mul3A_770, %add3A_771 : i32
        %get3A_773 = arith.constant 0 : i32
        %get3A_774 = arith.constant 0 : i32
        %get3A_775 = tpu.memref_slice %arg8[%scan3A_401, %get3A_773, %get3A_774] : memref<2x80x128xf32, #tpu.memory_space<vmem>> -> memref<1x80x128xf32, #tpu.memory_space<vmem>>
        %get3A_776 = tpu.memref_squeeze %get3A_775 : memref<1x80x128xf32, #tpu.memory_space<vmem>> -> memref<80x128xf32, #tpu.memory_space<vmem>>
        %get3A_777 = arith.index_cast %add3A_772 : i32 to index
        %get3A_778 = arith.constant 0 : index
        %get3A_779 = tpu.vector_load %get3A_776[%get3A_777, %get3A_778] {strides = array<i32>} : memref<80x128xf32, #tpu.memory_space<vmem>>, vector<1x16xf32>,
        %get3A_780 = vector.shape_cast %get3A_779 : vector<1x16xf32> to vector<16xf32>
        %get3A_781 = arith.constant 0 : i32
        %get3A_782 = arith.constant 0 : i32
        %get3A_783 = tpu.memref_slice %arg9[%scan3A_402, %get3A_781, %get3A_782] : memref<2x80x128xf32, #tpu.memory_space<vmem>> -> memref<1x80x128xf32, #tpu.memory_space<vmem>>
        %get3A_784 = tpu.memref_squeeze %get3A_783 : memref<1x80x128xf32, #tpu.memory_space<vmem>> -> memref<80x128xf32, #tpu.memory_space<vmem>>
        %get3A_785 = arith.index_cast %add3A_772 : i32 to index
        %get3A_786 = arith.constant 0 : index
        %get3A_787 = tpu.vector_load %get3A_784[%get3A_785, %get3A_786] {strides = array<i32>} : memref<80x128xf32, #tpu.memory_space<vmem>>, vector<1x16xf32>,
        %get3A_788 = vector.shape_cast %get3A_787 : vector<1x16xf32> to vector<16xf32>
        %mul3A_789 = arith.mulf %get3A_780, %get3A_788 : vector<16xf32>
        %swap3A_790 = arith.constant 0 : i32
        %swap3A_791 = arith.constant 0 : i32
        %swap3A_792 = tpu.memref_slice %arg8[%scan3A_401, %swap3A_790, %swap3A_791] : memref<2x80x128xf32, #tpu.memory_space<vmem>> -> memref<1x80x128xf32, #tpu.memory_space<vmem>>
        %swap3A_793 = tpu.memref_squeeze %swap3A_792 : memref<1x80x128xf32, #tpu.memory_space<vmem>> -> memref<80x128xf32, #tpu.memory_space<vmem>>
        %swap3A_794 = arith.index_cast %add3A_772 : i32 to index
        %swap3A_795 = arith.constant 0 : index
        %swap3A_796 = tpu.vector_load %swap3A_793[%swap3A_794, %swap3A_795] {strides = array<i32>} : memref<80x128xf32, #tpu.memory_space<vmem>>, vector<1x16xf32>,
        %swap3A_797 = vector.shape_cast %swap3A_796 : vector<1x16xf32> to vector<16xf32>
        %swap3A_798 = vector.shape_cast %mul3A_789 : vector<16xf32> to vector<1x16xf32>
        tpu.vector_store %swap3A_793[%swap3A_794, %swap3A_795], %swap3A_798 {strides = array<i32>} : memref<80x128xf32, #tpu.memory_space<vmem>>, vector<1x16xf32>,
        %get3A_799 = arith.constant 0 : i32
        %get3A_800 = arith.constant 0 : i32
        %get3A_801 = tpu.memref_slice %arg8[%scan3A_401, %get3A_799, %get3A_800] : memref<2x80x128xf32, #tpu.memory_space<vmem>> -> memref<1x80x128xf32, #tpu.memory_space<vmem>>
        %get3A_802 = tpu.memref_squeeze %get3A_801 : memref<1x80x128xf32, #tpu.memory_space<vmem>> -> memref<80x128xf32, #tpu.memory_space<vmem>>
        %get3A_803 = arith.index_cast %add3A_772 : i32 to index
        %get3A_804 = arith.constant 16 : index
        %get3A_805 = tpu.vector_load %get3A_802[%get3A_803, %get3A_804] {strides = array<i32>} : memref<80x128xf32, #tpu.memory_space<vmem>>, vector<1x16xf32>,
        %get3A_806 = vector.shape_cast %get3A_805 : vector<1x16xf32> to vector<16xf32>
        %get3A_807 = arith.constant 0 : i32
        %get3A_808 = arith.constant 0 : i32
        %get3A_809 = tpu.memref_slice %arg9[%scan3A_402, %get3A_807, %get3A_808] : memref<2x80x128xf32, #tpu.memory_space<vmem>> -> memref<1x80x128xf32, #tpu.memory_space<vmem>>
        %get3A_810 = tpu.memref_squeeze %get3A_809 : memref<1x80x128xf32, #tpu.memory_space<vmem>> -> memref<80x128xf32, #tpu.memory_space<vmem>>
        %get3A_811 = arith.index_cast %add3A_772 : i32 to index
        %get3A_812 = arith.constant 16 : index
        %get3A_813 = tpu.vector_load %get3A_810[%get3A_811, %get3A_812] {strides = array<i32>} : memref<80x128xf32, #tpu.memory_space<vmem>>, vector<1x16xf32>,
        %get3A_814 = vector.shape_cast %get3A_813 : vector<1x16xf32> to vector<16xf32>
        %mul3A_815 = arith.mulf %get3A_806, %get3A_814 : vector<16xf32>
        %swap3A_816 = arith.constant 0 : i32
        %swap3A_817 = arith.constant 0 : i32
        %swap3A_818 = tpu.memref_slice %arg8[%scan3A_401, %swap3A_816, %swap3A_817] : memref<2x80x128xf32, #tpu.memory_space<vmem>> -> memref<1x80x128xf32, #tpu.memory_space<vmem>>
        %swap3A_819 = tpu.memref_squeeze %swap3A_818 : memref<1x80x128xf32, #tpu.memory_space<vmem>> -> memref<80x128xf32, #tpu.memory_space<vmem>>
        %swap3A_820 = arith.index_cast %add3A_772 : i32 to index
        %swap3A_821 = arith.constant 16 : index
        %swap3A_822 = tpu.vector_load %swap3A_819[%swap3A_820, %swap3A_821] {strides = array<i32>} : memref<80x128xf32, #tpu.memory_space<vmem>>, vector<1x16xf32>,
        %swap3A_823 = vector.shape_cast %swap3A_822 : vector<1x16xf32> to vector<16xf32>
        %swap3A_824 = vector.shape_cast %mul3A_815 : vector<16xf32> to vector<1x16xf32>
        tpu.vector_store %swap3A_819[%swap3A_820, %swap3A_821], %swap3A_824 {strides = array<i32>} : memref<80x128xf32, #tpu.memory_space<vmem>>, vector<1x16xf32>,
        %get3A_825 = arith.constant 0 : i32
        %get3A_826 = arith.constant 0 : i32
        %get3A_827 = tpu.memref_slice %arg8[%scan3A_401, %get3A_825, %get3A_826] : memref<2x80x128xf32, #tpu.memory_space<vmem>> -> memref<1x80x128xf32, #tpu.memory_space<vmem>>
        %get3A_828 = tpu.memref_squeeze %get3A_827 : memref<1x80x128xf32, #tpu.memory_space<vmem>> -> memref<80x128xf32, #tpu.memory_space<vmem>>
        %get3A_829 = arith.index_cast %add3A_772 : i32 to index
        %get3A_830 = arith.constant 32 : index
        %get3A_831 = tpu.vector_load %get3A_828[%get3A_829, %get3A_830] {strides = array<i32>} : memref<80x128xf32, #tpu.memory_space<vmem>>, vector<1x16xf32>,
        %get3A_832 = vector.shape_cast %get3A_831 : vector<1x16xf32> to vector<16xf32>
        %get3A_833 = arith.constant 0 : i32
        %get3A_834 = arith.constant 0 : i32
        %get3A_835 = tpu.memref_slice %arg9[%scan3A_402, %get3A_833, %get3A_834] : memref<2x80x128xf32, #tpu.memory_space<vmem>> -> memref<1x80x128xf32, #tpu.memory_space<vmem>>
        %get3A_836 = tpu.memref_squeeze %get3A_835 : memref<1x80x128xf32, #tpu.memory_space<vmem>> -> memref<80x128xf32, #tpu.memory_space<vmem>>
        %get3A_837 = arith.index_cast %add3A_772 : i32 to index
        %get3A_838 = arith.constant 32 : index
        %get3A_839 = tpu.vector_load %get3A_836[%get3A_837, %get3A_838] {strides = array<i32>} : memref<80x128xf32, #tpu.memory_space<vmem>>, vector<1x16xf32>,
        %get3A_840 = vector.shape_cast %get3A_839 : vector<1x16xf32> to vector<16xf32>
        %mul3A_841 = arith.mulf %get3A_832, %get3A_840 : vector<16xf32>
        %swap3A_842 = arith.constant 0 : i32
        %swap3A_843 = arith.constant 0 : i32
        %swap3A_844 = tpu.memref_slice %arg8[%scan3A_401, %swap3A_842, %swap3A_843] : memref<2x80x128xf32, #tpu.memory_space<vmem>> -> memref<1x80x128xf32, #tpu.memory_space<vmem>>
        %swap3A_845 = tpu.memref_squeeze %swap3A_844 : memref<1x80x128xf32, #tpu.memory_space<vmem>> -> memref<80x128xf32, #tpu.memory_space<vmem>>
        %swap3A_846 = arith.index_cast %add3A_772 : i32 to index
        %swap3A_847 = arith.constant 32 : index
        %swap3A_848 = tpu.vector_load %swap3A_845[%swap3A_846, %swap3A_847] {strides = array<i32>} : memref<80x128xf32, #tpu.memory_space<vmem>>, vector<1x16xf32>,
        %swap3A_849 = vector.shape_cast %swap3A_848 : vector<1x16xf32> to vector<16xf32>
        %swap3A_850 = vector.shape_cast %mul3A_841 : vector<16xf32> to vector<1x16xf32>
        tpu.vector_store %swap3A_845[%swap3A_846, %swap3A_847], %swap3A_850 {strides = array<i32>} : memref<80x128xf32, #tpu.memory_space<vmem>>, vector<1x16xf32>,
        %get3A_851 = arith.constant 0 : i32
        %get3A_852 = arith.constant 0 : i32
        %get3A_853 = tpu.memref_slice %arg8[%scan3A_401, %get3A_851, %get3A_852] : memref<2x80x128xf32, #tpu.memory_space<vmem>> -> memref<1x80x128xf32, #tpu.memory_space<vmem>>
        %get3A_854 = tpu.memref_squeeze %get3A_853 : memref<1x80x128xf32, #tpu.memory_space<vmem>> -> memref<80x128xf32, #tpu.memory_space<vmem>>
        %get3A_855 = arith.index_cast %add3A_772 : i32 to index
        %get3A_856 = arith.constant 48 : index
        %get3A_857 = tpu.vector_load %get3A_854[%get3A_855, %get3A_856] {strides = array<i32>} : memref<80x128xf32, #tpu.memory_space<vmem>>, vector<1x16xf32>,
        %get3A_858 = vector.shape_cast %get3A_857 : vector<1x16xf32> to vector<16xf32>
        %get3A_859 = arith.constant 0 : i32
        %get3A_860 = arith.constant 0 : i32
        %get3A_861 = tpu.memref_slice %arg9[%scan3A_402, %get3A_859, %get3A_860] : memref<2x80x128xf32, #tpu.memory_space<vmem>> -> memref<1x80x128xf32, #tpu.memory_space<vmem>>
        %get3A_862 = tpu.memref_squeeze %get3A_861 : memref<1x80x128xf32, #tpu.memory_space<vmem>> -> memref<80x128xf32, #tpu.memory_space<vmem>>
        %get3A_863 = arith.index_cast %add3A_772 : i32 to index
        %get3A_864 = arith.constant 48 : index
        %get3A_865 = tpu.vector_load %get3A_862[%get3A_863, %get3A_864] {strides = array<i32>} : memref<80x128xf32, #tpu.memory_space<vmem>>, vector<1x16xf32>,
        %get3A_866 = vector.shape_cast %get3A_865 : vector<1x16xf32> to vector<16xf32>
        %mul3A_867 = arith.mulf %get3A_858, %get3A_866 : vector<16xf32>
        %swap3A_868 = arith.constant 0 : i32
        %swap3A_869 = arith.constant 0 : i32
        %swap3A_870 = tpu.memref_slice %arg8[%scan3A_401, %swap3A_868, %swap3A_869] : memref<2x80x128xf32, #tpu.memory_space<vmem>> -> memref<1x80x128xf32, #tpu.memory_space<vmem>>
        %swap3A_871 = tpu.memref_squeeze %swap3A_870 : memref<1x80x128xf32, #tpu.memory_space<vmem>> -> memref<80x128xf32, #tpu.memory_space<vmem>>
        %swap3A_872 = arith.index_cast %add3A_772 : i32 to index
        %swap3A_873 = arith.constant 48 : index
        %swap3A_874 = tpu.vector_load %swap3A_871[%swap3A_872, %swap3A_873] {strides = array<i32>} : memref<80x128xf32, #tpu.memory_space<vmem>>, vector<1x16xf32>,
        %swap3A_875 = vector.shape_cast %swap3A_874 : vector<1x16xf32> to vector<16xf32>
        %swap3A_876 = vector.shape_cast %mul3A_867 : vector<16xf32> to vector<1x16xf32>
        tpu.vector_store %swap3A_871[%swap3A_872, %swap3A_873], %swap3A_876 {strides = array<i32>} : memref<80x128xf32, #tpu.memory_space<vmem>>, vector<1x16xf32>,
        %get3A_877 = arith.constant 0 : i32
        %get3A_878 = arith.constant 0 : i32
        %get3A_879 = tpu.memref_slice %arg8[%scan3A_401, %get3A_877, %get3A_878] : memref<2x80x128xf32, #tpu.memory_space<vmem>> -> memref<1x80x128xf32, #tpu.memory_space<vmem>>
        %get3A_880 = tpu.memref_squeeze %get3A_879 : memref<1x80x128xf32, #tpu.memory_space<vmem>> -> memref<80x128xf32, #tpu.memory_space<vmem>>
        %get3A_881 = arith.index_cast %add3A_772 : i32 to index
        %get3A_882 = arith.constant 64 : index
        %get3A_883 = tpu.vector_load %get3A_880[%get3A_881, %get3A_882] {strides = array<i32>} : memref<80x128xf32, #tpu.memory_space<vmem>>, vector<1x16xf32>,
        %get3A_884 = vector.shape_cast %get3A_883 : vector<1x16xf32> to vector<16xf32>
        %get3A_885 = arith.constant 0 : i32
        %get3A_886 = arith.constant 0 : i32
        %get3A_887 = tpu.memref_slice %arg9[%scan3A_402, %get3A_885, %get3A_886] : memref<2x80x128xf32, #tpu.memory_space<vmem>> -> memref<1x80x128xf32, #tpu.memory_space<vmem>>
        %get3A_888 = tpu.memref_squeeze %get3A_887 : memref<1x80x128xf32, #tpu.memory_space<vmem>> -> memref<80x128xf32, #tpu.memory_space<vmem>>
        %get3A_889 = arith.index_cast %add3A_772 : i32 to index
        %get3A_890 = arith.constant 64 : index
        %get3A_891 = tpu.vector_load %get3A_888[%get3A_889, %get3A_890] {strides = array<i32>} : memref<80x128xf32, #tpu.memory_space<vmem>>, vector<1x16xf32>,
        %get3A_892 = vector.shape_cast %get3A_891 : vector<1x16xf32> to vector<16xf32>
        %mul3A_893 = arith.mulf %get3A_884, %get3A_892 : vector<16xf32>
        %swap3A_894 = arith.constant 0 : i32
        %swap3A_895 = arith.constant 0 : i32
        %swap3A_896 = tpu.memref_slice %arg8[%scan3A_401, %swap3A_894, %swap3A_895] : memref<2x80x128xf32, #tpu.memory_space<vmem>> -> memref<1x80x128xf32, #tpu.memory_space<vmem>>
        %swap3A_897 = tpu.memref_squeeze %swap3A_896 : memref<1x80x128xf32, #tpu.memory_space<vmem>> -> memref<80x128xf32, #tpu.memory_space<vmem>>
        %swap3A_898 = arith.index_cast %add3A_772 : i32 to index
        %swap3A_899 = arith.constant 64 : index
        %swap3A_900 = tpu.vector_load %swap3A_897[%swap3A_898, %swap3A_899] {strides = array<i32>} : memref<80x128xf32, #tpu.memory_space<vmem>>, vector<1x16xf32>,
        %swap3A_901 = vector.shape_cast %swap3A_900 : vector<1x16xf32> to vector<16xf32>
        %swap3A_902 = vector.shape_cast %mul3A_893 : vector<16xf32> to vector<1x16xf32>
        tpu.vector_store %swap3A_897[%swap3A_898, %swap3A_899], %swap3A_902 {strides = array<i32>} : memref<80x128xf32, #tpu.memory_space<vmem>>, vector<1x16xf32>,
        %get3A_903 = arith.constant 0 : i32
        %get3A_904 = arith.constant 0 : i32
        %get3A_905 = tpu.memref_slice %arg8[%scan3A_401, %get3A_903, %get3A_904] : memref<2x80x128xf32, #tpu.memory_space<vmem>> -> memref<1x80x128xf32, #tpu.memory_space<vmem>>
        %get3A_906 = tpu.memref_squeeze %get3A_905 : memref<1x80x128xf32, #tpu.memory_space<vmem>> -> memref<80x128xf32, #tpu.memory_space<vmem>>
        %get3A_907 = arith.index_cast %add3A_772 : i32 to index
        %get3A_908 = arith.constant 80 : index
        %get3A_909 = tpu.vector_load %get3A_906[%get3A_907, %get3A_908] {strides = array<i32>} : memref<80x128xf32, #tpu.memory_space<vmem>>, vector<1x16xf32>,
        %get3A_910 = vector.shape_cast %get3A_909 : vector<1x16xf32> to vector<16xf32>
        %get3A_911 = arith.constant 0 : i32
        %get3A_912 = arith.constant 0 : i32
        %get3A_913 = tpu.memref_slice %arg9[%scan3A_402, %get3A_911, %get3A_912] : memref<2x80x128xf32, #tpu.memory_space<vmem>> -> memref<1x80x128xf32, #tpu.memory_space<vmem>>
        %get3A_914 = tpu.memref_squeeze %get3A_913 : memref<1x80x128xf32, #tpu.memory_space<vmem>> -> memref<80x128xf32, #tpu.memory_space<vmem>>
        %get3A_915 = arith.index_cast %add3A_772 : i32 to index
        %get3A_916 = arith.constant 80 : index
        %get3A_917 = tpu.vector_load %get3A_914[%get3A_915, %get3A_916] {strides = array<i32>} : memref<80x128xf32, #tpu.memory_space<vmem>>, vector<1x16xf32>,
        %get3A_918 = vector.shape_cast %get3A_917 : vector<1x16xf32> to vector<16xf32>
        %mul3A_919 = arith.mulf %get3A_910, %get3A_918 : vector<16xf32>
        %swap3A_920 = arith.constant 0 : i32
        %swap3A_921 = arith.constant 0 : i32
        %swap3A_922 = tpu.memref_slice %arg8[%scan3A_401, %swap3A_920, %swap3A_921] : memref<2x80x128xf32, #tpu.memory_space<vmem>> -> memref<1x80x128xf32, #tpu.memory_space<vmem>>
        %swap3A_923 = tpu.memref_squeeze %swap3A_922 : memref<1x80x128xf32, #tpu.memory_space<vmem>> -> memref<80x128xf32, #tpu.memory_space<vmem>>
        %swap3A_924 = arith.index_cast %add3A_772 : i32 to index
        %swap3A_925 = arith.constant 80 : index
        %swap3A_926 = tpu.vector_load %swap3A_923[%swap3A_924, %swap3A_925] {strides = array<i32>} : memref<80x128xf32, #tpu.memory_space<vmem>>, vector<1x16xf32>,
        %swap3A_927 = vector.shape_cast %swap3A_926 : vector<1x16xf32> to vector<16xf32>
        %swap3A_928 = vector.shape_cast %mul3A_919 : vector<16xf32> to vector<1x16xf32>
        tpu.vector_store %swap3A_923[%swap3A_924, %swap3A_925], %swap3A_928 {strides = array<i32>} : memref<80x128xf32, #tpu.memory_space<vmem>>, vector<1x16xf32>,
        %get3A_929 = arith.constant 0 : i32
        %get3A_930 = arith.constant 0 : i32
        %get3A_931 = tpu.memref_slice %arg8[%scan3A_401, %get3A_929, %get3A_930] : memref<2x80x128xf32, #tpu.memory_space<vmem>> -> memref<1x80x128xf32, #tpu.memory_space<vmem>>
        %get3A_932 = tpu.memref_squeeze %get3A_931 : memref<1x80x128xf32, #tpu.memory_space<vmem>> -> memref<80x128xf32, #tpu.memory_space<vmem>>
        %get3A_933 = arith.index_cast %add3A_772 : i32 to index
        %get3A_934 = arith.constant 96 : index
        %get3A_935 = tpu.vector_load %get3A_932[%get3A_933, %get3A_934] {strides = array<i32>} : memref<80x128xf32, #tpu.memory_space<vmem>>, vector<1x16xf32>,
        %get3A_936 = vector.shape_cast %get3A_935 : vector<1x16xf32> to vector<16xf32>
        %get3A_937 = arith.constant 0 : i32
        %get3A_938 = arith.constant 0 : i32
        %get3A_939 = tpu.memref_slice %arg9[%scan3A_402, %get3A_937, %get3A_938] : memref<2x80x128xf32, #tpu.memory_space<vmem>> -> memref<1x80x128xf32, #tpu.memory_space<vmem>>
        %get3A_940 = tpu.memref_squeeze %get3A_939 : memref<1x80x128xf32, #tpu.memory_space<vmem>> -> memref<80x128xf32, #tpu.memory_space<vmem>>
        %get3A_941 = arith.index_cast %add3A_772 : i32 to index
        %get3A_942 = arith.constant 96 : index
        %get3A_943 = tpu.vector_load %get3A_940[%get3A_941, %get3A_942] {strides = array<i32>} : memref<80x128xf32, #tpu.memory_space<vmem>>, vector<1x16xf32>,
        %get3A_944 = vector.shape_cast %get3A_943 : vector<1x16xf32> to vector<16xf32>
        %mul3A_945 = arith.mulf %get3A_936, %get3A_944 : vector<16xf32>
        %swap3A_946 = arith.constant 0 : i32
        %swap3A_947 = arith.constant 0 : i32
        %swap3A_948 = tpu.memref_slice %arg8[%scan3A_401, %swap3A_946, %swap3A_947] : memref<2x80x128xf32, #tpu.memory_space<vmem>> -> memref<1x80x128xf32, #tpu.memory_space<vmem>>
        %swap3A_949 = tpu.memref_squeeze %swap3A_948 : memref<1x80x128xf32, #tpu.memory_space<vmem>> -> memref<80x128xf32, #tpu.memory_space<vmem>>
        %swap3A_950 = arith.index_cast %add3A_772 : i32 to index
        %swap3A_951 = arith.constant 96 : index
        %swap3A_952 = tpu.vector_load %swap3A_949[%swap3A_950, %swap3A_951] {strides = array<i32>} : memref<80x128xf32, #tpu.memory_space<vmem>>, vector<1x16xf32>,
        %swap3A_953 = vector.shape_cast %swap3A_952 : vector<1x16xf32> to vector<16xf32>
        %swap3A_954 = vector.shape_cast %mul3A_945 : vector<16xf32> to vector<1x16xf32>
        tpu.vector_store %swap3A_949[%swap3A_950, %swap3A_951], %swap3A_954 {strides = array<i32>} : memref<80x128xf32, #tpu.memory_space<vmem>>, vector<1x16xf32>,
        %get3A_955 = arith.constant 0 : i32
        %get3A_956 = arith.constant 0 : i32
        %get3A_957 = tpu.memref_slice %arg8[%scan3A_401, %get3A_955, %get3A_956] : memref<2x80x128xf32, #tpu.memory_space<vmem>> -> memref<1x80x128xf32, #tpu.memory_space<vmem>>
        %get3A_958 = tpu.memref_squeeze %get3A_957 : memref<1x80x128xf32, #tpu.memory_space<vmem>> -> memref<80x128xf32, #tpu.memory_space<vmem>>
        %get3A_959 = arith.index_cast %add3A_772 : i32 to index
        %get3A_960 = arith.constant 112 : index
        %get3A_961 = tpu.vector_load %get3A_958[%get3A_959, %get3A_960] {strides = array<i32>} : memref<80x128xf32, #tpu.memory_space<vmem>>, vector<1x16xf32>,
        %get3A_962 = vector.shape_cast %get3A_961 : vector<1x16xf32> to vector<16xf32>
        %get3A_963 = arith.constant 0 : i32
        %get3A_964 = arith.constant 0 : i32
        %get3A_965 = tpu.memref_slice %arg9[%scan3A_402, %get3A_963, %get3A_964] : memref<2x80x128xf32, #tpu.memory_space<vmem>> -> memref<1x80x128xf32, #tpu.memory_space<vmem>>
        %get3A_966 = tpu.memref_squeeze %get3A_965 : memref<1x80x128xf32, #tpu.memory_space<vmem>> -> memref<80x128xf32, #tpu.memory_space<vmem>>
        %get3A_967 = arith.index_cast %add3A_772 : i32 to index
        %get3A_968 = arith.constant 112 : index
        %get3A_969 = tpu.vector_load %get3A_966[%get3A_967, %get3A_968] {strides = array<i32>} : memref<80x128xf32, #tpu.memory_space<vmem>>, vector<1x16xf32>,
        %get3A_970 = vector.shape_cast %get3A_969 : vector<1x16xf32> to vector<16xf32>
        %mul3A_971 = arith.mulf %get3A_962, %get3A_970 : vector<16xf32>
        %swap3A_972 = arith.constant 0 : i32
        %swap3A_973 = arith.constant 0 : i32
        %swap3A_974 = tpu.memref_slice %arg8[%scan3A_401, %swap3A_972, %swap3A_973] : memref<2x80x128xf32, #tpu.memory_space<vmem>> -> memref<1x80x128xf32, #tpu.memory_space<vmem>>
        %swap3A_975 = tpu.memref_squeeze %swap3A_974 : memref<1x80x128xf32, #tpu.memory_space<vmem>> -> memref<80x128xf32, #tpu.memory_space<vmem>>
        %swap3A_976 = arith.index_cast %add3A_772 : i32 to index
        %swap3A_977 = arith.constant 112 : index
        %swap3A_978 = tpu.vector_load %swap3A_975[%swap3A_976, %swap3A_977] {strides = array<i32>} : memref<80x128xf32, #tpu.memory_space<vmem>>, vector<1x16xf32>,
        %swap3A_979 = vector.shape_cast %swap3A_978 : vector<1x16xf32> to vector<16xf32>
        %swap3A_980 = vector.shape_cast %mul3A_971 : vector<16xf32> to vector<1x16xf32>
        tpu.vector_store %swap3A_975[%swap3A_976, %swap3A_977], %swap3A_980 {strides = array<i32>} : memref<80x128xf32, #tpu.memory_space<vmem>>, vector<1x16xf32>,
        %mul3A_981 = arith.constant 4 : i32
        %mul3A_982 = arith.muli %mul3A_981, %scan3A_555 : i32
        %add3A_983 = arith.constant 2 : i32
        %add3A_984 = arith.addi %mul3A_982, %add3A_983 : i32
        %get3A_985 = arith.constant 0 : i32
        %get3A_986 = arith.constant 0 : i32
        %get3A_987 = tpu.memref_slice %arg8[%scan3A_401, %get3A_985, %get3A_986] : memref<2x80x128xf32, #tpu.memory_space<vmem>> -> memref<1x80x128xf32, #tpu.memory_space<vmem>>
        %get3A_988 = tpu.memref_squeeze %get3A_987 : memref<1x80x128xf32, #tpu.memory_space<vmem>> -> memref<80x128xf32, #tpu.memory_space<vmem>>
        %get3A_989 = arith.index_cast %add3A_984 : i32 to index
        %get3A_990 = arith.constant 0 : index
        %get3A_991 = tpu.vector_load %get3A_988[%get3A_989, %get3A_990] {strides = array<i32>} : memref<80x128xf32, #tpu.memory_space<vmem>>, vector<1x16xf32>,
        %get3A_992 = vector.shape_cast %get3A_991 : vector<1x16xf32> to vector<16xf32>
        %get3A_993 = arith.constant 0 : i32
        %get3A_994 = arith.constant 0 : i32
        %get3A_995 = tpu.memref_slice %arg9[%scan3A_402, %get3A_993, %get3A_994] : memref<2x80x128xf32, #tpu.memory_space<vmem>> -> memref<1x80x128xf32, #tpu.memory_space<vmem>>
        %get3A_996 = tpu.memref_squeeze %get3A_995 : memref<1x80x128xf32, #tpu.memory_space<vmem>> -> memref<80x128xf32, #tpu.memory_space<vmem>>
        %get3A_997 = arith.index_cast %add3A_984 : i32 to index
        %get3A_998 = arith.constant 0 : index
        %get3A_999 = tpu.vector_load %get3A_996[%get3A_997, %get3A_998] {strides = array<i32>} : memref<80x128xf32, #tpu.memory_space<vmem>>, vector<1x16xf32>,
        %get3A_1000 = vector.shape_cast %get3A_999 : vector<1x16xf32> to vector<16xf32>
        %mul3A_1001 = arith.mulf %get3A_992, %get3A_1000 : vector<16xf32>
        %swap3A_1002 = arith.constant 0 : i32
        %swap3A_1003 = arith.constant 0 : i32
        %swap3A_1004 = tpu.memref_slice %arg8[%scan3A_401, %swap3A_1002, %swap3A_1003] : memref<2x80x128xf32, #tpu.memory_space<vmem>> -> memref<1x80x128xf32, #tpu.memory_space<vmem>>
        %swap3A_1005 = tpu.memref_squeeze %swap3A_1004 : memref<1x80x128xf32, #tpu.memory_space<vmem>> -> memref<80x128xf32, #tpu.memory_space<vmem>>
        %swap3A_1006 = arith.index_cast %add3A_984 : i32 to index
        %swap3A_1007 = arith.constant 0 : index
        %swap3A_1008 = tpu.vector_load %swap3A_1005[%swap3A_1006, %swap3A_1007] {strides = array<i32>} : memref<80x128xf32, #tpu.memory_space<vmem>>, vector<1x16xf32>,
        %swap3A_1009 = vector.shape_cast %swap3A_1008 : vector<1x16xf32> to vector<16xf32>
        %swap3A_1010 = vector.shape_cast %mul3A_1001 : vector<16xf32> to vector<1x16xf32>
        tpu.vector_store %swap3A_1005[%swap3A_1006, %swap3A_1007], %swap3A_1010 {strides = array<i32>} : memref<80x128xf32, #tpu.memory_space<vmem>>, vector<1x16xf32>,
        %get3A_1011 = arith.constant 0 : i32
        %get3A_1012 = arith.constant 0 : i32
        %get3A_1013 = tpu.memref_slice %arg8[%scan3A_401, %get3A_1011, %get3A_1012] : memref<2x80x128xf32, #tpu.memory_space<vmem>> -> memref<1x80x128xf32, #tpu.memory_space<vmem>>
        %get3A_1014 = tpu.memref_squeeze %get3A_1013 : memref<1x80x128xf32, #tpu.memory_space<vmem>> -> memref<80x128xf32, #tpu.memory_space<vmem>>
        %get3A_1015 = arith.index_cast %add3A_984 : i32 to index
        %get3A_1016 = arith.constant 16 : index
        %get3A_1017 = tpu.vector_load %get3A_1014[%get3A_1015, %get3A_1016] {strides = array<i32>} : memref<80x128xf32, #tpu.memory_space<vmem>>, vector<1x16xf32>,
        %get3A_1018 = vector.shape_cast %get3A_1017 : vector<1x16xf32> to vector<16xf32>
        %get3A_1019 = arith.constant 0 : i32
        %get3A_1020 = arith.constant 0 : i32
        %get3A_1021 = tpu.memref_slice %arg9[%scan3A_402, %get3A_1019, %get3A_1020] : memref<2x80x128xf32, #tpu.memory_space<vmem>> -> memref<1x80x128xf32, #tpu.memory_space<vmem>>
        %get3A_1022 = tpu.memref_squeeze %get3A_1021 : memref<1x80x128xf32, #tpu.memory_space<vmem>> -> memref<80x128xf32, #tpu.memory_space<vmem>>
        %get3A_1023 = arith.index_cast %add3A_984 : i32 to index
        %get3A_1024 = arith.constant 16 : index
        %get3A_1025 = tpu.vector_load %get3A_1022[%get3A_1023, %get3A_1024] {strides = array<i32>} : memref<80x128xf32, #tpu.memory_space<vmem>>, vector<1x16xf32>,
        %get3A_1026 = vector.shape_cast %get3A_1025 : vector<1x16xf32> to vector<16xf32>
        %mul3A_1027 = arith.mulf %get3A_1018, %get3A_1026 : vector<16xf32>
        %swap3A_1028 = arith.constant 0 : i32
        %swap3A_1029 = arith.constant 0 : i32
        %swap3A_1030 = tpu.memref_slice %arg8[%scan3A_401, %swap3A_1028, %swap3A_1029] : memref<2x80x128xf32, #tpu.memory_space<vmem>> -> memref<1x80x128xf32, #tpu.memory_space<vmem>>
        %swap3A_1031 = tpu.memref_squeeze %swap3A_1030 : memref<1x80x128xf32, #tpu.memory_space<vmem>> -> memref<80x128xf32, #tpu.memory_space<vmem>>
        %swap3A_1032 = arith.index_cast %add3A_984 : i32 to index
        %swap3A_1033 = arith.constant 16 : index
        %swap3A_1034 = tpu.vector_load %swap3A_1031[%swap3A_1032, %swap3A_1033] {strides = array<i32>} : memref<80x128xf32, #tpu.memory_space<vmem>>, vector<1x16xf32>,
        %swap3A_1035 = vector.shape_cast %swap3A_1034 : vector<1x16xf32> to vector<16xf32>
        %swap3A_1036 = vector.shape_cast %mul3A_1027 : vector<16xf32> to vector<1x16xf32>
        tpu.vector_store %swap3A_1031[%swap3A_1032, %swap3A_1033], %swap3A_1036 {strides = array<i32>} : memref<80x128xf32, #tpu.memory_space<vmem>>, vector<1x16xf32>,
        %get3A_1037 = arith.constant 0 : i32
        %get3A_1038 = arith.constant 0 : i32
        %get3A_1039 = tpu.memref_slice %arg8[%scan3A_401, %get3A_1037, %get3A_1038] : memref<2x80x128xf32, #tpu.memory_space<vmem>> -> memref<1x80x128xf32, #tpu.memory_space<vmem>>
        %get3A_1040 = tpu.memref_squeeze %get3A_1039 : memref<1x80x128xf32, #tpu.memory_space<vmem>> -> memref<80x128xf32, #tpu.memory_space<vmem>>
        %get3A_1041 = arith.index_cast %add3A_984 : i32 to index
        %get3A_1042 = arith.constant 32 : index
        %get3A_1043 = tpu.vector_load %get3A_1040[%get3A_1041, %get3A_1042] {strides = array<i32>} : memref<80x128xf32, #tpu.memory_space<vmem>>, vector<1x16xf32>,
        %get3A_1044 = vector.shape_cast %get3A_1043 : vector<1x16xf32> to vector<16xf32>
        %get3A_1045 = arith.constant 0 : i32
        %get3A_1046 = arith.constant 0 : i32
        %get3A_1047 = tpu.memref_slice %arg9[%scan3A_402, %get3A_1045, %get3A_1046] : memref<2x80x128xf32, #tpu.memory_space<vmem>> -> memref<1x80x128xf32, #tpu.memory_space<vmem>>
        %get3A_1048 = tpu.memref_squeeze %get3A_1047 : memref<1x80x128xf32, #tpu.memory_space<vmem>> -> memref<80x128xf32, #tpu.memory_space<vmem>>
        %get3A_1049 = arith.index_cast %add3A_984 : i32 to index
        %get3A_1050 = arith.constant 32 : index
        %get3A_1051 = tpu.vector_load %get3A_1048[%get3A_1049, %get3A_1050] {strides = array<i32>} : memref<80x128xf32, #tpu.memory_space<vmem>>, vector<1x16xf32>,
        %get3A_1052 = vector.shape_cast %get3A_1051 : vector<1x16xf32> to vector<16xf32>
        %mul3A_1053 = arith.mulf %get3A_1044, %get3A_1052 : vector<16xf32>
        %swap3A_1054 = arith.constant 0 : i32
        %swap3A_1055 = arith.constant 0 : i32
        %swap3A_1056 = tpu.memref_slice %arg8[%scan3A_401, %swap3A_1054, %swap3A_1055] : memref<2x80x128xf32, #tpu.memory_space<vmem>> -> memref<1x80x128xf32, #tpu.memory_space<vmem>>
        %swap3A_1057 = tpu.memref_squeeze %swap3A_1056 : memref<1x80x128xf32, #tpu.memory_space<vmem>> -> memref<80x128xf32, #tpu.memory_space<vmem>>
        %swap3A_1058 = arith.index_cast %add3A_984 : i32 to index
        %swap3A_1059 = arith.constant 32 : index
        %swap3A_1060 = tpu.vector_load %swap3A_1057[%swap3A_1058, %swap3A_1059] {strides = array<i32>} : memref<80x128xf32, #tpu.memory_space<vmem>>, vector<1x16xf32>,
        %swap3A_1061 = vector.shape_cast %swap3A_1060 : vector<1x16xf32> to vector<16xf32>
        %swap3A_1062 = vector.shape_cast %mul3A_1053 : vector<16xf32> to vector<1x16xf32>
        tpu.vector_store %swap3A_1057[%swap3A_1058, %swap3A_1059], %swap3A_1062 {strides = array<i32>} : memref<80x128xf32, #tpu.memory_space<vmem>>, vector<1x16xf32>,
        %get3A_1063 = arith.constant 0 : i32
        %get3A_1064 = arith.constant 0 : i32
        %get3A_1065 = tpu.memref_slice %arg8[%scan3A_401, %get3A_1063, %get3A_1064] : memref<2x80x128xf32, #tpu.memory_space<vmem>> -> memref<1x80x128xf32, #tpu.memory_space<vmem>>
        %get3A_1066 = tpu.memref_squeeze %get3A_1065 : memref<1x80x128xf32, #tpu.memory_space<vmem>> -> memref<80x128xf32, #tpu.memory_space<vmem>>
        %get3A_1067 = arith.index_cast %add3A_984 : i32 to index
        %get3A_1068 = arith.constant 48 : index
        %get3A_1069 = tpu.vector_load %get3A_1066[%get3A_1067, %get3A_1068] {strides = array<i32>} : memref<80x128xf32, #tpu.memory_space<vmem>>, vector<1x16xf32>,
        %get3A_1070 = vector.shape_cast %get3A_1069 : vector<1x16xf32> to vector<16xf32>
        %get3A_1071 = arith.constant 0 : i32
        %get3A_1072 = arith.constant 0 : i32
        %get3A_1073 = tpu.memref_slice %arg9[%scan3A_402, %get3A_1071, %get3A_1072] : memref<2x80x128xf32, #tpu.memory_space<vmem>> -> memref<1x80x128xf32, #tpu.memory_space<vmem>>
        %get3A_1074 = tpu.memref_squeeze %get3A_1073 : memref<1x80x128xf32, #tpu.memory_space<vmem>> -> memref<80x128xf32, #tpu.memory_space<vmem>>
        %get3A_1075 = arith.index_cast %add3A_984 : i32 to index
        %get3A_1076 = arith.constant 48 : index
        %get3A_1077 = tpu.vector_load %get3A_1074[%get3A_1075, %get3A_1076] {strides = array<i32>} : memref<80x128xf32, #tpu.memory_space<vmem>>, vector<1x16xf32>,
        %get3A_1078 = vector.shape_cast %get3A_1077 : vector<1x16xf32> to vector<16xf32>
        %mul3A_1079 = arith.mulf %get3A_1070, %get3A_1078 : vector<16xf32>
        %swap3A_1080 = arith.constant 0 : i32
        %swap3A_1081 = arith.constant 0 : i32
        %swap3A_1082 = tpu.memref_slice %arg8[%scan3A_401, %swap3A_1080, %swap3A_1081] : memref<2x80x128xf32, #tpu.memory_space<vmem>> -> memref<1x80x128xf32, #tpu.memory_space<vmem>>
        %swap3A_1083 = tpu.memref_squeeze %swap3A_1082 : memref<1x80x128xf32, #tpu.memory_space<vmem>> -> memref<80x128xf32, #tpu.memory_space<vmem>>
        %swap3A_1084 = arith.index_cast %add3A_984 : i32 to index
        %swap3A_1085 = arith.constant 48 : index
        %swap3A_1086 = tpu.vector_load %swap3A_1083[%swap3A_1084, %swap3A_1085] {strides = array<i32>} : memref<80x128xf32, #tpu.memory_space<vmem>>, vector<1x16xf32>,
        %swap3A_1087 = vector.shape_cast %swap3A_1086 : vector<1x16xf32> to vector<16xf32>
        %swap3A_1088 = vector.shape_cast %mul3A_1079 : vector<16xf32> to vector<1x16xf32>
        tpu.vector_store %swap3A_1083[%swap3A_1084, %swap3A_1085], %swap3A_1088 {strides = array<i32>} : memref<80x128xf32, #tpu.memory_space<vmem>>, vector<1x16xf32>,
        %get3A_1089 = arith.constant 0 : i32
        %get3A_1090 = arith.constant 0 : i32
        %get3A_1091 = tpu.memref_slice %arg8[%scan3A_401, %get3A_1089, %get3A_1090] : memref<2x80x128xf32, #tpu.memory_space<vmem>> -> memref<1x80x128xf32, #tpu.memory_space<vmem>>
        %get3A_1092 = tpu.memref_squeeze %get3A_1091 : memref<1x80x128xf32, #tpu.memory_space<vmem>> -> memref<80x128xf32, #tpu.memory_space<vmem>>
        %get3A_1093 = arith.index_cast %add3A_984 : i32 to index
        %get3A_1094 = arith.constant 64 : index
        %get3A_1095 = tpu.vector_load %get3A_1092[%get3A_1093, %get3A_1094] {strides = array<i32>} : memref<80x128xf32, #tpu.memory_space<vmem>>, vector<1x16xf32>,
        %get3A_1096 = vector.shape_cast %get3A_1095 : vector<1x16xf32> to vector<16xf32>
        %get3A_1097 = arith.constant 0 : i32
        %get3A_1098 = arith.constant 0 : i32
        %get3A_1099 = tpu.memref_slice %arg9[%scan3A_402, %get3A_1097, %get3A_1098] : memref<2x80x128xf32, #tpu.memory_space<vmem>> -> memref<1x80x128xf32, #tpu.memory_space<vmem>>
        %get3A_1100 = tpu.memref_squeeze %get3A_1099 : memref<1x80x128xf32, #tpu.memory_space<vmem>> -> memref<80x128xf32, #tpu.memory_space<vmem>>
        %get3A_1101 = arith.index_cast %add3A_984 : i32 to index
        %get3A_1102 = arith.constant 64 : index
        %get3A_1103 = tpu.vector_load %get3A_1100[%get3A_1101, %get3A_1102] {strides = array<i32>} : memref<80x128xf32, #tpu.memory_space<vmem>>, vector<1x16xf32>,
        %get3A_1104 = vector.shape_cast %get3A_1103 : vector<1x16xf32> to vector<16xf32>
        %mul3A_1105 = arith.mulf %get3A_1096, %get3A_1104 : vector<16xf32>
        %swap3A_1106 = arith.constant 0 : i32
        %swap3A_1107 = arith.constant 0 : i32
        %swap3A_1108 = tpu.memref_slice %arg8[%scan3A_401, %swap3A_1106, %swap3A_1107] : memref<2x80x128xf32, #tpu.memory_space<vmem>> -> memref<1x80x128xf32, #tpu.memory_space<vmem>>
        %swap3A_1109 = tpu.memref_squeeze %swap3A_1108 : memref<1x80x128xf32, #tpu.memory_space<vmem>> -> memref<80x128xf32, #tpu.memory_space<vmem>>
        %swap3A_1110 = arith.index_cast %add3A_984 : i32 to index
        %swap3A_1111 = arith.constant 64 : index
        %swap3A_1112 = tpu.vector_load %swap3A_1109[%swap3A_1110, %swap3A_1111] {strides = array<i32>} : memref<80x128xf32, #tpu.memory_space<vmem>>, vector<1x16xf32>,
        %swap3A_1113 = vector.shape_cast %swap3A_1112 : vector<1x16xf32> to vector<16xf32>
        %swap3A_1114 = vector.shape_cast %mul3A_1105 : vector<16xf32> to vector<1x16xf32>
        tpu.vector_store %swap3A_1109[%swap3A_1110, %swap3A_1111], %swap3A_1114 {strides = array<i32>} : memref<80x128xf32, #tpu.memory_space<vmem>>, vector<1x16xf32>,
        %get3A_1115 = arith.constant 0 : i32
        %get3A_1116 = arith.constant 0 : i32
        %get3A_1117 = tpu.memref_slice %arg8[%scan3A_401, %get3A_1115, %get3A_1116] : memref<2x80x128xf32, #tpu.memory_space<vmem>> -> memref<1x80x128xf32, #tpu.memory_space<vmem>>
        %get3A_1118 = tpu.memref_squeeze %get3A_1117 : memref<1x80x128xf32, #tpu.memory_space<vmem>> -> memref<80x128xf32, #tpu.memory_space<vmem>>
        %get3A_1119 = arith.index_cast %add3A_984 : i32 to index
        %get3A_1120 = arith.constant 80 : index
        %get3A_1121 = tpu.vector_load %get3A_1118[%get3A_1119, %get3A_1120] {strides = array<i32>} : memref<80x128xf32, #tpu.memory_space<vmem>>, vector<1x16xf32>,
        %get3A_1122 = vector.shape_cast %get3A_1121 : vector<1x16xf32> to vector<16xf32>
        %get3A_1123 = arith.constant 0 : i32
        %get3A_1124 = arith.constant 0 : i32
        %get3A_1125 = tpu.memref_slice %arg9[%scan3A_402, %get3A_1123, %get3A_1124] : memref<2x80x128xf32, #tpu.memory_space<vmem>> -> memref<1x80x128xf32, #tpu.memory_space<vmem>>
        %get3A_1126 = tpu.memref_squeeze %get3A_1125 : memref<1x80x128xf32, #tpu.memory_space<vmem>> -> memref<80x128xf32, #tpu.memory_space<vmem>>
        %get3A_1127 = arith.index_cast %add3A_984 : i32 to index
        %get3A_1128 = arith.constant 80 : index
        %get3A_1129 = tpu.vector_load %get3A_1126[%get3A_1127, %get3A_1128] {strides = array<i32>} : memref<80x128xf32, #tpu.memory_space<vmem>>, vector<1x16xf32>,
        %get3A_1130 = vector.shape_cast %get3A_1129 : vector<1x16xf32> to vector<16xf32>
        %mul3A_1131 = arith.mulf %get3A_1122, %get3A_1130 : vector<16xf32>
        %swap3A_1132 = arith.constant 0 : i32
        %swap3A_1133 = arith.constant 0 : i32
        %swap3A_1134 = tpu.memref_slice %arg8[%scan3A_401, %swap3A_1132, %swap3A_1133] : memref<2x80x128xf32, #tpu.memory_space<vmem>> -> memref<1x80x128xf32, #tpu.memory_space<vmem>>
        %swap3A_1135 = tpu.memref_squeeze %swap3A_1134 : memref<1x80x128xf32, #tpu.memory_space<vmem>> -> memref<80x128xf32, #tpu.memory_space<vmem>>
        %swap3A_1136 = arith.index_cast %add3A_984 : i32 to index
        %swap3A_1137 = arith.constant 80 : index
        %swap3A_1138 = tpu.vector_load %swap3A_1135[%swap3A_1136, %swap3A_1137] {strides = array<i32>} : memref<80x128xf32, #tpu.memory_space<vmem>>, vector<1x16xf32>,
        %swap3A_1139 = vector.shape_cast %swap3A_1138 : vector<1x16xf32> to vector<16xf32>
        %swap3A_1140 = vector.shape_cast %mul3A_1131 : vector<16xf32> to vector<1x16xf32>
        tpu.vector_store %swap3A_1135[%swap3A_1136, %swap3A_1137], %swap3A_1140 {strides = array<i32>} : memref<80x128xf32, #tpu.memory_space<vmem>>, vector<1x16xf32>,
        %get3A_1141 = arith.constant 0 : i32
        %get3A_1142 = arith.constant 0 : i32
        %get3A_1143 = tpu.memref_slice %arg8[%scan3A_401, %get3A_1141, %get3A_1142] : memref<2x80x128xf32, #tpu.memory_space<vmem>> -> memref<1x80x128xf32, #tpu.memory_space<vmem>>
        %get3A_1144 = tpu.memref_squeeze %get3A_1143 : memref<1x80x128xf32, #tpu.memory_space<vmem>> -> memref<80x128xf32, #tpu.memory_space<vmem>>
        %get3A_1145 = arith.index_cast %add3A_984 : i32 to index
        %get3A_1146 = arith.constant 96 : index
        %get3A_1147 = tpu.vector_load %get3A_1144[%get3A_1145, %get3A_1146] {strides = array<i32>} : memref<80x128xf32, #tpu.memory_space<vmem>>, vector<1x16xf32>,
        %get3A_1148 = vector.shape_cast %get3A_1147 : vector<1x16xf32> to vector<16xf32>
        %get3A_1149 = arith.constant 0 : i32
        %get3A_1150 = arith.constant 0 : i32
        %get3A_1151 = tpu.memref_slice %arg9[%scan3A_402, %get3A_1149, %get3A_1150] : memref<2x80x128xf32, #tpu.memory_space<vmem>> -> memref<1x80x128xf32, #tpu.memory_space<vmem>>
        %get3A_1152 = tpu.memref_squeeze %get3A_1151 : memref<1x80x128xf32, #tpu.memory_space<vmem>> -> memref<80x128xf32, #tpu.memory_space<vmem>>
        %get3A_1153 = arith.index_cast %add3A_984 : i32 to index
        %get3A_1154 = arith.constant 96 : index
        %get3A_1155 = tpu.vector_load %get3A_1152[%get3A_1153, %get3A_1154] {strides = array<i32>} : memref<80x128xf32, #tpu.memory_space<vmem>>, vector<1x16xf32>,
        %get3A_1156 = vector.shape_cast %get3A_1155 : vector<1x16xf32> to vector<16xf32>
        %mul3A_1157 = arith.mulf %get3A_1148, %get3A_1156 : vector<16xf32>
        %swap3A_1158 = arith.constant 0 : i32
        %swap3A_1159 = arith.constant 0 : i32
        %swap3A_1160 = tpu.memref_slice %arg8[%scan3A_401, %swap3A_1158, %swap3A_1159] : memref<2x80x128xf32, #tpu.memory_space<vmem>> -> memref<1x80x128xf32, #tpu.memory_space<vmem>>
        %swap3A_1161 = tpu.memref_squeeze %swap3A_1160 : memref<1x80x128xf32, #tpu.memory_space<vmem>> -> memref<80x128xf32, #tpu.memory_space<vmem>>
        %swap3A_1162 = arith.index_cast %add3A_984 : i32 to index
        %swap3A_1163 = arith.constant 96 : index
        %swap3A_1164 = tpu.vector_load %swap3A_1161[%swap3A_1162, %swap3A_1163] {strides = array<i32>} : memref<80x128xf32, #tpu.memory_space<vmem>>, vector<1x16xf32>,
        %swap3A_1165 = vector.shape_cast %swap3A_1164 : vector<1x16xf32> to vector<16xf32>
        %swap3A_1166 = vector.shape_cast %mul3A_1157 : vector<16xf32> to vector<1x16xf32>
        tpu.vector_store %swap3A_1161[%swap3A_1162, %swap3A_1163], %swap3A_1166 {strides = array<i32>} : memref<80x128xf32, #tpu.memory_space<vmem>>, vector<1x16xf32>,
        %get3A_1167 = arith.constant 0 : i32
        %get3A_1168 = arith.constant 0 : i32
        %get3A_1169 = tpu.memref_slice %arg8[%scan3A_401, %get3A_1167, %get3A_1168] : memref<2x80x128xf32, #tpu.memory_space<vmem>> -> memref<1x80x128xf32, #tpu.memory_space<vmem>>
        %get3A_1170 = tpu.memref_squeeze %get3A_1169 : memref<1x80x128xf32, #tpu.memory_space<vmem>> -> memref<80x128xf32, #tpu.memory_space<vmem>>
        %get3A_1171 = arith.index_cast %add3A_984 : i32 to index
        %get3A_1172 = arith.constant 112 : index
        %get3A_1173 = tpu.vector_load %get3A_1170[%get3A_1171, %get3A_1172] {strides = array<i32>} : memref<80x128xf32, #tpu.memory_space<vmem>>, vector<1x16xf32>,
        %get3A_1174 = vector.shape_cast %get3A_1173 : vector<1x16xf32> to vector<16xf32>
        %get3A_1175 = arith.constant 0 : i32
        %get3A_1176 = arith.constant 0 : i32
        %get3A_1177 = tpu.memref_slice %arg9[%scan3A_402, %get3A_1175, %get3A_1176] : memref<2x80x128xf32, #tpu.memory_space<vmem>> -> memref<1x80x128xf32, #tpu.memory_space<vmem>>
        %get3A_1178 = tpu.memref_squeeze %get3A_1177 : memref<1x80x128xf32, #tpu.memory_space<vmem>> -> memref<80x128xf32, #tpu.memory_space<vmem>>
        %get3A_1179 = arith.index_cast %add3A_984 : i32 to index
        %get3A_1180 = arith.constant 112 : index
        %get3A_1181 = tpu.vector_load %get3A_1178[%get3A_1179, %get3A_1180] {strides = array<i32>} : memref<80x128xf32, #tpu.memory_space<vmem>>, vector<1x16xf32>,
        %get3A_1182 = vector.shape_cast %get3A_1181 : vector<1x16xf32> to vector<16xf32>
        %mul3A_1183 = arith.mulf %get3A_1174, %get3A_1182 : vector<16xf32>
        %swap3A_1184 = arith.constant 0 : i32
        %swap3A_1185 = arith.constant 0 : i32
        %swap3A_1186 = tpu.memref_slice %arg8[%scan3A_401, %swap3A_1184, %swap3A_1185] : memref<2x80x128xf32, #tpu.memory_space<vmem>> -> memref<1x80x128xf32, #tpu.memory_space<vmem>>
        %swap3A_1187 = tpu.memref_squeeze %swap3A_1186 : memref<1x80x128xf32, #tpu.memory_space<vmem>> -> memref<80x128xf32, #tpu.memory_space<vmem>>
        %swap3A_1188 = arith.index_cast %add3A_984 : i32 to index
        %swap3A_1189 = arith.constant 112 : index
        %swap3A_1190 = tpu.vector_load %swap3A_1187[%swap3A_1188, %swap3A_1189] {strides = array<i32>} : memref<80x128xf32, #tpu.memory_space<vmem>>, vector<1x16xf32>,
        %swap3A_1191 = vector.shape_cast %swap3A_1190 : vector<1x16xf32> to vector<16xf32>
        %swap3A_1192 = vector.shape_cast %mul3A_1183 : vector<16xf32> to vector<1x16xf32>
        tpu.vector_store %swap3A_1187[%swap3A_1188, %swap3A_1189], %swap3A_1192 {strides = array<i32>} : memref<80x128xf32, #tpu.memory_space<vmem>>, vector<1x16xf32>,
        %mul3A_1193 = arith.constant 4 : i32
        %mul3A_1194 = arith.muli %mul3A_1193, %scan3A_555 : i32
        %add3A_1195 = arith.constant 3 : i32
        %add3A_1196 = arith.addi %mul3A_1194, %add3A_1195 : i32
        %get3A_1197 = arith.constant 0 : i32
        %get3A_1198 = arith.constant 0 : i32
        %get3A_1199 = tpu.memref_slice %arg8[%scan3A_401, %get3A_1197, %get3A_1198] : memref<2x80x128xf32, #tpu.memory_space<vmem>> -> memref<1x80x128xf32, #tpu.memory_space<vmem>>
        %get3A_1200 = tpu.memref_squeeze %get3A_1199 : memref<1x80x128xf32, #tpu.memory_space<vmem>> -> memref<80x128xf32, #tpu.memory_space<vmem>>
        %get3A_1201 = arith.index_cast %add3A_1196 : i32 to index
        %get3A_1202 = arith.constant 0 : index
        %get3A_1203 = tpu.vector_load %get3A_1200[%get3A_1201, %get3A_1202] {strides = array<i32>} : memref<80x128xf32, #tpu.memory_space<vmem>>, vector<1x16xf32>,
        %get3A_1204 = vector.shape_cast %get3A_1203 : vector<1x16xf32> to vector<16xf32>
        %get3A_1205 = arith.constant 0 : i32
        %get3A_1206 = arith.constant 0 : i32
        %get3A_1207 = tpu.memref_slice %arg9[%scan3A_402, %get3A_1205, %get3A_1206] : memref<2x80x128xf32, #tpu.memory_space<vmem>> -> memref<1x80x128xf32, #tpu.memory_space<vmem>>
        %get3A_1208 = tpu.memref_squeeze %get3A_1207 : memref<1x80x128xf32, #tpu.memory_space<vmem>> -> memref<80x128xf32, #tpu.memory_space<vmem>>
        %get3A_1209 = arith.index_cast %add3A_1196 : i32 to index
        %get3A_1210 = arith.constant 0 : index
        %get3A_1211 = tpu.vector_load %get3A_1208[%get3A_1209, %get3A_1210] {strides = array<i32>} : memref<80x128xf32, #tpu.memory_space<vmem>>, vector<1x16xf32>,
        %get3A_1212 = vector.shape_cast %get3A_1211 : vector<1x16xf32> to vector<16xf32>
        %mul3A_1213 = arith.mulf %get3A_1204, %get3A_1212 : vector<16xf32>
        %swap3A_1214 = arith.constant 0 : i32
        %swap3A_1215 = arith.constant 0 : i32
        %swap3A_1216 = tpu.memref_slice %arg8[%scan3A_401, %swap3A_1214, %swap3A_1215] : memref<2x80x128xf32, #tpu.memory_space<vmem>> -> memref<1x80x128xf32, #tpu.memory_space<vmem>>
        %swap3A_1217 = tpu.memref_squeeze %swap3A_1216 : memref<1x80x128xf32, #tpu.memory_space<vmem>> -> memref<80x128xf32, #tpu.memory_space<vmem>>
        %swap3A_1218 = arith.index_cast %add3A_1196 : i32 to index
        %swap3A_1219 = arith.constant 0 : index
        %swap3A_1220 = tpu.vector_load %swap3A_1217[%swap3A_1218, %swap3A_1219] {strides = array<i32>} : memref<80x128xf32, #tpu.memory_space<vmem>>, vector<1x16xf32>,
        %swap3A_1221 = vector.shape_cast %swap3A_1220 : vector<1x16xf32> to vector<16xf32>
        %swap3A_1222 = vector.shape_cast %mul3A_1213 : vector<16xf32> to vector<1x16xf32>
        tpu.vector_store %swap3A_1217[%swap3A_1218, %swap3A_1219], %swap3A_1222 {strides = array<i32>} : memref<80x128xf32, #tpu.memory_space<vmem>>, vector<1x16xf32>,
        %get3A_1223 = arith.constant 0 : i32
        %get3A_1224 = arith.constant 0 : i32
        %get3A_1225 = tpu.memref_slice %arg8[%scan3A_401, %get3A_1223, %get3A_1224] : memref<2x80x128xf32, #tpu.memory_space<vmem>> -> memref<1x80x128xf32, #tpu.memory_space<vmem>>
        %get3A_1226 = tpu.memref_squeeze %get3A_1225 : memref<1x80x128xf32, #tpu.memory_space<vmem>> -> memref<80x128xf32, #tpu.memory_space<vmem>>
        %get3A_1227 = arith.index_cast %add3A_1196 : i32 to index
        %get3A_1228 = arith.constant 16 : index
        %get3A_1229 = tpu.vector_load %get3A_1226[%get3A_1227, %get3A_1228] {strides = array<i32>} : memref<80x128xf32, #tpu.memory_space<vmem>>, vector<1x16xf32>,
        %get3A_1230 = vector.shape_cast %get3A_1229 : vector<1x16xf32> to vector<16xf32>
        %get3A_1231 = arith.constant 0 : i32
        %get3A_1232 = arith.constant 0 : i32
        %get3A_1233 = tpu.memref_slice %arg9[%scan3A_402, %get3A_1231, %get3A_1232] : memref<2x80x128xf32, #tpu.memory_space<vmem>> -> memref<1x80x128xf32, #tpu.memory_space<vmem>>
        %get3A_1234 = tpu.memref_squeeze %get3A_1233 : memref<1x80x128xf32, #tpu.memory_space<vmem>> -> memref<80x128xf32, #tpu.memory_space<vmem>>
        %get3A_1235 = arith.index_cast %add3A_1196 : i32 to index
        %get3A_1236 = arith.constant 16 : index
        %get3A_1237 = tpu.vector_load %get3A_1234[%get3A_1235, %get3A_1236] {strides = array<i32>} : memref<80x128xf32, #tpu.memory_space<vmem>>, vector<1x16xf32>,
        %get3A_1238 = vector.shape_cast %get3A_1237 : vector<1x16xf32> to vector<16xf32>
        %mul3A_1239 = arith.mulf %get3A_1230, %get3A_1238 : vector<16xf32>
        %swap3A_1240 = arith.constant 0 : i32
        %swap3A_1241 = arith.constant 0 : i32
        %swap3A_1242 = tpu.memref_slice %arg8[%scan3A_401, %swap3A_1240, %swap3A_1241] : memref<2x80x128xf32, #tpu.memory_space<vmem>> -> memref<1x80x128xf32, #tpu.memory_space<vmem>>
        %swap3A_1243 = tpu.memref_squeeze %swap3A_1242 : memref<1x80x128xf32, #tpu.memory_space<vmem>> -> memref<80x128xf32, #tpu.memory_space<vmem>>
        %swap3A_1244 = arith.index_cast %add3A_1196 : i32 to index
        %swap3A_1245 = arith.constant 16 : index
        %swap3A_1246 = tpu.vector_load %swap3A_1243[%swap3A_1244, %swap3A_1245] {strides = array<i32>} : memref<80x128xf32, #tpu.memory_space<vmem>>, vector<1x16xf32>,
        %swap3A_1247 = vector.shape_cast %swap3A_1246 : vector<1x16xf32> to vector<16xf32>
        %swap3A_1248 = vector.shape_cast %mul3A_1239 : vector<16xf32> to vector<1x16xf32>
        tpu.vector_store %swap3A_1243[%swap3A_1244, %swap3A_1245], %swap3A_1248 {strides = array<i32>} : memref<80x128xf32, #tpu.memory_space<vmem>>, vector<1x16xf32>,
        %get3A_1249 = arith.constant 0 : i32
        %get3A_1250 = arith.constant 0 : i32
        %get3A_1251 = tpu.memref_slice %arg8[%scan3A_401, %get3A_1249, %get3A_1250] : memref<2x80x128xf32, #tpu.memory_space<vmem>> -> memref<1x80x128xf32, #tpu.memory_space<vmem>>
        %get3A_1252 = tpu.memref_squeeze %get3A_1251 : memref<1x80x128xf32, #tpu.memory_space<vmem>> -> memref<80x128xf32, #tpu.memory_space<vmem>>
        %get3A_1253 = arith.index_cast %add3A_1196 : i32 to index
        %get3A_1254 = arith.constant 32 : index
        %get3A_1255 = tpu.vector_load %get3A_1252[%get3A_1253, %get3A_1254] {strides = array<i32>} : memref<80x128xf32, #tpu.memory_space<vmem>>, vector<1x16xf32>,
        %get3A_1256 = vector.shape_cast %get3A_1255 : vector<1x16xf32> to vector<16xf32>
        %get3A_1257 = arith.constant 0 : i32
        %get3A_1258 = arith.constant 0 : i32
        %get3A_1259 = tpu.memref_slice %arg9[%scan3A_402, %get3A_1257, %get3A_1258] : memref<2x80x128xf32, #tpu.memory_space<vmem>> -> memref<1x80x128xf32, #tpu.memory_space<vmem>>
        %get3A_1260 = tpu.memref_squeeze %get3A_1259 : memref<1x80x128xf32, #tpu.memory_space<vmem>> -> memref<80x128xf32, #tpu.memory_space<vmem>>
        %get3A_1261 = arith.index_cast %add3A_1196 : i32 to index
        %get3A_1262 = arith.constant 32 : index
        %get3A_1263 = tpu.vector_load %get3A_1260[%get3A_1261, %get3A_1262] {strides = array<i32>} : memref<80x128xf32, #tpu.memory_space<vmem>>, vector<1x16xf32>,
        %get3A_1264 = vector.shape_cast %get3A_1263 : vector<1x16xf32> to vector<16xf32>
        %mul3A_1265 = arith.mulf %get3A_1256, %get3A_1264 : vector<16xf32>
        %swap3A_1266 = arith.constant 0 : i32
        %swap3A_1267 = arith.constant 0 : i32
        %swap3A_1268 = tpu.memref_slice %arg8[%scan3A_401, %swap3A_1266, %swap3A_1267] : memref<2x80x128xf32, #tpu.memory_space<vmem>> -> memref<1x80x128xf32, #tpu.memory_space<vmem>>
        %swap3A_1269 = tpu.memref_squeeze %swap3A_1268 : memref<1x80x128xf32, #tpu.memory_space<vmem>> -> memref<80x128xf32, #tpu.memory_space<vmem>>
        %swap3A_1270 = arith.index_cast %add3A_1196 : i32 to index
        %swap3A_1271 = arith.constant 32 : index
        %swap3A_1272 = tpu.vector_load %swap3A_1269[%swap3A_1270, %swap3A_1271] {strides = array<i32>} : memref<80x128xf32, #tpu.memory_space<vmem>>, vector<1x16xf32>,
        %swap3A_1273 = vector.shape_cast %swap3A_1272 : vector<1x16xf32> to vector<16xf32>
        %swap3A_1274 = vector.shape_cast %mul3A_1265 : vector<16xf32> to vector<1x16xf32>
        tpu.vector_store %swap3A_1269[%swap3A_1270, %swap3A_1271], %swap3A_1274 {strides = array<i32>} : memref<80x128xf32, #tpu.memory_space<vmem>>, vector<1x16xf32>,
        %get3A_1275 = arith.constant 0 : i32
        %get3A_1276 = arith.constant 0 : i32
        %get3A_1277 = tpu.memref_slice %arg8[%scan3A_401, %get3A_1275, %get3A_1276] : memref<2x80x128xf32, #tpu.memory_space<vmem>> -> memref<1x80x128xf32, #tpu.memory_space<vmem>>
        %get3A_1278 = tpu.memref_squeeze %get3A_1277 : memref<1x80x128xf32, #tpu.memory_space<vmem>> -> memref<80x128xf32, #tpu.memory_space<vmem>>
        %get3A_1279 = arith.index_cast %add3A_1196 : i32 to index
        %get3A_1280 = arith.constant 48 : index
        %get3A_1281 = tpu.vector_load %get3A_1278[%get3A_1279, %get3A_1280] {strides = array<i32>} : memref<80x128xf32, #tpu.memory_space<vmem>>, vector<1x16xf32>,
        %get3A_1282 = vector.shape_cast %get3A_1281 : vector<1x16xf32> to vector<16xf32>
        %get3A_1283 = arith.constant 0 : i32
        %get3A_1284 = arith.constant 0 : i32
        %get3A_1285 = tpu.memref_slice %arg9[%scan3A_402, %get3A_1283, %get3A_1284] : memref<2x80x128xf32, #tpu.memory_space<vmem>> -> memref<1x80x128xf32, #tpu.memory_space<vmem>>
        %get3A_1286 = tpu.memref_squeeze %get3A_1285 : memref<1x80x128xf32, #tpu.memory_space<vmem>> -> memref<80x128xf32, #tpu.memory_space<vmem>>
        %get3A_1287 = arith.index_cast %add3A_1196 : i32 to index
        %get3A_1288 = arith.constant 48 : index
        %get3A_1289 = tpu.vector_load %get3A_1286[%get3A_1287, %get3A_1288] {strides = array<i32>} : memref<80x128xf32, #tpu.memory_space<vmem>>, vector<1x16xf32>,
        %get3A_1290 = vector.shape_cast %get3A_1289 : vector<1x16xf32> to vector<16xf32>
        %mul3A_1291 = arith.mulf %get3A_1282, %get3A_1290 : vector<16xf32>
        %swap3A_1292 = arith.constant 0 : i32
        %swap3A_1293 = arith.constant 0 : i32
        %swap3A_1294 = tpu.memref_slice %arg8[%scan3A_401, %swap3A_1292, %swap3A_1293] : memref<2x80x128xf32, #tpu.memory_space<vmem>> -> memref<1x80x128xf32, #tpu.memory_space<vmem>>
        %swap3A_1295 = tpu.memref_squeeze %swap3A_1294 : memref<1x80x128xf32, #tpu.memory_space<vmem>> -> memref<80x128xf32, #tpu.memory_space<vmem>>
        %swap3A_1296 = arith.index_cast %add3A_1196 : i32 to index
        %swap3A_1297 = arith.constant 48 : index
        %swap3A_1298 = tpu.vector_load %swap3A_1295[%swap3A_1296, %swap3A_1297] {strides = array<i32>} : memref<80x128xf32, #tpu.memory_space<vmem>>, vector<1x16xf32>,
        %swap3A_1299 = vector.shape_cast %swap3A_1298 : vector<1x16xf32> to vector<16xf32>
        %swap3A_1300 = vector.shape_cast %mul3A_1291 : vector<16xf32> to vector<1x16xf32>
        tpu.vector_store %swap3A_1295[%swap3A_1296, %swap3A_1297], %swap3A_1300 {strides = array<i32>} : memref<80x128xf32, #tpu.memory_space<vmem>>, vector<1x16xf32>,
        %get3A_1301 = arith.constant 0 : i32
        %get3A_1302 = arith.constant 0 : i32
        %get3A_1303 = tpu.memref_slice %arg8[%scan3A_401, %get3A_1301, %get3A_1302] : memref<2x80x128xf32, #tpu.memory_space<vmem>> -> memref<1x80x128xf32, #tpu.memory_space<vmem>>
        %get3A_1304 = tpu.memref_squeeze %get3A_1303 : memref<1x80x128xf32, #tpu.memory_space<vmem>> -> memref<80x128xf32, #tpu.memory_space<vmem>>
        %get3A_1305 = arith.index_cast %add3A_1196 : i32 to index
        %get3A_1306 = arith.constant 64 : index
        %get3A_1307 = tpu.vector_load %get3A_1304[%get3A_1305, %get3A_1306] {strides = array<i32>} : memref<80x128xf32, #tpu.memory_space<vmem>>, vector<1x16xf32>,
        %get3A_1308 = vector.shape_cast %get3A_1307 : vector<1x16xf32> to vector<16xf32>
        %get3A_1309 = arith.constant 0 : i32
        %get3A_1310 = arith.constant 0 : i32
        %get3A_1311 = tpu.memref_slice %arg9[%scan3A_402, %get3A_1309, %get3A_1310] : memref<2x80x128xf32, #tpu.memory_space<vmem>> -> memref<1x80x128xf32, #tpu.memory_space<vmem>>
        %get3A_1312 = tpu.memref_squeeze %get3A_1311 : memref<1x80x128xf32, #tpu.memory_space<vmem>> -> memref<80x128xf32, #tpu.memory_space<vmem>>
        %get3A_1313 = arith.index_cast %add3A_1196 : i32 to index
        %get3A_1314 = arith.constant 64 : index
        %get3A_1315 = tpu.vector_load %get3A_1312[%get3A_1313, %get3A_1314] {strides = array<i32>} : memref<80x128xf32, #tpu.memory_space<vmem>>, vector<1x16xf32>,
        %get3A_1316 = vector.shape_cast %get3A_1315 : vector<1x16xf32> to vector<16xf32>
        %mul3A_1317 = arith.mulf %get3A_1308, %get3A_1316 : vector<16xf32>
        %swap3A_1318 = arith.constant 0 : i32
        %swap3A_1319 = arith.constant 0 : i32
        %swap3A_1320 = tpu.memref_slice %arg8[%scan3A_401, %swap3A_1318, %swap3A_1319] : memref<2x80x128xf32, #tpu.memory_space<vmem>> -> memref<1x80x128xf32, #tpu.memory_space<vmem>>
        %swap3A_1321 = tpu.memref_squeeze %swap3A_1320 : memref<1x80x128xf32, #tpu.memory_space<vmem>> -> memref<80x128xf32, #tpu.memory_space<vmem>>
        %swap3A_1322 = arith.index_cast %add3A_1196 : i32 to index
        %swap3A_1323 = arith.constant 64 : index
        %swap3A_1324 = tpu.vector_load %swap3A_1321[%swap3A_1322, %swap3A_1323] {strides = array<i32>} : memref<80x128xf32, #tpu.memory_space<vmem>>, vector<1x16xf32>,
        %swap3A_1325 = vector.shape_cast %swap3A_1324 : vector<1x16xf32> to vector<16xf32>
        %swap3A_1326 = vector.shape_cast %mul3A_1317 : vector<16xf32> to vector<1x16xf32>
        tpu.vector_store %swap3A_1321[%swap3A_1322, %swap3A_1323], %swap3A_1326 {strides = array<i32>} : memref<80x128xf32, #tpu.memory_space<vmem>>, vector<1x16xf32>,
        %get3A_1327 = arith.constant 0 : i32
        %get3A_1328 = arith.constant 0 : i32
        %get3A_1329 = tpu.memref_slice %arg8[%scan3A_401, %get3A_1327, %get3A_1328] : memref<2x80x128xf32, #tpu.memory_space<vmem>> -> memref<1x80x128xf32, #tpu.memory_space<vmem>>
        %get3A_1330 = tpu.memref_squeeze %get3A_1329 : memref<1x80x128xf32, #tpu.memory_space<vmem>> -> memref<80x128xf32, #tpu.memory_space<vmem>>
        %get3A_1331 = arith.index_cast %add3A_1196 : i32 to index
        %get3A_1332 = arith.constant 80 : index
        %get3A_1333 = tpu.vector_load %get3A_1330[%get3A_1331, %get3A_1332] {strides = array<i32>} : memref<80x128xf32, #tpu.memory_space<vmem>>, vector<1x16xf32>,
        %get3A_1334 = vector.shape_cast %get3A_1333 : vector<1x16xf32> to vector<16xf32>
        %get3A_1335 = arith.constant 0 : i32
        %get3A_1336 = arith.constant 0 : i32
        %get3A_1337 = tpu.memref_slice %arg9[%scan3A_402, %get3A_1335, %get3A_1336] : memref<2x80x128xf32, #tpu.memory_space<vmem>> -> memref<1x80x128xf32, #tpu.memory_space<vmem>>
        %get3A_1338 = tpu.memref_squeeze %get3A_1337 : memref<1x80x128xf32, #tpu.memory_space<vmem>> -> memref<80x128xf32, #tpu.memory_space<vmem>>
        %get3A_1339 = arith.index_cast %add3A_1196 : i32 to index
        %get3A_1340 = arith.constant 80 : index
        %get3A_1341 = tpu.vector_load %get3A_1338[%get3A_1339, %get3A_1340] {strides = array<i32>} : memref<80x128xf32, #tpu.memory_space<vmem>>, vector<1x16xf32>,
        %get3A_1342 = vector.shape_cast %get3A_1341 : vector<1x16xf32> to vector<16xf32>
        %mul3A_1343 = arith.mulf %get3A_1334, %get3A_1342 : vector<16xf32>
        %swap3A_1344 = arith.constant 0 : i32
        %swap3A_1345 = arith.constant 0 : i32
        %swap3A_1346 = tpu.memref_slice %arg8[%scan3A_401, %swap3A_1344, %swap3A_1345] : memref<2x80x128xf32, #tpu.memory_space<vmem>> -> memref<1x80x128xf32, #tpu.memory_space<vmem>>
        %swap3A_1347 = tpu.memref_squeeze %swap3A_1346 : memref<1x80x128xf32, #tpu.memory_space<vmem>> -> memref<80x128xf32, #tpu.memory_space<vmem>>
        %swap3A_1348 = arith.index_cast %add3A_1196 : i32 to index
        %swap3A_1349 = arith.constant 80 : index
        %swap3A_1350 = tpu.vector_load %swap3A_1347[%swap3A_1348, %swap3A_1349] {strides = array<i32>} : memref<80x128xf32, #tpu.memory_space<vmem>>, vector<1x16xf32>,
        %swap3A_1351 = vector.shape_cast %swap3A_1350 : vector<1x16xf32> to vector<16xf32>
        %swap3A_1352 = vector.shape_cast %mul3A_1343 : vector<16xf32> to vector<1x16xf32>
        tpu.vector_store %swap3A_1347[%swap3A_1348, %swap3A_1349], %swap3A_1352 {strides = array<i32>} : memref<80x128xf32, #tpu.memory_space<vmem>>, vector<1x16xf32>,
        %get3A_1353 = arith.constant 0 : i32
        %get3A_1354 = arith.constant 0 : i32
        %get3A_1355 = tpu.memref_slice %arg8[%scan3A_401, %get3A_1353, %get3A_1354] : memref<2x80x128xf32, #tpu.memory_space<vmem>> -> memref<1x80x128xf32, #tpu.memory_space<vmem>>
        %get3A_1356 = tpu.memref_squeeze %get3A_1355 : memref<1x80x128xf32, #tpu.memory_space<vmem>> -> memref<80x128xf32, #tpu.memory_space<vmem>>
        %get3A_1357 = arith.index_cast %add3A_1196 : i32 to index
        %get3A_1358 = arith.constant 96 : index
        %get3A_1359 = tpu.vector_load %get3A_1356[%get3A_1357, %get3A_1358] {strides = array<i32>} : memref<80x128xf32, #tpu.memory_space<vmem>>, vector<1x16xf32>,
        %get3A_1360 = vector.shape_cast %get3A_1359 : vector<1x16xf32> to vector<16xf32>
        %get3A_1361 = arith.constant 0 : i32
        %get3A_1362 = arith.constant 0 : i32
        %get3A_1363 = tpu.memref_slice %arg9[%scan3A_402, %get3A_1361, %get3A_1362] : memref<2x80x128xf32, #tpu.memory_space<vmem>> -> memref<1x80x128xf32, #tpu.memory_space<vmem>>
        %get3A_1364 = tpu.memref_squeeze %get3A_1363 : memref<1x80x128xf32, #tpu.memory_space<vmem>> -> memref<80x128xf32, #tpu.memory_space<vmem>>
        %get3A_1365 = arith.index_cast %add3A_1196 : i32 to index
        %get3A_1366 = arith.constant 96 : index
        %get3A_1367 = tpu.vector_load %get3A_1364[%get3A_1365, %get3A_1366] {strides = array<i32>} : memref<80x128xf32, #tpu.memory_space<vmem>>, vector<1x16xf32>,
        %get3A_1368 = vector.shape_cast %get3A_1367 : vector<1x16xf32> to vector<16xf32>
        %mul3A_1369 = arith.mulf %get3A_1360, %get3A_1368 : vector<16xf32>
        %swap3A_1370 = arith.constant 0 : i32
        %swap3A_1371 = arith.constant 0 : i32
        %swap3A_1372 = tpu.memref_slice %arg8[%scan3A_401, %swap3A_1370, %swap3A_1371] : memref<2x80x128xf32, #tpu.memory_space<vmem>> -> memref<1x80x128xf32, #tpu.memory_space<vmem>>
        %swap3A_1373 = tpu.memref_squeeze %swap3A_1372 : memref<1x80x128xf32, #tpu.memory_space<vmem>> -> memref<80x128xf32, #tpu.memory_space<vmem>>
        %swap3A_1374 = arith.index_cast %add3A_1196 : i32 to index
        %swap3A_1375 = arith.constant 96 : index
        %swap3A_1376 = tpu.vector_load %swap3A_1373[%swap3A_1374, %swap3A_1375] {strides = array<i32>} : memref<80x128xf32, #tpu.memory_space<vmem>>, vector<1x16xf32>,
        %swap3A_1377 = vector.shape_cast %swap3A_1376 : vector<1x16xf32> to vector<16xf32>
        %swap3A_1378 = vector.shape_cast %mul3A_1369 : vector<16xf32> to vector<1x16xf32>
        tpu.vector_store %swap3A_1373[%swap3A_1374, %swap3A_1375], %swap3A_1378 {strides = array<i32>} : memref<80x128xf32, #tpu.memory_space<vmem>>, vector<1x16xf32>,
        %get3A_1379 = arith.constant 0 : i32
        %get3A_1380 = arith.constant 0 : i32
        %get3A_1381 = tpu.memref_slice %arg8[%scan3A_401, %get3A_1379, %get3A_1380] : memref<2x80x128xf32, #tpu.memory_space<vmem>> -> memref<1x80x128xf32, #tpu.memory_space<vmem>>
        %get3A_1382 = tpu.memref_squeeze %get3A_1381 : memref<1x80x128xf32, #tpu.memory_space<vmem>> -> memref<80x128xf32, #tpu.memory_space<vmem>>
        %get3A_1383 = arith.index_cast %add3A_1196 : i32 to index
        %get3A_1384 = arith.constant 112 : index
        %get3A_1385 = tpu.vector_load %get3A_1382[%get3A_1383, %get3A_1384] {strides = array<i32>} : memref<80x128xf32, #tpu.memory_space<vmem>>, vector<1x16xf32>,
        %get3A_1386 = vector.shape_cast %get3A_1385 : vector<1x16xf32> to vector<16xf32>
        %get3A_1387 = arith.constant 0 : i32
        %get3A_1388 = arith.constant 0 : i32
        %get3A_1389 = tpu.memref_slice %arg9[%scan3A_402, %get3A_1387, %get3A_1388] : memref<2x80x128xf32, #tpu.memory_space<vmem>> -> memref<1x80x128xf32, #tpu.memory_space<vmem>>
        %get3A_1390 = tpu.memref_squeeze %get3A_1389 : memref<1x80x128xf32, #tpu.memory_space<vmem>> -> memref<80x128xf32, #tpu.memory_space<vmem>>
        %get3A_1391 = arith.index_cast %add3A_1196 : i32 to index
        %get3A_1392 = arith.constant 112 : index
        %get3A_1393 = tpu.vector_load %get3A_1390[%get3A_1391, %get3A_1392] {strides = array<i32>} : memref<80x128xf32, #tpu.memory_space<vmem>>, vector<1x16xf32>,
        %get3A_1394 = vector.shape_cast %get3A_1393 : vector<1x16xf32> to vector<16xf32>
        %mul3A_1395 = arith.mulf %get3A_1386, %get3A_1394 : vector<16xf32>
        %swap3A_1396 = arith.constant 0 : i32
        %swap3A_1397 = arith.constant 0 : i32
        %swap3A_1398 = tpu.memref_slice %arg8[%scan3A_401, %swap3A_1396, %swap3A_1397] : memref<2x80x128xf32, #tpu.memory_space<vmem>> -> memref<1x80x128xf32, #tpu.memory_space<vmem>>
        %swap3A_1399 = tpu.memref_squeeze %swap3A_1398 : memref<1x80x128xf32, #tpu.memory_space<vmem>> -> memref<80x128xf32, #tpu.memory_space<vmem>>
        %swap3A_1400 = arith.index_cast %add3A_1196 : i32 to index
        %swap3A_1401 = arith.constant 112 : index
        %swap3A_1402 = tpu.vector_load %swap3A_1399[%swap3A_1400, %swap3A_1401] {strides = array<i32>} : memref<80x128xf32, #tpu.memory_space<vmem>>, vector<1x16xf32>,
        %swap3A_1403 = vector.shape_cast %swap3A_1402 : vector<1x16xf32> to vector<16xf32>
        %swap3A_1404 = vector.shape_cast %mul3A_1395 : vector<16xf32> to vector<1x16xf32>
        tpu.vector_store %swap3A_1399[%swap3A_1400, %swap3A_1401], %swap3A_1404 {strides = array<i32>} : memref<80x128xf32, #tpu.memory_space<vmem>>, vector<1x16xf32>,
        %scan3A_1405 = arith.constant 0 : i32
        scf.yield %scan3A_1405 : i32
      }
      %scan3A_409 = arith.constant 20 : i32
      %dma_start3A_410 = arith.constant 0 : i32
      %dma_start3A_411 = arith.constant 0 : i32
      %dma_start3A_412 = arith.constant 0 : i32
      %dma_start3A_413 = arith.constant 0 : i32
      %dma_start3A_414 = tpu.memref_slice %arg8[%dma_start3A_410, %dma_start3A_412, %dma_start3A_413] : memref<2x80x128xf32, #tpu.memory_space<vmem>> -> memref<1x80x128xf32, #tpu.memory_space<vmem>>
      %dma_start3A_415 = tpu.memref_squeeze %dma_start3A_414 : memref<1x80x128xf32, #tpu.memory_space<vmem>> -> memref<80x128xf32, #tpu.memory_space<vmem>>
      %dma_start3A_416 = arith.constant 0 : i32
      %dma_start3A_417 = tpu.memref_slice %arg7[%dma_start3A_411, %dma_start3A_416] : memref<2x80xi32, #tpu.memory_space<vmem>> -> memref<1x80xi32, #tpu.memory_space<vmem>>
      %dma_start3A_418 = tpu.memref_squeeze %dma_start3A_417 : memref<1x80xi32, #tpu.memory_space<vmem>> -> memref<80xi32, #tpu.memory_space<vmem>>
      %dma_start3A_419 = arith.constant 0 : i32
      %dma_start3A_420 = arith.constant 0 : i32
      %dma_start3A_421 = tpu.memref_slice %arg10[%dma_start3A_419, %dma_start3A_420] : memref<10240x128xf32, #tpu.memory_space<vmem_shared>> -> memref<10240x128xf32, #tpu.memory_space<vmem_shared>>
      tpu.enqueue_indirect_dma source(%dma_start3A_415 : memref<80x128xf32, #tpu.memory_space<vmem>>) target(%dma_start3A_421 : memref<10240x128xf32, #tpu.memory_space<vmem_shared>>) offsets(%dma_start3A_418 : memref<80xi32, #tpu.memory_space<vmem>>) semaphore(%arg15 : memref<!tpu.dma_semaphore, #tpu.memory_space<semaphore_mem>>) {add = true}
      %mul3A_422 = arith.constant 2 : i32
      %mul3A_423 = arith.muli %mul3A_422, %scan3A_292 : i32
      %add3A_424 = arith.constant 1 : i32
      %add3A_425 = arith.addi %mul3A_423, %add3A_424 : i32
      %dma_wait3A_426 = arith.constant 1 : i32
      %dma_wait3A_427 = arith.constant 0 : i32
      %dma_wait3A_428 = arith.constant 0 : i32
      %dma_wait3A_429 = tpu.memref_slice %arg8[%dma_wait3A_426, %dma_wait3A_427, %dma_wait3A_428] : memref<2x80x128xf32, #tpu.memory_space<vmem>> -> memref<1x80x128xf32, #tpu.memory_space<vmem>>
      %dma_wait3A_430 = tpu.memref_squeeze %dma_wait3A_429 : memref<1x80x128xf32, #tpu.memory_space<vmem>> -> memref<80x128xf32, #tpu.memory_space<vmem>>
      %dma_wait3A_431 = arith.constant 0 : i32
      %dma_wait3A_432 = arith.constant 0 : i32
      %dma_wait3A_433 = tpu.memref_slice %arg3[%dma_wait3A_431, %dma_wait3A_432] : memref<320000x128xf32, #tpu.memory_space<hbm>> -> memref<80x128xf32, #tpu.memory_space<hbm>>
      %dma_wait3A_434 = arith.constant 0 : i32
      %dma_wait3A_435 = arith.constant 0 : i32
      %dma_wait3A_436 = tpu.memref_slice %arg8[%dma_wait3A_426, %dma_wait3A_434, %dma_wait3A_435] : memref<2x80x128xf32, #tpu.memory_space<vmem>> -> memref<1x80x128xf32, #tpu.memory_space<vmem>>
      %dma_wait3A_437 = tpu.memref_squeeze %dma_wait3A_436 : memref<1x80x128xf32, #tpu.memory_space<vmem>> -> memref<80x128xf32, #tpu.memory_space<vmem>>
      %dma_wait3A_438 = arith.constant 0 : i32
      %dma_wait3A_439 = arith.constant 0 : i32
      %dma_wait3A_440 = tpu.memref_slice %arg3[%dma_wait3A_438, %dma_wait3A_439] : memref<320000x128xf32, #tpu.memory_space<hbm>> -> memref<80x128xf32, #tpu.memory_space<hbm>>
      tpu.wait_dma2 semaphore(%arg13 : memref<!tpu.dma_semaphore, #tpu.memory_space<semaphore_mem>>) src(%dma_wait3A_440 : memref<80x128xf32, #tpu.memory_space<hbm>>) dst(%dma_wait3A_437 : memref<80x128xf32, #tpu.memory_space<vmem>>)
      %dma_wait3A_441 = arith.constant 1 : i32
      %dma_wait3A_442 = arith.constant 0 : i32
      %dma_wait3A_443 = arith.constant 1 : i32
      %dma_wait3A_444 = arith.constant 0 : i32
      %dma_wait3A_445 = arith.constant 0 : i32
      %dma_wait3A_446 = tpu.memref_slice %arg9[%dma_wait3A_443, %dma_wait3A_444, %dma_wait3A_445] : memref<2x80x128xf32, #tpu.memory_space<vmem>> -> memref<1x80x128xf32, #tpu.memory_space<vmem>>
      %dma_wait3A_447 = tpu.memref_squeeze %dma_wait3A_446 : memref<1x80x128xf32, #tpu.memory_space<vmem>> -> memref<80x128xf32, #tpu.memory_space<vmem>>
      %dma_wait3A_448 = arith.constant 0 : i32
      %dma_wait3A_449 = tpu.memref_slice %arg6[%dma_wait3A_441, %dma_wait3A_442, %dma_wait3A_448] : memref<2x2x80xi32, #tpu.memory_space<vmem>> -> memref<1x1x80xi32, #tpu.memory_space<vmem>>
      %dma_wait3A_450 = tpu.memref_squeeze %dma_wait3A_449 : memref<1x1x80xi32, #tpu.memory_space<vmem>> -> memref<80xi32, #tpu.memory_space<vmem>>
      %dma_wait3A_451 = arith.constant 0 : i32
      %dma_wait3A_452 = arith.constant 0 : i32
      %dma_wait3A_453 = tpu.memref_slice %arg4[%dma_wait3A_451, %dma_wait3A_452] : memref<10000x128xf32, #tpu.memory_space<hbm>> -> memref<10000x128xf32, #tpu.memory_space<hbm>>
      tpu.wait_indirect_dma semaphore(%arg14 : memref<!tpu.dma_semaphore, #tpu.memory_space<semaphore_mem>>) src(%dma_wait3A_453 : memref<10000x128xf32, #tpu.memory_space<hbm>>) dst(%dma_wait3A_447 : memref<80x128xf32, #tpu.memory_space<vmem>>)
      %get3A_454 = arith.constant 1 : i32
      %get3A_455 = arith.constant 1 : i32
      %get3A_456 = arith.index_cast %get3A_454 : i32 to index
      %get3A_457 = arith.index_cast %get3A_455 : i32 to index
      %get3A_458 = arith.constant 0 : index
      %get3A_459 = tpu.vector_load %arg6[%get3A_456, %get3A_457, %get3A_458] {strides = array<i32>} : memref<2x2x80xi32, #tpu.memory_space<vmem>>, vector<1x1x16xi32>,
      %get3A_460 = vector.shape_cast %get3A_459 : vector<1x1x16xi32> to vector<16xi32>
      %swap3A_461 = arith.constant 1 : i32
      %swap3A_462 = arith.index_cast %swap3A_461 : i32 to index
      %swap3A_463 = arith.constant 0 : index
      %swap3A_464 = tpu.vector_load %arg7[%swap3A_462, %swap3A_463] {strides = array<i32>} : memref<2x80xi32, #tpu.memory_space<vmem>>, vector<1x16xi32>,
      %swap3A_465 = vector.shape_cast %swap3A_464 : vector<1x16xi32> to vector<16xi32>
      %swap3A_466 = vector.shape_cast %get3A_460 : vector<16xi32> to vector<1x16xi32>
      tpu.vector_store %arg7[%swap3A_462, %swap3A_463], %swap3A_466 {strides = array<i32>} : memref<2x80xi32, #tpu.memory_space<vmem>>, vector<1x16xi32>,
      %get3A_467 = arith.constant 1 : i32
      %get3A_468 = arith.constant 1 : i32
      %get3A_469 = arith.index_cast %get3A_467 : i32 to index
      %get3A_470 = arith.index_cast %get3A_468 : i32 to index
      %get3A_471 = arith.constant 16 : index
      %get3A_472 = tpu.vector_load %arg6[%get3A_469, %get3A_470, %get3A_471] {strides = array<i32>} : memref<2x2x80xi32, #tpu.memory_space<vmem>>, vector<1x1x16xi32>,
      %get3A_473 = vector.shape_cast %get3A_472 : vector<1x1x16xi32> to vector<16xi32>
      %swap3A_474 = arith.constant 1 : i32
      %swap3A_475 = arith.index_cast %swap3A_474 : i32 to index
      %swap3A_476 = arith.constant 16 : index
      %swap3A_477 = tpu.vector_load %arg7[%swap3A_475, %swap3A_476] {strides = array<i32>} : memref<2x80xi32, #tpu.memory_space<vmem>>, vector<1x16xi32>,
      %swap3A_478 = vector.shape_cast %swap3A_477 : vector<1x16xi32> to vector<16xi32>
      %swap3A_479 = vector.shape_cast %get3A_473 : vector<16xi32> to vector<1x16xi32>
      tpu.vector_store %arg7[%swap3A_475, %swap3A_476], %swap3A_479 {strides = array<i32>} : memref<2x80xi32, #tpu.memory_space<vmem>>, vector<1x16xi32>,
      %get3A_480 = arith.constant 1 : i32
      %get3A_481 = arith.constant 1 : i32
      %get3A_482 = arith.index_cast %get3A_480 : i32 to index
      %get3A_483 = arith.index_cast %get3A_481 : i32 to index
      %get3A_484 = arith.constant 32 : index
      %get3A_485 = tpu.vector_load %arg6[%get3A_482, %get3A_483, %get3A_484] {strides = array<i32>} : memref<2x2x80xi32, #tpu.memory_space<vmem>>, vector<1x1x16xi32>,
      %get3A_486 = vector.shape_cast %get3A_485 : vector<1x1x16xi32> to vector<16xi32>
      %swap3A_487 = arith.constant 1 : i32
      %swap3A_488 = arith.index_cast %swap3A_487 : i32 to index
      %swap3A_489 = arith.constant 32 : index
      %swap3A_490 = tpu.vector_load %arg7[%swap3A_488, %swap3A_489] {strides = array<i32>} : memref<2x80xi32, #tpu.memory_space<vmem>>, vector<1x16xi32>,
      %swap3A_491 = vector.shape_cast %swap3A_490 : vector<1x16xi32> to vector<16xi32>
      %swap3A_492 = vector.shape_cast %get3A_486 : vector<16xi32> to vector<1x16xi32>
      tpu.vector_store %arg7[%swap3A_488, %swap3A_489], %swap3A_492 {strides = array<i32>} : memref<2x80xi32, #tpu.memory_space<vmem>>, vector<1x16xi32>,
      %get3A_493 = arith.constant 1 : i32
      %get3A_494 = arith.constant 1 : i32
      %get3A_495 = arith.index_cast %get3A_493 : i32 to index
      %get3A_496 = arith.index_cast %get3A_494 : i32 to index
      %get3A_497 = arith.constant 48 : index
      %get3A_498 = tpu.vector_load %arg6[%get3A_495, %get3A_496, %get3A_497] {strides = array<i32>} : memref<2x2x80xi32, #tpu.memory_space<vmem>>, vector<1x1x16xi32>,
      %get3A_499 = vector.shape_cast %get3A_498 : vector<1x1x16xi32> to vector<16xi32>
      %swap3A_500 = arith.constant 1 : i32
      %swap3A_501 = arith.index_cast %swap3A_500 : i32 to index
      %swap3A_502 = arith.constant 48 : index
      %swap3A_503 = tpu.vector_load %arg7[%swap3A_501, %swap3A_502] {strides = array<i32>} : memref<2x80xi32, #tpu.memory_space<vmem>>, vector<1x16xi32>,
      %swap3A_504 = vector.shape_cast %swap3A_503 : vector<1x16xi32> to vector<16xi32>
      %swap3A_505 = vector.shape_cast %get3A_499 : vector<16xi32> to vector<1x16xi32>
      tpu.vector_store %arg7[%swap3A_501, %swap3A_502], %swap3A_505 {strides = array<i32>} : memref<2x80xi32, #tpu.memory_space<vmem>>, vector<1x16xi32>,
      %get3A_506 = arith.constant 1 : i32
      %get3A_507 = arith.constant 1 : i32
      %get3A_508 = arith.index_cast %get3A_506 : i32 to index
      %get3A_509 = arith.index_cast %get3A_507 : i32 to index
      %get3A_510 = arith.constant 64 : index
      %get3A_511 = tpu.vector_load %arg6[%get3A_508, %get3A_509, %get3A_510] {strides = array<i32>} : memref<2x2x80xi32, #tpu.memory_space<vmem>>, vector<1x1x16xi32>,
      %get3A_512 = vector.shape_cast %get3A_511 : vector<1x1x16xi32> to vector<16xi32>
      %swap3A_513 = arith.constant 1 : i32
      %swap3A_514 = arith.index_cast %swap3A_513 : i32 to index
      %swap3A_515 = arith.constant 64 : index
      %swap3A_516 = tpu.vector_load %arg7[%swap3A_514, %swap3A_515] {strides = array<i32>} : memref<2x80xi32, #tpu.memory_space<vmem>>, vector<1x16xi32>,
      %swap3A_517 = vector.shape_cast %swap3A_516 : vector<1x16xi32> to vector<16xi32>
      %swap3A_518 = vector.shape_cast %get3A_512 : vector<16xi32> to vector<1x16xi32>
      tpu.vector_store %arg7[%swap3A_514, %swap3A_515], %swap3A_518 {strides = array<i32>} : memref<2x80xi32, #tpu.memory_space<vmem>>, vector<1x16xi32>,
      %add3A_519 = arith.constant 2 : i32
      %add3A_520 = arith.addi %add3A_425, %add3A_519 : i32
      %lt3A_521 = arith.constant 125 : i32
      %lt3A_522 = arith.cmpi slt, %add3A_520, %lt3A_521 : i32
      %convert_element_type3A_523 = arith.extui %lt3A_522 : i1 to i32
      %cond3A_524 = arith.constant 0 : i32
      %cond3A_525 = arith.cmpi ne, %convert_element_type3A_523, %cond3A_524 : i32
      scf.if %cond3A_525 {
        %add3A_555 = arith.constant 2 : i32
        %add3A_556 = arith.addi %add3A_425, %add3A_555 : i32
        %dma_start3A_557 = arith.constant 1 : i32
        %dma_start3A_558 = arith.constant 0 : i32
        %dma_start3A_559 = arith.constant 0 : i32
        %dma_start3A_560 = tpu.memref_slice %arg6[%dma_start3A_557, %dma_start3A_558, %dma_start3A_559] : memref<2x2x80xi32, #tpu.memory_space<vmem>> -> memref<1x2x80xi32, #tpu.memory_space<vmem>>
        %dma_start3A_561 = tpu.memref_squeeze %dma_start3A_560 : memref<1x2x80xi32, #tpu.memory_space<vmem>> -> memref<2x80xi32, #tpu.memory_space<vmem>>
        %dma_start3A_562 = arith.constant 0 : i32
        %dma_start3A_563 = arith.constant 0 : i32
        %dma_start3A_564 = tpu.memref_slice %arg2[%add3A, %add3A_556, %dma_start3A_562, %dma_start3A_563] : memref<32x125x2x80xi32, #tpu.memory_space<hbm>> -> memref<1x1x2x80xi32, #tpu.memory_space<hbm>>
        %dma_start3A_565 = tpu.memref_squeeze %dma_start3A_564 : memref<1x1x2x80xi32, #tpu.memory_space<hbm>> -> memref<2x80xi32, #tpu.memory_space<hbm>>
        %dma_start3A_566 = arith.constant 0 : i32
        %dma_start3A_567 = arith.constant 0 : i32
        %dma_start3A_568 = tpu.memref_slice %arg6[%dma_start3A_557, %dma_start3A_566, %dma_start3A_567] : memref<2x2x80xi32, #tpu.memory_space<vmem>> -> memref<1x2x80xi32, #tpu.memory_space<vmem>>
        %dma_start3A_569 = tpu.memref_squeeze %dma_start3A_568 : memref<1x2x80xi32, #tpu.memory_space<vmem>> -> memref<2x80xi32, #tpu.memory_space<vmem>>
        %dma_start3A_570 = arith.constant 0 : i32
        %dma_start3A_571 = arith.constant 0 : i32
        %dma_start3A_572 = tpu.memref_slice %arg2[%add3A, %add3A_556, %dma_start3A_570, %dma_start3A_571] : memref<32x125x2x80xi32, #tpu.memory_space<hbm>> -> memref<1x1x2x80xi32, #tpu.memory_space<hbm>>
        %dma_start3A_573 = tpu.memref_squeeze %dma_start3A_572 : memref<1x1x2x80xi32, #tpu.memory_space<hbm>> -> memref<2x80xi32, #tpu.memory_space<hbm>>
        tpu.enqueue_dma source(%dma_start3A_573 : memref<2x80xi32, #tpu.memory_space<hbm>>) target(%dma_start3A_569 : memref<2x80xi32, #tpu.memory_space<vmem>>) target_semaphore(%arg12 : memref<!tpu.dma_semaphore, #tpu.memory_space<semaphore_mem>>)
      } else {
      }
      %add3A_526 = arith.constant 1 : i32
      %add3A_527 = arith.addi %add3A_425, %add3A_526 : i32
      %lt3A_528 = arith.constant 125 : i32
      %lt3A_529 = arith.cmpi slt, %add3A_527, %lt3A_528 : i32
      %convert_element_type3A_530 = arith.extui %lt3A_529 : i1 to i32
      %cond3A_531 = arith.constant 0 : i32
      %cond3A_532 = arith.cmpi ne, %convert_element_type3A_530, %cond3A_531 : i32
      scf.if %cond3A_532 {
        %ge3A = arith.constant 1 : i32
        %ge3A_555 = arith.cmpi sge, %add3A_425, %ge3A : i32
        %convert_element_type3A_556 = arith.extui %ge3A_555 : i1 to i32
        %cond3A_557 = arith.constant 0 : i32
        %cond3A_558 = arith.cmpi ne, %convert_element_type3A_556, %cond3A_557 : i32
        scf.if %cond3A_558 {
          %dma_wait3A_611 = arith.constant 0 : i32
          %dma_wait3A_612 = arith.constant 0 : i32
          %dma_wait3A_613 = arith.constant 0 : i32
          %dma_wait3A_614 = arith.constant 0 : i32
          %dma_wait3A_615 = tpu.memref_slice %arg8[%dma_wait3A_611, %dma_wait3A_613, %dma_wait3A_614] : memref<2x80x128xf32, #tpu.memory_space<vmem>> -> memref<1x80x128xf32, #tpu.memory_space<vmem>>
          %dma_wait3A_616 = tpu.memref_squeeze %dma_wait3A_615 : memref<1x80x128xf32, #tpu.memory_space<vmem>> -> memref<80x128xf32, #tpu.memory_space<vmem>>
          %dma_wait3A_617 = arith.constant 0 : i32
          %dma_wait3A_618 = tpu.memref_slice %arg7[%dma_wait3A_612, %dma_wait3A_617] : memref<2x80xi32, #tpu.memory_space<vmem>> -> memref<1x80xi32, #tpu.memory_space<vmem>>
          %dma_wait3A_619 = tpu.memref_squeeze %dma_wait3A_618 : memref<1x80xi32, #tpu.memory_space<vmem>> -> memref<80xi32, #tpu.memory_space<vmem>>
          %dma_wait3A_620 = arith.constant 0 : i32
          %dma_wait3A_621 = arith.constant 0 : i32
          %dma_wait3A_622 = tpu.memref_slice %arg10[%dma_wait3A_620, %dma_wait3A_621] : memref<10240x128xf32, #tpu.memory_space<vmem_shared>> -> memref<10240x128xf32, #tpu.memory_space<vmem_shared>>
          tpu.wait_indirect_dma semaphore(%arg15 : memref<!tpu.dma_semaphore, #tpu.memory_space<semaphore_mem>>) src(%dma_wait3A_616 : memref<80x128xf32, #tpu.memory_space<vmem>>) dst(%dma_wait3A_622 : memref<10240x128xf32, #tpu.memory_space<vmem_shared>>)
        } else {
        }
        %dma_wait3A_559 = arith.constant 0 : i32
        %dma_wait3A_560 = arith.constant 0 : i32
        %dma_wait3A_561 = arith.constant 0 : i32
        %dma_wait3A_562 = arith.constant 0 : i32
        %dma_wait3A_563 = arith.constant 0 : i32
        %dma_wait3A_564 = tpu.memref_slice %arg6[%dma_wait3A_561, %dma_wait3A_562, %dma_wait3A_563] : memref<2x2x80xi32, #tpu.memory_space<vmem>> -> memref<1x2x80xi32, #tpu.memory_space<vmem>>
        %dma_wait3A_565 = tpu.memref_squeeze %dma_wait3A_564 : memref<1x2x80xi32, #tpu.memory_space<vmem>> -> memref<2x80xi32, #tpu.memory_space<vmem>>
        %dma_wait3A_566 = arith.constant 0 : i32
        %dma_wait3A_567 = arith.constant 0 : i32
        %dma_wait3A_568 = tpu.memref_slice %arg2[%dma_wait3A_559, %dma_wait3A_560, %dma_wait3A_566, %dma_wait3A_567] : memref<32x125x2x80xi32, #tpu.memory_space<hbm>> -> memref<1x1x2x80xi32, #tpu.memory_space<hbm>>
        %dma_wait3A_569 = tpu.memref_squeeze %dma_wait3A_568 : memref<1x1x2x80xi32, #tpu.memory_space<hbm>> -> memref<2x80xi32, #tpu.memory_space<hbm>>
        %dma_wait3A_570 = arith.constant 0 : i32
        %dma_wait3A_571 = arith.constant 0 : i32
        %dma_wait3A_572 = tpu.memref_slice %arg6[%dma_wait3A_561, %dma_wait3A_570, %dma_wait3A_571] : memref<2x2x80xi32, #tpu.memory_space<vmem>> -> memref<1x2x80xi32, #tpu.memory_space<vmem>>
        %dma_wait3A_573 = tpu.memref_squeeze %dma_wait3A_572 : memref<1x2x80xi32, #tpu.memory_space<vmem>> -> memref<2x80xi32, #tpu.memory_space<vmem>>
        %dma_wait3A_574 = arith.constant 0 : i32
        %dma_wait3A_575 = arith.constant 0 : i32
        %dma_wait3A_576 = tpu.memref_slice %arg2[%dma_wait3A_559, %dma_wait3A_560, %dma_wait3A_574, %dma_wait3A_575] : memref<32x125x2x80xi32, #tpu.memory_space<hbm>> -> memref<1x1x2x80xi32, #tpu.memory_space<hbm>>
        %dma_wait3A_577 = tpu.memref_squeeze %dma_wait3A_576 : memref<1x1x2x80xi32, #tpu.memory_space<hbm>> -> memref<2x80xi32, #tpu.memory_space<hbm>>
        tpu.wait_dma2 semaphore(%arg11 : memref<!tpu.dma_semaphore, #tpu.memory_space<semaphore_mem>>) src(%dma_wait3A_577 : memref<2x80xi32, #tpu.memory_space<hbm>>) dst(%dma_wait3A_573 : memref<2x80xi32, #tpu.memory_space<vmem>>)
        %add3A_578 = arith.constant 1 : i32
        %add3A_579 = arith.addi %add3A_425, %add3A_578 : i32
        %mul3A_580 = arith.constant 10000 : i32
        %mul3A_581 = arith.muli %add3A, %mul3A_580 : i32
        %mul3A_582 = arith.constant 80 : i32
        %mul3A_583 = arith.muli %add3A_579, %mul3A_582 : i32
        %add3A_584 = arith.addi %mul3A_581, %mul3A_583 : i32
        %dma_start3A_585 = arith.constant 0 : i32
        %dma_start3A_586 = arith.constant 0 : i32
        %dma_start3A_587 = arith.constant 0 : i32
        %dma_start3A_588 = tpu.memref_slice %arg8[%dma_start3A_585, %dma_start3A_586, %dma_start3A_587] : memref<2x80x128xf32, #tpu.memory_space<vmem>> -> memref<1x80x128xf32, #tpu.memory_space<vmem>>
        %dma_start3A_589 = tpu.memref_squeeze %dma_start3A_588 : memref<1x80x128xf32, #tpu.memory_space<vmem>> -> memref<80x128xf32, #tpu.memory_space<vmem>>
        %dma_start3A_590 = arith.constant 0 : i32
        %dma_start3A_591 = tpu.memref_slice %arg3[%add3A_584, %dma_start3A_590] : memref<320000x128xf32, #tpu.memory_space<hbm>> -> memref<80x128xf32, #tpu.memory_space<hbm>>
        %dma_start3A_592 = arith.constant 0 : i32
        %dma_start3A_593 = arith.constant 0 : i32
        %dma_start3A_594 = tpu.memref_slice %arg8[%dma_start3A_585, %dma_start3A_592, %dma_start3A_593] : memref<2x80x128xf32, #tpu.memory_space<vmem>> -> memref<1x80x128xf32, #tpu.memory_space<vmem>>
        %dma_start3A_595 = tpu.memref_squeeze %dma_start3A_594 : memref<1x80x128xf32, #tpu.memory_space<vmem>> -> memref<80x128xf32, #tpu.memory_space<vmem>>
        %dma_start3A_596 = arith.constant 0 : i32
        %dma_start3A_597 = tpu.memref_slice %arg3[%add3A_584, %dma_start3A_596] : memref<320000x128xf32, #tpu.memory_space<hbm>> -> memref<80x128xf32, #tpu.memory_space<hbm>>
        tpu.enqueue_dma source(%dma_start3A_597 : memref<80x128xf32, #tpu.memory_space<hbm>>) target(%dma_start3A_595 : memref<80x128xf32, #tpu.memory_space<vmem>>) target_semaphore(%arg13 : memref<!tpu.dma_semaphore, #tpu.memory_space<semaphore_mem>>)
        %dma_start3A_598 = arith.constant 0 : i32
        %dma_start3A_599 = arith.constant 0 : i32
        %dma_start3A_600 = arith.constant 0 : i32
        %dma_start3A_601 = arith.constant 0 : i32
        %dma_start3A_602 = arith.constant 0 : i32
        %dma_start3A_603 = tpu.memref_slice %arg9[%dma_start3A_600, %dma_start3A_601, %dma_start3A_602] : memref<2x80x128xf32, #tpu.memory_space<vmem>> -> memref<1x80x128xf32, #tpu.memory_space<vmem>>
        %dma_start3A_604 = tpu.memref_squeeze %dma_start3A_603 : memref<1x80x128xf32, #tpu.memory_space<vmem>> -> memref<80x128xf32, #tpu.memory_space<vmem>>
        %dma_start3A_605 = arith.constant 0 : i32
        %dma_start3A_606 = tpu.memref_slice %arg6[%dma_start3A_598, %dma_start3A_599, %dma_start3A_605] : memref<2x2x80xi32, #tpu.memory_space<vmem>> -> memref<1x1x80xi32, #tpu.memory_space<vmem>>
        %dma_start3A_607 = tpu.memref_squeeze %dma_start3A_606 : memref<1x1x80xi32, #tpu.memory_space<vmem>> -> memref<80xi32, #tpu.memory_space<vmem>>
        %dma_start3A_608 = arith.constant 0 : i32
        %dma_start3A_609 = arith.constant 0 : i32
        %dma_start3A_610 = tpu.memref_slice %arg4[%dma_start3A_608, %dma_start3A_609] : memref<10000x128xf32, #tpu.memory_space<hbm>> -> memref<10000x128xf32, #tpu.memory_space<hbm>>
        tpu.enqueue_indirect_dma source(%dma_start3A_610 : memref<10000x128xf32, #tpu.memory_space<hbm>>) target(%dma_start3A_604 : memref<80x128xf32, #tpu.memory_space<vmem>>) offsets(%dma_start3A_607 : memref<80xi32, #tpu.memory_space<vmem>>) semaphore(%arg14 : memref<!tpu.dma_semaphore, #tpu.memory_space<semaphore_mem>>)
      } else {
      }
      %scan3A_533 = arith.constant 1 : i32
      %scan3A_534 = arith.constant 1 : i32
      %scan3A_535 = arith.constant 0 : i32
      %scan3A_536 = arith.constant 0 : i32
      %scan3A_537 = arith.constant 20 : i32
      %scan3A_538 = arith.addi %scan3A_536, %scan3A_537 : i32
      %scan3A_539 = arith.constant 1 : i32
      %scan3A_540 = scf.for %scan3A_555 = %scan3A_536 to %scan3A_538 step %scan3A_539 iter_args(%scan3A_556 = %scan3A_535) -> (i32)  : i32 {
        %mul3A_557 = arith.constant 4 : i32
        %mul3A_558 = arith.muli %mul3A_557, %scan3A_555 : i32
        %add3A_559 = arith.constant 0 : i32
        %add3A_560 = arith.addi %mul3A_558, %add3A_559 : i32
        %get3A_561 = arith.constant 0 : i32
        %get3A_562 = arith.constant 0 : i32
        %get3A_563 = tpu.memref_slice %arg8[%scan3A_533, %get3A_561, %get3A_562] : memref<2x80x128xf32, #tpu.memory_space<vmem>> -> memref<1x80x128xf32, #tpu.memory_space<vmem>>
        %get3A_564 = tpu.memref_squeeze %get3A_563 : memref<1x80x128xf32, #tpu.memory_space<vmem>> -> memref<80x128xf32, #tpu.memory_space<vmem>>
        %get3A_565 = arith.index_cast %add3A_560 : i32 to index
        %get3A_566 = arith.constant 0 : index
        %get3A_567 = tpu.vector_load %get3A_564[%get3A_565, %get3A_566] {strides = array<i32>} : memref<80x128xf32, #tpu.memory_space<vmem>>, vector<1x16xf32>,
        %get3A_568 = vector.shape_cast %get3A_567 : vector<1x16xf32> to vector<16xf32>
        %get3A_569 = arith.constant 0 : i32
        %get3A_570 = arith.constant 0 : i32
        %get3A_571 = tpu.memref_slice %arg9[%scan3A_534, %get3A_569, %get3A_570] : memref<2x80x128xf32, #tpu.memory_space<vmem>> -> memref<1x80x128xf32, #tpu.memory_space<vmem>>
        %get3A_572 = tpu.memref_squeeze %get3A_571 : memref<1x80x128xf32, #tpu.memory_space<vmem>> -> memref<80x128xf32, #tpu.memory_space<vmem>>
        %get3A_573 = arith.index_cast %add3A_560 : i32 to index
        %get3A_574 = arith.constant 0 : index
        %get3A_575 = tpu.vector_load %get3A_572[%get3A_573, %get3A_574] {strides = array<i32>} : memref<80x128xf32, #tpu.memory_space<vmem>>, vector<1x16xf32>,
        %get3A_576 = vector.shape_cast %get3A_575 : vector<1x16xf32> to vector<16xf32>
        %mul3A_577 = arith.mulf %get3A_568, %get3A_576 : vector<16xf32>
        %swap3A_578 = arith.constant 0 : i32
        %swap3A_579 = arith.constant 0 : i32
        %swap3A_580 = tpu.memref_slice %arg8[%scan3A_533, %swap3A_578, %swap3A_579] : memref<2x80x128xf32, #tpu.memory_space<vmem>> -> memref<1x80x128xf32, #tpu.memory_space<vmem>>
        %swap3A_581 = tpu.memref_squeeze %swap3A_580 : memref<1x80x128xf32, #tpu.memory_space<vmem>> -> memref<80x128xf32, #tpu.memory_space<vmem>>
        %swap3A_582 = arith.index_cast %add3A_560 : i32 to index
        %swap3A_583 = arith.constant 0 : index
        %swap3A_584 = tpu.vector_load %swap3A_581[%swap3A_582, %swap3A_583] {strides = array<i32>} : memref<80x128xf32, #tpu.memory_space<vmem>>, vector<1x16xf32>,
        %swap3A_585 = vector.shape_cast %swap3A_584 : vector<1x16xf32> to vector<16xf32>
        %swap3A_586 = vector.shape_cast %mul3A_577 : vector<16xf32> to vector<1x16xf32>
        tpu.vector_store %swap3A_581[%swap3A_582, %swap3A_583], %swap3A_586 {strides = array<i32>} : memref<80x128xf32, #tpu.memory_space<vmem>>, vector<1x16xf32>,
        %get3A_587 = arith.constant 0 : i32
        %get3A_588 = arith.constant 0 : i32
        %get3A_589 = tpu.memref_slice %arg8[%scan3A_533, %get3A_587, %get3A_588] : memref<2x80x128xf32, #tpu.memory_space<vmem>> -> memref<1x80x128xf32, #tpu.memory_space<vmem>>
        %get3A_590 = tpu.memref_squeeze %get3A_589 : memref<1x80x128xf32, #tpu.memory_space<vmem>> -> memref<80x128xf32, #tpu.memory_space<vmem>>
        %get3A_591 = arith.index_cast %add3A_560 : i32 to index
        %get3A_592 = arith.constant 16 : index
        %get3A_593 = tpu.vector_load %get3A_590[%get3A_591, %get3A_592] {strides = array<i32>} : memref<80x128xf32, #tpu.memory_space<vmem>>, vector<1x16xf32>,
        %get3A_594 = vector.shape_cast %get3A_593 : vector<1x16xf32> to vector<16xf32>
        %get3A_595 = arith.constant 0 : i32
        %get3A_596 = arith.constant 0 : i32
        %get3A_597 = tpu.memref_slice %arg9[%scan3A_534, %get3A_595, %get3A_596] : memref<2x80x128xf32, #tpu.memory_space<vmem>> -> memref<1x80x128xf32, #tpu.memory_space<vmem>>
        %get3A_598 = tpu.memref_squeeze %get3A_597 : memref<1x80x128xf32, #tpu.memory_space<vmem>> -> memref<80x128xf32, #tpu.memory_space<vmem>>
        %get3A_599 = arith.index_cast %add3A_560 : i32 to index
        %get3A_600 = arith.constant 16 : index
        %get3A_601 = tpu.vector_load %get3A_598[%get3A_599, %get3A_600] {strides = array<i32>} : memref<80x128xf32, #tpu.memory_space<vmem>>, vector<1x16xf32>,
        %get3A_602 = vector.shape_cast %get3A_601 : vector<1x16xf32> to vector<16xf32>
        %mul3A_603 = arith.mulf %get3A_594, %get3A_602 : vector<16xf32>
        %swap3A_604 = arith.constant 0 : i32
        %swap3A_605 = arith.constant 0 : i32
        %swap3A_606 = tpu.memref_slice %arg8[%scan3A_533, %swap3A_604, %swap3A_605] : memref<2x80x128xf32, #tpu.memory_space<vmem>> -> memref<1x80x128xf32, #tpu.memory_space<vmem>>
        %swap3A_607 = tpu.memref_squeeze %swap3A_606 : memref<1x80x128xf32, #tpu.memory_space<vmem>> -> memref<80x128xf32, #tpu.memory_space<vmem>>
        %swap3A_608 = arith.index_cast %add3A_560 : i32 to index
        %swap3A_609 = arith.constant 16 : index
        %swap3A_610 = tpu.vector_load %swap3A_607[%swap3A_608, %swap3A_609] {strides = array<i32>} : memref<80x128xf32, #tpu.memory_space<vmem>>, vector<1x16xf32>,
        %swap3A_611 = vector.shape_cast %swap3A_610 : vector<1x16xf32> to vector<16xf32>
        %swap3A_612 = vector.shape_cast %mul3A_603 : vector<16xf32> to vector<1x16xf32>
        tpu.vector_store %swap3A_607[%swap3A_608, %swap3A_609], %swap3A_612 {strides = array<i32>} : memref<80x128xf32, #tpu.memory_space<vmem>>, vector<1x16xf32>,
        %get3A_613 = arith.constant 0 : i32
        %get3A_614 = arith.constant 0 : i32
        %get3A_615 = tpu.memref_slice %arg8[%scan3A_533, %get3A_613, %get3A_614] : memref<2x80x128xf32, #tpu.memory_space<vmem>> -> memref<1x80x128xf32, #tpu.memory_space<vmem>>
        %get3A_616 = tpu.memref_squeeze %get3A_615 : memref<1x80x128xf32, #tpu.memory_space<vmem>> -> memref<80x128xf32, #tpu.memory_space<vmem>>
        %get3A_617 = arith.index_cast %add3A_560 : i32 to index
        %get3A_618 = arith.constant 32 : index
        %get3A_619 = tpu.vector_load %get3A_616[%get3A_617, %get3A_618] {strides = array<i32>} : memref<80x128xf32, #tpu.memory_space<vmem>>, vector<1x16xf32>,
        %get3A_620 = vector.shape_cast %get3A_619 : vector<1x16xf32> to vector<16xf32>
        %get3A_621 = arith.constant 0 : i32
        %get3A_622 = arith.constant 0 : i32
        %get3A_623 = tpu.memref_slice %arg9[%scan3A_534, %get3A_621, %get3A_622] : memref<2x80x128xf32, #tpu.memory_space<vmem>> -> memref<1x80x128xf32, #tpu.memory_space<vmem>>
        %get3A_624 = tpu.memref_squeeze %get3A_623 : memref<1x80x128xf32, #tpu.memory_space<vmem>> -> memref<80x128xf32, #tpu.memory_space<vmem>>
        %get3A_625 = arith.index_cast %add3A_560 : i32 to index
        %get3A_626 = arith.constant 32 : index
        %get3A_627 = tpu.vector_load %get3A_624[%get3A_625, %get3A_626] {strides = array<i32>} : memref<80x128xf32, #tpu.memory_space<vmem>>, vector<1x16xf32>,
        %get3A_628 = vector.shape_cast %get3A_627 : vector<1x16xf32> to vector<16xf32>
        %mul3A_629 = arith.mulf %get3A_620, %get3A_628 : vector<16xf32>
        %swap3A_630 = arith.constant 0 : i32
        %swap3A_631 = arith.constant 0 : i32
        %swap3A_632 = tpu.memref_slice %arg8[%scan3A_533, %swap3A_630, %swap3A_631] : memref<2x80x128xf32, #tpu.memory_space<vmem>> -> memref<1x80x128xf32, #tpu.memory_space<vmem>>
        %swap3A_633 = tpu.memref_squeeze %swap3A_632 : memref<1x80x128xf32, #tpu.memory_space<vmem>> -> memref<80x128xf32, #tpu.memory_space<vmem>>
        %swap3A_634 = arith.index_cast %add3A_560 : i32 to index
        %swap3A_635 = arith.constant 32 : index
        %swap3A_636 = tpu.vector_load %swap3A_633[%swap3A_634, %swap3A_635] {strides = array<i32>} : memref<80x128xf32, #tpu.memory_space<vmem>>, vector<1x16xf32>,
        %swap3A_637 = vector.shape_cast %swap3A_636 : vector<1x16xf32> to vector<16xf32>
        %swap3A_638 = vector.shape_cast %mul3A_629 : vector<16xf32> to vector<1x16xf32>
        tpu.vector_store %swap3A_633[%swap3A_634, %swap3A_635], %swap3A_638 {strides = array<i32>} : memref<80x128xf32, #tpu.memory_space<vmem>>, vector<1x16xf32>,
        %get3A_639 = arith.constant 0 : i32
        %get3A_640 = arith.constant 0 : i32
        %get3A_641 = tpu.memref_slice %arg8[%scan3A_533, %get3A_639, %get3A_640] : memref<2x80x128xf32, #tpu.memory_space<vmem>> -> memref<1x80x128xf32, #tpu.memory_space<vmem>>
        %get3A_642 = tpu.memref_squeeze %get3A_641 : memref<1x80x128xf32, #tpu.memory_space<vmem>> -> memref<80x128xf32, #tpu.memory_space<vmem>>
        %get3A_643 = arith.index_cast %add3A_560 : i32 to index
        %get3A_644 = arith.constant 48 : index
        %get3A_645 = tpu.vector_load %get3A_642[%get3A_643, %get3A_644] {strides = array<i32>} : memref<80x128xf32, #tpu.memory_space<vmem>>, vector<1x16xf32>,
        %get3A_646 = vector.shape_cast %get3A_645 : vector<1x16xf32> to vector<16xf32>
        %get3A_647 = arith.constant 0 : i32
        %get3A_648 = arith.constant 0 : i32
        %get3A_649 = tpu.memref_slice %arg9[%scan3A_534, %get3A_647, %get3A_648] : memref<2x80x128xf32, #tpu.memory_space<vmem>> -> memref<1x80x128xf32, #tpu.memory_space<vmem>>
        %get3A_650 = tpu.memref_squeeze %get3A_649 : memref<1x80x128xf32, #tpu.memory_space<vmem>> -> memref<80x128xf32, #tpu.memory_space<vmem>>
        %get3A_651 = arith.index_cast %add3A_560 : i32 to index
        %get3A_652 = arith.constant 48 : index
        %get3A_653 = tpu.vector_load %get3A_650[%get3A_651, %get3A_652] {strides = array<i32>} : memref<80x128xf32, #tpu.memory_space<vmem>>, vector<1x16xf32>,
        %get3A_654 = vector.shape_cast %get3A_653 : vector<1x16xf32> to vector<16xf32>
        %mul3A_655 = arith.mulf %get3A_646, %get3A_654 : vector<16xf32>
        %swap3A_656 = arith.constant 0 : i32
        %swap3A_657 = arith.constant 0 : i32
        %swap3A_658 = tpu.memref_slice %arg8[%scan3A_533, %swap3A_656, %swap3A_657] : memref<2x80x128xf32, #tpu.memory_space<vmem>> -> memref<1x80x128xf32, #tpu.memory_space<vmem>>
        %swap3A_659 = tpu.memref_squeeze %swap3A_658 : memref<1x80x128xf32, #tpu.memory_space<vmem>> -> memref<80x128xf32, #tpu.memory_space<vmem>>
        %swap3A_660 = arith.index_cast %add3A_560 : i32 to index
        %swap3A_661 = arith.constant 48 : index
        %swap3A_662 = tpu.vector_load %swap3A_659[%swap3A_660, %swap3A_661] {strides = array<i32>} : memref<80x128xf32, #tpu.memory_space<vmem>>, vector<1x16xf32>,
        %swap3A_663 = vector.shape_cast %swap3A_662 : vector<1x16xf32> to vector<16xf32>
        %swap3A_664 = vector.shape_cast %mul3A_655 : vector<16xf32> to vector<1x16xf32>
        tpu.vector_store %swap3A_659[%swap3A_660, %swap3A_661], %swap3A_664 {strides = array<i32>} : memref<80x128xf32, #tpu.memory_space<vmem>>, vector<1x16xf32>,
        %get3A_665 = arith.constant 0 : i32
        %get3A_666 = arith.constant 0 : i32
        %get3A_667 = tpu.memref_slice %arg8[%scan3A_533, %get3A_665, %get3A_666] : memref<2x80x128xf32, #tpu.memory_space<vmem>> -> memref<1x80x128xf32, #tpu.memory_space<vmem>>
        %get3A_668 = tpu.memref_squeeze %get3A_667 : memref<1x80x128xf32, #tpu.memory_space<vmem>> -> memref<80x128xf32, #tpu.memory_space<vmem>>
        %get3A_669 = arith.index_cast %add3A_560 : i32 to index
        %get3A_670 = arith.constant 64 : index
        %get3A_671 = tpu.vector_load %get3A_668[%get3A_669, %get3A_670] {strides = array<i32>} : memref<80x128xf32, #tpu.memory_space<vmem>>, vector<1x16xf32>,
        %get3A_672 = vector.shape_cast %get3A_671 : vector<1x16xf32> to vector<16xf32>
        %get3A_673 = arith.constant 0 : i32
        %get3A_674 = arith.constant 0 : i32
        %get3A_675 = tpu.memref_slice %arg9[%scan3A_534, %get3A_673, %get3A_674] : memref<2x80x128xf32, #tpu.memory_space<vmem>> -> memref<1x80x128xf32, #tpu.memory_space<vmem>>
        %get3A_676 = tpu.memref_squeeze %get3A_675 : memref<1x80x128xf32, #tpu.memory_space<vmem>> -> memref<80x128xf32, #tpu.memory_space<vmem>>
        %get3A_677 = arith.index_cast %add3A_560 : i32 to index
        %get3A_678 = arith.constant 64 : index
        %get3A_679 = tpu.vector_load %get3A_676[%get3A_677, %get3A_678] {strides = array<i32>} : memref<80x128xf32, #tpu.memory_space<vmem>>, vector<1x16xf32>,
        %get3A_680 = vector.shape_cast %get3A_679 : vector<1x16xf32> to vector<16xf32>
        %mul3A_681 = arith.mulf %get3A_672, %get3A_680 : vector<16xf32>
        %swap3A_682 = arith.constant 0 : i32
        %swap3A_683 = arith.constant 0 : i32
        %swap3A_684 = tpu.memref_slice %arg8[%scan3A_533, %swap3A_682, %swap3A_683] : memref<2x80x128xf32, #tpu.memory_space<vmem>> -> memref<1x80x128xf32, #tpu.memory_space<vmem>>
        %swap3A_685 = tpu.memref_squeeze %swap3A_684 : memref<1x80x128xf32, #tpu.memory_space<vmem>> -> memref<80x128xf32, #tpu.memory_space<vmem>>
        %swap3A_686 = arith.index_cast %add3A_560 : i32 to index
        %swap3A_687 = arith.constant 64 : index
        %swap3A_688 = tpu.vector_load %swap3A_685[%swap3A_686, %swap3A_687] {strides = array<i32>} : memref<80x128xf32, #tpu.memory_space<vmem>>, vector<1x16xf32>,
        %swap3A_689 = vector.shape_cast %swap3A_688 : vector<1x16xf32> to vector<16xf32>
        %swap3A_690 = vector.shape_cast %mul3A_681 : vector<16xf32> to vector<1x16xf32>
        tpu.vector_store %swap3A_685[%swap3A_686, %swap3A_687], %swap3A_690 {strides = array<i32>} : memref<80x128xf32, #tpu.memory_space<vmem>>, vector<1x16xf32>,
        %get3A_691 = arith.constant 0 : i32
        %get3A_692 = arith.constant 0 : i32
        %get3A_693 = tpu.memref_slice %arg8[%scan3A_533, %get3A_691, %get3A_692] : memref<2x80x128xf32, #tpu.memory_space<vmem>> -> memref<1x80x128xf32, #tpu.memory_space<vmem>>
        %get3A_694 = tpu.memref_squeeze %get3A_693 : memref<1x80x128xf32, #tpu.memory_space<vmem>> -> memref<80x128xf32, #tpu.memory_space<vmem>>
        %get3A_695 = arith.index_cast %add3A_560 : i32 to index
        %get3A_696 = arith.constant 80 : index
        %get3A_697 = tpu.vector_load %get3A_694[%get3A_695, %get3A_696] {strides = array<i32>} : memref<80x128xf32, #tpu.memory_space<vmem>>, vector<1x16xf32>,
        %get3A_698 = vector.shape_cast %get3A_697 : vector<1x16xf32> to vector<16xf32>
        %get3A_699 = arith.constant 0 : i32
        %get3A_700 = arith.constant 0 : i32
        %get3A_701 = tpu.memref_slice %arg9[%scan3A_534, %get3A_699, %get3A_700] : memref<2x80x128xf32, #tpu.memory_space<vmem>> -> memref<1x80x128xf32, #tpu.memory_space<vmem>>
        %get3A_702 = tpu.memref_squeeze %get3A_701 : memref<1x80x128xf32, #tpu.memory_space<vmem>> -> memref<80x128xf32, #tpu.memory_space<vmem>>
        %get3A_703 = arith.index_cast %add3A_560 : i32 to index
        %get3A_704 = arith.constant 80 : index
        %get3A_705 = tpu.vector_load %get3A_702[%get3A_703, %get3A_704] {strides = array<i32>} : memref<80x128xf32, #tpu.memory_space<vmem>>, vector<1x16xf32>,
        %get3A_706 = vector.shape_cast %get3A_705 : vector<1x16xf32> to vector<16xf32>
        %mul3A_707 = arith.mulf %get3A_698, %get3A_706 : vector<16xf32>
        %swap3A_708 = arith.constant 0 : i32
        %swap3A_709 = arith.constant 0 : i32
        %swap3A_710 = tpu.memref_slice %arg8[%scan3A_533, %swap3A_708, %swap3A_709] : memref<2x80x128xf32, #tpu.memory_space<vmem>> -> memref<1x80x128xf32, #tpu.memory_space<vmem>>
        %swap3A_711 = tpu.memref_squeeze %swap3A_710 : memref<1x80x128xf32, #tpu.memory_space<vmem>> -> memref<80x128xf32, #tpu.memory_space<vmem>>
        %swap3A_712 = arith.index_cast %add3A_560 : i32 to index
        %swap3A_713 = arith.constant 80 : index
        %swap3A_714 = tpu.vector_load %swap3A_711[%swap3A_712, %swap3A_713] {strides = array<i32>} : memref<80x128xf32, #tpu.memory_space<vmem>>, vector<1x16xf32>,
        %swap3A_715 = vector.shape_cast %swap3A_714 : vector<1x16xf32> to vector<16xf32>
        %swap3A_716 = vector.shape_cast %mul3A_707 : vector<16xf32> to vector<1x16xf32>
        tpu.vector_store %swap3A_711[%swap3A_712, %swap3A_713], %swap3A_716 {strides = array<i32>} : memref<80x128xf32, #tpu.memory_space<vmem>>, vector<1x16xf32>,
        %get3A_717 = arith.constant 0 : i32
        %get3A_718 = arith.constant 0 : i32
        %get3A_719 = tpu.memref_slice %arg8[%scan3A_533, %get3A_717, %get3A_718] : memref<2x80x128xf32, #tpu.memory_space<vmem>> -> memref<1x80x128xf32, #tpu.memory_space<vmem>>
        %get3A_720 = tpu.memref_squeeze %get3A_719 : memref<1x80x128xf32, #tpu.memory_space<vmem>> -> memref<80x128xf32, #tpu.memory_space<vmem>>
        %get3A_721 = arith.index_cast %add3A_560 : i32 to index
        %get3A_722 = arith.constant 96 : index
        %get3A_723 = tpu.vector_load %get3A_720[%get3A_721, %get3A_722] {strides = array<i32>} : memref<80x128xf32, #tpu.memory_space<vmem>>, vector<1x16xf32>,
        %get3A_724 = vector.shape_cast %get3A_723 : vector<1x16xf32> to vector<16xf32>
        %get3A_725 = arith.constant 0 : i32
        %get3A_726 = arith.constant 0 : i32
        %get3A_727 = tpu.memref_slice %arg9[%scan3A_534, %get3A_725, %get3A_726] : memref<2x80x128xf32, #tpu.memory_space<vmem>> -> memref<1x80x128xf32, #tpu.memory_space<vmem>>
        %get3A_728 = tpu.memref_squeeze %get3A_727 : memref<1x80x128xf32, #tpu.memory_space<vmem>> -> memref<80x128xf32, #tpu.memory_space<vmem>>
        %get3A_729 = arith.index_cast %add3A_560 : i32 to index
        %get3A_730 = arith.constant 96 : index
        %get3A_731 = tpu.vector_load %get3A_728[%get3A_729, %get3A_730] {strides = array<i32>} : memref<80x128xf32, #tpu.memory_space<vmem>>, vector<1x16xf32>,
        %get3A_732 = vector.shape_cast %get3A_731 : vector<1x16xf32> to vector<16xf32>
        %mul3A_733 = arith.mulf %get3A_724, %get3A_732 : vector<16xf32>
        %swap3A_734 = arith.constant 0 : i32
        %swap3A_735 = arith.constant 0 : i32
        %swap3A_736 = tpu.memref_slice %arg8[%scan3A_533, %swap3A_734, %swap3A_735] : memref<2x80x128xf32, #tpu.memory_space<vmem>> -> memref<1x80x128xf32, #tpu.memory_space<vmem>>
        %swap3A_737 = tpu.memref_squeeze %swap3A_736 : memref<1x80x128xf32, #tpu.memory_space<vmem>> -> memref<80x128xf32, #tpu.memory_space<vmem>>
        %swap3A_738 = arith.index_cast %add3A_560 : i32 to index
        %swap3A_739 = arith.constant 96 : index
        %swap3A_740 = tpu.vector_load %swap3A_737[%swap3A_738, %swap3A_739] {strides = array<i32>} : memref<80x128xf32, #tpu.memory_space<vmem>>, vector<1x16xf32>,
        %swap3A_741 = vector.shape_cast %swap3A_740 : vector<1x16xf32> to vector<16xf32>
        %swap3A_742 = vector.shape_cast %mul3A_733 : vector<16xf32> to vector<1x16xf32>
        tpu.vector_store %swap3A_737[%swap3A_738, %swap3A_739], %swap3A_742 {strides = array<i32>} : memref<80x128xf32, #tpu.memory_space<vmem>>, vector<1x16xf32>,
        %get3A_743 = arith.constant 0 : i32
        %get3A_744 = arith.constant 0 : i32
        %get3A_745 = tpu.memref_slice %arg8[%scan3A_533, %get3A_743, %get3A_744] : memref<2x80x128xf32, #tpu.memory_space<vmem>> -> memref<1x80x128xf32, #tpu.memory_space<vmem>>
        %get3A_746 = tpu.memref_squeeze %get3A_745 : memref<1x80x128xf32, #tpu.memory_space<vmem>> -> memref<80x128xf32, #tpu.memory_space<vmem>>
        %get3A_747 = arith.index_cast %add3A_560 : i32 to index
        %get3A_748 = arith.constant 112 : index
        %get3A_749 = tpu.vector_load %get3A_746[%get3A_747, %get3A_748] {strides = array<i32>} : memref<80x128xf32, #tpu.memory_space<vmem>>, vector<1x16xf32>,
        %get3A_750 = vector.shape_cast %get3A_749 : vector<1x16xf32> to vector<16xf32>
        %get3A_751 = arith.constant 0 : i32
        %get3A_752 = arith.constant 0 : i32
        %get3A_753 = tpu.memref_slice %arg9[%scan3A_534, %get3A_751, %get3A_752] : memref<2x80x128xf32, #tpu.memory_space<vmem>> -> memref<1x80x128xf32, #tpu.memory_space<vmem>>
        %get3A_754 = tpu.memref_squeeze %get3A_753 : memref<1x80x128xf32, #tpu.memory_space<vmem>> -> memref<80x128xf32, #tpu.memory_space<vmem>>
        %get3A_755 = arith.index_cast %add3A_560 : i32 to index
        %get3A_756 = arith.constant 112 : index
        %get3A_757 = tpu.vector_load %get3A_754[%get3A_755, %get3A_756] {strides = array<i32>} : memref<80x128xf32, #tpu.memory_space<vmem>>, vector<1x16xf32>,
        %get3A_758 = vector.shape_cast %get3A_757 : vector<1x16xf32> to vector<16xf32>
        %mul3A_759 = arith.mulf %get3A_750, %get3A_758 : vector<16xf32>
        %swap3A_760 = arith.constant 0 : i32
        %swap3A_761 = arith.constant 0 : i32
        %swap3A_762 = tpu.memref_slice %arg8[%scan3A_533, %swap3A_760, %swap3A_761] : memref<2x80x128xf32, #tpu.memory_space<vmem>> -> memref<1x80x128xf32, #tpu.memory_space<vmem>>
        %swap3A_763 = tpu.memref_squeeze %swap3A_762 : memref<1x80x128xf32, #tpu.memory_space<vmem>> -> memref<80x128xf32, #tpu.memory_space<vmem>>
        %swap3A_764 = arith.index_cast %add3A_560 : i32 to index
        %swap3A_765 = arith.constant 112 : index
        %swap3A_766 = tpu.vector_load %swap3A_763[%swap3A_764, %swap3A_765] {strides = array<i32>} : memref<80x128xf32, #tpu.memory_space<vmem>>, vector<1x16xf32>,
        %swap3A_767 = vector.shape_cast %swap3A_766 : vector<1x16xf32> to vector<16xf32>
        %swap3A_768 = vector.shape_cast %mul3A_759 : vector<16xf32> to vector<1x16xf32>
        tpu.vector_store %swap3A_763[%swap3A_764, %swap3A_765], %swap3A_768 {strides = array<i32>} : memref<80x128xf32, #tpu.memory_space<vmem>>, vector<1x16xf32>,
        %mul3A_769 = arith.constant 4 : i32
        %mul3A_770 = arith.muli %mul3A_769, %scan3A_555 : i32
        %add3A_771 = arith.constant 1 : i32
        %add3A_772 = arith.addi %mul3A_770, %add3A_771 : i32
        %get3A_773 = arith.constant 0 : i32
        %get3A_774 = arith.constant 0 : i32
        %get3A_775 = tpu.memref_slice %arg8[%scan3A_533, %get3A_773, %get3A_774] : memref<2x80x128xf32, #tpu.memory_space<vmem>> -> memref<1x80x128xf32, #tpu.memory_space<vmem>>
        %get3A_776 = tpu.memref_squeeze %get3A_775 : memref<1x80x128xf32, #tpu.memory_space<vmem>> -> memref<80x128xf32, #tpu.memory_space<vmem>>
        %get3A_777 = arith.index_cast %add3A_772 : i32 to index
        %get3A_778 = arith.constant 0 : index
        %get3A_779 = tpu.vector_load %get3A_776[%get3A_777, %get3A_778] {strides = array<i32>} : memref<80x128xf32, #tpu.memory_space<vmem>>, vector<1x16xf32>,
        %get3A_780 = vector.shape_cast %get3A_779 : vector<1x16xf32> to vector<16xf32>
        %get3A_781 = arith.constant 0 : i32
        %get3A_782 = arith.constant 0 : i32
        %get3A_783 = tpu.memref_slice %arg9[%scan3A_534, %get3A_781, %get3A_782] : memref<2x80x128xf32, #tpu.memory_space<vmem>> -> memref<1x80x128xf32, #tpu.memory_space<vmem>>
        %get3A_784 = tpu.memref_squeeze %get3A_783 : memref<1x80x128xf32, #tpu.memory_space<vmem>> -> memref<80x128xf32, #tpu.memory_space<vmem>>
        %get3A_785 = arith.index_cast %add3A_772 : i32 to index
        %get3A_786 = arith.constant 0 : index
        %get3A_787 = tpu.vector_load %get3A_784[%get3A_785, %get3A_786] {strides = array<i32>} : memref<80x128xf32, #tpu.memory_space<vmem>>, vector<1x16xf32>,
        %get3A_788 = vector.shape_cast %get3A_787 : vector<1x16xf32> to vector<16xf32>
        %mul3A_789 = arith.mulf %get3A_780, %get3A_788 : vector<16xf32>
        %swap3A_790 = arith.constant 0 : i32
        %swap3A_791 = arith.constant 0 : i32
        %swap3A_792 = tpu.memref_slice %arg8[%scan3A_533, %swap3A_790, %swap3A_791] : memref<2x80x128xf32, #tpu.memory_space<vmem>> -> memref<1x80x128xf32, #tpu.memory_space<vmem>>
        %swap3A_793 = tpu.memref_squeeze %swap3A_792 : memref<1x80x128xf32, #tpu.memory_space<vmem>> -> memref<80x128xf32, #tpu.memory_space<vmem>>
        %swap3A_794 = arith.index_cast %add3A_772 : i32 to index
        %swap3A_795 = arith.constant 0 : index
        %swap3A_796 = tpu.vector_load %swap3A_793[%swap3A_794, %swap3A_795] {strides = array<i32>} : memref<80x128xf32, #tpu.memory_space<vmem>>, vector<1x16xf32>,
        %swap3A_797 = vector.shape_cast %swap3A_796 : vector<1x16xf32> to vector<16xf32>
        %swap3A_798 = vector.shape_cast %mul3A_789 : vector<16xf32> to vector<1x16xf32>
        tpu.vector_store %swap3A_793[%swap3A_794, %swap3A_795], %swap3A_798 {strides = array<i32>} : memref<80x128xf32, #tpu.memory_space<vmem>>, vector<1x16xf32>,
        %get3A_799 = arith.constant 0 : i32
        %get3A_800 = arith.constant 0 : i32
        %get3A_801 = tpu.memref_slice %arg8[%scan3A_533, %get3A_799, %get3A_800] : memref<2x80x128xf32, #tpu.memory_space<vmem>> -> memref<1x80x128xf32, #tpu.memory_space<vmem>>
        %get3A_802 = tpu.memref_squeeze %get3A_801 : memref<1x80x128xf32, #tpu.memory_space<vmem>> -> memref<80x128xf32, #tpu.memory_space<vmem>>
        %get3A_803 = arith.index_cast %add3A_772 : i32 to index
        %get3A_804 = arith.constant 16 : index
        %get3A_805 = tpu.vector_load %get3A_802[%get3A_803, %get3A_804] {strides = array<i32>} : memref<80x128xf32, #tpu.memory_space<vmem>>, vector<1x16xf32>,
        %get3A_806 = vector.shape_cast %get3A_805 : vector<1x16xf32> to vector<16xf32>
        %get3A_807 = arith.constant 0 : i32
        %get3A_808 = arith.constant 0 : i32
        %get3A_809 = tpu.memref_slice %arg9[%scan3A_534, %get3A_807, %get3A_808] : memref<2x80x128xf32, #tpu.memory_space<vmem>> -> memref<1x80x128xf32, #tpu.memory_space<vmem>>
        %get3A_810 = tpu.memref_squeeze %get3A_809 : memref<1x80x128xf32, #tpu.memory_space<vmem>> -> memref<80x128xf32, #tpu.memory_space<vmem>>
        %get3A_811 = arith.index_cast %add3A_772 : i32 to index
        %get3A_812 = arith.constant 16 : index
        %get3A_813 = tpu.vector_load %get3A_810[%get3A_811, %get3A_812] {strides = array<i32>} : memref<80x128xf32, #tpu.memory_space<vmem>>, vector<1x16xf32>,
        %get3A_814 = vector.shape_cast %get3A_813 : vector<1x16xf32> to vector<16xf32>
        %mul3A_815 = arith.mulf %get3A_806, %get3A_814 : vector<16xf32>
        %swap3A_816 = arith.constant 0 : i32
        %swap3A_817 = arith.constant 0 : i32
        %swap3A_818 = tpu.memref_slice %arg8[%scan3A_533, %swap3A_816, %swap3A_817] : memref<2x80x128xf32, #tpu.memory_space<vmem>> -> memref<1x80x128xf32, #tpu.memory_space<vmem>>
        %swap3A_819 = tpu.memref_squeeze %swap3A_818 : memref<1x80x128xf32, #tpu.memory_space<vmem>> -> memref<80x128xf32, #tpu.memory_space<vmem>>
        %swap3A_820 = arith.index_cast %add3A_772 : i32 to index
        %swap3A_821 = arith.constant 16 : index
        %swap3A_822 = tpu.vector_load %swap3A_819[%swap3A_820, %swap3A_821] {strides = array<i32>} : memref<80x128xf32, #tpu.memory_space<vmem>>, vector<1x16xf32>,
        %swap3A_823 = vector.shape_cast %swap3A_822 : vector<1x16xf32> to vector<16xf32>
        %swap3A_824 = vector.shape_cast %mul3A_815 : vector<16xf32> to vector<1x16xf32>
        tpu.vector_store %swap3A_819[%swap3A_820, %swap3A_821], %swap3A_824 {strides = array<i32>} : memref<80x128xf32, #tpu.memory_space<vmem>>, vector<1x16xf32>,
        %get3A_825 = arith.constant 0 : i32
        %get3A_826 = arith.constant 0 : i32
        %get3A_827 = tpu.memref_slice %arg8[%scan3A_533, %get3A_825, %get3A_826] : memref<2x80x128xf32, #tpu.memory_space<vmem>> -> memref<1x80x128xf32, #tpu.memory_space<vmem>>
        %get3A_828 = tpu.memref_squeeze %get3A_827 : memref<1x80x128xf32, #tpu.memory_space<vmem>> -> memref<80x128xf32, #tpu.memory_space<vmem>>
        %get3A_829 = arith.index_cast %add3A_772 : i32 to index
        %get3A_830 = arith.constant 32 : index
        %get3A_831 = tpu.vector_load %get3A_828[%get3A_829, %get3A_830] {strides = array<i32>} : memref<80x128xf32, #tpu.memory_space<vmem>>, vector<1x16xf32>,
        %get3A_832 = vector.shape_cast %get3A_831 : vector<1x16xf32> to vector<16xf32>
        %get3A_833 = arith.constant 0 : i32
        %get3A_834 = arith.constant 0 : i32
        %get3A_835 = tpu.memref_slice %arg9[%scan3A_534, %get3A_833, %get3A_834] : memref<2x80x128xf32, #tpu.memory_space<vmem>> -> memref<1x80x128xf32, #tpu.memory_space<vmem>>
        %get3A_836 = tpu.memref_squeeze %get3A_835 : memref<1x80x128xf32, #tpu.memory_space<vmem>> -> memref<80x128xf32, #tpu.memory_space<vmem>>
        %get3A_837 = arith.index_cast %add3A_772 : i32 to index
        %get3A_838 = arith.constant 32 : index
        %get3A_839 = tpu.vector_load %get3A_836[%get3A_837, %get3A_838] {strides = array<i32>} : memref<80x128xf32, #tpu.memory_space<vmem>>, vector<1x16xf32>,
        %get3A_840 = vector.shape_cast %get3A_839 : vector<1x16xf32> to vector<16xf32>
        %mul3A_841 = arith.mulf %get3A_832, %get3A_840 : vector<16xf32>
        %swap3A_842 = arith.constant 0 : i32
        %swap3A_843 = arith.constant 0 : i32
        %swap3A_844 = tpu.memref_slice %arg8[%scan3A_533, %swap3A_842, %swap3A_843] : memref<2x80x128xf32, #tpu.memory_space<vmem>> -> memref<1x80x128xf32, #tpu.memory_space<vmem>>
        %swap3A_845 = tpu.memref_squeeze %swap3A_844 : memref<1x80x128xf32, #tpu.memory_space<vmem>> -> memref<80x128xf32, #tpu.memory_space<vmem>>
        %swap3A_846 = arith.index_cast %add3A_772 : i32 to index
        %swap3A_847 = arith.constant 32 : index
        %swap3A_848 = tpu.vector_load %swap3A_845[%swap3A_846, %swap3A_847] {strides = array<i32>} : memref<80x128xf32, #tpu.memory_space<vmem>>, vector<1x16xf32>,
        %swap3A_849 = vector.shape_cast %swap3A_848 : vector<1x16xf32> to vector<16xf32>
        %swap3A_850 = vector.shape_cast %mul3A_841 : vector<16xf32> to vector<1x16xf32>
        tpu.vector_store %swap3A_845[%swap3A_846, %swap3A_847], %swap3A_850 {strides = array<i32>} : memref<80x128xf32, #tpu.memory_space<vmem>>, vector<1x16xf32>,
        %get3A_851 = arith.constant 0 : i32
        %get3A_852 = arith.constant 0 : i32
        %get3A_853 = tpu.memref_slice %arg8[%scan3A_533, %get3A_851, %get3A_852] : memref<2x80x128xf32, #tpu.memory_space<vmem>> -> memref<1x80x128xf32, #tpu.memory_space<vmem>>
        %get3A_854 = tpu.memref_squeeze %get3A_853 : memref<1x80x128xf32, #tpu.memory_space<vmem>> -> memref<80x128xf32, #tpu.memory_space<vmem>>
        %get3A_855 = arith.index_cast %add3A_772 : i32 to index
        %get3A_856 = arith.constant 48 : index
        %get3A_857 = tpu.vector_load %get3A_854[%get3A_855, %get3A_856] {strides = array<i32>} : memref<80x128xf32, #tpu.memory_space<vmem>>, vector<1x16xf32>,
        %get3A_858 = vector.shape_cast %get3A_857 : vector<1x16xf32> to vector<16xf32>
        %get3A_859 = arith.constant 0 : i32
        %get3A_860 = arith.constant 0 : i32
        %get3A_861 = tpu.memref_slice %arg9[%scan3A_534, %get3A_859, %get3A_860] : memref<2x80x128xf32, #tpu.memory_space<vmem>> -> memref<1x80x128xf32, #tpu.memory_space<vmem>>
        %get3A_862 = tpu.memref_squeeze %get3A_861 : memref<1x80x128xf32, #tpu.memory_space<vmem>> -> memref<80x128xf32, #tpu.memory_space<vmem>>
        %get3A_863 = arith.index_cast %add3A_772 : i32 to index
        %get3A_864 = arith.constant 48 : index
        %get3A_865 = tpu.vector_load %get3A_862[%get3A_863, %get3A_864] {strides = array<i32>} : memref<80x128xf32, #tpu.memory_space<vmem>>, vector<1x16xf32>,
        %get3A_866 = vector.shape_cast %get3A_865 : vector<1x16xf32> to vector<16xf32>
        %mul3A_867 = arith.mulf %get3A_858, %get3A_866 : vector<16xf32>
        %swap3A_868 = arith.constant 0 : i32
        %swap3A_869 = arith.constant 0 : i32
        %swap3A_870 = tpu.memref_slice %arg8[%scan3A_533, %swap3A_868, %swap3A_869] : memref<2x80x128xf32, #tpu.memory_space<vmem>> -> memref<1x80x128xf32, #tpu.memory_space<vmem>>
        %swap3A_871 = tpu.memref_squeeze %swap3A_870 : memref<1x80x128xf32, #tpu.memory_space<vmem>> -> memref<80x128xf32, #tpu.memory_space<vmem>>
        %swap3A_872 = arith.index_cast %add3A_772 : i32 to index
        %swap3A_873 = arith.constant 48 : index
        %swap3A_874 = tpu.vector_load %swap3A_871[%swap3A_872, %swap3A_873] {strides = array<i32>} : memref<80x128xf32, #tpu.memory_space<vmem>>, vector<1x16xf32>,
        %swap3A_875 = vector.shape_cast %swap3A_874 : vector<1x16xf32> to vector<16xf32>
        %swap3A_876 = vector.shape_cast %mul3A_867 : vector<16xf32> to vector<1x16xf32>
        tpu.vector_store %swap3A_871[%swap3A_872, %swap3A_873], %swap3A_876 {strides = array<i32>} : memref<80x128xf32, #tpu.memory_space<vmem>>, vector<1x16xf32>,
        %get3A_877 = arith.constant 0 : i32
        %get3A_878 = arith.constant 0 : i32
        %get3A_879 = tpu.memref_slice %arg8[%scan3A_533, %get3A_877, %get3A_878] : memref<2x80x128xf32, #tpu.memory_space<vmem>> -> memref<1x80x128xf32, #tpu.memory_space<vmem>>
        %get3A_880 = tpu.memref_squeeze %get3A_879 : memref<1x80x128xf32, #tpu.memory_space<vmem>> -> memref<80x128xf32, #tpu.memory_space<vmem>>
        %get3A_881 = arith.index_cast %add3A_772 : i32 to index
        %get3A_882 = arith.constant 64 : index
        %get3A_883 = tpu.vector_load %get3A_880[%get3A_881, %get3A_882] {strides = array<i32>} : memref<80x128xf32, #tpu.memory_space<vmem>>, vector<1x16xf32>,
        %get3A_884 = vector.shape_cast %get3A_883 : vector<1x16xf32> to vector<16xf32>
        %get3A_885 = arith.constant 0 : i32
        %get3A_886 = arith.constant 0 : i32
        %get3A_887 = tpu.memref_slice %arg9[%scan3A_534, %get3A_885, %get3A_886] : memref<2x80x128xf32, #tpu.memory_space<vmem>> -> memref<1x80x128xf32, #tpu.memory_space<vmem>>
        %get3A_888 = tpu.memref_squeeze %get3A_887 : memref<1x80x128xf32, #tpu.memory_space<vmem>> -> memref<80x128xf32, #tpu.memory_space<vmem>>
        %get3A_889 = arith.index_cast %add3A_772 : i32 to index
        %get3A_890 = arith.constant 64 : index
        %get3A_891 = tpu.vector_load %get3A_888[%get3A_889, %get3A_890] {strides = array<i32>} : memref<80x128xf32, #tpu.memory_space<vmem>>, vector<1x16xf32>,
        %get3A_892 = vector.shape_cast %get3A_891 : vector<1x16xf32> to vector<16xf32>
        %mul3A_893 = arith.mulf %get3A_884, %get3A_892 : vector<16xf32>
        %swap3A_894 = arith.constant 0 : i32
        %swap3A_895 = arith.constant 0 : i32
        %swap3A_896 = tpu.memref_slice %arg8[%scan3A_533, %swap3A_894, %swap3A_895] : memref<2x80x128xf32, #tpu.memory_space<vmem>> -> memref<1x80x128xf32, #tpu.memory_space<vmem>>
        %swap3A_897 = tpu.memref_squeeze %swap3A_896 : memref<1x80x128xf32, #tpu.memory_space<vmem>> -> memref<80x128xf32, #tpu.memory_space<vmem>>
        %swap3A_898 = arith.index_cast %add3A_772 : i32 to index
        %swap3A_899 = arith.constant 64 : index
        %swap3A_900 = tpu.vector_load %swap3A_897[%swap3A_898, %swap3A_899] {strides = array<i32>} : memref<80x128xf32, #tpu.memory_space<vmem>>, vector<1x16xf32>,
        %swap3A_901 = vector.shape_cast %swap3A_900 : vector<1x16xf32> to vector<16xf32>
        %swap3A_902 = vector.shape_cast %mul3A_893 : vector<16xf32> to vector<1x16xf32>
        tpu.vector_store %swap3A_897[%swap3A_898, %swap3A_899], %swap3A_902 {strides = array<i32>} : memref<80x128xf32, #tpu.memory_space<vmem>>, vector<1x16xf32>,
        %get3A_903 = arith.constant 0 : i32
        %get3A_904 = arith.constant 0 : i32
        %get3A_905 = tpu.memref_slice %arg8[%scan3A_533, %get3A_903, %get3A_904] : memref<2x80x128xf32, #tpu.memory_space<vmem>> -> memref<1x80x128xf32, #tpu.memory_space<vmem>>
        %get3A_906 = tpu.memref_squeeze %get3A_905 : memref<1x80x128xf32, #tpu.memory_space<vmem>> -> memref<80x128xf32, #tpu.memory_space<vmem>>
        %get3A_907 = arith.index_cast %add3A_772 : i32 to index
        %get3A_908 = arith.constant 80 : index
        %get3A_909 = tpu.vector_load %get3A_906[%get3A_907, %get3A_908] {strides = array<i32>} : memref<80x128xf32, #tpu.memory_space<vmem>>, vector<1x16xf32>,
        %get3A_910 = vector.shape_cast %get3A_909 : vector<1x16xf32> to vector<16xf32>
        %get3A_911 = arith.constant 0 : i32
        %get3A_912 = arith.constant 0 : i32
        %get3A_913 = tpu.memref_slice %arg9[%scan3A_534, %get3A_911, %get3A_912] : memref<2x80x128xf32, #tpu.memory_space<vmem>> -> memref<1x80x128xf32, #tpu.memory_space<vmem>>
        %get3A_914 = tpu.memref_squeeze %get3A_913 : memref<1x80x128xf32, #tpu.memory_space<vmem>> -> memref<80x128xf32, #tpu.memory_space<vmem>>
        %get3A_915 = arith.index_cast %add3A_772 : i32 to index
        %get3A_916 = arith.constant 80 : index
        %get3A_917 = tpu.vector_load %get3A_914[%get3A_915, %get3A_916] {strides = array<i32>} : memref<80x128xf32, #tpu.memory_space<vmem>>, vector<1x16xf32>,
        %get3A_918 = vector.shape_cast %get3A_917 : vector<1x16xf32> to vector<16xf32>
        %mul3A_919 = arith.mulf %get3A_910, %get3A_918 : vector<16xf32>
        %swap3A_920 = arith.constant 0 : i32
        %swap3A_921 = arith.constant 0 : i32
        %swap3A_922 = tpu.memref_slice %arg8[%scan3A_533, %swap3A_920, %swap3A_921] : memref<2x80x128xf32, #tpu.memory_space<vmem>> -> memref<1x80x128xf32, #tpu.memory_space<vmem>>
        %swap3A_923 = tpu.memref_squeeze %swap3A_922 : memref<1x80x128xf32, #tpu.memory_space<vmem>> -> memref<80x128xf32, #tpu.memory_space<vmem>>
        %swap3A_924 = arith.index_cast %add3A_772 : i32 to index
        %swap3A_925 = arith.constant 80 : index
        %swap3A_926 = tpu.vector_load %swap3A_923[%swap3A_924, %swap3A_925] {strides = array<i32>} : memref<80x128xf32, #tpu.memory_space<vmem>>, vector<1x16xf32>,
        %swap3A_927 = vector.shape_cast %swap3A_926 : vector<1x16xf32> to vector<16xf32>
        %swap3A_928 = vector.shape_cast %mul3A_919 : vector<16xf32> to vector<1x16xf32>
        tpu.vector_store %swap3A_923[%swap3A_924, %swap3A_925], %swap3A_928 {strides = array<i32>} : memref<80x128xf32, #tpu.memory_space<vmem>>, vector<1x16xf32>,
        %get3A_929 = arith.constant 0 : i32
        %get3A_930 = arith.constant 0 : i32
        %get3A_931 = tpu.memref_slice %arg8[%scan3A_533, %get3A_929, %get3A_930] : memref<2x80x128xf32, #tpu.memory_space<vmem>> -> memref<1x80x128xf32, #tpu.memory_space<vmem>>
        %get3A_932 = tpu.memref_squeeze %get3A_931 : memref<1x80x128xf32, #tpu.memory_space<vmem>> -> memref<80x128xf32, #tpu.memory_space<vmem>>
        %get3A_933 = arith.index_cast %add3A_772 : i32 to index
        %get3A_934 = arith.constant 96 : index
        %get3A_935 = tpu.vector_load %get3A_932[%get3A_933, %get3A_934] {strides = array<i32>} : memref<80x128xf32, #tpu.memory_space<vmem>>, vector<1x16xf32>,
        %get3A_936 = vector.shape_cast %get3A_935 : vector<1x16xf32> to vector<16xf32>
        %get3A_937 = arith.constant 0 : i32
        %get3A_938 = arith.constant 0 : i32
        %get3A_939 = tpu.memref_slice %arg9[%scan3A_534, %get3A_937, %get3A_938] : memref<2x80x128xf32, #tpu.memory_space<vmem>> -> memref<1x80x128xf32, #tpu.memory_space<vmem>>
        %get3A_940 = tpu.memref_squeeze %get3A_939 : memref<1x80x128xf32, #tpu.memory_space<vmem>> -> memref<80x128xf32, #tpu.memory_space<vmem>>
        %get3A_941 = arith.index_cast %add3A_772 : i32 to index
        %get3A_942 = arith.constant 96 : index
        %get3A_943 = tpu.vector_load %get3A_940[%get3A_941, %get3A_942] {strides = array<i32>} : memref<80x128xf32, #tpu.memory_space<vmem>>, vector<1x16xf32>,
        %get3A_944 = vector.shape_cast %get3A_943 : vector<1x16xf32> to vector<16xf32>
        %mul3A_945 = arith.mulf %get3A_936, %get3A_944 : vector<16xf32>
        %swap3A_946 = arith.constant 0 : i32
        %swap3A_947 = arith.constant 0 : i32
        %swap3A_948 = tpu.memref_slice %arg8[%scan3A_533, %swap3A_946, %swap3A_947] : memref<2x80x128xf32, #tpu.memory_space<vmem>> -> memref<1x80x128xf32, #tpu.memory_space<vmem>>
        %swap3A_949 = tpu.memref_squeeze %swap3A_948 : memref<1x80x128xf32, #tpu.memory_space<vmem>> -> memref<80x128xf32, #tpu.memory_space<vmem>>
        %swap3A_950 = arith.index_cast %add3A_772 : i32 to index
        %swap3A_951 = arith.constant 96 : index
        %swap3A_952 = tpu.vector_load %swap3A_949[%swap3A_950, %swap3A_951] {strides = array<i32>} : memref<80x128xf32, #tpu.memory_space<vmem>>, vector<1x16xf32>,
        %swap3A_953 = vector.shape_cast %swap3A_952 : vector<1x16xf32> to vector<16xf32>
        %swap3A_954 = vector.shape_cast %mul3A_945 : vector<16xf32> to vector<1x16xf32>
        tpu.vector_store %swap3A_949[%swap3A_950, %swap3A_951], %swap3A_954 {strides = array<i32>} : memref<80x128xf32, #tpu.memory_space<vmem>>, vector<1x16xf32>,
        %get3A_955 = arith.constant 0 : i32
        %get3A_956 = arith.constant 0 : i32
        %get3A_957 = tpu.memref_slice %arg8[%scan3A_533, %get3A_955, %get3A_956] : memref<2x80x128xf32, #tpu.memory_space<vmem>> -> memref<1x80x128xf32, #tpu.memory_space<vmem>>
        %get3A_958 = tpu.memref_squeeze %get3A_957 : memref<1x80x128xf32, #tpu.memory_space<vmem>> -> memref<80x128xf32, #tpu.memory_space<vmem>>
        %get3A_959 = arith.index_cast %add3A_772 : i32 to index
        %get3A_960 = arith.constant 112 : index
        %get3A_961 = tpu.vector_load %get3A_958[%get3A_959, %get3A_960] {strides = array<i32>} : memref<80x128xf32, #tpu.memory_space<vmem>>, vector<1x16xf32>,
        %get3A_962 = vector.shape_cast %get3A_961 : vector<1x16xf32> to vector<16xf32>
        %get3A_963 = arith.constant 0 : i32
        %get3A_964 = arith.constant 0 : i32
        %get3A_965 = tpu.memref_slice %arg9[%scan3A_534, %get3A_963, %get3A_964] : memref<2x80x128xf32, #tpu.memory_space<vmem>> -> memref<1x80x128xf32, #tpu.memory_space<vmem>>
        %get3A_966 = tpu.memref_squeeze %get3A_965 : memref<1x80x128xf32, #tpu.memory_space<vmem>> -> memref<80x128xf32, #tpu.memory_space<vmem>>
        %get3A_967 = arith.index_cast %add3A_772 : i32 to index
        %get3A_968 = arith.constant 112 : index
        %get3A_969 = tpu.vector_load %get3A_966[%get3A_967, %get3A_968] {strides = array<i32>} : memref<80x128xf32, #tpu.memory_space<vmem>>, vector<1x16xf32>,
        %get3A_970 = vector.shape_cast %get3A_969 : vector<1x16xf32> to vector<16xf32>
        %mul3A_971 = arith.mulf %get3A_962, %get3A_970 : vector<16xf32>
        %swap3A_972 = arith.constant 0 : i32
        %swap3A_973 = arith.constant 0 : i32
        %swap3A_974 = tpu.memref_slice %arg8[%scan3A_533, %swap3A_972, %swap3A_973] : memref<2x80x128xf32, #tpu.memory_space<vmem>> -> memref<1x80x128xf32, #tpu.memory_space<vmem>>
        %swap3A_975 = tpu.memref_squeeze %swap3A_974 : memref<1x80x128xf32, #tpu.memory_space<vmem>> -> memref<80x128xf32, #tpu.memory_space<vmem>>
        %swap3A_976 = arith.index_cast %add3A_772 : i32 to index
        %swap3A_977 = arith.constant 112 : index
        %swap3A_978 = tpu.vector_load %swap3A_975[%swap3A_976, %swap3A_977] {strides = array<i32>} : memref<80x128xf32, #tpu.memory_space<vmem>>, vector<1x16xf32>,
        %swap3A_979 = vector.shape_cast %swap3A_978 : vector<1x16xf32> to vector<16xf32>
        %swap3A_980 = vector.shape_cast %mul3A_971 : vector<16xf32> to vector<1x16xf32>
        tpu.vector_store %swap3A_975[%swap3A_976, %swap3A_977], %swap3A_980 {strides = array<i32>} : memref<80x128xf32, #tpu.memory_space<vmem>>, vector<1x16xf32>,
        %mul3A_981 = arith.constant 4 : i32
        %mul3A_982 = arith.muli %mul3A_981, %scan3A_555 : i32
        %add3A_983 = arith.constant 2 : i32
        %add3A_984 = arith.addi %mul3A_982, %add3A_983 : i32
        %get3A_985 = arith.constant 0 : i32
        %get3A_986 = arith.constant 0 : i32
        %get3A_987 = tpu.memref_slice %arg8[%scan3A_533, %get3A_985, %get3A_986] : memref<2x80x128xf32, #tpu.memory_space<vmem>> -> memref<1x80x128xf32, #tpu.memory_space<vmem>>
        %get3A_988 = tpu.memref_squeeze %get3A_987 : memref<1x80x128xf32, #tpu.memory_space<vmem>> -> memref<80x128xf32, #tpu.memory_space<vmem>>
        %get3A_989 = arith.index_cast %add3A_984 : i32 to index
        %get3A_990 = arith.constant 0 : index
        %get3A_991 = tpu.vector_load %get3A_988[%get3A_989, %get3A_990] {strides = array<i32>} : memref<80x128xf32, #tpu.memory_space<vmem>>, vector<1x16xf32>,
        %get3A_992 = vector.shape_cast %get3A_991 : vector<1x16xf32> to vector<16xf32>
        %get3A_993 = arith.constant 0 : i32
        %get3A_994 = arith.constant 0 : i32
        %get3A_995 = tpu.memref_slice %arg9[%scan3A_534, %get3A_993, %get3A_994] : memref<2x80x128xf32, #tpu.memory_space<vmem>> -> memref<1x80x128xf32, #tpu.memory_space<vmem>>
        %get3A_996 = tpu.memref_squeeze %get3A_995 : memref<1x80x128xf32, #tpu.memory_space<vmem>> -> memref<80x128xf32, #tpu.memory_space<vmem>>
        %get3A_997 = arith.index_cast %add3A_984 : i32 to index
        %get3A_998 = arith.constant 0 : index
        %get3A_999 = tpu.vector_load %get3A_996[%get3A_997, %get3A_998] {strides = array<i32>} : memref<80x128xf32, #tpu.memory_space<vmem>>, vector<1x16xf32>,
        %get3A_1000 = vector.shape_cast %get3A_999 : vector<1x16xf32> to vector<16xf32>
        %mul3A_1001 = arith.mulf %get3A_992, %get3A_1000 : vector<16xf32>
        %swap3A_1002 = arith.constant 0 : i32
        %swap3A_1003 = arith.constant 0 : i32
        %swap3A_1004 = tpu.memref_slice %arg8[%scan3A_533, %swap3A_1002, %swap3A_1003] : memref<2x80x128xf32, #tpu.memory_space<vmem>> -> memref<1x80x128xf32, #tpu.memory_space<vmem>>
        %swap3A_1005 = tpu.memref_squeeze %swap3A_1004 : memref<1x80x128xf32, #tpu.memory_space<vmem>> -> memref<80x128xf32, #tpu.memory_space<vmem>>
        %swap3A_1006 = arith.index_cast %add3A_984 : i32 to index
        %swap3A_1007 = arith.constant 0 : index
        %swap3A_1008 = tpu.vector_load %swap3A_1005[%swap3A_1006, %swap3A_1007] {strides = array<i32>} : memref<80x128xf32, #tpu.memory_space<vmem>>, vector<1x16xf32>,
        %swap3A_1009 = vector.shape_cast %swap3A_1008 : vector<1x16xf32> to vector<16xf32>
        %swap3A_1010 = vector.shape_cast %mul3A_1001 : vector<16xf32> to vector<1x16xf32>
        tpu.vector_store %swap3A_1005[%swap3A_1006, %swap3A_1007], %swap3A_1010 {strides = array<i32>} : memref<80x128xf32, #tpu.memory_space<vmem>>, vector<1x16xf32>,
        %get3A_1011 = arith.constant 0 : i32
        %get3A_1012 = arith.constant 0 : i32
        %get3A_1013 = tpu.memref_slice %arg8[%scan3A_533, %get3A_1011, %get3A_1012] : memref<2x80x128xf32, #tpu.memory_space<vmem>> -> memref<1x80x128xf32, #tpu.memory_space<vmem>>
        %get3A_1014 = tpu.memref_squeeze %get3A_1013 : memref<1x80x128xf32, #tpu.memory_space<vmem>> -> memref<80x128xf32, #tpu.memory_space<vmem>>
        %get3A_1015 = arith.index_cast %add3A_984 : i32 to index
        %get3A_1016 = arith.constant 16 : index
        %get3A_1017 = tpu.vector_load %get3A_1014[%get3A_1015, %get3A_1016] {strides = array<i32>} : memref<80x128xf32, #tpu.memory_space<vmem>>, vector<1x16xf32>,
        %get3A_1018 = vector.shape_cast %get3A_1017 : vector<1x16xf32> to vector<16xf32>
        %get3A_1019 = arith.constant 0 : i32
        %get3A_1020 = arith.constant 0 : i32
        %get3A_1021 = tpu.memref_slice %arg9[%scan3A_534, %get3A_1019, %get3A_1020] : memref<2x80x128xf32, #tpu.memory_space<vmem>> -> memref<1x80x128xf32, #tpu.memory_space<vmem>>
        %get3A_1022 = tpu.memref_squeeze %get3A_1021 : memref<1x80x128xf32, #tpu.memory_space<vmem>> -> memref<80x128xf32, #tpu.memory_space<vmem>>
        %get3A_1023 = arith.index_cast %add3A_984 : i32 to index
        %get3A_1024 = arith.constant 16 : index
        %get3A_1025 = tpu.vector_load %get3A_1022[%get3A_1023, %get3A_1024] {strides = array<i32>} : memref<80x128xf32, #tpu.memory_space<vmem>>, vector<1x16xf32>,
        %get3A_1026 = vector.shape_cast %get3A_1025 : vector<1x16xf32> to vector<16xf32>
        %mul3A_1027 = arith.mulf %get3A_1018, %get3A_1026 : vector<16xf32>
        %swap3A_1028 = arith.constant 0 : i32
        %swap3A_1029 = arith.constant 0 : i32
        %swap3A_1030 = tpu.memref_slice %arg8[%scan3A_533, %swap3A_1028, %swap3A_1029] : memref<2x80x128xf32, #tpu.memory_space<vmem>> -> memref<1x80x128xf32, #tpu.memory_space<vmem>>
        %swap3A_1031 = tpu.memref_squeeze %swap3A_1030 : memref<1x80x128xf32, #tpu.memory_space<vmem>> -> memref<80x128xf32, #tpu.memory_space<vmem>>
        %swap3A_1032 = arith.index_cast %add3A_984 : i32 to index
        %swap3A_1033 = arith.constant 16 : index
        %swap3A_1034 = tpu.vector_load %swap3A_1031[%swap3A_1032, %swap3A_1033] {strides = array<i32>} : memref<80x128xf32, #tpu.memory_space<vmem>>, vector<1x16xf32>,
        %swap3A_1035 = vector.shape_cast %swap3A_1034 : vector<1x16xf32> to vector<16xf32>
        %swap3A_1036 = vector.shape_cast %mul3A_1027 : vector<16xf32> to vector<1x16xf32>
        tpu.vector_store %swap3A_1031[%swap3A_1032, %swap3A_1033], %swap3A_1036 {strides = array<i32>} : memref<80x128xf32, #tpu.memory_space<vmem>>, vector<1x16xf32>,
        %get3A_1037 = arith.constant 0 : i32
        %get3A_1038 = arith.constant 0 : i32
        %get3A_1039 = tpu.memref_slice %arg8[%scan3A_533, %get3A_1037, %get3A_1038] : memref<2x80x128xf32, #tpu.memory_space<vmem>> -> memref<1x80x128xf32, #tpu.memory_space<vmem>>
        %get3A_1040 = tpu.memref_squeeze %get3A_1039 : memref<1x80x128xf32, #tpu.memory_space<vmem>> -> memref<80x128xf32, #tpu.memory_space<vmem>>
        %get3A_1041 = arith.index_cast %add3A_984 : i32 to index
        %get3A_1042 = arith.constant 32 : index
        %get3A_1043 = tpu.vector_load %get3A_1040[%get3A_1041, %get3A_1042] {strides = array<i32>} : memref<80x128xf32, #tpu.memory_space<vmem>>, vector<1x16xf32>,
        %get3A_1044 = vector.shape_cast %get3A_1043 : vector<1x16xf32> to vector<16xf32>
        %get3A_1045 = arith.constant 0 : i32
        %get3A_1046 = arith.constant 0 : i32
        %get3A_1047 = tpu.memref_slice %arg9[%scan3A_534, %get3A_1045, %get3A_1046] : memref<2x80x128xf32, #tpu.memory_space<vmem>> -> memref<1x80x128xf32, #tpu.memory_space<vmem>>
        %get3A_1048 = tpu.memref_squeeze %get3A_1047 : memref<1x80x128xf32, #tpu.memory_space<vmem>> -> memref<80x128xf32, #tpu.memory_space<vmem>>
        %get3A_1049 = arith.index_cast %add3A_984 : i32 to index
        %get3A_1050 = arith.constant 32 : index
        %get3A_1051 = tpu.vector_load %get3A_1048[%get3A_1049, %get3A_1050] {strides = array<i32>} : memref<80x128xf32, #tpu.memory_space<vmem>>, vector<1x16xf32>,
        %get3A_1052 = vector.shape_cast %get3A_1051 : vector<1x16xf32> to vector<16xf32>
        %mul3A_1053 = arith.mulf %get3A_1044, %get3A_1052 : vector<16xf32>
        %swap3A_1054 = arith.constant 0 : i32
        %swap3A_1055 = arith.constant 0 : i32
        %swap3A_1056 = tpu.memref_slice %arg8[%scan3A_533, %swap3A_1054, %swap3A_1055] : memref<2x80x128xf32, #tpu.memory_space<vmem>> -> memref<1x80x128xf32, #tpu.memory_space<vmem>>
        %swap3A_1057 = tpu.memref_squeeze %swap3A_1056 : memref<1x80x128xf32, #tpu.memory_space<vmem>> -> memref<80x128xf32, #tpu.memory_space<vmem>>
        %swap3A_1058 = arith.index_cast %add3A_984 : i32 to index
        %swap3A_1059 = arith.constant 32 : index
        %swap3A_1060 = tpu.vector_load %swap3A_1057[%swap3A_1058, %swap3A_1059] {strides = array<i32>} : memref<80x128xf32, #tpu.memory_space<vmem>>, vector<1x16xf32>,
        %swap3A_1061 = vector.shape_cast %swap3A_1060 : vector<1x16xf32> to vector<16xf32>
        %swap3A_1062 = vector.shape_cast %mul3A_1053 : vector<16xf32> to vector<1x16xf32>
        tpu.vector_store %swap3A_1057[%swap3A_1058, %swap3A_1059], %swap3A_1062 {strides = array<i32>} : memref<80x128xf32, #tpu.memory_space<vmem>>, vector<1x16xf32>,
        %get3A_1063 = arith.constant 0 : i32
        %get3A_1064 = arith.constant 0 : i32
        %get3A_1065 = tpu.memref_slice %arg8[%scan3A_533, %get3A_1063, %get3A_1064] : memref<2x80x128xf32, #tpu.memory_space<vmem>> -> memref<1x80x128xf32, #tpu.memory_space<vmem>>
        %get3A_1066 = tpu.memref_squeeze %get3A_1065 : memref<1x80x128xf32, #tpu.memory_space<vmem>> -> memref<80x128xf32, #tpu.memory_space<vmem>>
        %get3A_1067 = arith.index_cast %add3A_984 : i32 to index
        %get3A_1068 = arith.constant 48 : index
        %get3A_1069 = tpu.vector_load %get3A_1066[%get3A_1067, %get3A_1068] {strides = array<i32>} : memref<80x128xf32, #tpu.memory_space<vmem>>, vector<1x16xf32>,
        %get3A_1070 = vector.shape_cast %get3A_1069 : vector<1x16xf32> to vector<16xf32>
        %get3A_1071 = arith.constant 0 : i32
        %get3A_1072 = arith.constant 0 : i32
        %get3A_1073 = tpu.memref_slice %arg9[%scan3A_534, %get3A_1071, %get3A_1072] : memref<2x80x128xf32, #tpu.memory_space<vmem>> -> memref<1x80x128xf32, #tpu.memory_space<vmem>>
        %get3A_1074 = tpu.memref_squeeze %get3A_1073 : memref<1x80x128xf32, #tpu.memory_space<vmem>> -> memref<80x128xf32, #tpu.memory_space<vmem>>
        %get3A_1075 = arith.index_cast %add3A_984 : i32 to index
        %get3A_1076 = arith.constant 48 : index
        %get3A_1077 = tpu.vector_load %get3A_1074[%get3A_1075, %get3A_1076] {strides = array<i32>} : memref<80x128xf32, #tpu.memory_space<vmem>>, vector<1x16xf32>,
        %get3A_1078 = vector.shape_cast %get3A_1077 : vector<1x16xf32> to vector<16xf32>
        %mul3A_1079 = arith.mulf %get3A_1070, %get3A_1078 : vector<16xf32>
        %swap3A_1080 = arith.constant 0 : i32
        %swap3A_1081 = arith.constant 0 : i32
        %swap3A_1082 = tpu.memref_slice %arg8[%scan3A_533, %swap3A_1080, %swap3A_1081] : memref<2x80x128xf32, #tpu.memory_space<vmem>> -> memref<1x80x128xf32, #tpu.memory_space<vmem>>
        %swap3A_1083 = tpu.memref_squeeze %swap3A_1082 : memref<1x80x128xf32, #tpu.memory_space<vmem>> -> memref<80x128xf32, #tpu.memory_space<vmem>>
        %swap3A_1084 = arith.index_cast %add3A_984 : i32 to index
        %swap3A_1085 = arith.constant 48 : index
        %swap3A_1086 = tpu.vector_load %swap3A_1083[%swap3A_1084, %swap3A_1085] {strides = array<i32>} : memref<80x128xf32, #tpu.memory_space<vmem>>, vector<1x16xf32>,
        %swap3A_1087 = vector.shape_cast %swap3A_1086 : vector<1x16xf32> to vector<16xf32>
        %swap3A_1088 = vector.shape_cast %mul3A_1079 : vector<16xf32> to vector<1x16xf32>
        tpu.vector_store %swap3A_1083[%swap3A_1084, %swap3A_1085], %swap3A_1088 {strides = array<i32>} : memref<80x128xf32, #tpu.memory_space<vmem>>, vector<1x16xf32>,
        %get3A_1089 = arith.constant 0 : i32
        %get3A_1090 = arith.constant 0 : i32
        %get3A_1091 = tpu.memref_slice %arg8[%scan3A_533, %get3A_1089, %get3A_1090] : memref<2x80x128xf32, #tpu.memory_space<vmem>> -> memref<1x80x128xf32, #tpu.memory_space<vmem>>
        %get3A_1092 = tpu.memref_squeeze %get3A_1091 : memref<1x80x128xf32, #tpu.memory_space<vmem>> -> memref<80x128xf32, #tpu.memory_space<vmem>>
        %get3A_1093 = arith.index_cast %add3A_984 : i32 to index
        %get3A_1094 = arith.constant 64 : index
        %get3A_1095 = tpu.vector_load %get3A_1092[%get3A_1093, %get3A_1094] {strides = array<i32>} : memref<80x128xf32, #tpu.memory_space<vmem>>, vector<1x16xf32>,
        %get3A_1096 = vector.shape_cast %get3A_1095 : vector<1x16xf32> to vector<16xf32>
        %get3A_1097 = arith.constant 0 : i32
        %get3A_1098 = arith.constant 0 : i32
        %get3A_1099 = tpu.memref_slice %arg9[%scan3A_534, %get3A_1097, %get3A_1098] : memref<2x80x128xf32, #tpu.memory_space<vmem>> -> memref<1x80x128xf32, #tpu.memory_space<vmem>>
        %get3A_1100 = tpu.memref_squeeze %get3A_1099 : memref<1x80x128xf32, #tpu.memory_space<vmem>> -> memref<80x128xf32, #tpu.memory_space<vmem>>
        %get3A_1101 = arith.index_cast %add3A_984 : i32 to index
        %get3A_1102 = arith.constant 64 : index
        %get3A_1103 = tpu.vector_load %get3A_1100[%get3A_1101, %get3A_1102] {strides = array<i32>} : memref<80x128xf32, #tpu.memory_space<vmem>>, vector<1x16xf32>,
        %get3A_1104 = vector.shape_cast %get3A_1103 : vector<1x16xf32> to vector<16xf32>
        %mul3A_1105 = arith.mulf %get3A_1096, %get3A_1104 : vector<16xf32>
        %swap3A_1106 = arith.constant 0 : i32
        %swap3A_1107 = arith.constant 0 : i32
        %swap3A_1108 = tpu.memref_slice %arg8[%scan3A_533, %swap3A_1106, %swap3A_1107] : memref<2x80x128xf32, #tpu.memory_space<vmem>> -> memref<1x80x128xf32, #tpu.memory_space<vmem>>
        %swap3A_1109 = tpu.memref_squeeze %swap3A_1108 : memref<1x80x128xf32, #tpu.memory_space<vmem>> -> memref<80x128xf32, #tpu.memory_space<vmem>>
        %swap3A_1110 = arith.index_cast %add3A_984 : i32 to index
        %swap3A_1111 = arith.constant 64 : index
        %swap3A_1112 = tpu.vector_load %swap3A_1109[%swap3A_1110, %swap3A_1111] {strides = array<i32>} : memref<80x128xf32, #tpu.memory_space<vmem>>, vector<1x16xf32>,
        %swap3A_1113 = vector.shape_cast %swap3A_1112 : vector<1x16xf32> to vector<16xf32>
        %swap3A_1114 = vector.shape_cast %mul3A_1105 : vector<16xf32> to vector<1x16xf32>
        tpu.vector_store %swap3A_1109[%swap3A_1110, %swap3A_1111], %swap3A_1114 {strides = array<i32>} : memref<80x128xf32, #tpu.memory_space<vmem>>, vector<1x16xf32>,
        %get3A_1115 = arith.constant 0 : i32
        %get3A_1116 = arith.constant 0 : i32
        %get3A_1117 = tpu.memref_slice %arg8[%scan3A_533, %get3A_1115, %get3A_1116] : memref<2x80x128xf32, #tpu.memory_space<vmem>> -> memref<1x80x128xf32, #tpu.memory_space<vmem>>
        %get3A_1118 = tpu.memref_squeeze %get3A_1117 : memref<1x80x128xf32, #tpu.memory_space<vmem>> -> memref<80x128xf32, #tpu.memory_space<vmem>>
        %get3A_1119 = arith.index_cast %add3A_984 : i32 to index
        %get3A_1120 = arith.constant 80 : index
        %get3A_1121 = tpu.vector_load %get3A_1118[%get3A_1119, %get3A_1120] {strides = array<i32>} : memref<80x128xf32, #tpu.memory_space<vmem>>, vector<1x16xf32>,
        %get3A_1122 = vector.shape_cast %get3A_1121 : vector<1x16xf32> to vector<16xf32>
        %get3A_1123 = arith.constant 0 : i32
        %get3A_1124 = arith.constant 0 : i32
        %get3A_1125 = tpu.memref_slice %arg9[%scan3A_534, %get3A_1123, %get3A_1124] : memref<2x80x128xf32, #tpu.memory_space<vmem>> -> memref<1x80x128xf32, #tpu.memory_space<vmem>>
        %get3A_1126 = tpu.memref_squeeze %get3A_1125 : memref<1x80x128xf32, #tpu.memory_space<vmem>> -> memref<80x128xf32, #tpu.memory_space<vmem>>
        %get3A_1127 = arith.index_cast %add3A_984 : i32 to index
        %get3A_1128 = arith.constant 80 : index
        %get3A_1129 = tpu.vector_load %get3A_1126[%get3A_1127, %get3A_1128] {strides = array<i32>} : memref<80x128xf32, #tpu.memory_space<vmem>>, vector<1x16xf32>,
        %get3A_1130 = vector.shape_cast %get3A_1129 : vector<1x16xf32> to vector<16xf32>
        %mul3A_1131 = arith.mulf %get3A_1122, %get3A_1130 : vector<16xf32>
        %swap3A_1132 = arith.constant 0 : i32
        %swap3A_1133 = arith.constant 0 : i32
        %swap3A_1134 = tpu.memref_slice %arg8[%scan3A_533, %swap3A_1132, %swap3A_1133] : memref<2x80x128xf32, #tpu.memory_space<vmem>> -> memref<1x80x128xf32, #tpu.memory_space<vmem>>
        %swap3A_1135 = tpu.memref_squeeze %swap3A_1134 : memref<1x80x128xf32, #tpu.memory_space<vmem>> -> memref<80x128xf32, #tpu.memory_space<vmem>>
        %swap3A_1136 = arith.index_cast %add3A_984 : i32 to index
        %swap3A_1137 = arith.constant 80 : index
        %swap3A_1138 = tpu.vector_load %swap3A_1135[%swap3A_1136, %swap3A_1137] {strides = array<i32>} : memref<80x128xf32, #tpu.memory_space<vmem>>, vector<1x16xf32>,
        %swap3A_1139 = vector.shape_cast %swap3A_1138 : vector<1x16xf32> to vector<16xf32>
        %swap3A_1140 = vector.shape_cast %mul3A_1131 : vector<16xf32> to vector<1x16xf32>
        tpu.vector_store %swap3A_1135[%swap3A_1136, %swap3A_1137], %swap3A_1140 {strides = array<i32>} : memref<80x128xf32, #tpu.memory_space<vmem>>, vector<1x16xf32>,
        %get3A_1141 = arith.constant 0 : i32
        %get3A_1142 = arith.constant 0 : i32
        %get3A_1143 = tpu.memref_slice %arg8[%scan3A_533, %get3A_1141, %get3A_1142] : memref<2x80x128xf32, #tpu.memory_space<vmem>> -> memref<1x80x128xf32, #tpu.memory_space<vmem>>
        %get3A_1144 = tpu.memref_squeeze %get3A_1143 : memref<1x80x128xf32, #tpu.memory_space<vmem>> -> memref<80x128xf32, #tpu.memory_space<vmem>>
        %get3A_1145 = arith.index_cast %add3A_984 : i32 to index
        %get3A_1146 = arith.constant 96 : index
        %get3A_1147 = tpu.vector_load %get3A_1144[%get3A_1145, %get3A_1146] {strides = array<i32>} : memref<80x128xf32, #tpu.memory_space<vmem>>, vector<1x16xf32>,
        %get3A_1148 = vector.shape_cast %get3A_1147 : vector<1x16xf32> to vector<16xf32>
        %get3A_1149 = arith.constant 0 : i32
        %get3A_1150 = arith.constant 0 : i32
        %get3A_1151 = tpu.memref_slice %arg9[%scan3A_534, %get3A_1149, %get3A_1150] : memref<2x80x128xf32, #tpu.memory_space<vmem>> -> memref<1x80x128xf32, #tpu.memory_space<vmem>>
        %get3A_1152 = tpu.memref_squeeze %get3A_1151 : memref<1x80x128xf32, #tpu.memory_space<vmem>> -> memref<80x128xf32, #tpu.memory_space<vmem>>
        %get3A_1153 = arith.index_cast %add3A_984 : i32 to index
        %get3A_1154 = arith.constant 96 : index
        %get3A_1155 = tpu.vector_load %get3A_1152[%get3A_1153, %get3A_1154] {strides = array<i32>} : memref<80x128xf32, #tpu.memory_space<vmem>>, vector<1x16xf32>,
        %get3A_1156 = vector.shape_cast %get3A_1155 : vector<1x16xf32> to vector<16xf32>
        %mul3A_1157 = arith.mulf %get3A_1148, %get3A_1156 : vector<16xf32>
        %swap3A_1158 = arith.constant 0 : i32
        %swap3A_1159 = arith.constant 0 : i32
        %swap3A_1160 = tpu.memref_slice %arg8[%scan3A_533, %swap3A_1158, %swap3A_1159] : memref<2x80x128xf32, #tpu.memory_space<vmem>> -> memref<1x80x128xf32, #tpu.memory_space<vmem>>
        %swap3A_1161 = tpu.memref_squeeze %swap3A_1160 : memref<1x80x128xf32, #tpu.memory_space<vmem>> -> memref<80x128xf32, #tpu.memory_space<vmem>>
        %swap3A_1162 = arith.index_cast %add3A_984 : i32 to index
        %swap3A_1163 = arith.constant 96 : index
        %swap3A_1164 = tpu.vector_load %swap3A_1161[%swap3A_1162, %swap3A_1163] {strides = array<i32>} : memref<80x128xf32, #tpu.memory_space<vmem>>, vector<1x16xf32>,
        %swap3A_1165 = vector.shape_cast %swap3A_1164 : vector<1x16xf32> to vector<16xf32>
        %swap3A_1166 = vector.shape_cast %mul3A_1157 : vector<16xf32> to vector<1x16xf32>
        tpu.vector_store %swap3A_1161[%swap3A_1162, %swap3A_1163], %swap3A_1166 {strides = array<i32>} : memref<80x128xf32, #tpu.memory_space<vmem>>, vector<1x16xf32>,
        %get3A_1167 = arith.constant 0 : i32
        %get3A_1168 = arith.constant 0 : i32
        %get3A_1169 = tpu.memref_slice %arg8[%scan3A_533, %get3A_1167, %get3A_1168] : memref<2x80x128xf32, #tpu.memory_space<vmem>> -> memref<1x80x128xf32, #tpu.memory_space<vmem>>
        %get3A_1170 = tpu.memref_squeeze %get3A_1169 : memref<1x80x128xf32, #tpu.memory_space<vmem>> -> memref<80x128xf32, #tpu.memory_space<vmem>>
        %get3A_1171 = arith.index_cast %add3A_984 : i32 to index
        %get3A_1172 = arith.constant 112 : index
        %get3A_1173 = tpu.vector_load %get3A_1170[%get3A_1171, %get3A_1172] {strides = array<i32>} : memref<80x128xf32, #tpu.memory_space<vmem>>, vector<1x16xf32>,
        %get3A_1174 = vector.shape_cast %get3A_1173 : vector<1x16xf32> to vector<16xf32>
        %get3A_1175 = arith.constant 0 : i32
        %get3A_1176 = arith.constant 0 : i32
        %get3A_1177 = tpu.memref_slice %arg9[%scan3A_534, %get3A_1175, %get3A_1176] : memref<2x80x128xf32, #tpu.memory_space<vmem>> -> memref<1x80x128xf32, #tpu.memory_space<vmem>>
        %get3A_1178 = tpu.memref_squeeze %get3A_1177 : memref<1x80x128xf32, #tpu.memory_space<vmem>> -> memref<80x128xf32, #tpu.memory_space<vmem>>
        %get3A_1179 = arith.index_cast %add3A_984 : i32 to index
        %get3A_1180 = arith.constant 112 : index
        %get3A_1181 = tpu.vector_load %get3A_1178[%get3A_1179, %get3A_1180] {strides = array<i32>} : memref<80x128xf32, #tpu.memory_space<vmem>>, vector<1x16xf32>,
        %get3A_1182 = vector.shape_cast %get3A_1181 : vector<1x16xf32> to vector<16xf32>
        %mul3A_1183 = arith.mulf %get3A_1174, %get3A_1182 : vector<16xf32>
        %swap3A_1184 = arith.constant 0 : i32
        %swap3A_1185 = arith.constant 0 : i32
        %swap3A_1186 = tpu.memref_slice %arg8[%scan3A_533, %swap3A_1184, %swap3A_1185] : memref<2x80x128xf32, #tpu.memory_space<vmem>> -> memref<1x80x128xf32, #tpu.memory_space<vmem>>
        %swap3A_1187 = tpu.memref_squeeze %swap3A_1186 : memref<1x80x128xf32, #tpu.memory_space<vmem>> -> memref<80x128xf32, #tpu.memory_space<vmem>>
        %swap3A_1188 = arith.index_cast %add3A_984 : i32 to index
        %swap3A_1189 = arith.constant 112 : index
        %swap3A_1190 = tpu.vector_load %swap3A_1187[%swap3A_1188, %swap3A_1189] {strides = array<i32>} : memref<80x128xf32, #tpu.memory_space<vmem>>, vector<1x16xf32>,
        %swap3A_1191 = vector.shape_cast %swap3A_1190 : vector<1x16xf32> to vector<16xf32>
        %swap3A_1192 = vector.shape_cast %mul3A_1183 : vector<16xf32> to vector<1x16xf32>
        tpu.vector_store %swap3A_1187[%swap3A_1188, %swap3A_1189], %swap3A_1192 {strides = array<i32>} : memref<80x128xf32, #tpu.memory_space<vmem>>, vector<1x16xf32>,
        %mul3A_1193 = arith.constant 4 : i32
        %mul3A_1194 = arith.muli %mul3A_1193, %scan3A_555 : i32
        %add3A_1195 = arith.constant 3 : i32
        %add3A_1196 = arith.addi %mul3A_1194, %add3A_1195 : i32
        %get3A_1197 = arith.constant 0 : i32
        %get3A_1198 = arith.constant 0 : i32
        %get3A_1199 = tpu.memref_slice %arg8[%scan3A_533, %get3A_1197, %get3A_1198] : memref<2x80x128xf32, #tpu.memory_space<vmem>> -> memref<1x80x128xf32, #tpu.memory_space<vmem>>
        %get3A_1200 = tpu.memref_squeeze %get3A_1199 : memref<1x80x128xf32, #tpu.memory_space<vmem>> -> memref<80x128xf32, #tpu.memory_space<vmem>>
        %get3A_1201 = arith.index_cast %add3A_1196 : i32 to index
        %get3A_1202 = arith.constant 0 : index
        %get3A_1203 = tpu.vector_load %get3A_1200[%get3A_1201, %get3A_1202] {strides = array<i32>} : memref<80x128xf32, #tpu.memory_space<vmem>>, vector<1x16xf32>,
        %get3A_1204 = vector.shape_cast %get3A_1203 : vector<1x16xf32> to vector<16xf32>
        %get3A_1205 = arith.constant 0 : i32
        %get3A_1206 = arith.constant 0 : i32
        %get3A_1207 = tpu.memref_slice %arg9[%scan3A_534, %get3A_1205, %get3A_1206] : memref<2x80x128xf32, #tpu.memory_space<vmem>> -> memref<1x80x128xf32, #tpu.memory_space<vmem>>
        %get3A_1208 = tpu.memref_squeeze %get3A_1207 : memref<1x80x128xf32, #tpu.memory_space<vmem>> -> memref<80x128xf32, #tpu.memory_space<vmem>>
        %get3A_1209 = arith.index_cast %add3A_1196 : i32 to index
        %get3A_1210 = arith.constant 0 : index
        %get3A_1211 = tpu.vector_load %get3A_1208[%get3A_1209, %get3A_1210] {strides = array<i32>} : memref<80x128xf32, #tpu.memory_space<vmem>>, vector<1x16xf32>,
        %get3A_1212 = vector.shape_cast %get3A_1211 : vector<1x16xf32> to vector<16xf32>
        %mul3A_1213 = arith.mulf %get3A_1204, %get3A_1212 : vector<16xf32>
        %swap3A_1214 = arith.constant 0 : i32
        %swap3A_1215 = arith.constant 0 : i32
        %swap3A_1216 = tpu.memref_slice %arg8[%scan3A_533, %swap3A_1214, %swap3A_1215] : memref<2x80x128xf32, #tpu.memory_space<vmem>> -> memref<1x80x128xf32, #tpu.memory_space<vmem>>
        %swap3A_1217 = tpu.memref_squeeze %swap3A_1216 : memref<1x80x128xf32, #tpu.memory_space<vmem>> -> memref<80x128xf32, #tpu.memory_space<vmem>>
        %swap3A_1218 = arith.index_cast %add3A_1196 : i32 to index
        %swap3A_1219 = arith.constant 0 : index
        %swap3A_1220 = tpu.vector_load %swap3A_1217[%swap3A_1218, %swap3A_1219] {strides = array<i32>} : memref<80x128xf32, #tpu.memory_space<vmem>>, vector<1x16xf32>,
        %swap3A_1221 = vector.shape_cast %swap3A_1220 : vector<1x16xf32> to vector<16xf32>
        %swap3A_1222 = vector.shape_cast %mul3A_1213 : vector<16xf32> to vector<1x16xf32>
        tpu.vector_store %swap3A_1217[%swap3A_1218, %swap3A_1219], %swap3A_1222 {strides = array<i32>} : memref<80x128xf32, #tpu.memory_space<vmem>>, vector<1x16xf32>,
        %get3A_1223 = arith.constant 0 : i32
        %get3A_1224 = arith.constant 0 : i32
        %get3A_1225 = tpu.memref_slice %arg8[%scan3A_533, %get3A_1223, %get3A_1224] : memref<2x80x128xf32, #tpu.memory_space<vmem>> -> memref<1x80x128xf32, #tpu.memory_space<vmem>>
        %get3A_1226 = tpu.memref_squeeze %get3A_1225 : memref<1x80x128xf32, #tpu.memory_space<vmem>> -> memref<80x128xf32, #tpu.memory_space<vmem>>
        %get3A_1227 = arith.index_cast %add3A_1196 : i32 to index
        %get3A_1228 = arith.constant 16 : index
        %get3A_1229 = tpu.vector_load %get3A_1226[%get3A_1227, %get3A_1228] {strides = array<i32>} : memref<80x128xf32, #tpu.memory_space<vmem>>, vector<1x16xf32>,
        %get3A_1230 = vector.shape_cast %get3A_1229 : vector<1x16xf32> to vector<16xf32>
        %get3A_1231 = arith.constant 0 : i32
        %get3A_1232 = arith.constant 0 : i32
        %get3A_1233 = tpu.memref_slice %arg9[%scan3A_534, %get3A_1231, %get3A_1232] : memref<2x80x128xf32, #tpu.memory_space<vmem>> -> memref<1x80x128xf32, #tpu.memory_space<vmem>>
        %get3A_1234 = tpu.memref_squeeze %get3A_1233 : memref<1x80x128xf32, #tpu.memory_space<vmem>> -> memref<80x128xf32, #tpu.memory_space<vmem>>
        %get3A_1235 = arith.index_cast %add3A_1196 : i32 to index
        %get3A_1236 = arith.constant 16 : index
        %get3A_1237 = tpu.vector_load %get3A_1234[%get3A_1235, %get3A_1236] {strides = array<i32>} : memref<80x128xf32, #tpu.memory_space<vmem>>, vector<1x16xf32>,
        %get3A_1238 = vector.shape_cast %get3A_1237 : vector<1x16xf32> to vector<16xf32>
        %mul3A_1239 = arith.mulf %get3A_1230, %get3A_1238 : vector<16xf32>
        %swap3A_1240 = arith.constant 0 : i32
        %swap3A_1241 = arith.constant 0 : i32
        %swap3A_1242 = tpu.memref_slice %arg8[%scan3A_533, %swap3A_1240, %swap3A_1241] : memref<2x80x128xf32, #tpu.memory_space<vmem>> -> memref<1x80x128xf32, #tpu.memory_space<vmem>>
        %swap3A_1243 = tpu.memref_squeeze %swap3A_1242 : memref<1x80x128xf32, #tpu.memory_space<vmem>> -> memref<80x128xf32, #tpu.memory_space<vmem>>
        %swap3A_1244 = arith.index_cast %add3A_1196 : i32 to index
        %swap3A_1245 = arith.constant 16 : index
        %swap3A_1246 = tpu.vector_load %swap3A_1243[%swap3A_1244, %swap3A_1245] {strides = array<i32>} : memref<80x128xf32, #tpu.memory_space<vmem>>, vector<1x16xf32>,
        %swap3A_1247 = vector.shape_cast %swap3A_1246 : vector<1x16xf32> to vector<16xf32>
        %swap3A_1248 = vector.shape_cast %mul3A_1239 : vector<16xf32> to vector<1x16xf32>
        tpu.vector_store %swap3A_1243[%swap3A_1244, %swap3A_1245], %swap3A_1248 {strides = array<i32>} : memref<80x128xf32, #tpu.memory_space<vmem>>, vector<1x16xf32>,
        %get3A_1249 = arith.constant 0 : i32
        %get3A_1250 = arith.constant 0 : i32
        %get3A_1251 = tpu.memref_slice %arg8[%scan3A_533, %get3A_1249, %get3A_1250] : memref<2x80x128xf32, #tpu.memory_space<vmem>> -> memref<1x80x128xf32, #tpu.memory_space<vmem>>
        %get3A_1252 = tpu.memref_squeeze %get3A_1251 : memref<1x80x128xf32, #tpu.memory_space<vmem>> -> memref<80x128xf32, #tpu.memory_space<vmem>>
        %get3A_1253 = arith.index_cast %add3A_1196 : i32 to index
        %get3A_1254 = arith.constant 32 : index
        %get3A_1255 = tpu.vector_load %get3A_1252[%get3A_1253, %get3A_1254] {strides = array<i32>} : memref<80x128xf32, #tpu.memory_space<vmem>>, vector<1x16xf32>,
        %get3A_1256 = vector.shape_cast %get3A_1255 : vector<1x16xf32> to vector<16xf32>
        %get3A_1257 = arith.constant 0 : i32
        %get3A_1258 = arith.constant 0 : i32
        %get3A_1259 = tpu.memref_slice %arg9[%scan3A_534, %get3A_1257, %get3A_1258] : memref<2x80x128xf32, #tpu.memory_space<vmem>> -> memref<1x80x128xf32, #tpu.memory_space<vmem>>
        %get3A_1260 = tpu.memref_squeeze %get3A_1259 : memref<1x80x128xf32, #tpu.memory_space<vmem>> -> memref<80x128xf32, #tpu.memory_space<vmem>>
        %get3A_1261 = arith.index_cast %add3A_1196 : i32 to index
        %get3A_1262 = arith.constant 32 : index
        %get3A_1263 = tpu.vector_load %get3A_1260[%get3A_1261, %get3A_1262] {strides = array<i32>} : memref<80x128xf32, #tpu.memory_space<vmem>>, vector<1x16xf32>,
        %get3A_1264 = vector.shape_cast %get3A_1263 : vector<1x16xf32> to vector<16xf32>
        %mul3A_1265 = arith.mulf %get3A_1256, %get3A_1264 : vector<16xf32>
        %swap3A_1266 = arith.constant 0 : i32
        %swap3A_1267 = arith.constant 0 : i32
        %swap3A_1268 = tpu.memref_slice %arg8[%scan3A_533, %swap3A_1266, %swap3A_1267] : memref<2x80x128xf32, #tpu.memory_space<vmem>> -> memref<1x80x128xf32, #tpu.memory_space<vmem>>
        %swap3A_1269 = tpu.memref_squeeze %swap3A_1268 : memref<1x80x128xf32, #tpu.memory_space<vmem>> -> memref<80x128xf32, #tpu.memory_space<vmem>>
        %swap3A_1270 = arith.index_cast %add3A_1196 : i32 to index
        %swap3A_1271 = arith.constant 32 : index
        %swap3A_1272 = tpu.vector_load %swap3A_1269[%swap3A_1270, %swap3A_1271] {strides = array<i32>} : memref<80x128xf32, #tpu.memory_space<vmem>>, vector<1x16xf32>,
        %swap3A_1273 = vector.shape_cast %swap3A_1272 : vector<1x16xf32> to vector<16xf32>
        %swap3A_1274 = vector.shape_cast %mul3A_1265 : vector<16xf32> to vector<1x16xf32>
        tpu.vector_store %swap3A_1269[%swap3A_1270, %swap3A_1271], %swap3A_1274 {strides = array<i32>} : memref<80x128xf32, #tpu.memory_space<vmem>>, vector<1x16xf32>,
        %get3A_1275 = arith.constant 0 : i32
        %get3A_1276 = arith.constant 0 : i32
        %get3A_1277 = tpu.memref_slice %arg8[%scan3A_533, %get3A_1275, %get3A_1276] : memref<2x80x128xf32, #tpu.memory_space<vmem>> -> memref<1x80x128xf32, #tpu.memory_space<vmem>>
        %get3A_1278 = tpu.memref_squeeze %get3A_1277 : memref<1x80x128xf32, #tpu.memory_space<vmem>> -> memref<80x128xf32, #tpu.memory_space<vmem>>
        %get3A_1279 = arith.index_cast %add3A_1196 : i32 to index
        %get3A_1280 = arith.constant 48 : index
        %get3A_1281 = tpu.vector_load %get3A_1278[%get3A_1279, %get3A_1280] {strides = array<i32>} : memref<80x128xf32, #tpu.memory_space<vmem>>, vector<1x16xf32>,
        %get3A_1282 = vector.shape_cast %get3A_1281 : vector<1x16xf32> to vector<16xf32>
        %get3A_1283 = arith.constant 0 : i32
        %get3A_1284 = arith.constant 0 : i32
        %get3A_1285 = tpu.memref_slice %arg9[%scan3A_534, %get3A_1283, %get3A_1284] : memref<2x80x128xf32, #tpu.memory_space<vmem>> -> memref<1x80x128xf32, #tpu.memory_space<vmem>>
        %get3A_1286 = tpu.memref_squeeze %get3A_1285 : memref<1x80x128xf32, #tpu.memory_space<vmem>> -> memref<80x128xf32, #tpu.memory_space<vmem>>
        %get3A_1287 = arith.index_cast %add3A_1196 : i32 to index
        %get3A_1288 = arith.constant 48 : index
        %get3A_1289 = tpu.vector_load %get3A_1286[%get3A_1287, %get3A_1288] {strides = array<i32>} : memref<80x128xf32, #tpu.memory_space<vmem>>, vector<1x16xf32>,
        %get3A_1290 = vector.shape_cast %get3A_1289 : vector<1x16xf32> to vector<16xf32>
        %mul3A_1291 = arith.mulf %get3A_1282, %get3A_1290 : vector<16xf32>
        %swap3A_1292 = arith.constant 0 : i32
        %swap3A_1293 = arith.constant 0 : i32
        %swap3A_1294 = tpu.memref_slice %arg8[%scan3A_533, %swap3A_1292, %swap3A_1293] : memref<2x80x128xf32, #tpu.memory_space<vmem>> -> memref<1x80x128xf32, #tpu.memory_space<vmem>>
        %swap3A_1295 = tpu.memref_squeeze %swap3A_1294 : memref<1x80x128xf32, #tpu.memory_space<vmem>> -> memref<80x128xf32, #tpu.memory_space<vmem>>
        %swap3A_1296 = arith.index_cast %add3A_1196 : i32 to index
        %swap3A_1297 = arith.constant 48 : index
        %swap3A_1298 = tpu.vector_load %swap3A_1295[%swap3A_1296, %swap3A_1297] {strides = array<i32>} : memref<80x128xf32, #tpu.memory_space<vmem>>, vector<1x16xf32>,
        %swap3A_1299 = vector.shape_cast %swap3A_1298 : vector<1x16xf32> to vector<16xf32>
        %swap3A_1300 = vector.shape_cast %mul3A_1291 : vector<16xf32> to vector<1x16xf32>
        tpu.vector_store %swap3A_1295[%swap3A_1296, %swap3A_1297], %swap3A_1300 {strides = array<i32>} : memref<80x128xf32, #tpu.memory_space<vmem>>, vector<1x16xf32>,
        %get3A_1301 = arith.constant 0 : i32
        %get3A_1302 = arith.constant 0 : i32
        %get3A_1303 = tpu.memref_slice %arg8[%scan3A_533, %get3A_1301, %get3A_1302] : memref<2x80x128xf32, #tpu.memory_space<vmem>> -> memref<1x80x128xf32, #tpu.memory_space<vmem>>
        %get3A_1304 = tpu.memref_squeeze %get3A_1303 : memref<1x80x128xf32, #tpu.memory_space<vmem>> -> memref<80x128xf32, #tpu.memory_space<vmem>>
        %get3A_1305 = arith.index_cast %add3A_1196 : i32 to index
        %get3A_1306 = arith.constant 64 : index
        %get3A_1307 = tpu.vector_load %get3A_1304[%get3A_1305, %get3A_1306] {strides = array<i32>} : memref<80x128xf32, #tpu.memory_space<vmem>>, vector<1x16xf32>,
        %get3A_1308 = vector.shape_cast %get3A_1307 : vector<1x16xf32> to vector<16xf32>
        %get3A_1309 = arith.constant 0 : i32
        %get3A_1310 = arith.constant 0 : i32
        %get3A_1311 = tpu.memref_slice %arg9[%scan3A_534, %get3A_1309, %get3A_1310] : memref<2x80x128xf32, #tpu.memory_space<vmem>> -> memref<1x80x128xf32, #tpu.memory_space<vmem>>
        %get3A_1312 = tpu.memref_squeeze %get3A_1311 : memref<1x80x128xf32, #tpu.memory_space<vmem>> -> memref<80x128xf32, #tpu.memory_space<vmem>>
        %get3A_1313 = arith.index_cast %add3A_1196 : i32 to index
        %get3A_1314 = arith.constant 64 : index
        %get3A_1315 = tpu.vector_load %get3A_1312[%get3A_1313, %get3A_1314] {strides = array<i32>} : memref<80x128xf32, #tpu.memory_space<vmem>>, vector<1x16xf32>,
        %get3A_1316 = vector.shape_cast %get3A_1315 : vector<1x16xf32> to vector<16xf32>
        %mul3A_1317 = arith.mulf %get3A_1308, %get3A_1316 : vector<16xf32>
        %swap3A_1318 = arith.constant 0 : i32
        %swap3A_1319 = arith.constant 0 : i32
        %swap3A_1320 = tpu.memref_slice %arg8[%scan3A_533, %swap3A_1318, %swap3A_1319] : memref<2x80x128xf32, #tpu.memory_space<vmem>> -> memref<1x80x128xf32, #tpu.memory_space<vmem>>
        %swap3A_1321 = tpu.memref_squeeze %swap3A_1320 : memref<1x80x128xf32, #tpu.memory_space<vmem>> -> memref<80x128xf32, #tpu.memory_space<vmem>>
        %swap3A_1322 = arith.index_cast %add3A_1196 : i32 to index
        %swap3A_1323 = arith.constant 64 : index
        %swap3A_1324 = tpu.vector_load %swap3A_1321[%swap3A_1322, %swap3A_1323] {strides = array<i32>} : memref<80x128xf32, #tpu.memory_space<vmem>>, vector<1x16xf32>,
        %swap3A_1325 = vector.shape_cast %swap3A_1324 : vector<1x16xf32> to vector<16xf32>
        %swap3A_1326 = vector.shape_cast %mul3A_1317 : vector<16xf32> to vector<1x16xf32>
        tpu.vector_store %swap3A_1321[%swap3A_1322, %swap3A_1323], %swap3A_1326 {strides = array<i32>} : memref<80x128xf32, #tpu.memory_space<vmem>>, vector<1x16xf32>,
        %get3A_1327 = arith.constant 0 : i32
        %get3A_1328 = arith.constant 0 : i32
        %get3A_1329 = tpu.memref_slice %arg8[%scan3A_533, %get3A_1327, %get3A_1328] : memref<2x80x128xf32, #tpu.memory_space<vmem>> -> memref<1x80x128xf32, #tpu.memory_space<vmem>>
        %get3A_1330 = tpu.memref_squeeze %get3A_1329 : memref<1x80x128xf32, #tpu.memory_space<vmem>> -> memref<80x128xf32, #tpu.memory_space<vmem>>
        %get3A_1331 = arith.index_cast %add3A_1196 : i32 to index
        %get3A_1332 = arith.constant 80 : index
        %get3A_1333 = tpu.vector_load %get3A_1330[%get3A_1331, %get3A_1332] {strides = array<i32>} : memref<80x128xf32, #tpu.memory_space<vmem>>, vector<1x16xf32>,
        %get3A_1334 = vector.shape_cast %get3A_1333 : vector<1x16xf32> to vector<16xf32>
        %get3A_1335 = arith.constant 0 : i32
        %get3A_1336 = arith.constant 0 : i32
        %get3A_1337 = tpu.memref_slice %arg9[%scan3A_534, %get3A_1335, %get3A_1336] : memref<2x80x128xf32, #tpu.memory_space<vmem>> -> memref<1x80x128xf32, #tpu.memory_space<vmem>>
        %get3A_1338 = tpu.memref_squeeze %get3A_1337 : memref<1x80x128xf32, #tpu.memory_space<vmem>> -> memref<80x128xf32, #tpu.memory_space<vmem>>
        %get3A_1339 = arith.index_cast %add3A_1196 : i32 to index
        %get3A_1340 = arith.constant 80 : index
        %get3A_1341 = tpu.vector_load %get3A_1338[%get3A_1339, %get3A_1340] {strides = array<i32>} : memref<80x128xf32, #tpu.memory_space<vmem>>, vector<1x16xf32>,
        %get3A_1342 = vector.shape_cast %get3A_1341 : vector<1x16xf32> to vector<16xf32>
        %mul3A_1343 = arith.mulf %get3A_1334, %get3A_1342 : vector<16xf32>
        %swap3A_1344 = arith.constant 0 : i32
        %swap3A_1345 = arith.constant 0 : i32
        %swap3A_1346 = tpu.memref_slice %arg8[%scan3A_533, %swap3A_1344, %swap3A_1345] : memref<2x80x128xf32, #tpu.memory_space<vmem>> -> memref<1x80x128xf32, #tpu.memory_space<vmem>>
        %swap3A_1347 = tpu.memref_squeeze %swap3A_1346 : memref<1x80x128xf32, #tpu.memory_space<vmem>> -> memref<80x128xf32, #tpu.memory_space<vmem>>
        %swap3A_1348 = arith.index_cast %add3A_1196 : i32 to index
        %swap3A_1349 = arith.constant 80 : index
        %swap3A_1350 = tpu.vector_load %swap3A_1347[%swap3A_1348, %swap3A_1349] {strides = array<i32>} : memref<80x128xf32, #tpu.memory_space<vmem>>, vector<1x16xf32>,
        %swap3A_1351 = vector.shape_cast %swap3A_1350 : vector<1x16xf32> to vector<16xf32>
        %swap3A_1352 = vector.shape_cast %mul3A_1343 : vector<16xf32> to vector<1x16xf32>
        tpu.vector_store %swap3A_1347[%swap3A_1348, %swap3A_1349], %swap3A_1352 {strides = array<i32>} : memref<80x128xf32, #tpu.memory_space<vmem>>, vector<1x16xf32>,
        %get3A_1353 = arith.constant 0 : i32
        %get3A_1354 = arith.constant 0 : i32
        %get3A_1355 = tpu.memref_slice %arg8[%scan3A_533, %get3A_1353, %get3A_1354] : memref<2x80x128xf32, #tpu.memory_space<vmem>> -> memref<1x80x128xf32, #tpu.memory_space<vmem>>
        %get3A_1356 = tpu.memref_squeeze %get3A_1355 : memref<1x80x128xf32, #tpu.memory_space<vmem>> -> memref<80x128xf32, #tpu.memory_space<vmem>>
        %get3A_1357 = arith.index_cast %add3A_1196 : i32 to index
        %get3A_1358 = arith.constant 96 : index
        %get3A_1359 = tpu.vector_load %get3A_1356[%get3A_1357, %get3A_1358] {strides = array<i32>} : memref<80x128xf32, #tpu.memory_space<vmem>>, vector<1x16xf32>,
        %get3A_1360 = vector.shape_cast %get3A_1359 : vector<1x16xf32> to vector<16xf32>
        %get3A_1361 = arith.constant 0 : i32
        %get3A_1362 = arith.constant 0 : i32
        %get3A_1363 = tpu.memref_slice %arg9[%scan3A_534, %get3A_1361, %get3A_1362] : memref<2x80x128xf32, #tpu.memory_space<vmem>> -> memref<1x80x128xf32, #tpu.memory_space<vmem>>
        %get3A_1364 = tpu.memref_squeeze %get3A_1363 : memref<1x80x128xf32, #tpu.memory_space<vmem>> -> memref<80x128xf32, #tpu.memory_space<vmem>>
        %get3A_1365 = arith.index_cast %add3A_1196 : i32 to index
        %get3A_1366 = arith.constant 96 : index
        %get3A_1367 = tpu.vector_load %get3A_1364[%get3A_1365, %get3A_1366] {strides = array<i32>} : memref<80x128xf32, #tpu.memory_space<vmem>>, vector<1x16xf32>,
        %get3A_1368 = vector.shape_cast %get3A_1367 : vector<1x16xf32> to vector<16xf32>
        %mul3A_1369 = arith.mulf %get3A_1360, %get3A_1368 : vector<16xf32>
        %swap3A_1370 = arith.constant 0 : i32
        %swap3A_1371 = arith.constant 0 : i32
        %swap3A_1372 = tpu.memref_slice %arg8[%scan3A_533, %swap3A_1370, %swap3A_1371] : memref<2x80x128xf32, #tpu.memory_space<vmem>> -> memref<1x80x128xf32, #tpu.memory_space<vmem>>
        %swap3A_1373 = tpu.memref_squeeze %swap3A_1372 : memref<1x80x128xf32, #tpu.memory_space<vmem>> -> memref<80x128xf32, #tpu.memory_space<vmem>>
        %swap3A_1374 = arith.index_cast %add3A_1196 : i32 to index
        %swap3A_1375 = arith.constant 96 : index
        %swap3A_1376 = tpu.vector_load %swap3A_1373[%swap3A_1374, %swap3A_1375] {strides = array<i32>} : memref<80x128xf32, #tpu.memory_space<vmem>>, vector<1x16xf32>,
        %swap3A_1377 = vector.shape_cast %swap3A_1376 : vector<1x16xf32> to vector<16xf32>
        %swap3A_1378 = vector.shape_cast %mul3A_1369 : vector<16xf32> to vector<1x16xf32>
        tpu.vector_store %swap3A_1373[%swap3A_1374, %swap3A_1375], %swap3A_1378 {strides = array<i32>} : memref<80x128xf32, #tpu.memory_space<vmem>>, vector<1x16xf32>,
        %get3A_1379 = arith.constant 0 : i32
        %get3A_1380 = arith.constant 0 : i32
        %get3A_1381 = tpu.memref_slice %arg8[%scan3A_533, %get3A_1379, %get3A_1380] : memref<2x80x128xf32, #tpu.memory_space<vmem>> -> memref<1x80x128xf32, #tpu.memory_space<vmem>>
        %get3A_1382 = tpu.memref_squeeze %get3A_1381 : memref<1x80x128xf32, #tpu.memory_space<vmem>> -> memref<80x128xf32, #tpu.memory_space<vmem>>
        %get3A_1383 = arith.index_cast %add3A_1196 : i32 to index
        %get3A_1384 = arith.constant 112 : index
        %get3A_1385 = tpu.vector_load %get3A_1382[%get3A_1383, %get3A_1384] {strides = array<i32>} : memref<80x128xf32, #tpu.memory_space<vmem>>, vector<1x16xf32>,
        %get3A_1386 = vector.shape_cast %get3A_1385 : vector<1x16xf32> to vector<16xf32>
        %get3A_1387 = arith.constant 0 : i32
        %get3A_1388 = arith.constant 0 : i32
        %get3A_1389 = tpu.memref_slice %arg9[%scan3A_534, %get3A_1387, %get3A_1388] : memref<2x80x128xf32, #tpu.memory_space<vmem>> -> memref<1x80x128xf32, #tpu.memory_space<vmem>>
        %get3A_1390 = tpu.memref_squeeze %get3A_1389 : memref<1x80x128xf32, #tpu.memory_space<vmem>> -> memref<80x128xf32, #tpu.memory_space<vmem>>
        %get3A_1391 = arith.index_cast %add3A_1196 : i32 to index
        %get3A_1392 = arith.constant 112 : index
        %get3A_1393 = tpu.vector_load %get3A_1390[%get3A_1391, %get3A_1392] {strides = array<i32>} : memref<80x128xf32, #tpu.memory_space<vmem>>, vector<1x16xf32>,
        %get3A_1394 = vector.shape_cast %get3A_1393 : vector<1x16xf32> to vector<16xf32>
        %mul3A_1395 = arith.mulf %get3A_1386, %get3A_1394 : vector<16xf32>
        %swap3A_1396 = arith.constant 0 : i32
        %swap3A_1397 = arith.constant 0 : i32
        %swap3A_1398 = tpu.memref_slice %arg8[%scan3A_533, %swap3A_1396, %swap3A_1397] : memref<2x80x128xf32, #tpu.memory_space<vmem>> -> memref<1x80x128xf32, #tpu.memory_space<vmem>>
        %swap3A_1399 = tpu.memref_squeeze %swap3A_1398 : memref<1x80x128xf32, #tpu.memory_space<vmem>> -> memref<80x128xf32, #tpu.memory_space<vmem>>
        %swap3A_1400 = arith.index_cast %add3A_1196 : i32 to index
        %swap3A_1401 = arith.constant 112 : index
        %swap3A_1402 = tpu.vector_load %swap3A_1399[%swap3A_1400, %swap3A_1401] {strides = array<i32>} : memref<80x128xf32, #tpu.memory_space<vmem>>, vector<1x16xf32>,
        %swap3A_1403 = vector.shape_cast %swap3A_1402 : vector<1x16xf32> to vector<16xf32>
        %swap3A_1404 = vector.shape_cast %mul3A_1395 : vector<16xf32> to vector<1x16xf32>
        tpu.vector_store %swap3A_1399[%swap3A_1400, %swap3A_1401], %swap3A_1404 {strides = array<i32>} : memref<80x128xf32, #tpu.memory_space<vmem>>, vector<1x16xf32>,
        %scan3A_1405 = arith.constant 0 : i32
        scf.yield %scan3A_1405 : i32
      }
      %scan3A_541 = arith.constant 20 : i32
      %dma_start3A_542 = arith.constant 1 : i32
      %dma_start3A_543 = arith.constant 1 : i32
      %dma_start3A_544 = arith.constant 0 : i32
      %dma_start3A_545 = arith.constant 0 : i32
      %dma_start3A_546 = tpu.memref_slice %arg8[%dma_start3A_542, %dma_start3A_544, %dma_start3A_545] : memref<2x80x128xf32, #tpu.memory_space<vmem>> -> memref<1x80x128xf32, #tpu.memory_space<vmem>>
      %dma_start3A_547 = tpu.memref_squeeze %dma_start3A_546 : memref<1x80x128xf32, #tpu.memory_space<vmem>> -> memref<80x128xf32, #tpu.memory_space<vmem>>
      %dma_start3A_548 = arith.constant 0 : i32
      %dma_start3A_549 = tpu.memref_slice %arg7[%dma_start3A_543, %dma_start3A_548] : memref<2x80xi32, #tpu.memory_space<vmem>> -> memref<1x80xi32, #tpu.memory_space<vmem>>
      %dma_start3A_550 = tpu.memref_squeeze %dma_start3A_549 : memref<1x80xi32, #tpu.memory_space<vmem>> -> memref<80xi32, #tpu.memory_space<vmem>>
      %dma_start3A_551 = arith.constant 0 : i32
      %dma_start3A_552 = arith.constant 0 : i32
      %dma_start3A_553 = tpu.memref_slice %arg10[%dma_start3A_551, %dma_start3A_552] : memref<10240x128xf32, #tpu.memory_space<vmem_shared>> -> memref<10240x128xf32, #tpu.memory_space<vmem_shared>>
      tpu.enqueue_indirect_dma source(%dma_start3A_547 : memref<80x128xf32, #tpu.memory_space<vmem>>) target(%dma_start3A_553 : memref<10240x128xf32, #tpu.memory_space<vmem_shared>>) offsets(%dma_start3A_550 : memref<80xi32, #tpu.memory_space<vmem>>) semaphore(%arg15 : memref<!tpu.dma_semaphore, #tpu.memory_space<semaphore_mem>>) {add = true}
      %scan3A_554 = arith.constant 0 : i32
      scf.yield %scan3A_554 : i32
    }
    %scan3A_121 = arith.constant 62 : i32
    %dma_wait3A_122 = arith.constant 0 : i32
    %dma_wait3A_123 = arith.constant 0 : i32
    %dma_wait3A_124 = arith.constant 0 : i32
    %dma_wait3A_125 = tpu.memref_slice %arg8[%dma_wait3A_122, %dma_wait3A_123, %dma_wait3A_124] : memref<2x80x128xf32, #tpu.memory_space<vmem>> -> memref<1x80x128xf32, #tpu.memory_space<vmem>>
    %dma_wait3A_126 = tpu.memref_squeeze %dma_wait3A_125 : memref<1x80x128xf32, #tpu.memory_space<vmem>> -> memref<80x128xf32, #tpu.memory_space<vmem>>
    %dma_wait3A_127 = arith.constant 0 : i32
    %dma_wait3A_128 = arith.constant 0 : i32
    %dma_wait3A_129 = tpu.memref_slice %arg3[%dma_wait3A_127, %dma_wait3A_128] : memref<320000x128xf32, #tpu.memory_space<hbm>> -> memref<80x128xf32, #tpu.memory_space<hbm>>
    %dma_wait3A_130 = arith.constant 0 : i32
    %dma_wait3A_131 = arith.constant 0 : i32
    %dma_wait3A_132 = tpu.memref_slice %arg8[%dma_wait3A_122, %dma_wait3A_130, %dma_wait3A_131] : memref<2x80x128xf32, #tpu.memory_space<vmem>> -> memref<1x80x128xf32, #tpu.memory_space<vmem>>
    %dma_wait3A_133 = tpu.memref_squeeze %dma_wait3A_132 : memref<1x80x128xf32, #tpu.memory_space<vmem>> -> memref<80x128xf32, #tpu.memory_space<vmem>>
    %dma_wait3A_134 = arith.constant 0 : i32
    %dma_wait3A_135 = arith.constant 0 : i32
    %dma_wait3A_136 = tpu.memref_slice %arg3[%dma_wait3A_134, %dma_wait3A_135] : memref<320000x128xf32, #tpu.memory_space<hbm>> -> memref<80x128xf32, #tpu.memory_space<hbm>>
    tpu.wait_dma2 semaphore(%arg13 : memref<!tpu.dma_semaphore, #tpu.memory_space<semaphore_mem>>) src(%dma_wait3A_136 : memref<80x128xf32, #tpu.memory_space<hbm>>) dst(%dma_wait3A_133 : memref<80x128xf32, #tpu.memory_space<vmem>>)
    %dma_wait3A_137 = arith.constant 0 : i32
    %dma_wait3A_138 = arith.constant 0 : i32
    %dma_wait3A_139 = arith.constant 0 : i32
    %dma_wait3A_140 = arith.constant 0 : i32
    %dma_wait3A_141 = arith.constant 0 : i32
    %dma_wait3A_142 = tpu.memref_slice %arg9[%dma_wait3A_139, %dma_wait3A_140, %dma_wait3A_141] : memref<2x80x128xf32, #tpu.memory_space<vmem>> -> memref<1x80x128xf32, #tpu.memory_space<vmem>>
    %dma_wait3A_143 = tpu.memref_squeeze %dma_wait3A_142 : memref<1x80x128xf32, #tpu.memory_space<vmem>> -> memref<80x128xf32, #tpu.memory_space<vmem>>
    %dma_wait3A_144 = arith.constant 0 : i32
    %dma_wait3A_145 = tpu.memref_slice %arg6[%dma_wait3A_137, %dma_wait3A_138, %dma_wait3A_144] : memref<2x2x80xi32, #tpu.memory_space<vmem>> -> memref<1x1x80xi32, #tpu.memory_space<vmem>>
    %dma_wait3A_146 = tpu.memref_squeeze %dma_wait3A_145 : memref<1x1x80xi32, #tpu.memory_space<vmem>> -> memref<80xi32, #tpu.memory_space<vmem>>
    %dma_wait3A_147 = arith.constant 0 : i32
    %dma_wait3A_148 = arith.constant 0 : i32
    %dma_wait3A_149 = tpu.memref_slice %arg4[%dma_wait3A_147, %dma_wait3A_148] : memref<10000x128xf32, #tpu.memory_space<hbm>> -> memref<10000x128xf32, #tpu.memory_space<hbm>>
    tpu.wait_indirect_dma semaphore(%arg14 : memref<!tpu.dma_semaphore, #tpu.memory_space<semaphore_mem>>) src(%dma_wait3A_149 : memref<10000x128xf32, #tpu.memory_space<hbm>>) dst(%dma_wait3A_143 : memref<80x128xf32, #tpu.memory_space<vmem>>)
    %get3A = arith.constant 0 : i32
    %get3A_150 = arith.constant 1 : i32
    %get3A_151 = arith.index_cast %get3A : i32 to index
    %get3A_152 = arith.index_cast %get3A_150 : i32 to index
    %get3A_153 = arith.constant 0 : index
    %get3A_154 = tpu.vector_load %arg6[%get3A_151, %get3A_152, %get3A_153] {strides = array<i32>} : memref<2x2x80xi32, #tpu.memory_space<vmem>>, vector<1x1x16xi32>,
    %get3A_155 = vector.shape_cast %get3A_154 : vector<1x1x16xi32> to vector<16xi32>
    %swap3A = arith.constant 0 : i32
    %swap3A_156 = arith.index_cast %swap3A : i32 to index
    %swap3A_157 = arith.constant 0 : index
    %swap3A_158 = tpu.vector_load %arg7[%swap3A_156, %swap3A_157] {strides = array<i32>} : memref<2x80xi32, #tpu.memory_space<vmem>>, vector<1x16xi32>,
    %swap3A_159 = vector.shape_cast %swap3A_158 : vector<1x16xi32> to vector<16xi32>
    %swap3A_160 = vector.shape_cast %get3A_155 : vector<16xi32> to vector<1x16xi32>
    tpu.vector_store %arg7[%swap3A_156, %swap3A_157], %swap3A_160 {strides = array<i32>} : memref<2x80xi32, #tpu.memory_space<vmem>>, vector<1x16xi32>,
    %get3A_161 = arith.constant 0 : i32
    %get3A_162 = arith.constant 1 : i32
    %get3A_163 = arith.index_cast %get3A_161 : i32 to index
    %get3A_164 = arith.index_cast %get3A_162 : i32 to index
    %get3A_165 = arith.constant 16 : index
    %get3A_166 = tpu.vector_load %arg6[%get3A_163, %get3A_164, %get3A_165] {strides = array<i32>} : memref<2x2x80xi32, #tpu.memory_space<vmem>>, vector<1x1x16xi32>,
    %get3A_167 = vector.shape_cast %get3A_166 : vector<1x1x16xi32> to vector<16xi32>
    %swap3A_168 = arith.constant 0 : i32
    %swap3A_169 = arith.index_cast %swap3A_168 : i32 to index
    %swap3A_170 = arith.constant 16 : index
    %swap3A_171 = tpu.vector_load %arg7[%swap3A_169, %swap3A_170] {strides = array<i32>} : memref<2x80xi32, #tpu.memory_space<vmem>>, vector<1x16xi32>,
    %swap3A_172 = vector.shape_cast %swap3A_171 : vector<1x16xi32> to vector<16xi32>
    %swap3A_173 = vector.shape_cast %get3A_167 : vector<16xi32> to vector<1x16xi32>
    tpu.vector_store %arg7[%swap3A_169, %swap3A_170], %swap3A_173 {strides = array<i32>} : memref<2x80xi32, #tpu.memory_space<vmem>>, vector<1x16xi32>,
    %get3A_174 = arith.constant 0 : i32
    %get3A_175 = arith.constant 1 : i32
    %get3A_176 = arith.index_cast %get3A_174 : i32 to index
    %get3A_177 = arith.index_cast %get3A_175 : i32 to index
    %get3A_178 = arith.constant 32 : index
    %get3A_179 = tpu.vector_load %arg6[%get3A_176, %get3A_177, %get3A_178] {strides = array<i32>} : memref<2x2x80xi32, #tpu.memory_space<vmem>>, vector<1x1x16xi32>,
    %get3A_180 = vector.shape_cast %get3A_179 : vector<1x1x16xi32> to vector<16xi32>
    %swap3A_181 = arith.constant 0 : i32
    %swap3A_182 = arith.index_cast %swap3A_181 : i32 to index
    %swap3A_183 = arith.constant 32 : index
    %swap3A_184 = tpu.vector_load %arg7[%swap3A_182, %swap3A_183] {strides = array<i32>} : memref<2x80xi32, #tpu.memory_space<vmem>>, vector<1x16xi32>,
    %swap3A_185 = vector.shape_cast %swap3A_184 : vector<1x16xi32> to vector<16xi32>
    %swap3A_186 = vector.shape_cast %get3A_180 : vector<16xi32> to vector<1x16xi32>
    tpu.vector_store %arg7[%swap3A_182, %swap3A_183], %swap3A_186 {strides = array<i32>} : memref<2x80xi32, #tpu.memory_space<vmem>>, vector<1x16xi32>,
    %get3A_187 = arith.constant 0 : i32
    %get3A_188 = arith.constant 1 : i32
    %get3A_189 = arith.index_cast %get3A_187 : i32 to index
    %get3A_190 = arith.index_cast %get3A_188 : i32 to index
    %get3A_191 = arith.constant 48 : index
    %get3A_192 = tpu.vector_load %arg6[%get3A_189, %get3A_190, %get3A_191] {strides = array<i32>} : memref<2x2x80xi32, #tpu.memory_space<vmem>>, vector<1x1x16xi32>,
    %get3A_193 = vector.shape_cast %get3A_192 : vector<1x1x16xi32> to vector<16xi32>
    %swap3A_194 = arith.constant 0 : i32
    %swap3A_195 = arith.index_cast %swap3A_194 : i32 to index
    %swap3A_196 = arith.constant 48 : index
    %swap3A_197 = tpu.vector_load %arg7[%swap3A_195, %swap3A_196] {strides = array<i32>} : memref<2x80xi32, #tpu.memory_space<vmem>>, vector<1x16xi32>,
    %swap3A_198 = vector.shape_cast %swap3A_197 : vector<1x16xi32> to vector<16xi32>
    %swap3A_199 = vector.shape_cast %get3A_193 : vector<16xi32> to vector<1x16xi32>
    tpu.vector_store %arg7[%swap3A_195, %swap3A_196], %swap3A_199 {strides = array<i32>} : memref<2x80xi32, #tpu.memory_space<vmem>>, vector<1x16xi32>,
    %get3A_200 = arith.constant 0 : i32
    %get3A_201 = arith.constant 1 : i32
    %get3A_202 = arith.index_cast %get3A_200 : i32 to index
    %get3A_203 = arith.index_cast %get3A_201 : i32 to index
    %get3A_204 = arith.constant 64 : index
    %get3A_205 = tpu.vector_load %arg6[%get3A_202, %get3A_203, %get3A_204] {strides = array<i32>} : memref<2x2x80xi32, #tpu.memory_space<vmem>>, vector<1x1x16xi32>,
    %get3A_206 = vector.shape_cast %get3A_205 : vector<1x1x16xi32> to vector<16xi32>
    %swap3A_207 = arith.constant 0 : i32
    %swap3A_208 = arith.index_cast %swap3A_207 : i32 to index
    %swap3A_209 = arith.constant 64 : index
    %swap3A_210 = tpu.vector_load %arg7[%swap3A_208, %swap3A_209] {strides = array<i32>} : memref<2x80xi32, #tpu.memory_space<vmem>>, vector<1x16xi32>,
    %swap3A_211 = vector.shape_cast %swap3A_210 : vector<1x16xi32> to vector<16xi32>
    %swap3A_212 = vector.shape_cast %get3A_206 : vector<16xi32> to vector<1x16xi32>
    tpu.vector_store %arg7[%swap3A_208, %swap3A_209], %swap3A_212 {strides = array<i32>} : memref<2x80xi32, #tpu.memory_space<vmem>>, vector<1x16xi32>,
    %cond3A = arith.constant 0 : i32
    %cond3A_213 = arith.constant 0 : i32
    %scan3A_214 = arith.constant 0 : i32
    %scan3A_215 = arith.constant 0 : i32
    %scan3A_216 = arith.constant 0 : i32
    %scan3A_217 = arith.constant 0 : i32
    %scan3A_218 = arith.constant 20 : i32
    %scan3A_219 = arith.addi %scan3A_217, %scan3A_218 : i32
    %scan3A_220 = arith.constant 1 : i32
    %scan3A_221 = scf.for %scan3A_292 = %scan3A_217 to %scan3A_219 step %scan3A_220 iter_args(%scan3A_293 = %scan3A_216) -> (i32)  : i32 {
      %mul3A_294 = arith.constant 4 : i32
      %mul3A_295 = arith.muli %mul3A_294, %scan3A_292 : i32
      %add3A_296 = arith.constant 0 : i32
      %add3A_297 = arith.addi %mul3A_295, %add3A_296 : i32
      %get3A_298 = arith.constant 0 : i32
      %get3A_299 = arith.constant 0 : i32
      %get3A_300 = tpu.memref_slice %arg8[%scan3A_214, %get3A_298, %get3A_299] : memref<2x80x128xf32, #tpu.memory_space<vmem>> -> memref<1x80x128xf32, #tpu.memory_space<vmem>>
      %get3A_301 = tpu.memref_squeeze %get3A_300 : memref<1x80x128xf32, #tpu.memory_space<vmem>> -> memref<80x128xf32, #tpu.memory_space<vmem>>
      %get3A_302 = arith.index_cast %add3A_297 : i32 to index
      %get3A_303 = arith.constant 0 : index
      %get3A_304 = tpu.vector_load %get3A_301[%get3A_302, %get3A_303] {strides = array<i32>} : memref<80x128xf32, #tpu.memory_space<vmem>>, vector<1x16xf32>,
      %get3A_305 = vector.shape_cast %get3A_304 : vector<1x16xf32> to vector<16xf32>
      %get3A_306 = arith.constant 0 : i32
      %get3A_307 = arith.constant 0 : i32
      %get3A_308 = tpu.memref_slice %arg9[%scan3A_215, %get3A_306, %get3A_307] : memref<2x80x128xf32, #tpu.memory_space<vmem>> -> memref<1x80x128xf32, #tpu.memory_space<vmem>>
      %get3A_309 = tpu.memref_squeeze %get3A_308 : memref<1x80x128xf32, #tpu.memory_space<vmem>> -> memref<80x128xf32, #tpu.memory_space<vmem>>
      %get3A_310 = arith.index_cast %add3A_297 : i32 to index
      %get3A_311 = arith.constant 0 : index
      %get3A_312 = tpu.vector_load %get3A_309[%get3A_310, %get3A_311] {strides = array<i32>} : memref<80x128xf32, #tpu.memory_space<vmem>>, vector<1x16xf32>,
      %get3A_313 = vector.shape_cast %get3A_312 : vector<1x16xf32> to vector<16xf32>
      %mul3A_314 = arith.mulf %get3A_305, %get3A_313 : vector<16xf32>
      %swap3A_315 = arith.constant 0 : i32
      %swap3A_316 = arith.constant 0 : i32
      %swap3A_317 = tpu.memref_slice %arg8[%scan3A_214, %swap3A_315, %swap3A_316] : memref<2x80x128xf32, #tpu.memory_space<vmem>> -> memref<1x80x128xf32, #tpu.memory_space<vmem>>
      %swap3A_318 = tpu.memref_squeeze %swap3A_317 : memref<1x80x128xf32, #tpu.memory_space<vmem>> -> memref<80x128xf32, #tpu.memory_space<vmem>>
      %swap3A_319 = arith.index_cast %add3A_297 : i32 to index
      %swap3A_320 = arith.constant 0 : index
      %swap3A_321 = tpu.vector_load %swap3A_318[%swap3A_319, %swap3A_320] {strides = array<i32>} : memref<80x128xf32, #tpu.memory_space<vmem>>, vector<1x16xf32>,
      %swap3A_322 = vector.shape_cast %swap3A_321 : vector<1x16xf32> to vector<16xf32>
      %swap3A_323 = vector.shape_cast %mul3A_314 : vector<16xf32> to vector<1x16xf32>
      tpu.vector_store %swap3A_318[%swap3A_319, %swap3A_320], %swap3A_323 {strides = array<i32>} : memref<80x128xf32, #tpu.memory_space<vmem>>, vector<1x16xf32>,
      %get3A_324 = arith.constant 0 : i32
      %get3A_325 = arith.constant 0 : i32
      %get3A_326 = tpu.memref_slice %arg8[%scan3A_214, %get3A_324, %get3A_325] : memref<2x80x128xf32, #tpu.memory_space<vmem>> -> memref<1x80x128xf32, #tpu.memory_space<vmem>>
      %get3A_327 = tpu.memref_squeeze %get3A_326 : memref<1x80x128xf32, #tpu.memory_space<vmem>> -> memref<80x128xf32, #tpu.memory_space<vmem>>
      %get3A_328 = arith.index_cast %add3A_297 : i32 to index
      %get3A_329 = arith.constant 16 : index
      %get3A_330 = tpu.vector_load %get3A_327[%get3A_328, %get3A_329] {strides = array<i32>} : memref<80x128xf32, #tpu.memory_space<vmem>>, vector<1x16xf32>,
      %get3A_331 = vector.shape_cast %get3A_330 : vector<1x16xf32> to vector<16xf32>
      %get3A_332 = arith.constant 0 : i32
      %get3A_333 = arith.constant 0 : i32
      %get3A_334 = tpu.memref_slice %arg9[%scan3A_215, %get3A_332, %get3A_333] : memref<2x80x128xf32, #tpu.memory_space<vmem>> -> memref<1x80x128xf32, #tpu.memory_space<vmem>>
      %get3A_335 = tpu.memref_squeeze %get3A_334 : memref<1x80x128xf32, #tpu.memory_space<vmem>> -> memref<80x128xf32, #tpu.memory_space<vmem>>
      %get3A_336 = arith.index_cast %add3A_297 : i32 to index
      %get3A_337 = arith.constant 16 : index
      %get3A_338 = tpu.vector_load %get3A_335[%get3A_336, %get3A_337] {strides = array<i32>} : memref<80x128xf32, #tpu.memory_space<vmem>>, vector<1x16xf32>,
      %get3A_339 = vector.shape_cast %get3A_338 : vector<1x16xf32> to vector<16xf32>
      %mul3A_340 = arith.mulf %get3A_331, %get3A_339 : vector<16xf32>
      %swap3A_341 = arith.constant 0 : i32
      %swap3A_342 = arith.constant 0 : i32
      %swap3A_343 = tpu.memref_slice %arg8[%scan3A_214, %swap3A_341, %swap3A_342] : memref<2x80x128xf32, #tpu.memory_space<vmem>> -> memref<1x80x128xf32, #tpu.memory_space<vmem>>
      %swap3A_344 = tpu.memref_squeeze %swap3A_343 : memref<1x80x128xf32, #tpu.memory_space<vmem>> -> memref<80x128xf32, #tpu.memory_space<vmem>>
      %swap3A_345 = arith.index_cast %add3A_297 : i32 to index
      %swap3A_346 = arith.constant 16 : index
      %swap3A_347 = tpu.vector_load %swap3A_344[%swap3A_345, %swap3A_346] {strides = array<i32>} : memref<80x128xf32, #tpu.memory_space<vmem>>, vector<1x16xf32>,
      %swap3A_348 = vector.shape_cast %swap3A_347 : vector<1x16xf32> to vector<16xf32>
      %swap3A_349 = vector.shape_cast %mul3A_340 : vector<16xf32> to vector<1x16xf32>
      tpu.vector_store %swap3A_344[%swap3A_345, %swap3A_346], %swap3A_349 {strides = array<i32>} : memref<80x128xf32, #tpu.memory_space<vmem>>, vector<1x16xf32>,
      %get3A_350 = arith.constant 0 : i32
      %get3A_351 = arith.constant 0 : i32
      %get3A_352 = tpu.memref_slice %arg8[%scan3A_214, %get3A_350, %get3A_351] : memref<2x80x128xf32, #tpu.memory_space<vmem>> -> memref<1x80x128xf32, #tpu.memory_space<vmem>>
      %get3A_353 = tpu.memref_squeeze %get3A_352 : memref<1x80x128xf32, #tpu.memory_space<vmem>> -> memref<80x128xf32, #tpu.memory_space<vmem>>
      %get3A_354 = arith.index_cast %add3A_297 : i32 to index
      %get3A_355 = arith.constant 32 : index
      %get3A_356 = tpu.vector_load %get3A_353[%get3A_354, %get3A_355] {strides = array<i32>} : memref<80x128xf32, #tpu.memory_space<vmem>>, vector<1x16xf32>,
      %get3A_357 = vector.shape_cast %get3A_356 : vector<1x16xf32> to vector<16xf32>
      %get3A_358 = arith.constant 0 : i32
      %get3A_359 = arith.constant 0 : i32
      %get3A_360 = tpu.memref_slice %arg9[%scan3A_215, %get3A_358, %get3A_359] : memref<2x80x128xf32, #tpu.memory_space<vmem>> -> memref<1x80x128xf32, #tpu.memory_space<vmem>>
      %get3A_361 = tpu.memref_squeeze %get3A_360 : memref<1x80x128xf32, #tpu.memory_space<vmem>> -> memref<80x128xf32, #tpu.memory_space<vmem>>
      %get3A_362 = arith.index_cast %add3A_297 : i32 to index
      %get3A_363 = arith.constant 32 : index
      %get3A_364 = tpu.vector_load %get3A_361[%get3A_362, %get3A_363] {strides = array<i32>} : memref<80x128xf32, #tpu.memory_space<vmem>>, vector<1x16xf32>,
      %get3A_365 = vector.shape_cast %get3A_364 : vector<1x16xf32> to vector<16xf32>
      %mul3A_366 = arith.mulf %get3A_357, %get3A_365 : vector<16xf32>
      %swap3A_367 = arith.constant 0 : i32
      %swap3A_368 = arith.constant 0 : i32
      %swap3A_369 = tpu.memref_slice %arg8[%scan3A_214, %swap3A_367, %swap3A_368] : memref<2x80x128xf32, #tpu.memory_space<vmem>> -> memref<1x80x128xf32, #tpu.memory_space<vmem>>
      %swap3A_370 = tpu.memref_squeeze %swap3A_369 : memref<1x80x128xf32, #tpu.memory_space<vmem>> -> memref<80x128xf32, #tpu.memory_space<vmem>>
      %swap3A_371 = arith.index_cast %add3A_297 : i32 to index
      %swap3A_372 = arith.constant 32 : index
      %swap3A_373 = tpu.vector_load %swap3A_370[%swap3A_371, %swap3A_372] {strides = array<i32>} : memref<80x128xf32, #tpu.memory_space<vmem>>, vector<1x16xf32>,
      %swap3A_374 = vector.shape_cast %swap3A_373 : vector<1x16xf32> to vector<16xf32>
      %swap3A_375 = vector.shape_cast %mul3A_366 : vector<16xf32> to vector<1x16xf32>
      tpu.vector_store %swap3A_370[%swap3A_371, %swap3A_372], %swap3A_375 {strides = array<i32>} : memref<80x128xf32, #tpu.memory_space<vmem>>, vector<1x16xf32>,
      %get3A_376 = arith.constant 0 : i32
      %get3A_377 = arith.constant 0 : i32
      %get3A_378 = tpu.memref_slice %arg8[%scan3A_214, %get3A_376, %get3A_377] : memref<2x80x128xf32, #tpu.memory_space<vmem>> -> memref<1x80x128xf32, #tpu.memory_space<vmem>>
      %get3A_379 = tpu.memref_squeeze %get3A_378 : memref<1x80x128xf32, #tpu.memory_space<vmem>> -> memref<80x128xf32, #tpu.memory_space<vmem>>
      %get3A_380 = arith.index_cast %add3A_297 : i32 to index
      %get3A_381 = arith.constant 48 : index
      %get3A_382 = tpu.vector_load %get3A_379[%get3A_380, %get3A_381] {strides = array<i32>} : memref<80x128xf32, #tpu.memory_space<vmem>>, vector<1x16xf32>,
      %get3A_383 = vector.shape_cast %get3A_382 : vector<1x16xf32> to vector<16xf32>
      %get3A_384 = arith.constant 0 : i32
      %get3A_385 = arith.constant 0 : i32
      %get3A_386 = tpu.memref_slice %arg9[%scan3A_215, %get3A_384, %get3A_385] : memref<2x80x128xf32, #tpu.memory_space<vmem>> -> memref<1x80x128xf32, #tpu.memory_space<vmem>>
      %get3A_387 = tpu.memref_squeeze %get3A_386 : memref<1x80x128xf32, #tpu.memory_space<vmem>> -> memref<80x128xf32, #tpu.memory_space<vmem>>
      %get3A_388 = arith.index_cast %add3A_297 : i32 to index
      %get3A_389 = arith.constant 48 : index
      %get3A_390 = tpu.vector_load %get3A_387[%get3A_388, %get3A_389] {strides = array<i32>} : memref<80x128xf32, #tpu.memory_space<vmem>>, vector<1x16xf32>,
      %get3A_391 = vector.shape_cast %get3A_390 : vector<1x16xf32> to vector<16xf32>
      %mul3A_392 = arith.mulf %get3A_383, %get3A_391 : vector<16xf32>
      %swap3A_393 = arith.constant 0 : i32
      %swap3A_394 = arith.constant 0 : i32
      %swap3A_395 = tpu.memref_slice %arg8[%scan3A_214, %swap3A_393, %swap3A_394] : memref<2x80x128xf32, #tpu.memory_space<vmem>> -> memref<1x80x128xf32, #tpu.memory_space<vmem>>
      %swap3A_396 = tpu.memref_squeeze %swap3A_395 : memref<1x80x128xf32, #tpu.memory_space<vmem>> -> memref<80x128xf32, #tpu.memory_space<vmem>>
      %swap3A_397 = arith.index_cast %add3A_297 : i32 to index
      %swap3A_398 = arith.constant 48 : index
      %swap3A_399 = tpu.vector_load %swap3A_396[%swap3A_397, %swap3A_398] {strides = array<i32>} : memref<80x128xf32, #tpu.memory_space<vmem>>, vector<1x16xf32>,
      %swap3A_400 = vector.shape_cast %swap3A_399 : vector<1x16xf32> to vector<16xf32>
      %swap3A_401 = vector.shape_cast %mul3A_392 : vector<16xf32> to vector<1x16xf32>
      tpu.vector_store %swap3A_396[%swap3A_397, %swap3A_398], %swap3A_401 {strides = array<i32>} : memref<80x128xf32, #tpu.memory_space<vmem>>, vector<1x16xf32>,
      %get3A_402 = arith.constant 0 : i32
      %get3A_403 = arith.constant 0 : i32
      %get3A_404 = tpu.memref_slice %arg8[%scan3A_214, %get3A_402, %get3A_403] : memref<2x80x128xf32, #tpu.memory_space<vmem>> -> memref<1x80x128xf32, #tpu.memory_space<vmem>>
      %get3A_405 = tpu.memref_squeeze %get3A_404 : memref<1x80x128xf32, #tpu.memory_space<vmem>> -> memref<80x128xf32, #tpu.memory_space<vmem>>
      %get3A_406 = arith.index_cast %add3A_297 : i32 to index
      %get3A_407 = arith.constant 64 : index
      %get3A_408 = tpu.vector_load %get3A_405[%get3A_406, %get3A_407] {strides = array<i32>} : memref<80x128xf32, #tpu.memory_space<vmem>>, vector<1x16xf32>,
      %get3A_409 = vector.shape_cast %get3A_408 : vector<1x16xf32> to vector<16xf32>
      %get3A_410 = arith.constant 0 : i32
      %get3A_411 = arith.constant 0 : i32
      %get3A_412 = tpu.memref_slice %arg9[%scan3A_215, %get3A_410, %get3A_411] : memref<2x80x128xf32, #tpu.memory_space<vmem>> -> memref<1x80x128xf32, #tpu.memory_space<vmem>>
      %get3A_413 = tpu.memref_squeeze %get3A_412 : memref<1x80x128xf32, #tpu.memory_space<vmem>> -> memref<80x128xf32, #tpu.memory_space<vmem>>
      %get3A_414 = arith.index_cast %add3A_297 : i32 to index
      %get3A_415 = arith.constant 64 : index
      %get3A_416 = tpu.vector_load %get3A_413[%get3A_414, %get3A_415] {strides = array<i32>} : memref<80x128xf32, #tpu.memory_space<vmem>>, vector<1x16xf32>,
      %get3A_417 = vector.shape_cast %get3A_416 : vector<1x16xf32> to vector<16xf32>
      %mul3A_418 = arith.mulf %get3A_409, %get3A_417 : vector<16xf32>
      %swap3A_419 = arith.constant 0 : i32
      %swap3A_420 = arith.constant 0 : i32
      %swap3A_421 = tpu.memref_slice %arg8[%scan3A_214, %swap3A_419, %swap3A_420] : memref<2x80x128xf32, #tpu.memory_space<vmem>> -> memref<1x80x128xf32, #tpu.memory_space<vmem>>
      %swap3A_422 = tpu.memref_squeeze %swap3A_421 : memref<1x80x128xf32, #tpu.memory_space<vmem>> -> memref<80x128xf32, #tpu.memory_space<vmem>>
      %swap3A_423 = arith.index_cast %add3A_297 : i32 to index
      %swap3A_424 = arith.constant 64 : index
      %swap3A_425 = tpu.vector_load %swap3A_422[%swap3A_423, %swap3A_424] {strides = array<i32>} : memref<80x128xf32, #tpu.memory_space<vmem>>, vector<1x16xf32>,
      %swap3A_426 = vector.shape_cast %swap3A_425 : vector<1x16xf32> to vector<16xf32>
      %swap3A_427 = vector.shape_cast %mul3A_418 : vector<16xf32> to vector<1x16xf32>
      tpu.vector_store %swap3A_422[%swap3A_423, %swap3A_424], %swap3A_427 {strides = array<i32>} : memref<80x128xf32, #tpu.memory_space<vmem>>, vector<1x16xf32>,
      %get3A_428 = arith.constant 0 : i32
      %get3A_429 = arith.constant 0 : i32
      %get3A_430 = tpu.memref_slice %arg8[%scan3A_214, %get3A_428, %get3A_429] : memref<2x80x128xf32, #tpu.memory_space<vmem>> -> memref<1x80x128xf32, #tpu.memory_space<vmem>>
      %get3A_431 = tpu.memref_squeeze %get3A_430 : memref<1x80x128xf32, #tpu.memory_space<vmem>> -> memref<80x128xf32, #tpu.memory_space<vmem>>
      %get3A_432 = arith.index_cast %add3A_297 : i32 to index
      %get3A_433 = arith.constant 80 : index
      %get3A_434 = tpu.vector_load %get3A_431[%get3A_432, %get3A_433] {strides = array<i32>} : memref<80x128xf32, #tpu.memory_space<vmem>>, vector<1x16xf32>,
      %get3A_435 = vector.shape_cast %get3A_434 : vector<1x16xf32> to vector<16xf32>
      %get3A_436 = arith.constant 0 : i32
      %get3A_437 = arith.constant 0 : i32
      %get3A_438 = tpu.memref_slice %arg9[%scan3A_215, %get3A_436, %get3A_437] : memref<2x80x128xf32, #tpu.memory_space<vmem>> -> memref<1x80x128xf32, #tpu.memory_space<vmem>>
      %get3A_439 = tpu.memref_squeeze %get3A_438 : memref<1x80x128xf32, #tpu.memory_space<vmem>> -> memref<80x128xf32, #tpu.memory_space<vmem>>
      %get3A_440 = arith.index_cast %add3A_297 : i32 to index
      %get3A_441 = arith.constant 80 : index
      %get3A_442 = tpu.vector_load %get3A_439[%get3A_440, %get3A_441] {strides = array<i32>} : memref<80x128xf32, #tpu.memory_space<vmem>>, vector<1x16xf32>,
      %get3A_443 = vector.shape_cast %get3A_442 : vector<1x16xf32> to vector<16xf32>
      %mul3A_444 = arith.mulf %get3A_435, %get3A_443 : vector<16xf32>
      %swap3A_445 = arith.constant 0 : i32
      %swap3A_446 = arith.constant 0 : i32
      %swap3A_447 = tpu.memref_slice %arg8[%scan3A_214, %swap3A_445, %swap3A_446] : memref<2x80x128xf32, #tpu.memory_space<vmem>> -> memref<1x80x128xf32, #tpu.memory_space<vmem>>
      %swap3A_448 = tpu.memref_squeeze %swap3A_447 : memref<1x80x128xf32, #tpu.memory_space<vmem>> -> memref<80x128xf32, #tpu.memory_space<vmem>>
      %swap3A_449 = arith.index_cast %add3A_297 : i32 to index
      %swap3A_450 = arith.constant 80 : index
      %swap3A_451 = tpu.vector_load %swap3A_448[%swap3A_449, %swap3A_450] {strides = array<i32>} : memref<80x128xf32, #tpu.memory_space<vmem>>, vector<1x16xf32>,
      %swap3A_452 = vector.shape_cast %swap3A_451 : vector<1x16xf32> to vector<16xf32>
      %swap3A_453 = vector.shape_cast %mul3A_444 : vector<16xf32> to vector<1x16xf32>
      tpu.vector_store %swap3A_448[%swap3A_449, %swap3A_450], %swap3A_453 {strides = array<i32>} : memref<80x128xf32, #tpu.memory_space<vmem>>, vector<1x16xf32>,
      %get3A_454 = arith.constant 0 : i32
      %get3A_455 = arith.constant 0 : i32
      %get3A_456 = tpu.memref_slice %arg8[%scan3A_214, %get3A_454, %get3A_455] : memref<2x80x128xf32, #tpu.memory_space<vmem>> -> memref<1x80x128xf32, #tpu.memory_space<vmem>>
      %get3A_457 = tpu.memref_squeeze %get3A_456 : memref<1x80x128xf32, #tpu.memory_space<vmem>> -> memref<80x128xf32, #tpu.memory_space<vmem>>
      %get3A_458 = arith.index_cast %add3A_297 : i32 to index
      %get3A_459 = arith.constant 96 : index
      %get3A_460 = tpu.vector_load %get3A_457[%get3A_458, %get3A_459] {strides = array<i32>} : memref<80x128xf32, #tpu.memory_space<vmem>>, vector<1x16xf32>,
      %get3A_461 = vector.shape_cast %get3A_460 : vector<1x16xf32> to vector<16xf32>
      %get3A_462 = arith.constant 0 : i32
      %get3A_463 = arith.constant 0 : i32
      %get3A_464 = tpu.memref_slice %arg9[%scan3A_215, %get3A_462, %get3A_463] : memref<2x80x128xf32, #tpu.memory_space<vmem>> -> memref<1x80x128xf32, #tpu.memory_space<vmem>>
      %get3A_465 = tpu.memref_squeeze %get3A_464 : memref<1x80x128xf32, #tpu.memory_space<vmem>> -> memref<80x128xf32, #tpu.memory_space<vmem>>
      %get3A_466 = arith.index_cast %add3A_297 : i32 to index
      %get3A_467 = arith.constant 96 : index
      %get3A_468 = tpu.vector_load %get3A_465[%get3A_466, %get3A_467] {strides = array<i32>} : memref<80x128xf32, #tpu.memory_space<vmem>>, vector<1x16xf32>,
      %get3A_469 = vector.shape_cast %get3A_468 : vector<1x16xf32> to vector<16xf32>
      %mul3A_470 = arith.mulf %get3A_461, %get3A_469 : vector<16xf32>
      %swap3A_471 = arith.constant 0 : i32
      %swap3A_472 = arith.constant 0 : i32
      %swap3A_473 = tpu.memref_slice %arg8[%scan3A_214, %swap3A_471, %swap3A_472] : memref<2x80x128xf32, #tpu.memory_space<vmem>> -> memref<1x80x128xf32, #tpu.memory_space<vmem>>
      %swap3A_474 = tpu.memref_squeeze %swap3A_473 : memref<1x80x128xf32, #tpu.memory_space<vmem>> -> memref<80x128xf32, #tpu.memory_space<vmem>>
      %swap3A_475 = arith.index_cast %add3A_297 : i32 to index
      %swap3A_476 = arith.constant 96 : index
      %swap3A_477 = tpu.vector_load %swap3A_474[%swap3A_475, %swap3A_476] {strides = array<i32>} : memref<80x128xf32, #tpu.memory_space<vmem>>, vector<1x16xf32>,
      %swap3A_478 = vector.shape_cast %swap3A_477 : vector<1x16xf32> to vector<16xf32>
      %swap3A_479 = vector.shape_cast %mul3A_470 : vector<16xf32> to vector<1x16xf32>
      tpu.vector_store %swap3A_474[%swap3A_475, %swap3A_476], %swap3A_479 {strides = array<i32>} : memref<80x128xf32, #tpu.memory_space<vmem>>, vector<1x16xf32>,
      %get3A_480 = arith.constant 0 : i32
      %get3A_481 = arith.constant 0 : i32
      %get3A_482 = tpu.memref_slice %arg8[%scan3A_214, %get3A_480, %get3A_481] : memref<2x80x128xf32, #tpu.memory_space<vmem>> -> memref<1x80x128xf32, #tpu.memory_space<vmem>>
      %get3A_483 = tpu.memref_squeeze %get3A_482 : memref<1x80x128xf32, #tpu.memory_space<vmem>> -> memref<80x128xf32, #tpu.memory_space<vmem>>
      %get3A_484 = arith.index_cast %add3A_297 : i32 to index
      %get3A_485 = arith.constant 112 : index
      %get3A_486 = tpu.vector_load %get3A_483[%get3A_484, %get3A_485] {strides = array<i32>} : memref<80x128xf32, #tpu.memory_space<vmem>>, vector<1x16xf32>,
      %get3A_487 = vector.shape_cast %get3A_486 : vector<1x16xf32> to vector<16xf32>
      %get3A_488 = arith.constant 0 : i32
      %get3A_489 = arith.constant 0 : i32
      %get3A_490 = tpu.memref_slice %arg9[%scan3A_215, %get3A_488, %get3A_489] : memref<2x80x128xf32, #tpu.memory_space<vmem>> -> memref<1x80x128xf32, #tpu.memory_space<vmem>>
      %get3A_491 = tpu.memref_squeeze %get3A_490 : memref<1x80x128xf32, #tpu.memory_space<vmem>> -> memref<80x128xf32, #tpu.memory_space<vmem>>
      %get3A_492 = arith.index_cast %add3A_297 : i32 to index
      %get3A_493 = arith.constant 112 : index
      %get3A_494 = tpu.vector_load %get3A_491[%get3A_492, %get3A_493] {strides = array<i32>} : memref<80x128xf32, #tpu.memory_space<vmem>>, vector<1x16xf32>,
      %get3A_495 = vector.shape_cast %get3A_494 : vector<1x16xf32> to vector<16xf32>
      %mul3A_496 = arith.mulf %get3A_487, %get3A_495 : vector<16xf32>
      %swap3A_497 = arith.constant 0 : i32
      %swap3A_498 = arith.constant 0 : i32
      %swap3A_499 = tpu.memref_slice %arg8[%scan3A_214, %swap3A_497, %swap3A_498] : memref<2x80x128xf32, #tpu.memory_space<vmem>> -> memref<1x80x128xf32, #tpu.memory_space<vmem>>
      %swap3A_500 = tpu.memref_squeeze %swap3A_499 : memref<1x80x128xf32, #tpu.memory_space<vmem>> -> memref<80x128xf32, #tpu.memory_space<vmem>>
      %swap3A_501 = arith.index_cast %add3A_297 : i32 to index
      %swap3A_502 = arith.constant 112 : index
      %swap3A_503 = tpu.vector_load %swap3A_500[%swap3A_501, %swap3A_502] {strides = array<i32>} : memref<80x128xf32, #tpu.memory_space<vmem>>, vector<1x16xf32>,
      %swap3A_504 = vector.shape_cast %swap3A_503 : vector<1x16xf32> to vector<16xf32>
      %swap3A_505 = vector.shape_cast %mul3A_496 : vector<16xf32> to vector<1x16xf32>
      tpu.vector_store %swap3A_500[%swap3A_501, %swap3A_502], %swap3A_505 {strides = array<i32>} : memref<80x128xf32, #tpu.memory_space<vmem>>, vector<1x16xf32>,
      %mul3A_506 = arith.constant 4 : i32
      %mul3A_507 = arith.muli %mul3A_506, %scan3A_292 : i32
      %add3A_508 = arith.constant 1 : i32
      %add3A_509 = arith.addi %mul3A_507, %add3A_508 : i32
      %get3A_510 = arith.constant 0 : i32
      %get3A_511 = arith.constant 0 : i32
      %get3A_512 = tpu.memref_slice %arg8[%scan3A_214, %get3A_510, %get3A_511] : memref<2x80x128xf32, #tpu.memory_space<vmem>> -> memref<1x80x128xf32, #tpu.memory_space<vmem>>
      %get3A_513 = tpu.memref_squeeze %get3A_512 : memref<1x80x128xf32, #tpu.memory_space<vmem>> -> memref<80x128xf32, #tpu.memory_space<vmem>>
      %get3A_514 = arith.index_cast %add3A_509 : i32 to index
      %get3A_515 = arith.constant 0 : index
      %get3A_516 = tpu.vector_load %get3A_513[%get3A_514, %get3A_515] {strides = array<i32>} : memref<80x128xf32, #tpu.memory_space<vmem>>, vector<1x16xf32>,
      %get3A_517 = vector.shape_cast %get3A_516 : vector<1x16xf32> to vector<16xf32>
      %get3A_518 = arith.constant 0 : i32
      %get3A_519 = arith.constant 0 : i32
      %get3A_520 = tpu.memref_slice %arg9[%scan3A_215, %get3A_518, %get3A_519] : memref<2x80x128xf32, #tpu.memory_space<vmem>> -> memref<1x80x128xf32, #tpu.memory_space<vmem>>
      %get3A_521 = tpu.memref_squeeze %get3A_520 : memref<1x80x128xf32, #tpu.memory_space<vmem>> -> memref<80x128xf32, #tpu.memory_space<vmem>>
      %get3A_522 = arith.index_cast %add3A_509 : i32 to index
      %get3A_523 = arith.constant 0 : index
      %get3A_524 = tpu.vector_load %get3A_521[%get3A_522, %get3A_523] {strides = array<i32>} : memref<80x128xf32, #tpu.memory_space<vmem>>, vector<1x16xf32>,
      %get3A_525 = vector.shape_cast %get3A_524 : vector<1x16xf32> to vector<16xf32>
      %mul3A_526 = arith.mulf %get3A_517, %get3A_525 : vector<16xf32>
      %swap3A_527 = arith.constant 0 : i32
      %swap3A_528 = arith.constant 0 : i32
      %swap3A_529 = tpu.memref_slice %arg8[%scan3A_214, %swap3A_527, %swap3A_528] : memref<2x80x128xf32, #tpu.memory_space<vmem>> -> memref<1x80x128xf32, #tpu.memory_space<vmem>>
      %swap3A_530 = tpu.memref_squeeze %swap3A_529 : memref<1x80x128xf32, #tpu.memory_space<vmem>> -> memref<80x128xf32, #tpu.memory_space<vmem>>
      %swap3A_531 = arith.index_cast %add3A_509 : i32 to index
      %swap3A_532 = arith.constant 0 : index
      %swap3A_533 = tpu.vector_load %swap3A_530[%swap3A_531, %swap3A_532] {strides = array<i32>} : memref<80x128xf32, #tpu.memory_space<vmem>>, vector<1x16xf32>,
      %swap3A_534 = vector.shape_cast %swap3A_533 : vector<1x16xf32> to vector<16xf32>
      %swap3A_535 = vector.shape_cast %mul3A_526 : vector<16xf32> to vector<1x16xf32>
      tpu.vector_store %swap3A_530[%swap3A_531, %swap3A_532], %swap3A_535 {strides = array<i32>} : memref<80x128xf32, #tpu.memory_space<vmem>>, vector<1x16xf32>,
      %get3A_536 = arith.constant 0 : i32
      %get3A_537 = arith.constant 0 : i32
      %get3A_538 = tpu.memref_slice %arg8[%scan3A_214, %get3A_536, %get3A_537] : memref<2x80x128xf32, #tpu.memory_space<vmem>> -> memref<1x80x128xf32, #tpu.memory_space<vmem>>
      %get3A_539 = tpu.memref_squeeze %get3A_538 : memref<1x80x128xf32, #tpu.memory_space<vmem>> -> memref<80x128xf32, #tpu.memory_space<vmem>>
      %get3A_540 = arith.index_cast %add3A_509 : i32 to index
      %get3A_541 = arith.constant 16 : index
      %get3A_542 = tpu.vector_load %get3A_539[%get3A_540, %get3A_541] {strides = array<i32>} : memref<80x128xf32, #tpu.memory_space<vmem>>, vector<1x16xf32>,
      %get3A_543 = vector.shape_cast %get3A_542 : vector<1x16xf32> to vector<16xf32>
      %get3A_544 = arith.constant 0 : i32
      %get3A_545 = arith.constant 0 : i32
      %get3A_546 = tpu.memref_slice %arg9[%scan3A_215, %get3A_544, %get3A_545] : memref<2x80x128xf32, #tpu.memory_space<vmem>> -> memref<1x80x128xf32, #tpu.memory_space<vmem>>
      %get3A_547 = tpu.memref_squeeze %get3A_546 : memref<1x80x128xf32, #tpu.memory_space<vmem>> -> memref<80x128xf32, #tpu.memory_space<vmem>>
      %get3A_548 = arith.index_cast %add3A_509 : i32 to index
      %get3A_549 = arith.constant 16 : index
      %get3A_550 = tpu.vector_load %get3A_547[%get3A_548, %get3A_549] {strides = array<i32>} : memref<80x128xf32, #tpu.memory_space<vmem>>, vector<1x16xf32>,
      %get3A_551 = vector.shape_cast %get3A_550 : vector<1x16xf32> to vector<16xf32>
      %mul3A_552 = arith.mulf %get3A_543, %get3A_551 : vector<16xf32>
      %swap3A_553 = arith.constant 0 : i32
      %swap3A_554 = arith.constant 0 : i32
      %swap3A_555 = tpu.memref_slice %arg8[%scan3A_214, %swap3A_553, %swap3A_554] : memref<2x80x128xf32, #tpu.memory_space<vmem>> -> memref<1x80x128xf32, #tpu.memory_space<vmem>>
      %swap3A_556 = tpu.memref_squeeze %swap3A_555 : memref<1x80x128xf32, #tpu.memory_space<vmem>> -> memref<80x128xf32, #tpu.memory_space<vmem>>
      %swap3A_557 = arith.index_cast %add3A_509 : i32 to index
      %swap3A_558 = arith.constant 16 : index
      %swap3A_559 = tpu.vector_load %swap3A_556[%swap3A_557, %swap3A_558] {strides = array<i32>} : memref<80x128xf32, #tpu.memory_space<vmem>>, vector<1x16xf32>,
      %swap3A_560 = vector.shape_cast %swap3A_559 : vector<1x16xf32> to vector<16xf32>
      %swap3A_561 = vector.shape_cast %mul3A_552 : vector<16xf32> to vector<1x16xf32>
      tpu.vector_store %swap3A_556[%swap3A_557, %swap3A_558], %swap3A_561 {strides = array<i32>} : memref<80x128xf32, #tpu.memory_space<vmem>>, vector<1x16xf32>,
      %get3A_562 = arith.constant 0 : i32
      %get3A_563 = arith.constant 0 : i32
      %get3A_564 = tpu.memref_slice %arg8[%scan3A_214, %get3A_562, %get3A_563] : memref<2x80x128xf32, #tpu.memory_space<vmem>> -> memref<1x80x128xf32, #tpu.memory_space<vmem>>
      %get3A_565 = tpu.memref_squeeze %get3A_564 : memref<1x80x128xf32, #tpu.memory_space<vmem>> -> memref<80x128xf32, #tpu.memory_space<vmem>>
      %get3A_566 = arith.index_cast %add3A_509 : i32 to index
      %get3A_567 = arith.constant 32 : index
      %get3A_568 = tpu.vector_load %get3A_565[%get3A_566, %get3A_567] {strides = array<i32>} : memref<80x128xf32, #tpu.memory_space<vmem>>, vector<1x16xf32>,
      %get3A_569 = vector.shape_cast %get3A_568 : vector<1x16xf32> to vector<16xf32>
      %get3A_570 = arith.constant 0 : i32
      %get3A_571 = arith.constant 0 : i32
      %get3A_572 = tpu.memref_slice %arg9[%scan3A_215, %get3A_570, %get3A_571] : memref<2x80x128xf32, #tpu.memory_space<vmem>> -> memref<1x80x128xf32, #tpu.memory_space<vmem>>
      %get3A_573 = tpu.memref_squeeze %get3A_572 : memref<1x80x128xf32, #tpu.memory_space<vmem>> -> memref<80x128xf32, #tpu.memory_space<vmem>>
      %get3A_574 = arith.index_cast %add3A_509 : i32 to index
      %get3A_575 = arith.constant 32 : index
      %get3A_576 = tpu.vector_load %get3A_573[%get3A_574, %get3A_575] {strides = array<i32>} : memref<80x128xf32, #tpu.memory_space<vmem>>, vector<1x16xf32>,
      %get3A_577 = vector.shape_cast %get3A_576 : vector<1x16xf32> to vector<16xf32>
      %mul3A_578 = arith.mulf %get3A_569, %get3A_577 : vector<16xf32>
      %swap3A_579 = arith.constant 0 : i32
      %swap3A_580 = arith.constant 0 : i32
      %swap3A_581 = tpu.memref_slice %arg8[%scan3A_214, %swap3A_579, %swap3A_580] : memref<2x80x128xf32, #tpu.memory_space<vmem>> -> memref<1x80x128xf32, #tpu.memory_space<vmem>>
      %swap3A_582 = tpu.memref_squeeze %swap3A_581 : memref<1x80x128xf32, #tpu.memory_space<vmem>> -> memref<80x128xf32, #tpu.memory_space<vmem>>
      %swap3A_583 = arith.index_cast %add3A_509 : i32 to index
      %swap3A_584 = arith.constant 32 : index
      %swap3A_585 = tpu.vector_load %swap3A_582[%swap3A_583, %swap3A_584] {strides = array<i32>} : memref<80x128xf32, #tpu.memory_space<vmem>>, vector<1x16xf32>,
      %swap3A_586 = vector.shape_cast %swap3A_585 : vector<1x16xf32> to vector<16xf32>
      %swap3A_587 = vector.shape_cast %mul3A_578 : vector<16xf32> to vector<1x16xf32>
      tpu.vector_store %swap3A_582[%swap3A_583, %swap3A_584], %swap3A_587 {strides = array<i32>} : memref<80x128xf32, #tpu.memory_space<vmem>>, vector<1x16xf32>,
      %get3A_588 = arith.constant 0 : i32
      %get3A_589 = arith.constant 0 : i32
      %get3A_590 = tpu.memref_slice %arg8[%scan3A_214, %get3A_588, %get3A_589] : memref<2x80x128xf32, #tpu.memory_space<vmem>> -> memref<1x80x128xf32, #tpu.memory_space<vmem>>
      %get3A_591 = tpu.memref_squeeze %get3A_590 : memref<1x80x128xf32, #tpu.memory_space<vmem>> -> memref<80x128xf32, #tpu.memory_space<vmem>>
      %get3A_592 = arith.index_cast %add3A_509 : i32 to index
      %get3A_593 = arith.constant 48 : index
      %get3A_594 = tpu.vector_load %get3A_591[%get3A_592, %get3A_593] {strides = array<i32>} : memref<80x128xf32, #tpu.memory_space<vmem>>, vector<1x16xf32>,
      %get3A_595 = vector.shape_cast %get3A_594 : vector<1x16xf32> to vector<16xf32>
      %get3A_596 = arith.constant 0 : i32
      %get3A_597 = arith.constant 0 : i32
      %get3A_598 = tpu.memref_slice %arg9[%scan3A_215, %get3A_596, %get3A_597] : memref<2x80x128xf32, #tpu.memory_space<vmem>> -> memref<1x80x128xf32, #tpu.memory_space<vmem>>
      %get3A_599 = tpu.memref_squeeze %get3A_598 : memref<1x80x128xf32, #tpu.memory_space<vmem>> -> memref<80x128xf32, #tpu.memory_space<vmem>>
      %get3A_600 = arith.index_cast %add3A_509 : i32 to index
      %get3A_601 = arith.constant 48 : index
      %get3A_602 = tpu.vector_load %get3A_599[%get3A_600, %get3A_601] {strides = array<i32>} : memref<80x128xf32, #tpu.memory_space<vmem>>, vector<1x16xf32>,
      %get3A_603 = vector.shape_cast %get3A_602 : vector<1x16xf32> to vector<16xf32>
      %mul3A_604 = arith.mulf %get3A_595, %get3A_603 : vector<16xf32>
      %swap3A_605 = arith.constant 0 : i32
      %swap3A_606 = arith.constant 0 : i32
      %swap3A_607 = tpu.memref_slice %arg8[%scan3A_214, %swap3A_605, %swap3A_606] : memref<2x80x128xf32, #tpu.memory_space<vmem>> -> memref<1x80x128xf32, #tpu.memory_space<vmem>>
      %swap3A_608 = tpu.memref_squeeze %swap3A_607 : memref<1x80x128xf32, #tpu.memory_space<vmem>> -> memref<80x128xf32, #tpu.memory_space<vmem>>
      %swap3A_609 = arith.index_cast %add3A_509 : i32 to index
      %swap3A_610 = arith.constant 48 : index
      %swap3A_611 = tpu.vector_load %swap3A_608[%swap3A_609, %swap3A_610] {strides = array<i32>} : memref<80x128xf32, #tpu.memory_space<vmem>>, vector<1x16xf32>,
      %swap3A_612 = vector.shape_cast %swap3A_611 : vector<1x16xf32> to vector<16xf32>
      %swap3A_613 = vector.shape_cast %mul3A_604 : vector<16xf32> to vector<1x16xf32>
      tpu.vector_store %swap3A_608[%swap3A_609, %swap3A_610], %swap3A_613 {strides = array<i32>} : memref<80x128xf32, #tpu.memory_space<vmem>>, vector<1x16xf32>,
      %get3A_614 = arith.constant 0 : i32
      %get3A_615 = arith.constant 0 : i32
      %get3A_616 = tpu.memref_slice %arg8[%scan3A_214, %get3A_614, %get3A_615] : memref<2x80x128xf32, #tpu.memory_space<vmem>> -> memref<1x80x128xf32, #tpu.memory_space<vmem>>
      %get3A_617 = tpu.memref_squeeze %get3A_616 : memref<1x80x128xf32, #tpu.memory_space<vmem>> -> memref<80x128xf32, #tpu.memory_space<vmem>>
      %get3A_618 = arith.index_cast %add3A_509 : i32 to index
      %get3A_619 = arith.constant 64 : index
      %get3A_620 = tpu.vector_load %get3A_617[%get3A_618, %get3A_619] {strides = array<i32>} : memref<80x128xf32, #tpu.memory_space<vmem>>, vector<1x16xf32>,
      %get3A_621 = vector.shape_cast %get3A_620 : vector<1x16xf32> to vector<16xf32>
      %get3A_622 = arith.constant 0 : i32
      %get3A_623 = arith.constant 0 : i32
      %get3A_624 = tpu.memref_slice %arg9[%scan3A_215, %get3A_622, %get3A_623] : memref<2x80x128xf32, #tpu.memory_space<vmem>> -> memref<1x80x128xf32, #tpu.memory_space<vmem>>
      %get3A_625 = tpu.memref_squeeze %get3A_624 : memref<1x80x128xf32, #tpu.memory_space<vmem>> -> memref<80x128xf32, #tpu.memory_space<vmem>>
      %get3A_626 = arith.index_cast %add3A_509 : i32 to index
      %get3A_627 = arith.constant 64 : index
      %get3A_628 = tpu.vector_load %get3A_625[%get3A_626, %get3A_627] {strides = array<i32>} : memref<80x128xf32, #tpu.memory_space<vmem>>, vector<1x16xf32>,
      %get3A_629 = vector.shape_cast %get3A_628 : vector<1x16xf32> to vector<16xf32>
      %mul3A_630 = arith.mulf %get3A_621, %get3A_629 : vector<16xf32>
      %swap3A_631 = arith.constant 0 : i32
      %swap3A_632 = arith.constant 0 : i32
      %swap3A_633 = tpu.memref_slice %arg8[%scan3A_214, %swap3A_631, %swap3A_632] : memref<2x80x128xf32, #tpu.memory_space<vmem>> -> memref<1x80x128xf32, #tpu.memory_space<vmem>>
      %swap3A_634 = tpu.memref_squeeze %swap3A_633 : memref<1x80x128xf32, #tpu.memory_space<vmem>> -> memref<80x128xf32, #tpu.memory_space<vmem>>
      %swap3A_635 = arith.index_cast %add3A_509 : i32 to index
      %swap3A_636 = arith.constant 64 : index
      %swap3A_637 = tpu.vector_load %swap3A_634[%swap3A_635, %swap3A_636] {strides = array<i32>} : memref<80x128xf32, #tpu.memory_space<vmem>>, vector<1x16xf32>,
      %swap3A_638 = vector.shape_cast %swap3A_637 : vector<1x16xf32> to vector<16xf32>
      %swap3A_639 = vector.shape_cast %mul3A_630 : vector<16xf32> to vector<1x16xf32>
      tpu.vector_store %swap3A_634[%swap3A_635, %swap3A_636], %swap3A_639 {strides = array<i32>} : memref<80x128xf32, #tpu.memory_space<vmem>>, vector<1x16xf32>,
      %get3A_640 = arith.constant 0 : i32
      %get3A_641 = arith.constant 0 : i32
      %get3A_642 = tpu.memref_slice %arg8[%scan3A_214, %get3A_640, %get3A_641] : memref<2x80x128xf32, #tpu.memory_space<vmem>> -> memref<1x80x128xf32, #tpu.memory_space<vmem>>
      %get3A_643 = tpu.memref_squeeze %get3A_642 : memref<1x80x128xf32, #tpu.memory_space<vmem>> -> memref<80x128xf32, #tpu.memory_space<vmem>>
      %get3A_644 = arith.index_cast %add3A_509 : i32 to index
      %get3A_645 = arith.constant 80 : index
      %get3A_646 = tpu.vector_load %get3A_643[%get3A_644, %get3A_645] {strides = array<i32>} : memref<80x128xf32, #tpu.memory_space<vmem>>, vector<1x16xf32>,
      %get3A_647 = vector.shape_cast %get3A_646 : vector<1x16xf32> to vector<16xf32>
      %get3A_648 = arith.constant 0 : i32
      %get3A_649 = arith.constant 0 : i32
      %get3A_650 = tpu.memref_slice %arg9[%scan3A_215, %get3A_648, %get3A_649] : memref<2x80x128xf32, #tpu.memory_space<vmem>> -> memref<1x80x128xf32, #tpu.memory_space<vmem>>
      %get3A_651 = tpu.memref_squeeze %get3A_650 : memref<1x80x128xf32, #tpu.memory_space<vmem>> -> memref<80x128xf32, #tpu.memory_space<vmem>>
      %get3A_652 = arith.index_cast %add3A_509 : i32 to index
      %get3A_653 = arith.constant 80 : index
      %get3A_654 = tpu.vector_load %get3A_651[%get3A_652, %get3A_653] {strides = array<i32>} : memref<80x128xf32, #tpu.memory_space<vmem>>, vector<1x16xf32>,
      %get3A_655 = vector.shape_cast %get3A_654 : vector<1x16xf32> to vector<16xf32>
      %mul3A_656 = arith.mulf %get3A_647, %get3A_655 : vector<16xf32>
      %swap3A_657 = arith.constant 0 : i32
      %swap3A_658 = arith.constant 0 : i32
      %swap3A_659 = tpu.memref_slice %arg8[%scan3A_214, %swap3A_657, %swap3A_658] : memref<2x80x128xf32, #tpu.memory_space<vmem>> -> memref<1x80x128xf32, #tpu.memory_space<vmem>>
      %swap3A_660 = tpu.memref_squeeze %swap3A_659 : memref<1x80x128xf32, #tpu.memory_space<vmem>> -> memref<80x128xf32, #tpu.memory_space<vmem>>
      %swap3A_661 = arith.index_cast %add3A_509 : i32 to index
      %swap3A_662 = arith.constant 80 : index
      %swap3A_663 = tpu.vector_load %swap3A_660[%swap3A_661, %swap3A_662] {strides = array<i32>} : memref<80x128xf32, #tpu.memory_space<vmem>>, vector<1x16xf32>,
      %swap3A_664 = vector.shape_cast %swap3A_663 : vector<1x16xf32> to vector<16xf32>
      %swap3A_665 = vector.shape_cast %mul3A_656 : vector<16xf32> to vector<1x16xf32>
      tpu.vector_store %swap3A_660[%swap3A_661, %swap3A_662], %swap3A_665 {strides = array<i32>} : memref<80x128xf32, #tpu.memory_space<vmem>>, vector<1x16xf32>,
      %get3A_666 = arith.constant 0 : i32
      %get3A_667 = arith.constant 0 : i32
      %get3A_668 = tpu.memref_slice %arg8[%scan3A_214, %get3A_666, %get3A_667] : memref<2x80x128xf32, #tpu.memory_space<vmem>> -> memref<1x80x128xf32, #tpu.memory_space<vmem>>
      %get3A_669 = tpu.memref_squeeze %get3A_668 : memref<1x80x128xf32, #tpu.memory_space<vmem>> -> memref<80x128xf32, #tpu.memory_space<vmem>>
      %get3A_670 = arith.index_cast %add3A_509 : i32 to index
      %get3A_671 = arith.constant 96 : index
      %get3A_672 = tpu.vector_load %get3A_669[%get3A_670, %get3A_671] {strides = array<i32>} : memref<80x128xf32, #tpu.memory_space<vmem>>, vector<1x16xf32>,
      %get3A_673 = vector.shape_cast %get3A_672 : vector<1x16xf32> to vector<16xf32>
      %get3A_674 = arith.constant 0 : i32
      %get3A_675 = arith.constant 0 : i32
      %get3A_676 = tpu.memref_slice %arg9[%scan3A_215, %get3A_674, %get3A_675] : memref<2x80x128xf32, #tpu.memory_space<vmem>> -> memref<1x80x128xf32, #tpu.memory_space<vmem>>
      %get3A_677 = tpu.memref_squeeze %get3A_676 : memref<1x80x128xf32, #tpu.memory_space<vmem>> -> memref<80x128xf32, #tpu.memory_space<vmem>>
      %get3A_678 = arith.index_cast %add3A_509 : i32 to index
      %get3A_679 = arith.constant 96 : index
      %get3A_680 = tpu.vector_load %get3A_677[%get3A_678, %get3A_679] {strides = array<i32>} : memref<80x128xf32, #tpu.memory_space<vmem>>, vector<1x16xf32>,
      %get3A_681 = vector.shape_cast %get3A_680 : vector<1x16xf32> to vector<16xf32>
      %mul3A_682 = arith.mulf %get3A_673, %get3A_681 : vector<16xf32>
      %swap3A_683 = arith.constant 0 : i32
      %swap3A_684 = arith.constant 0 : i32
      %swap3A_685 = tpu.memref_slice %arg8[%scan3A_214, %swap3A_683, %swap3A_684] : memref<2x80x128xf32, #tpu.memory_space<vmem>> -> memref<1x80x128xf32, #tpu.memory_space<vmem>>
      %swap3A_686 = tpu.memref_squeeze %swap3A_685 : memref<1x80x128xf32, #tpu.memory_space<vmem>> -> memref<80x128xf32, #tpu.memory_space<vmem>>
      %swap3A_687 = arith.index_cast %add3A_509 : i32 to index
      %swap3A_688 = arith.constant 96 : index
      %swap3A_689 = tpu.vector_load %swap3A_686[%swap3A_687, %swap3A_688] {strides = array<i32>} : memref<80x128xf32, #tpu.memory_space<vmem>>, vector<1x16xf32>,
      %swap3A_690 = vector.shape_cast %swap3A_689 : vector<1x16xf32> to vector<16xf32>
      %swap3A_691 = vector.shape_cast %mul3A_682 : vector<16xf32> to vector<1x16xf32>
      tpu.vector_store %swap3A_686[%swap3A_687, %swap3A_688], %swap3A_691 {strides = array<i32>} : memref<80x128xf32, #tpu.memory_space<vmem>>, vector<1x16xf32>,
      %get3A_692 = arith.constant 0 : i32
      %get3A_693 = arith.constant 0 : i32
      %get3A_694 = tpu.memref_slice %arg8[%scan3A_214, %get3A_692, %get3A_693] : memref<2x80x128xf32, #tpu.memory_space<vmem>> -> memref<1x80x128xf32, #tpu.memory_space<vmem>>
      %get3A_695 = tpu.memref_squeeze %get3A_694 : memref<1x80x128xf32, #tpu.memory_space<vmem>> -> memref<80x128xf32, #tpu.memory_space<vmem>>
      %get3A_696 = arith.index_cast %add3A_509 : i32 to index
      %get3A_697 = arith.constant 112 : index
      %get3A_698 = tpu.vector_load %get3A_695[%get3A_696, %get3A_697] {strides = array<i32>} : memref<80x128xf32, #tpu.memory_space<vmem>>, vector<1x16xf32>,
      %get3A_699 = vector.shape_cast %get3A_698 : vector<1x16xf32> to vector<16xf32>
      %get3A_700 = arith.constant 0 : i32
      %get3A_701 = arith.constant 0 : i32
      %get3A_702 = tpu.memref_slice %arg9[%scan3A_215, %get3A_700, %get3A_701] : memref<2x80x128xf32, #tpu.memory_space<vmem>> -> memref<1x80x128xf32, #tpu.memory_space<vmem>>
      %get3A_703 = tpu.memref_squeeze %get3A_702 : memref<1x80x128xf32, #tpu.memory_space<vmem>> -> memref<80x128xf32, #tpu.memory_space<vmem>>
      %get3A_704 = arith.index_cast %add3A_509 : i32 to index
      %get3A_705 = arith.constant 112 : index
      %get3A_706 = tpu.vector_load %get3A_703[%get3A_704, %get3A_705] {strides = array<i32>} : memref<80x128xf32, #tpu.memory_space<vmem>>, vector<1x16xf32>,
      %get3A_707 = vector.shape_cast %get3A_706 : vector<1x16xf32> to vector<16xf32>
      %mul3A_708 = arith.mulf %get3A_699, %get3A_707 : vector<16xf32>
      %swap3A_709 = arith.constant 0 : i32
      %swap3A_710 = arith.constant 0 : i32
      %swap3A_711 = tpu.memref_slice %arg8[%scan3A_214, %swap3A_709, %swap3A_710] : memref<2x80x128xf32, #tpu.memory_space<vmem>> -> memref<1x80x128xf32, #tpu.memory_space<vmem>>
      %swap3A_712 = tpu.memref_squeeze %swap3A_711 : memref<1x80x128xf32, #tpu.memory_space<vmem>> -> memref<80x128xf32, #tpu.memory_space<vmem>>
      %swap3A_713 = arith.index_cast %add3A_509 : i32 to index
      %swap3A_714 = arith.constant 112 : index
      %swap3A_715 = tpu.vector_load %swap3A_712[%swap3A_713, %swap3A_714] {strides = array<i32>} : memref<80x128xf32, #tpu.memory_space<vmem>>, vector<1x16xf32>,
      %swap3A_716 = vector.shape_cast %swap3A_715 : vector<1x16xf32> to vector<16xf32>
      %swap3A_717 = vector.shape_cast %mul3A_708 : vector<16xf32> to vector<1x16xf32>
      tpu.vector_store %swap3A_712[%swap3A_713, %swap3A_714], %swap3A_717 {strides = array<i32>} : memref<80x128xf32, #tpu.memory_space<vmem>>, vector<1x16xf32>,
      %mul3A_718 = arith.constant 4 : i32
      %mul3A_719 = arith.muli %mul3A_718, %scan3A_292 : i32
      %add3A_720 = arith.constant 2 : i32
      %add3A_721 = arith.addi %mul3A_719, %add3A_720 : i32
      %get3A_722 = arith.constant 0 : i32
      %get3A_723 = arith.constant 0 : i32
      %get3A_724 = tpu.memref_slice %arg8[%scan3A_214, %get3A_722, %get3A_723] : memref<2x80x128xf32, #tpu.memory_space<vmem>> -> memref<1x80x128xf32, #tpu.memory_space<vmem>>
      %get3A_725 = tpu.memref_squeeze %get3A_724 : memref<1x80x128xf32, #tpu.memory_space<vmem>> -> memref<80x128xf32, #tpu.memory_space<vmem>>
      %get3A_726 = arith.index_cast %add3A_721 : i32 to index
      %get3A_727 = arith.constant 0 : index
      %get3A_728 = tpu.vector_load %get3A_725[%get3A_726, %get3A_727] {strides = array<i32>} : memref<80x128xf32, #tpu.memory_space<vmem>>, vector<1x16xf32>,
      %get3A_729 = vector.shape_cast %get3A_728 : vector<1x16xf32> to vector<16xf32>
      %get3A_730 = arith.constant 0 : i32
      %get3A_731 = arith.constant 0 : i32
      %get3A_732 = tpu.memref_slice %arg9[%scan3A_215, %get3A_730, %get3A_731] : memref<2x80x128xf32, #tpu.memory_space<vmem>> -> memref<1x80x128xf32, #tpu.memory_space<vmem>>
      %get3A_733 = tpu.memref_squeeze %get3A_732 : memref<1x80x128xf32, #tpu.memory_space<vmem>> -> memref<80x128xf32, #tpu.memory_space<vmem>>
      %get3A_734 = arith.index_cast %add3A_721 : i32 to index
      %get3A_735 = arith.constant 0 : index
      %get3A_736 = tpu.vector_load %get3A_733[%get3A_734, %get3A_735] {strides = array<i32>} : memref<80x128xf32, #tpu.memory_space<vmem>>, vector<1x16xf32>,
      %get3A_737 = vector.shape_cast %get3A_736 : vector<1x16xf32> to vector<16xf32>
      %mul3A_738 = arith.mulf %get3A_729, %get3A_737 : vector<16xf32>
      %swap3A_739 = arith.constant 0 : i32
      %swap3A_740 = arith.constant 0 : i32
      %swap3A_741 = tpu.memref_slice %arg8[%scan3A_214, %swap3A_739, %swap3A_740] : memref<2x80x128xf32, #tpu.memory_space<vmem>> -> memref<1x80x128xf32, #tpu.memory_space<vmem>>
      %swap3A_742 = tpu.memref_squeeze %swap3A_741 : memref<1x80x128xf32, #tpu.memory_space<vmem>> -> memref<80x128xf32, #tpu.memory_space<vmem>>
      %swap3A_743 = arith.index_cast %add3A_721 : i32 to index
      %swap3A_744 = arith.constant 0 : index
      %swap3A_745 = tpu.vector_load %swap3A_742[%swap3A_743, %swap3A_744] {strides = array<i32>} : memref<80x128xf32, #tpu.memory_space<vmem>>, vector<1x16xf32>,
      %swap3A_746 = vector.shape_cast %swap3A_745 : vector<1x16xf32> to vector<16xf32>
      %swap3A_747 = vector.shape_cast %mul3A_738 : vector<16xf32> to vector<1x16xf32>
      tpu.vector_store %swap3A_742[%swap3A_743, %swap3A_744], %swap3A_747 {strides = array<i32>} : memref<80x128xf32, #tpu.memory_space<vmem>>, vector<1x16xf32>,
      %get3A_748 = arith.constant 0 : i32
      %get3A_749 = arith.constant 0 : i32
      %get3A_750 = tpu.memref_slice %arg8[%scan3A_214, %get3A_748, %get3A_749] : memref<2x80x128xf32, #tpu.memory_space<vmem>> -> memref<1x80x128xf32, #tpu.memory_space<vmem>>
      %get3A_751 = tpu.memref_squeeze %get3A_750 : memref<1x80x128xf32, #tpu.memory_space<vmem>> -> memref<80x128xf32, #tpu.memory_space<vmem>>
      %get3A_752 = arith.index_cast %add3A_721 : i32 to index
      %get3A_753 = arith.constant 16 : index
      %get3A_754 = tpu.vector_load %get3A_751[%get3A_752, %get3A_753] {strides = array<i32>} : memref<80x128xf32, #tpu.memory_space<vmem>>, vector<1x16xf32>,
      %get3A_755 = vector.shape_cast %get3A_754 : vector<1x16xf32> to vector<16xf32>
      %get3A_756 = arith.constant 0 : i32
      %get3A_757 = arith.constant 0 : i32
      %get3A_758 = tpu.memref_slice %arg9[%scan3A_215, %get3A_756, %get3A_757] : memref<2x80x128xf32, #tpu.memory_space<vmem>> -> memref<1x80x128xf32, #tpu.memory_space<vmem>>
      %get3A_759 = tpu.memref_squeeze %get3A_758 : memref<1x80x128xf32, #tpu.memory_space<vmem>> -> memref<80x128xf32, #tpu.memory_space<vmem>>
      %get3A_760 = arith.index_cast %add3A_721 : i32 to index
      %get3A_761 = arith.constant 16 : index
      %get3A_762 = tpu.vector_load %get3A_759[%get3A_760, %get3A_761] {strides = array<i32>} : memref<80x128xf32, #tpu.memory_space<vmem>>, vector<1x16xf32>,
      %get3A_763 = vector.shape_cast %get3A_762 : vector<1x16xf32> to vector<16xf32>
      %mul3A_764 = arith.mulf %get3A_755, %get3A_763 : vector<16xf32>
      %swap3A_765 = arith.constant 0 : i32
      %swap3A_766 = arith.constant 0 : i32
      %swap3A_767 = tpu.memref_slice %arg8[%scan3A_214, %swap3A_765, %swap3A_766] : memref<2x80x128xf32, #tpu.memory_space<vmem>> -> memref<1x80x128xf32, #tpu.memory_space<vmem>>
      %swap3A_768 = tpu.memref_squeeze %swap3A_767 : memref<1x80x128xf32, #tpu.memory_space<vmem>> -> memref<80x128xf32, #tpu.memory_space<vmem>>
      %swap3A_769 = arith.index_cast %add3A_721 : i32 to index
      %swap3A_770 = arith.constant 16 : index
      %swap3A_771 = tpu.vector_load %swap3A_768[%swap3A_769, %swap3A_770] {strides = array<i32>} : memref<80x128xf32, #tpu.memory_space<vmem>>, vector<1x16xf32>,
      %swap3A_772 = vector.shape_cast %swap3A_771 : vector<1x16xf32> to vector<16xf32>
      %swap3A_773 = vector.shape_cast %mul3A_764 : vector<16xf32> to vector<1x16xf32>
      tpu.vector_store %swap3A_768[%swap3A_769, %swap3A_770], %swap3A_773 {strides = array<i32>} : memref<80x128xf32, #tpu.memory_space<vmem>>, vector<1x16xf32>,
      %get3A_774 = arith.constant 0 : i32
      %get3A_775 = arith.constant 0 : i32
      %get3A_776 = tpu.memref_slice %arg8[%scan3A_214, %get3A_774, %get3A_775] : memref<2x80x128xf32, #tpu.memory_space<vmem>> -> memref<1x80x128xf32, #tpu.memory_space<vmem>>
      %get3A_777 = tpu.memref_squeeze %get3A_776 : memref<1x80x128xf32, #tpu.memory_space<vmem>> -> memref<80x128xf32, #tpu.memory_space<vmem>>
      %get3A_778 = arith.index_cast %add3A_721 : i32 to index
      %get3A_779 = arith.constant 32 : index
      %get3A_780 = tpu.vector_load %get3A_777[%get3A_778, %get3A_779] {strides = array<i32>} : memref<80x128xf32, #tpu.memory_space<vmem>>, vector<1x16xf32>,
      %get3A_781 = vector.shape_cast %get3A_780 : vector<1x16xf32> to vector<16xf32>
      %get3A_782 = arith.constant 0 : i32
      %get3A_783 = arith.constant 0 : i32
      %get3A_784 = tpu.memref_slice %arg9[%scan3A_215, %get3A_782, %get3A_783] : memref<2x80x128xf32, #tpu.memory_space<vmem>> -> memref<1x80x128xf32, #tpu.memory_space<vmem>>
      %get3A_785 = tpu.memref_squeeze %get3A_784 : memref<1x80x128xf32, #tpu.memory_space<vmem>> -> memref<80x128xf32, #tpu.memory_space<vmem>>
      %get3A_786 = arith.index_cast %add3A_721 : i32 to index
      %get3A_787 = arith.constant 32 : index
      %get3A_788 = tpu.vector_load %get3A_785[%get3A_786, %get3A_787] {strides = array<i32>} : memref<80x128xf32, #tpu.memory_space<vmem>>, vector<1x16xf32>,
      %get3A_789 = vector.shape_cast %get3A_788 : vector<1x16xf32> to vector<16xf32>
      %mul3A_790 = arith.mulf %get3A_781, %get3A_789 : vector<16xf32>
      %swap3A_791 = arith.constant 0 : i32
      %swap3A_792 = arith.constant 0 : i32
      %swap3A_793 = tpu.memref_slice %arg8[%scan3A_214, %swap3A_791, %swap3A_792] : memref<2x80x128xf32, #tpu.memory_space<vmem>> -> memref<1x80x128xf32, #tpu.memory_space<vmem>>
      %swap3A_794 = tpu.memref_squeeze %swap3A_793 : memref<1x80x128xf32, #tpu.memory_space<vmem>> -> memref<80x128xf32, #tpu.memory_space<vmem>>
      %swap3A_795 = arith.index_cast %add3A_721 : i32 to index
      %swap3A_796 = arith.constant 32 : index
      %swap3A_797 = tpu.vector_load %swap3A_794[%swap3A_795, %swap3A_796] {strides = array<i32>} : memref<80x128xf32, #tpu.memory_space<vmem>>, vector<1x16xf32>,
      %swap3A_798 = vector.shape_cast %swap3A_797 : vector<1x16xf32> to vector<16xf32>
      %swap3A_799 = vector.shape_cast %mul3A_790 : vector<16xf32> to vector<1x16xf32>
      tpu.vector_store %swap3A_794[%swap3A_795, %swap3A_796], %swap3A_799 {strides = array<i32>} : memref<80x128xf32, #tpu.memory_space<vmem>>, vector<1x16xf32>,
      %get3A_800 = arith.constant 0 : i32
      %get3A_801 = arith.constant 0 : i32
      %get3A_802 = tpu.memref_slice %arg8[%scan3A_214, %get3A_800, %get3A_801] : memref<2x80x128xf32, #tpu.memory_space<vmem>> -> memref<1x80x128xf32, #tpu.memory_space<vmem>>
      %get3A_803 = tpu.memref_squeeze %get3A_802 : memref<1x80x128xf32, #tpu.memory_space<vmem>> -> memref<80x128xf32, #tpu.memory_space<vmem>>
      %get3A_804 = arith.index_cast %add3A_721 : i32 to index
      %get3A_805 = arith.constant 48 : index
      %get3A_806 = tpu.vector_load %get3A_803[%get3A_804, %get3A_805] {strides = array<i32>} : memref<80x128xf32, #tpu.memory_space<vmem>>, vector<1x16xf32>,
      %get3A_807 = vector.shape_cast %get3A_806 : vector<1x16xf32> to vector<16xf32>
      %get3A_808 = arith.constant 0 : i32
      %get3A_809 = arith.constant 0 : i32
      %get3A_810 = tpu.memref_slice %arg9[%scan3A_215, %get3A_808, %get3A_809] : memref<2x80x128xf32, #tpu.memory_space<vmem>> -> memref<1x80x128xf32, #tpu.memory_space<vmem>>
      %get3A_811 = tpu.memref_squeeze %get3A_810 : memref<1x80x128xf32, #tpu.memory_space<vmem>> -> memref<80x128xf32, #tpu.memory_space<vmem>>
      %get3A_812 = arith.index_cast %add3A_721 : i32 to index
      %get3A_813 = arith.constant 48 : index
      %get3A_814 = tpu.vector_load %get3A_811[%get3A_812, %get3A_813] {strides = array<i32>} : memref<80x128xf32, #tpu.memory_space<vmem>>, vector<1x16xf32>,
      %get3A_815 = vector.shape_cast %get3A_814 : vector<1x16xf32> to vector<16xf32>
      %mul3A_816 = arith.mulf %get3A_807, %get3A_815 : vector<16xf32>
      %swap3A_817 = arith.constant 0 : i32
      %swap3A_818 = arith.constant 0 : i32
      %swap3A_819 = tpu.memref_slice %arg8[%scan3A_214, %swap3A_817, %swap3A_818] : memref<2x80x128xf32, #tpu.memory_space<vmem>> -> memref<1x80x128xf32, #tpu.memory_space<vmem>>
      %swap3A_820 = tpu.memref_squeeze %swap3A_819 : memref<1x80x128xf32, #tpu.memory_space<vmem>> -> memref<80x128xf32, #tpu.memory_space<vmem>>
      %swap3A_821 = arith.index_cast %add3A_721 : i32 to index
      %swap3A_822 = arith.constant 48 : index
      %swap3A_823 = tpu.vector_load %swap3A_820[%swap3A_821, %swap3A_822] {strides = array<i32>} : memref<80x128xf32, #tpu.memory_space<vmem>>, vector<1x16xf32>,
      %swap3A_824 = vector.shape_cast %swap3A_823 : vector<1x16xf32> to vector<16xf32>
      %swap3A_825 = vector.shape_cast %mul3A_816 : vector<16xf32> to vector<1x16xf32>
      tpu.vector_store %swap3A_820[%swap3A_821, %swap3A_822], %swap3A_825 {strides = array<i32>} : memref<80x128xf32, #tpu.memory_space<vmem>>, vector<1x16xf32>,
      %get3A_826 = arith.constant 0 : i32
      %get3A_827 = arith.constant 0 : i32
      %get3A_828 = tpu.memref_slice %arg8[%scan3A_214, %get3A_826, %get3A_827] : memref<2x80x128xf32, #tpu.memory_space<vmem>> -> memref<1x80x128xf32, #tpu.memory_space<vmem>>
      %get3A_829 = tpu.memref_squeeze %get3A_828 : memref<1x80x128xf32, #tpu.memory_space<vmem>> -> memref<80x128xf32, #tpu.memory_space<vmem>>
      %get3A_830 = arith.index_cast %add3A_721 : i32 to index
      %get3A_831 = arith.constant 64 : index
      %get3A_832 = tpu.vector_load %get3A_829[%get3A_830, %get3A_831] {strides = array<i32>} : memref<80x128xf32, #tpu.memory_space<vmem>>, vector<1x16xf32>,
      %get3A_833 = vector.shape_cast %get3A_832 : vector<1x16xf32> to vector<16xf32>
      %get3A_834 = arith.constant 0 : i32
      %get3A_835 = arith.constant 0 : i32
      %get3A_836 = tpu.memref_slice %arg9[%scan3A_215, %get3A_834, %get3A_835] : memref<2x80x128xf32, #tpu.memory_space<vmem>> -> memref<1x80x128xf32, #tpu.memory_space<vmem>>
      %get3A_837 = tpu.memref_squeeze %get3A_836 : memref<1x80x128xf32, #tpu.memory_space<vmem>> -> memref<80x128xf32, #tpu.memory_space<vmem>>
      %get3A_838 = arith.index_cast %add3A_721 : i32 to index
      %get3A_839 = arith.constant 64 : index
      %get3A_840 = tpu.vector_load %get3A_837[%get3A_838, %get3A_839] {strides = array<i32>} : memref<80x128xf32, #tpu.memory_space<vmem>>, vector<1x16xf32>,
      %get3A_841 = vector.shape_cast %get3A_840 : vector<1x16xf32> to vector<16xf32>
      %mul3A_842 = arith.mulf %get3A_833, %get3A_841 : vector<16xf32>
      %swap3A_843 = arith.constant 0 : i32
      %swap3A_844 = arith.constant 0 : i32
      %swap3A_845 = tpu.memref_slice %arg8[%scan3A_214, %swap3A_843, %swap3A_844] : memref<2x80x128xf32, #tpu.memory_space<vmem>> -> memref<1x80x128xf32, #tpu.memory_space<vmem>>
      %swap3A_846 = tpu.memref_squeeze %swap3A_845 : memref<1x80x128xf32, #tpu.memory_space<vmem>> -> memref<80x128xf32, #tpu.memory_space<vmem>>
      %swap3A_847 = arith.index_cast %add3A_721 : i32 to index
      %swap3A_848 = arith.constant 64 : index
      %swap3A_849 = tpu.vector_load %swap3A_846[%swap3A_847, %swap3A_848] {strides = array<i32>} : memref<80x128xf32, #tpu.memory_space<vmem>>, vector<1x16xf32>,
      %swap3A_850 = vector.shape_cast %swap3A_849 : vector<1x16xf32> to vector<16xf32>
      %swap3A_851 = vector.shape_cast %mul3A_842 : vector<16xf32> to vector<1x16xf32>
      tpu.vector_store %swap3A_846[%swap3A_847, %swap3A_848], %swap3A_851 {strides = array<i32>} : memref<80x128xf32, #tpu.memory_space<vmem>>, vector<1x16xf32>,
      %get3A_852 = arith.constant 0 : i32
      %get3A_853 = arith.constant 0 : i32
      %get3A_854 = tpu.memref_slice %arg8[%scan3A_214, %get3A_852, %get3A_853] : memref<2x80x128xf32, #tpu.memory_space<vmem>> -> memref<1x80x128xf32, #tpu.memory_space<vmem>>
      %get3A_855 = tpu.memref_squeeze %get3A_854 : memref<1x80x128xf32, #tpu.memory_space<vmem>> -> memref<80x128xf32, #tpu.memory_space<vmem>>
      %get3A_856 = arith.index_cast %add3A_721 : i32 to index
      %get3A_857 = arith.constant 80 : index
      %get3A_858 = tpu.vector_load %get3A_855[%get3A_856, %get3A_857] {strides = array<i32>} : memref<80x128xf32, #tpu.memory_space<vmem>>, vector<1x16xf32>,
      %get3A_859 = vector.shape_cast %get3A_858 : vector<1x16xf32> to vector<16xf32>
      %get3A_860 = arith.constant 0 : i32
      %get3A_861 = arith.constant 0 : i32
      %get3A_862 = tpu.memref_slice %arg9[%scan3A_215, %get3A_860, %get3A_861] : memref<2x80x128xf32, #tpu.memory_space<vmem>> -> memref<1x80x128xf32, #tpu.memory_space<vmem>>
      %get3A_863 = tpu.memref_squeeze %get3A_862 : memref<1x80x128xf32, #tpu.memory_space<vmem>> -> memref<80x128xf32, #tpu.memory_space<vmem>>
      %get3A_864 = arith.index_cast %add3A_721 : i32 to index
      %get3A_865 = arith.constant 80 : index
      %get3A_866 = tpu.vector_load %get3A_863[%get3A_864, %get3A_865] {strides = array<i32>} : memref<80x128xf32, #tpu.memory_space<vmem>>, vector<1x16xf32>,
      %get3A_867 = vector.shape_cast %get3A_866 : vector<1x16xf32> to vector<16xf32>
      %mul3A_868 = arith.mulf %get3A_859, %get3A_867 : vector<16xf32>
      %swap3A_869 = arith.constant 0 : i32
      %swap3A_870 = arith.constant 0 : i32
      %swap3A_871 = tpu.memref_slice %arg8[%scan3A_214, %swap3A_869, %swap3A_870] : memref<2x80x128xf32, #tpu.memory_space<vmem>> -> memref<1x80x128xf32, #tpu.memory_space<vmem>>
      %swap3A_872 = tpu.memref_squeeze %swap3A_871 : memref<1x80x128xf32, #tpu.memory_space<vmem>> -> memref<80x128xf32, #tpu.memory_space<vmem>>
      %swap3A_873 = arith.index_cast %add3A_721 : i32 to index
      %swap3A_874 = arith.constant 80 : index
      %swap3A_875 = tpu.vector_load %swap3A_872[%swap3A_873, %swap3A_874] {strides = array<i32>} : memref<80x128xf32, #tpu.memory_space<vmem>>, vector<1x16xf32>,
      %swap3A_876 = vector.shape_cast %swap3A_875 : vector<1x16xf32> to vector<16xf32>
      %swap3A_877 = vector.shape_cast %mul3A_868 : vector<16xf32> to vector<1x16xf32>
      tpu.vector_store %swap3A_872[%swap3A_873, %swap3A_874], %swap3A_877 {strides = array<i32>} : memref<80x128xf32, #tpu.memory_space<vmem>>, vector<1x16xf32>,
      %get3A_878 = arith.constant 0 : i32
      %get3A_879 = arith.constant 0 : i32
      %get3A_880 = tpu.memref_slice %arg8[%scan3A_214, %get3A_878, %get3A_879] : memref<2x80x128xf32, #tpu.memory_space<vmem>> -> memref<1x80x128xf32, #tpu.memory_space<vmem>>
      %get3A_881 = tpu.memref_squeeze %get3A_880 : memref<1x80x128xf32, #tpu.memory_space<vmem>> -> memref<80x128xf32, #tpu.memory_space<vmem>>
      %get3A_882 = arith.index_cast %add3A_721 : i32 to index
      %get3A_883 = arith.constant 96 : index
      %get3A_884 = tpu.vector_load %get3A_881[%get3A_882, %get3A_883] {strides = array<i32>} : memref<80x128xf32, #tpu.memory_space<vmem>>, vector<1x16xf32>,
      %get3A_885 = vector.shape_cast %get3A_884 : vector<1x16xf32> to vector<16xf32>
      %get3A_886 = arith.constant 0 : i32
      %get3A_887 = arith.constant 0 : i32
      %get3A_888 = tpu.memref_slice %arg9[%scan3A_215, %get3A_886, %get3A_887] : memref<2x80x128xf32, #tpu.memory_space<vmem>> -> memref<1x80x128xf32, #tpu.memory_space<vmem>>
      %get3A_889 = tpu.memref_squeeze %get3A_888 : memref<1x80x128xf32, #tpu.memory_space<vmem>> -> memref<80x128xf32, #tpu.memory_space<vmem>>
      %get3A_890 = arith.index_cast %add3A_721 : i32 to index
      %get3A_891 = arith.constant 96 : index
      %get3A_892 = tpu.vector_load %get3A_889[%get3A_890, %get3A_891] {strides = array<i32>} : memref<80x128xf32, #tpu.memory_space<vmem>>, vector<1x16xf32>,
      %get3A_893 = vector.shape_cast %get3A_892 : vector<1x16xf32> to vector<16xf32>
      %mul3A_894 = arith.mulf %get3A_885, %get3A_893 : vector<16xf32>
      %swap3A_895 = arith.constant 0 : i32
      %swap3A_896 = arith.constant 0 : i32
      %swap3A_897 = tpu.memref_slice %arg8[%scan3A_214, %swap3A_895, %swap3A_896] : memref<2x80x128xf32, #tpu.memory_space<vmem>> -> memref<1x80x128xf32, #tpu.memory_space<vmem>>
      %swap3A_898 = tpu.memref_squeeze %swap3A_897 : memref<1x80x128xf32, #tpu.memory_space<vmem>> -> memref<80x128xf32, #tpu.memory_space<vmem>>
      %swap3A_899 = arith.index_cast %add3A_721 : i32 to index
      %swap3A_900 = arith.constant 96 : index
      %swap3A_901 = tpu.vector_load %swap3A_898[%swap3A_899, %swap3A_900] {strides = array<i32>} : memref<80x128xf32, #tpu.memory_space<vmem>>, vector<1x16xf32>,
      %swap3A_902 = vector.shape_cast %swap3A_901 : vector<1x16xf32> to vector<16xf32>
      %swap3A_903 = vector.shape_cast %mul3A_894 : vector<16xf32> to vector<1x16xf32>
      tpu.vector_store %swap3A_898[%swap3A_899, %swap3A_900], %swap3A_903 {strides = array<i32>} : memref<80x128xf32, #tpu.memory_space<vmem>>, vector<1x16xf32>,
      %get3A_904 = arith.constant 0 : i32
      %get3A_905 = arith.constant 0 : i32
      %get3A_906 = tpu.memref_slice %arg8[%scan3A_214, %get3A_904, %get3A_905] : memref<2x80x128xf32, #tpu.memory_space<vmem>> -> memref<1x80x128xf32, #tpu.memory_space<vmem>>
      %get3A_907 = tpu.memref_squeeze %get3A_906 : memref<1x80x128xf32, #tpu.memory_space<vmem>> -> memref<80x128xf32, #tpu.memory_space<vmem>>
      %get3A_908 = arith.index_cast %add3A_721 : i32 to index
      %get3A_909 = arith.constant 112 : index
      %get3A_910 = tpu.vector_load %get3A_907[%get3A_908, %get3A_909] {strides = array<i32>} : memref<80x128xf32, #tpu.memory_space<vmem>>, vector<1x16xf32>,
      %get3A_911 = vector.shape_cast %get3A_910 : vector<1x16xf32> to vector<16xf32>
      %get3A_912 = arith.constant 0 : i32
      %get3A_913 = arith.constant 0 : i32
      %get3A_914 = tpu.memref_slice %arg9[%scan3A_215, %get3A_912, %get3A_913] : memref<2x80x128xf32, #tpu.memory_space<vmem>> -> memref<1x80x128xf32, #tpu.memory_space<vmem>>
      %get3A_915 = tpu.memref_squeeze %get3A_914 : memref<1x80x128xf32, #tpu.memory_space<vmem>> -> memref<80x128xf32, #tpu.memory_space<vmem>>
      %get3A_916 = arith.index_cast %add3A_721 : i32 to index
      %get3A_917 = arith.constant 112 : index
      %get3A_918 = tpu.vector_load %get3A_915[%get3A_916, %get3A_917] {strides = array<i32>} : memref<80x128xf32, #tpu.memory_space<vmem>>, vector<1x16xf32>,
      %get3A_919 = vector.shape_cast %get3A_918 : vector<1x16xf32> to vector<16xf32>
      %mul3A_920 = arith.mulf %get3A_911, %get3A_919 : vector<16xf32>
      %swap3A_921 = arith.constant 0 : i32
      %swap3A_922 = arith.constant 0 : i32
      %swap3A_923 = tpu.memref_slice %arg8[%scan3A_214, %swap3A_921, %swap3A_922] : memref<2x80x128xf32, #tpu.memory_space<vmem>> -> memref<1x80x128xf32, #tpu.memory_space<vmem>>
      %swap3A_924 = tpu.memref_squeeze %swap3A_923 : memref<1x80x128xf32, #tpu.memory_space<vmem>> -> memref<80x128xf32, #tpu.memory_space<vmem>>
      %swap3A_925 = arith.index_cast %add3A_721 : i32 to index
      %swap3A_926 = arith.constant 112 : index
      %swap3A_927 = tpu.vector_load %swap3A_924[%swap3A_925, %swap3A_926] {strides = array<i32>} : memref<80x128xf32, #tpu.memory_space<vmem>>, vector<1x16xf32>,
      %swap3A_928 = vector.shape_cast %swap3A_927 : vector<1x16xf32> to vector<16xf32>
      %swap3A_929 = vector.shape_cast %mul3A_920 : vector<16xf32> to vector<1x16xf32>
      tpu.vector_store %swap3A_924[%swap3A_925, %swap3A_926], %swap3A_929 {strides = array<i32>} : memref<80x128xf32, #tpu.memory_space<vmem>>, vector<1x16xf32>,
      %mul3A_930 = arith.constant 4 : i32
      %mul3A_931 = arith.muli %mul3A_930, %scan3A_292 : i32
      %add3A_932 = arith.constant 3 : i32
      %add3A_933 = arith.addi %mul3A_931, %add3A_932 : i32
      %get3A_934 = arith.constant 0 : i32
      %get3A_935 = arith.constant 0 : i32
      %get3A_936 = tpu.memref_slice %arg8[%scan3A_214, %get3A_934, %get3A_935] : memref<2x80x128xf32, #tpu.memory_space<vmem>> -> memref<1x80x128xf32, #tpu.memory_space<vmem>>
      %get3A_937 = tpu.memref_squeeze %get3A_936 : memref<1x80x128xf32, #tpu.memory_space<vmem>> -> memref<80x128xf32, #tpu.memory_space<vmem>>
      %get3A_938 = arith.index_cast %add3A_933 : i32 to index
      %get3A_939 = arith.constant 0 : index
      %get3A_940 = tpu.vector_load %get3A_937[%get3A_938, %get3A_939] {strides = array<i32>} : memref<80x128xf32, #tpu.memory_space<vmem>>, vector<1x16xf32>,
      %get3A_941 = vector.shape_cast %get3A_940 : vector<1x16xf32> to vector<16xf32>
      %get3A_942 = arith.constant 0 : i32
      %get3A_943 = arith.constant 0 : i32
      %get3A_944 = tpu.memref_slice %arg9[%scan3A_215, %get3A_942, %get3A_943] : memref<2x80x128xf32, #tpu.memory_space<vmem>> -> memref<1x80x128xf32, #tpu.memory_space<vmem>>
      %get3A_945 = tpu.memref_squeeze %get3A_944 : memref<1x80x128xf32, #tpu.memory_space<vmem>> -> memref<80x128xf32, #tpu.memory_space<vmem>>
      %get3A_946 = arith.index_cast %add3A_933 : i32 to index
      %get3A_947 = arith.constant 0 : index
      %get3A_948 = tpu.vector_load %get3A_945[%get3A_946, %get3A_947] {strides = array<i32>} : memref<80x128xf32, #tpu.memory_space<vmem>>, vector<1x16xf32>,
      %get3A_949 = vector.shape_cast %get3A_948 : vector<1x16xf32> to vector<16xf32>
      %mul3A_950 = arith.mulf %get3A_941, %get3A_949 : vector<16xf32>
      %swap3A_951 = arith.constant 0 : i32
      %swap3A_952 = arith.constant 0 : i32
      %swap3A_953 = tpu.memref_slice %arg8[%scan3A_214, %swap3A_951, %swap3A_952] : memref<2x80x128xf32, #tpu.memory_space<vmem>> -> memref<1x80x128xf32, #tpu.memory_space<vmem>>
      %swap3A_954 = tpu.memref_squeeze %swap3A_953 : memref<1x80x128xf32, #tpu.memory_space<vmem>> -> memref<80x128xf32, #tpu.memory_space<vmem>>
      %swap3A_955 = arith.index_cast %add3A_933 : i32 to index
      %swap3A_956 = arith.constant 0 : index
      %swap3A_957 = tpu.vector_load %swap3A_954[%swap3A_955, %swap3A_956] {strides = array<i32>} : memref<80x128xf32, #tpu.memory_space<vmem>>, vector<1x16xf32>,
      %swap3A_958 = vector.shape_cast %swap3A_957 : vector<1x16xf32> to vector<16xf32>
      %swap3A_959 = vector.shape_cast %mul3A_950 : vector<16xf32> to vector<1x16xf32>
      tpu.vector_store %swap3A_954[%swap3A_955, %swap3A_956], %swap3A_959 {strides = array<i32>} : memref<80x128xf32, #tpu.memory_space<vmem>>, vector<1x16xf32>,
      %get3A_960 = arith.constant 0 : i32
      %get3A_961 = arith.constant 0 : i32
      %get3A_962 = tpu.memref_slice %arg8[%scan3A_214, %get3A_960, %get3A_961] : memref<2x80x128xf32, #tpu.memory_space<vmem>> -> memref<1x80x128xf32, #tpu.memory_space<vmem>>
      %get3A_963 = tpu.memref_squeeze %get3A_962 : memref<1x80x128xf32, #tpu.memory_space<vmem>> -> memref<80x128xf32, #tpu.memory_space<vmem>>
      %get3A_964 = arith.index_cast %add3A_933 : i32 to index
      %get3A_965 = arith.constant 16 : index
      %get3A_966 = tpu.vector_load %get3A_963[%get3A_964, %get3A_965] {strides = array<i32>} : memref<80x128xf32, #tpu.memory_space<vmem>>, vector<1x16xf32>,
      %get3A_967 = vector.shape_cast %get3A_966 : vector<1x16xf32> to vector<16xf32>
      %get3A_968 = arith.constant 0 : i32
      %get3A_969 = arith.constant 0 : i32
      %get3A_970 = tpu.memref_slice %arg9[%scan3A_215, %get3A_968, %get3A_969] : memref<2x80x128xf32, #tpu.memory_space<vmem>> -> memref<1x80x128xf32, #tpu.memory_space<vmem>>
      %get3A_971 = tpu.memref_squeeze %get3A_970 : memref<1x80x128xf32, #tpu.memory_space<vmem>> -> memref<80x128xf32, #tpu.memory_space<vmem>>
      %get3A_972 = arith.index_cast %add3A_933 : i32 to index
      %get3A_973 = arith.constant 16 : index
      %get3A_974 = tpu.vector_load %get3A_971[%get3A_972, %get3A_973] {strides = array<i32>} : memref<80x128xf32, #tpu.memory_space<vmem>>, vector<1x16xf32>,
      %get3A_975 = vector.shape_cast %get3A_974 : vector<1x16xf32> to vector<16xf32>
      %mul3A_976 = arith.mulf %get3A_967, %get3A_975 : vector<16xf32>
      %swap3A_977 = arith.constant 0 : i32
      %swap3A_978 = arith.constant 0 : i32
      %swap3A_979 = tpu.memref_slice %arg8[%scan3A_214, %swap3A_977, %swap3A_978] : memref<2x80x128xf32, #tpu.memory_space<vmem>> -> memref<1x80x128xf32, #tpu.memory_space<vmem>>
      %swap3A_980 = tpu.memref_squeeze %swap3A_979 : memref<1x80x128xf32, #tpu.memory_space<vmem>> -> memref<80x128xf32, #tpu.memory_space<vmem>>
      %swap3A_981 = arith.index_cast %add3A_933 : i32 to index
      %swap3A_982 = arith.constant 16 : index
      %swap3A_983 = tpu.vector_load %swap3A_980[%swap3A_981, %swap3A_982] {strides = array<i32>} : memref<80x128xf32, #tpu.memory_space<vmem>>, vector<1x16xf32>,
      %swap3A_984 = vector.shape_cast %swap3A_983 : vector<1x16xf32> to vector<16xf32>
      %swap3A_985 = vector.shape_cast %mul3A_976 : vector<16xf32> to vector<1x16xf32>
      tpu.vector_store %swap3A_980[%swap3A_981, %swap3A_982], %swap3A_985 {strides = array<i32>} : memref<80x128xf32, #tpu.memory_space<vmem>>, vector<1x16xf32>,
      %get3A_986 = arith.constant 0 : i32
      %get3A_987 = arith.constant 0 : i32
      %get3A_988 = tpu.memref_slice %arg8[%scan3A_214, %get3A_986, %get3A_987] : memref<2x80x128xf32, #tpu.memory_space<vmem>> -> memref<1x80x128xf32, #tpu.memory_space<vmem>>
      %get3A_989 = tpu.memref_squeeze %get3A_988 : memref<1x80x128xf32, #tpu.memory_space<vmem>> -> memref<80x128xf32, #tpu.memory_space<vmem>>
      %get3A_990 = arith.index_cast %add3A_933 : i32 to index
      %get3A_991 = arith.constant 32 : index
      %get3A_992 = tpu.vector_load %get3A_989[%get3A_990, %get3A_991] {strides = array<i32>} : memref<80x128xf32, #tpu.memory_space<vmem>>, vector<1x16xf32>,
      %get3A_993 = vector.shape_cast %get3A_992 : vector<1x16xf32> to vector<16xf32>
      %get3A_994 = arith.constant 0 : i32
      %get3A_995 = arith.constant 0 : i32
      %get3A_996 = tpu.memref_slice %arg9[%scan3A_215, %get3A_994, %get3A_995] : memref<2x80x128xf32, #tpu.memory_space<vmem>> -> memref<1x80x128xf32, #tpu.memory_space<vmem>>
      %get3A_997 = tpu.memref_squeeze %get3A_996 : memref<1x80x128xf32, #tpu.memory_space<vmem>> -> memref<80x128xf32, #tpu.memory_space<vmem>>
      %get3A_998 = arith.index_cast %add3A_933 : i32 to index
      %get3A_999 = arith.constant 32 : index
      %get3A_1000 = tpu.vector_load %get3A_997[%get3A_998, %get3A_999] {strides = array<i32>} : memref<80x128xf32, #tpu.memory_space<vmem>>, vector<1x16xf32>,
      %get3A_1001 = vector.shape_cast %get3A_1000 : vector<1x16xf32> to vector<16xf32>
      %mul3A_1002 = arith.mulf %get3A_993, %get3A_1001 : vector<16xf32>
      %swap3A_1003 = arith.constant 0 : i32
      %swap3A_1004 = arith.constant 0 : i32
      %swap3A_1005 = tpu.memref_slice %arg8[%scan3A_214, %swap3A_1003, %swap3A_1004] : memref<2x80x128xf32, #tpu.memory_space<vmem>> -> memref<1x80x128xf32, #tpu.memory_space<vmem>>
      %swap3A_1006 = tpu.memref_squeeze %swap3A_1005 : memref<1x80x128xf32, #tpu.memory_space<vmem>> -> memref<80x128xf32, #tpu.memory_space<vmem>>
      %swap3A_1007 = arith.index_cast %add3A_933 : i32 to index
      %swap3A_1008 = arith.constant 32 : index
      %swap3A_1009 = tpu.vector_load %swap3A_1006[%swap3A_1007, %swap3A_1008] {strides = array<i32>} : memref<80x128xf32, #tpu.memory_space<vmem>>, vector<1x16xf32>,
      %swap3A_1010 = vector.shape_cast %swap3A_1009 : vector<1x16xf32> to vector<16xf32>
      %swap3A_1011 = vector.shape_cast %mul3A_1002 : vector<16xf32> to vector<1x16xf32>
      tpu.vector_store %swap3A_1006[%swap3A_1007, %swap3A_1008], %swap3A_1011 {strides = array<i32>} : memref<80x128xf32, #tpu.memory_space<vmem>>, vector<1x16xf32>,
      %get3A_1012 = arith.constant 0 : i32
      %get3A_1013 = arith.constant 0 : i32
      %get3A_1014 = tpu.memref_slice %arg8[%scan3A_214, %get3A_1012, %get3A_1013] : memref<2x80x128xf32, #tpu.memory_space<vmem>> -> memref<1x80x128xf32, #tpu.memory_space<vmem>>
      %get3A_1015 = tpu.memref_squeeze %get3A_1014 : memref<1x80x128xf32, #tpu.memory_space<vmem>> -> memref<80x128xf32, #tpu.memory_space<vmem>>
      %get3A_1016 = arith.index_cast %add3A_933 : i32 to index
      %get3A_1017 = arith.constant 48 : index
      %get3A_1018 = tpu.vector_load %get3A_1015[%get3A_1016, %get3A_1017] {strides = array<i32>} : memref<80x128xf32, #tpu.memory_space<vmem>>, vector<1x16xf32>,
      %get3A_1019 = vector.shape_cast %get3A_1018 : vector<1x16xf32> to vector<16xf32>
      %get3A_1020 = arith.constant 0 : i32
      %get3A_1021 = arith.constant 0 : i32
      %get3A_1022 = tpu.memref_slice %arg9[%scan3A_215, %get3A_1020, %get3A_1021] : memref<2x80x128xf32, #tpu.memory_space<vmem>> -> memref<1x80x128xf32, #tpu.memory_space<vmem>>
      %get3A_1023 = tpu.memref_squeeze %get3A_1022 : memref<1x80x128xf32, #tpu.memory_space<vmem>> -> memref<80x128xf32, #tpu.memory_space<vmem>>
      %get3A_1024 = arith.index_cast %add3A_933 : i32 to index
      %get3A_1025 = arith.constant 48 : index
      %get3A_1026 = tpu.vector_load %get3A_1023[%get3A_1024, %get3A_1025] {strides = array<i32>} : memref<80x128xf32, #tpu.memory_space<vmem>>, vector<1x16xf32>,
      %get3A_1027 = vector.shape_cast %get3A_1026 : vector<1x16xf32> to vector<16xf32>
      %mul3A_1028 = arith.mulf %get3A_1019, %get3A_1027 : vector<16xf32>
      %swap3A_1029 = arith.constant 0 : i32
      %swap3A_1030 = arith.constant 0 : i32
      %swap3A_1031 = tpu.memref_slice %arg8[%scan3A_214, %swap3A_1029, %swap3A_1030] : memref<2x80x128xf32, #tpu.memory_space<vmem>> -> memref<1x80x128xf32, #tpu.memory_space<vmem>>
      %swap3A_1032 = tpu.memref_squeeze %swap3A_1031 : memref<1x80x128xf32, #tpu.memory_space<vmem>> -> memref<80x128xf32, #tpu.memory_space<vmem>>
      %swap3A_1033 = arith.index_cast %add3A_933 : i32 to index
      %swap3A_1034 = arith.constant 48 : index
      %swap3A_1035 = tpu.vector_load %swap3A_1032[%swap3A_1033, %swap3A_1034] {strides = array<i32>} : memref<80x128xf32, #tpu.memory_space<vmem>>, vector<1x16xf32>,
      %swap3A_1036 = vector.shape_cast %swap3A_1035 : vector<1x16xf32> to vector<16xf32>
      %swap3A_1037 = vector.shape_cast %mul3A_1028 : vector<16xf32> to vector<1x16xf32>
      tpu.vector_store %swap3A_1032[%swap3A_1033, %swap3A_1034], %swap3A_1037 {strides = array<i32>} : memref<80x128xf32, #tpu.memory_space<vmem>>, vector<1x16xf32>,
      %get3A_1038 = arith.constant 0 : i32
      %get3A_1039 = arith.constant 0 : i32
      %get3A_1040 = tpu.memref_slice %arg8[%scan3A_214, %get3A_1038, %get3A_1039] : memref<2x80x128xf32, #tpu.memory_space<vmem>> -> memref<1x80x128xf32, #tpu.memory_space<vmem>>
      %get3A_1041 = tpu.memref_squeeze %get3A_1040 : memref<1x80x128xf32, #tpu.memory_space<vmem>> -> memref<80x128xf32, #tpu.memory_space<vmem>>
      %get3A_1042 = arith.index_cast %add3A_933 : i32 to index
      %get3A_1043 = arith.constant 64 : index
      %get3A_1044 = tpu.vector_load %get3A_1041[%get3A_1042, %get3A_1043] {strides = array<i32>} : memref<80x128xf32, #tpu.memory_space<vmem>>, vector<1x16xf32>,
      %get3A_1045 = vector.shape_cast %get3A_1044 : vector<1x16xf32> to vector<16xf32>
      %get3A_1046 = arith.constant 0 : i32
      %get3A_1047 = arith.constant 0 : i32
      %get3A_1048 = tpu.memref_slice %arg9[%scan3A_215, %get3A_1046, %get3A_1047] : memref<2x80x128xf32, #tpu.memory_space<vmem>> -> memref<1x80x128xf32, #tpu.memory_space<vmem>>
      %get3A_1049 = tpu.memref_squeeze %get3A_1048 : memref<1x80x128xf32, #tpu.memory_space<vmem>> -> memref<80x128xf32, #tpu.memory_space<vmem>>
      %get3A_1050 = arith.index_cast %add3A_933 : i32 to index
      %get3A_1051 = arith.constant 64 : index
      %get3A_1052 = tpu.vector_load %get3A_1049[%get3A_1050, %get3A_1051] {strides = array<i32>} : memref<80x128xf32, #tpu.memory_space<vmem>>, vector<1x16xf32>,
      %get3A_1053 = vector.shape_cast %get3A_1052 : vector<1x16xf32> to vector<16xf32>
      %mul3A_1054 = arith.mulf %get3A_1045, %get3A_1053 : vector<16xf32>
      %swap3A_1055 = arith.constant 0 : i32
      %swap3A_1056 = arith.constant 0 : i32
      %swap3A_1057 = tpu.memref_slice %arg8[%scan3A_214, %swap3A_1055, %swap3A_1056] : memref<2x80x128xf32, #tpu.memory_space<vmem>> -> memref<1x80x128xf32, #tpu.memory_space<vmem>>
      %swap3A_1058 = tpu.memref_squeeze %swap3A_1057 : memref<1x80x128xf32, #tpu.memory_space<vmem>> -> memref<80x128xf32, #tpu.memory_space<vmem>>
      %swap3A_1059 = arith.index_cast %add3A_933 : i32 to index
      %swap3A_1060 = arith.constant 64 : index
      %swap3A_1061 = tpu.vector_load %swap3A_1058[%swap3A_1059, %swap3A_1060] {strides = array<i32>} : memref<80x128xf32, #tpu.memory_space<vmem>>, vector<1x16xf32>,
      %swap3A_1062 = vector.shape_cast %swap3A_1061 : vector<1x16xf32> to vector<16xf32>
      %swap3A_1063 = vector.shape_cast %mul3A_1054 : vector<16xf32> to vector<1x16xf32>
      tpu.vector_store %swap3A_1058[%swap3A_1059, %swap3A_1060], %swap3A_1063 {strides = array<i32>} : memref<80x128xf32, #tpu.memory_space<vmem>>, vector<1x16xf32>,
      %get3A_1064 = arith.constant 0 : i32
      %get3A_1065 = arith.constant 0 : i32
      %get3A_1066 = tpu.memref_slice %arg8[%scan3A_214, %get3A_1064, %get3A_1065] : memref<2x80x128xf32, #tpu.memory_space<vmem>> -> memref<1x80x128xf32, #tpu.memory_space<vmem>>
      %get3A_1067 = tpu.memref_squeeze %get3A_1066 : memref<1x80x128xf32, #tpu.memory_space<vmem>> -> memref<80x128xf32, #tpu.memory_space<vmem>>
      %get3A_1068 = arith.index_cast %add3A_933 : i32 to index
      %get3A_1069 = arith.constant 80 : index
      %get3A_1070 = tpu.vector_load %get3A_1067[%get3A_1068, %get3A_1069] {strides = array<i32>} : memref<80x128xf32, #tpu.memory_space<vmem>>, vector<1x16xf32>,
      %get3A_1071 = vector.shape_cast %get3A_1070 : vector<1x16xf32> to vector<16xf32>
      %get3A_1072 = arith.constant 0 : i32
      %get3A_1073 = arith.constant 0 : i32
      %get3A_1074 = tpu.memref_slice %arg9[%scan3A_215, %get3A_1072, %get3A_1073] : memref<2x80x128xf32, #tpu.memory_space<vmem>> -> memref<1x80x128xf32, #tpu.memory_space<vmem>>
      %get3A_1075 = tpu.memref_squeeze %get3A_1074 : memref<1x80x128xf32, #tpu.memory_space<vmem>> -> memref<80x128xf32, #tpu.memory_space<vmem>>
      %get3A_1076 = arith.index_cast %add3A_933 : i32 to index
      %get3A_1077 = arith.constant 80 : index
      %get3A_1078 = tpu.vector_load %get3A_1075[%get3A_1076, %get3A_1077] {strides = array<i32>} : memref<80x128xf32, #tpu.memory_space<vmem>>, vector<1x16xf32>,
      %get3A_1079 = vector.shape_cast %get3A_1078 : vector<1x16xf32> to vector<16xf32>
      %mul3A_1080 = arith.mulf %get3A_1071, %get3A_1079 : vector<16xf32>
      %swap3A_1081 = arith.constant 0 : i32
      %swap3A_1082 = arith.constant 0 : i32
      %swap3A_1083 = tpu.memref_slice %arg8[%scan3A_214, %swap3A_1081, %swap3A_1082] : memref<2x80x128xf32, #tpu.memory_space<vmem>> -> memref<1x80x128xf32, #tpu.memory_space<vmem>>
      %swap3A_1084 = tpu.memref_squeeze %swap3A_1083 : memref<1x80x128xf32, #tpu.memory_space<vmem>> -> memref<80x128xf32, #tpu.memory_space<vmem>>
      %swap3A_1085 = arith.index_cast %add3A_933 : i32 to index
      %swap3A_1086 = arith.constant 80 : index
      %swap3A_1087 = tpu.vector_load %swap3A_1084[%swap3A_1085, %swap3A_1086] {strides = array<i32>} : memref<80x128xf32, #tpu.memory_space<vmem>>, vector<1x16xf32>,
      %swap3A_1088 = vector.shape_cast %swap3A_1087 : vector<1x16xf32> to vector<16xf32>
      %swap3A_1089 = vector.shape_cast %mul3A_1080 : vector<16xf32> to vector<1x16xf32>
      tpu.vector_store %swap3A_1084[%swap3A_1085, %swap3A_1086], %swap3A_1089 {strides = array<i32>} : memref<80x128xf32, #tpu.memory_space<vmem>>, vector<1x16xf32>,
      %get3A_1090 = arith.constant 0 : i32
      %get3A_1091 = arith.constant 0 : i32
      %get3A_1092 = tpu.memref_slice %arg8[%scan3A_214, %get3A_1090, %get3A_1091] : memref<2x80x128xf32, #tpu.memory_space<vmem>> -> memref<1x80x128xf32, #tpu.memory_space<vmem>>
      %get3A_1093 = tpu.memref_squeeze %get3A_1092 : memref<1x80x128xf32, #tpu.memory_space<vmem>> -> memref<80x128xf32, #tpu.memory_space<vmem>>
      %get3A_1094 = arith.index_cast %add3A_933 : i32 to index
      %get3A_1095 = arith.constant 96 : index
      %get3A_1096 = tpu.vector_load %get3A_1093[%get3A_1094, %get3A_1095] {strides = array<i32>} : memref<80x128xf32, #tpu.memory_space<vmem>>, vector<1x16xf32>,
      %get3A_1097 = vector.shape_cast %get3A_1096 : vector<1x16xf32> to vector<16xf32>
      %get3A_1098 = arith.constant 0 : i32
      %get3A_1099 = arith.constant 0 : i32
      %get3A_1100 = tpu.memref_slice %arg9[%scan3A_215, %get3A_1098, %get3A_1099] : memref<2x80x128xf32, #tpu.memory_space<vmem>> -> memref<1x80x128xf32, #tpu.memory_space<vmem>>
      %get3A_1101 = tpu.memref_squeeze %get3A_1100 : memref<1x80x128xf32, #tpu.memory_space<vmem>> -> memref<80x128xf32, #tpu.memory_space<vmem>>
      %get3A_1102 = arith.index_cast %add3A_933 : i32 to index
      %get3A_1103 = arith.constant 96 : index
      %get3A_1104 = tpu.vector_load %get3A_1101[%get3A_1102, %get3A_1103] {strides = array<i32>} : memref<80x128xf32, #tpu.memory_space<vmem>>, vector<1x16xf32>,
      %get3A_1105 = vector.shape_cast %get3A_1104 : vector<1x16xf32> to vector<16xf32>
      %mul3A_1106 = arith.mulf %get3A_1097, %get3A_1105 : vector<16xf32>
      %swap3A_1107 = arith.constant 0 : i32
      %swap3A_1108 = arith.constant 0 : i32
      %swap3A_1109 = tpu.memref_slice %arg8[%scan3A_214, %swap3A_1107, %swap3A_1108] : memref<2x80x128xf32, #tpu.memory_space<vmem>> -> memref<1x80x128xf32, #tpu.memory_space<vmem>>
      %swap3A_1110 = tpu.memref_squeeze %swap3A_1109 : memref<1x80x128xf32, #tpu.memory_space<vmem>> -> memref<80x128xf32, #tpu.memory_space<vmem>>
      %swap3A_1111 = arith.index_cast %add3A_933 : i32 to index
      %swap3A_1112 = arith.constant 96 : index
      %swap3A_1113 = tpu.vector_load %swap3A_1110[%swap3A_1111, %swap3A_1112] {strides = array<i32>} : memref<80x128xf32, #tpu.memory_space<vmem>>, vector<1x16xf32>,
      %swap3A_1114 = vector.shape_cast %swap3A_1113 : vector<1x16xf32> to vector<16xf32>
      %swap3A_1115 = vector.shape_cast %mul3A_1106 : vector<16xf32> to vector<1x16xf32>
      tpu.vector_store %swap3A_1110[%swap3A_1111, %swap3A_1112], %swap3A_1115 {strides = array<i32>} : memref<80x128xf32, #tpu.memory_space<vmem>>, vector<1x16xf32>,
      %get3A_1116 = arith.constant 0 : i32
      %get3A_1117 = arith.constant 0 : i32
      %get3A_1118 = tpu.memref_slice %arg8[%scan3A_214, %get3A_1116, %get3A_1117] : memref<2x80x128xf32, #tpu.memory_space<vmem>> -> memref<1x80x128xf32, #tpu.memory_space<vmem>>
      %get3A_1119 = tpu.memref_squeeze %get3A_1118 : memref<1x80x128xf32, #tpu.memory_space<vmem>> -> memref<80x128xf32, #tpu.memory_space<vmem>>
      %get3A_1120 = arith.index_cast %add3A_933 : i32 to index
      %get3A_1121 = arith.constant 112 : index
      %get3A_1122 = tpu.vector_load %get3A_1119[%get3A_1120, %get3A_1121] {strides = array<i32>} : memref<80x128xf32, #tpu.memory_space<vmem>>, vector<1x16xf32>,
      %get3A_1123 = vector.shape_cast %get3A_1122 : vector<1x16xf32> to vector<16xf32>
      %get3A_1124 = arith.constant 0 : i32
      %get3A_1125 = arith.constant 0 : i32
      %get3A_1126 = tpu.memref_slice %arg9[%scan3A_215, %get3A_1124, %get3A_1125] : memref<2x80x128xf32, #tpu.memory_space<vmem>> -> memref<1x80x128xf32, #tpu.memory_space<vmem>>
      %get3A_1127 = tpu.memref_squeeze %get3A_1126 : memref<1x80x128xf32, #tpu.memory_space<vmem>> -> memref<80x128xf32, #tpu.memory_space<vmem>>
      %get3A_1128 = arith.index_cast %add3A_933 : i32 to index
      %get3A_1129 = arith.constant 112 : index
      %get3A_1130 = tpu.vector_load %get3A_1127[%get3A_1128, %get3A_1129] {strides = array<i32>} : memref<80x128xf32, #tpu.memory_space<vmem>>, vector<1x16xf32>,
      %get3A_1131 = vector.shape_cast %get3A_1130 : vector<1x16xf32> to vector<16xf32>
      %mul3A_1132 = arith.mulf %get3A_1123, %get3A_1131 : vector<16xf32>
      %swap3A_1133 = arith.constant 0 : i32
      %swap3A_1134 = arith.constant 0 : i32
      %swap3A_1135 = tpu.memref_slice %arg8[%scan3A_214, %swap3A_1133, %swap3A_1134] : memref<2x80x128xf32, #tpu.memory_space<vmem>> -> memref<1x80x128xf32, #tpu.memory_space<vmem>>
      %swap3A_1136 = tpu.memref_squeeze %swap3A_1135 : memref<1x80x128xf32, #tpu.memory_space<vmem>> -> memref<80x128xf32, #tpu.memory_space<vmem>>
      %swap3A_1137 = arith.index_cast %add3A_933 : i32 to index
      %swap3A_1138 = arith.constant 112 : index
      %swap3A_1139 = tpu.vector_load %swap3A_1136[%swap3A_1137, %swap3A_1138] {strides = array<i32>} : memref<80x128xf32, #tpu.memory_space<vmem>>, vector<1x16xf32>,
      %swap3A_1140 = vector.shape_cast %swap3A_1139 : vector<1x16xf32> to vector<16xf32>
      %swap3A_1141 = vector.shape_cast %mul3A_1132 : vector<16xf32> to vector<1x16xf32>
      tpu.vector_store %swap3A_1136[%swap3A_1137, %swap3A_1138], %swap3A_1141 {strides = array<i32>} : memref<80x128xf32, #tpu.memory_space<vmem>>, vector<1x16xf32>,
      %scan3A_1142 = arith.constant 0 : i32
      scf.yield %scan3A_1142 : i32
    }
    %scan3A_222 = arith.constant 20 : i32
    %dma_start3A_223 = arith.constant 0 : i32
    %dma_start3A_224 = arith.constant 0 : i32
    %dma_start3A_225 = arith.constant 0 : i32
    %dma_start3A_226 = arith.constant 0 : i32
    %dma_start3A_227 = tpu.memref_slice %arg8[%dma_start3A_223, %dma_start3A_225, %dma_start3A_226] : memref<2x80x128xf32, #tpu.memory_space<vmem>> -> memref<1x80x128xf32, #tpu.memory_space<vmem>>
    %dma_start3A_228 = tpu.memref_squeeze %dma_start3A_227 : memref<1x80x128xf32, #tpu.memory_space<vmem>> -> memref<80x128xf32, #tpu.memory_space<vmem>>
    %dma_start3A_229 = arith.constant 0 : i32
    %dma_start3A_230 = tpu.memref_slice %arg7[%dma_start3A_224, %dma_start3A_229] : memref<2x80xi32, #tpu.memory_space<vmem>> -> memref<1x80xi32, #tpu.memory_space<vmem>>
    %dma_start3A_231 = tpu.memref_squeeze %dma_start3A_230 : memref<1x80xi32, #tpu.memory_space<vmem>> -> memref<80xi32, #tpu.memory_space<vmem>>
    %dma_start3A_232 = arith.constant 0 : i32
    %dma_start3A_233 = arith.constant 0 : i32
    %dma_start3A_234 = tpu.memref_slice %arg10[%dma_start3A_232, %dma_start3A_233] : memref<10240x128xf32, #tpu.memory_space<vmem_shared>> -> memref<10240x128xf32, #tpu.memory_space<vmem_shared>>
    tpu.enqueue_indirect_dma source(%dma_start3A_228 : memref<80x128xf32, #tpu.memory_space<vmem>>) target(%dma_start3A_234 : memref<10240x128xf32, #tpu.memory_space<vmem_shared>>) offsets(%dma_start3A_231 : memref<80xi32, #tpu.memory_space<vmem>>) semaphore(%arg15 : memref<!tpu.dma_semaphore, #tpu.memory_space<semaphore_mem>>) {add = true}
    %dma_wait3A_235 = arith.constant 1 : i32
    %dma_wait3A_236 = arith.constant 1 : i32
    %dma_wait3A_237 = arith.constant 0 : i32
    %dma_wait3A_238 = arith.constant 0 : i32
    %dma_wait3A_239 = tpu.memref_slice %arg8[%dma_wait3A_235, %dma_wait3A_237, %dma_wait3A_238] : memref<2x80x128xf32, #tpu.memory_space<vmem>> -> memref<1x80x128xf32, #tpu.memory_space<vmem>>
    %dma_wait3A_240 = tpu.memref_squeeze %dma_wait3A_239 : memref<1x80x128xf32, #tpu.memory_space<vmem>> -> memref<80x128xf32, #tpu.memory_space<vmem>>
    %dma_wait3A_241 = arith.constant 0 : i32
    %dma_wait3A_242 = tpu.memref_slice %arg7[%dma_wait3A_236, %dma_wait3A_241] : memref<2x80xi32, #tpu.memory_space<vmem>> -> memref<1x80xi32, #tpu.memory_space<vmem>>
    %dma_wait3A_243 = tpu.memref_squeeze %dma_wait3A_242 : memref<1x80xi32, #tpu.memory_space<vmem>> -> memref<80xi32, #tpu.memory_space<vmem>>
    %dma_wait3A_244 = arith.constant 0 : i32
    %dma_wait3A_245 = arith.constant 0 : i32
    %dma_wait3A_246 = tpu.memref_slice %arg10[%dma_wait3A_244, %dma_wait3A_245] : memref<10240x128xf32, #tpu.memory_space<vmem_shared>> -> memref<10240x128xf32, #tpu.memory_space<vmem_shared>>
    tpu.wait_indirect_dma semaphore(%arg15 : memref<!tpu.dma_semaphore, #tpu.memory_space<semaphore_mem>>) src(%dma_wait3A_240 : memref<80x128xf32, #tpu.memory_space<vmem>>) dst(%dma_wait3A_246 : memref<10240x128xf32, #tpu.memory_space<vmem_shared>>)
    %dma_wait3A_247 = arith.constant 0 : i32
    %dma_wait3A_248 = arith.constant 0 : i32
    %dma_wait3A_249 = arith.constant 0 : i32
    %dma_wait3A_250 = arith.constant 0 : i32
    %dma_wait3A_251 = tpu.memref_slice %arg8[%dma_wait3A_247, %dma_wait3A_249, %dma_wait3A_250] : memref<2x80x128xf32, #tpu.memory_space<vmem>> -> memref<1x80x128xf32, #tpu.memory_space<vmem>>
    %dma_wait3A_252 = tpu.memref_squeeze %dma_wait3A_251 : memref<1x80x128xf32, #tpu.memory_space<vmem>> -> memref<80x128xf32, #tpu.memory_space<vmem>>
    %dma_wait3A_253 = arith.constant 0 : i32
    %dma_wait3A_254 = tpu.memref_slice %arg7[%dma_wait3A_248, %dma_wait3A_253] : memref<2x80xi32, #tpu.memory_space<vmem>> -> memref<1x80xi32, #tpu.memory_space<vmem>>
    %dma_wait3A_255 = tpu.memref_squeeze %dma_wait3A_254 : memref<1x80xi32, #tpu.memory_space<vmem>> -> memref<80xi32, #tpu.memory_space<vmem>>
    %dma_wait3A_256 = arith.constant 0 : i32
    %dma_wait3A_257 = arith.constant 0 : i32
    %dma_wait3A_258 = tpu.memref_slice %arg10[%dma_wait3A_256, %dma_wait3A_257] : memref<10240x128xf32, #tpu.memory_space<vmem_shared>> -> memref<10240x128xf32, #tpu.memory_space<vmem_shared>>
    tpu.wait_indirect_dma semaphore(%arg15 : memref<!tpu.dma_semaphore, #tpu.memory_space<semaphore_mem>>) src(%dma_wait3A_252 : memref<80x128xf32, #tpu.memory_space<vmem>>) dst(%dma_wait3A_258 : memref<10240x128xf32, #tpu.memory_space<vmem_shared>>)
    %barrier3A_259 = arith.constant 0 : index
    tpu.barrier barrier_id(%barrier3A_259)
    %add3A_260 = arith.constant 0 : i32
    %add3A_261 = arith.addi %mul3A_43, %add3A_260 : i32
    %run_scoped3A_262 = arith.constant 0 : i32
    "tpu.region"() ({
      %run_scoped3A_292 = tpu.sem_alloc : memref<!tpu.dma_semaphore, #tpu.memory_space<semaphore_mem>>
      %dma_start3A_293 = arith.constant 0 : i32
      %dma_start3A_294 = arith.constant 0 : i32
      %dma_start3A_295 = tpu.memref_slice %arg9[%run_scoped3A_262, %dma_start3A_293, %dma_start3A_294] : memref<2x80x128xf32, #tpu.memory_space<vmem>> -> memref<1x80x128xf32, #tpu.memory_space<vmem>>
      %dma_start3A_296 = tpu.memref_squeeze %dma_start3A_295 : memref<1x80x128xf32, #tpu.memory_space<vmem>> -> memref<80x128xf32, #tpu.memory_space<vmem>>
      %dma_start3A_297 = arith.constant 0 : i32
      %dma_start3A_298 = tpu.memref_slice %arg10[%add3A_261, %dma_start3A_297] : memref<10240x128xf32, #tpu.memory_space<vmem_shared>> -> memref<80x128xf32, #tpu.memory_space<vmem_shared>>
      %dma_start3A_299 = arith.constant 0 : i32
      %dma_start3A_300 = arith.constant 0 : i32
      %dma_start3A_301 = tpu.memref_slice %arg9[%run_scoped3A_262, %dma_start3A_299, %dma_start3A_300] : memref<2x80x128xf32, #tpu.memory_space<vmem>> -> memref<1x80x128xf32, #tpu.memory_space<vmem>>
      %dma_start3A_302 = tpu.memref_squeeze %dma_start3A_301 : memref<1x80x128xf32, #tpu.memory_space<vmem>> -> memref<80x128xf32, #tpu.memory_space<vmem>>
      %dma_start3A_303 = arith.constant 0 : i32
      %dma_start3A_304 = tpu.memref_slice %arg10[%add3A_261, %dma_start3A_303] : memref<10240x128xf32, #tpu.memory_space<vmem_shared>> -> memref<80x128xf32, #tpu.memory_space<vmem_shared>>
      tpu.enqueue_dma source(%dma_start3A_304 : memref<80x128xf32, #tpu.memory_space<vmem_shared>>) target(%dma_start3A_302 : memref<80x128xf32, #tpu.memory_space<vmem>>) target_semaphore(%run_scoped3A_292 : memref<!tpu.dma_semaphore, #tpu.memory_space<semaphore_mem>>)
      %dma_wait3A_305 = arith.constant 0 : i32
      %dma_wait3A_306 = arith.constant 0 : i32
      %dma_wait3A_307 = tpu.memref_slice %arg9[%run_scoped3A_262, %dma_wait3A_305, %dma_wait3A_306] : memref<2x80x128xf32, #tpu.memory_space<vmem>> -> memref<1x80x128xf32, #tpu.memory_space<vmem>>
      %dma_wait3A_308 = tpu.memref_squeeze %dma_wait3A_307 : memref<1x80x128xf32, #tpu.memory_space<vmem>> -> memref<80x128xf32, #tpu.memory_space<vmem>>
      %dma_wait3A_309 = arith.constant 0 : i32
      %dma_wait3A_310 = tpu.memref_slice %arg10[%add3A_261, %dma_wait3A_309] : memref<10240x128xf32, #tpu.memory_space<vmem_shared>> -> memref<80x128xf32, #tpu.memory_space<vmem_shared>>
      %dma_wait3A_311 = arith.constant 0 : i32
      %dma_wait3A_312 = arith.constant 0 : i32
      %dma_wait3A_313 = tpu.memref_slice %arg9[%run_scoped3A_262, %dma_wait3A_311, %dma_wait3A_312] : memref<2x80x128xf32, #tpu.memory_space<vmem>> -> memref<1x80x128xf32, #tpu.memory_space<vmem>>
      %dma_wait3A_314 = tpu.memref_squeeze %dma_wait3A_313 : memref<1x80x128xf32, #tpu.memory_space<vmem>> -> memref<80x128xf32, #tpu.memory_space<vmem>>
      %dma_wait3A_315 = arith.constant 0 : i32
      %dma_wait3A_316 = tpu.memref_slice %arg10[%add3A_261, %dma_wait3A_315] : memref<10240x128xf32, #tpu.memory_space<vmem_shared>> -> memref<80x128xf32, #tpu.memory_space<vmem_shared>>
      tpu.wait_dma2 semaphore(%run_scoped3A_292 : memref<!tpu.dma_semaphore, #tpu.memory_space<semaphore_mem>>) src(%dma_wait3A_316 : memref<80x128xf32, #tpu.memory_space<vmem_shared>>) dst(%dma_wait3A_314 : memref<80x128xf32, #tpu.memory_space<vmem>>)
      tpu.yield
    }) : () -> ()
    %run_scoped3A_263 = arith.constant 0 : i32
    "tpu.region"() ({
      %run_scoped3A_292 = tpu.sem_alloc : memref<!tpu.dma_semaphore, #tpu.memory_space<semaphore_mem>>
      %dma_start3A_293 = arith.constant 0 : i32
      %dma_start3A_294 = arith.constant 0 : i32
      %dma_start3A_295 = tpu.memref_slice %arg9[%run_scoped3A_263, %dma_start3A_293, %dma_start3A_294] : memref<2x80x128xf32, #tpu.memory_space<vmem>> -> memref<1x80x128xf32, #tpu.memory_space<vmem>>
      %dma_start3A_296 = tpu.memref_squeeze %dma_start3A_295 : memref<1x80x128xf32, #tpu.memory_space<vmem>> -> memref<80x128xf32, #tpu.memory_space<vmem>>
      %dma_start3A_297 = arith.constant 0 : i32
      %dma_start3A_298 = tpu.memref_slice %arg5[%arg0, %add3A_261, %dma_start3A_297] : memref<2x10240x128xf32, #tpu.memory_space<hbm>> -> memref<1x80x128xf32, #tpu.memory_space<hbm>>
      %dma_start3A_299 = tpu.memref_squeeze %dma_start3A_298 : memref<1x80x128xf32, #tpu.memory_space<hbm>> -> memref<80x128xf32, #tpu.memory_space<hbm>>
      %dma_start3A_300 = arith.constant 0 : i32
      %dma_start3A_301 = tpu.memref_slice %arg5[%arg0, %add3A_261, %dma_start3A_300] : memref<2x10240x128xf32, #tpu.memory_space<hbm>> -> memref<1x80x128xf32, #tpu.memory_space<hbm>>
      %dma_start3A_302 = tpu.memref_squeeze %dma_start3A_301 : memref<1x80x128xf32, #tpu.memory_space<hbm>> -> memref<80x128xf32, #tpu.memory_space<hbm>>
      %dma_start3A_303 = arith.constant 0 : i32
      %dma_start3A_304 = arith.constant 0 : i32
      %dma_start3A_305 = tpu.memref_slice %arg9[%run_scoped3A_263, %dma_start3A_303, %dma_start3A_304] : memref<2x80x128xf32, #tpu.memory_space<vmem>> -> memref<1x80x128xf32, #tpu.memory_space<vmem>>
      %dma_start3A_306 = tpu.memref_squeeze %dma_start3A_305 : memref<1x80x128xf32, #tpu.memory_space<vmem>> -> memref<80x128xf32, #tpu.memory_space<vmem>>
      tpu.enqueue_dma source(%dma_start3A_306 : memref<80x128xf32, #tpu.memory_space<vmem>>) target(%dma_start3A_302 : memref<80x128xf32, #tpu.memory_space<hbm>>) target_semaphore(%run_scoped3A_292 : memref<!tpu.dma_semaphore, #tpu.memory_space<semaphore_mem>>)
      %dma_wait3A_307 = arith.constant 0 : i32
      %dma_wait3A_308 = arith.constant 0 : i32
      %dma_wait3A_309 = tpu.memref_slice %arg9[%run_scoped3A_263, %dma_wait3A_307, %dma_wait3A_308] : memref<2x80x128xf32, #tpu.memory_space<vmem>> -> memref<1x80x128xf32, #tpu.memory_space<vmem>>
      %dma_wait3A_310 = tpu.memref_squeeze %dma_wait3A_309 : memref<1x80x128xf32, #tpu.memory_space<vmem>> -> memref<80x128xf32, #tpu.memory_space<vmem>>
      %dma_wait3A_311 = arith.constant 0 : i32
      %dma_wait3A_312 = tpu.memref_slice %arg5[%arg0, %add3A_261, %dma_wait3A_311] : memref<2x10240x128xf32, #tpu.memory_space<hbm>> -> memref<1x80x128xf32, #tpu.memory_space<hbm>>
      %dma_wait3A_313 = tpu.memref_squeeze %dma_wait3A_312 : memref<1x80x128xf32, #tpu.memory_space<hbm>> -> memref<80x128xf32, #tpu.memory_space<hbm>>
      %dma_wait3A_314 = arith.constant 0 : i32
      %dma_wait3A_315 = tpu.memref_slice %arg5[%arg0, %add3A_261, %dma_wait3A_314] : memref<2x10240x128xf32, #tpu.memory_space<hbm>> -> memref<1x80x128xf32, #tpu.memory_space<hbm>>
      %dma_wait3A_316 = tpu.memref_squeeze %dma_wait3A_315 : memref<1x80x128xf32, #tpu.memory_space<hbm>> -> memref<80x128xf32, #tpu.memory_space<hbm>>
      %dma_wait3A_317 = arith.constant 0 : i32
      %dma_wait3A_318 = arith.constant 0 : i32
      %dma_wait3A_319 = tpu.memref_slice %arg9[%run_scoped3A_263, %dma_wait3A_317, %dma_wait3A_318] : memref<2x80x128xf32, #tpu.memory_space<vmem>> -> memref<1x80x128xf32, #tpu.memory_space<vmem>>
      %dma_wait3A_320 = tpu.memref_squeeze %dma_wait3A_319 : memref<1x80x128xf32, #tpu.memory_space<vmem>> -> memref<80x128xf32, #tpu.memory_space<vmem>>
      tpu.wait_dma2 semaphore(%run_scoped3A_292 : memref<!tpu.dma_semaphore, #tpu.memory_space<semaphore_mem>>) src(%dma_wait3A_320 : memref<80x128xf32, #tpu.memory_space<vmem>>) dst(%dma_wait3A_316 : memref<80x128xf32, #tpu.memory_space<hbm>>)
      tpu.yield
    }) : () -> ()
    %add3A_264 = arith.constant 80 : i32
    %add3A_265 = arith.addi %mul3A_43, %add3A_264 : i32
    %run_scoped3A_266 = arith.constant 0 : i32
    "tpu.region"() ({
      %run_scoped3A_292 = tpu.sem_alloc : memref<!tpu.dma_semaphore, #tpu.memory_space<semaphore_mem>>
      %dma_start3A_293 = arith.constant 0 : i32
      %dma_start3A_294 = arith.constant 0 : i32
      %dma_start3A_295 = tpu.memref_slice %arg9[%run_scoped3A_266, %dma_start3A_293, %dma_start3A_294] : memref<2x80x128xf32, #tpu.memory_space<vmem>> -> memref<1x80x128xf32, #tpu.memory_space<vmem>>
      %dma_start3A_296 = tpu.memref_squeeze %dma_start3A_295 : memref<1x80x128xf32, #tpu.memory_space<vmem>> -> memref<80x128xf32, #tpu.memory_space<vmem>>
      %dma_start3A_297 = arith.constant 0 : i32
      %dma_start3A_298 = tpu.memref_slice %arg10[%add3A_265, %dma_start3A_297] : memref<10240x128xf32, #tpu.memory_space<vmem_shared>> -> memref<80x128xf32, #tpu.memory_space<vmem_shared>>
      %dma_start3A_299 = arith.constant 0 : i32
      %dma_start3A_300 = arith.constant 0 : i32
      %dma_start3A_301 = tpu.memref_slice %arg9[%run_scoped3A_266, %dma_start3A_299, %dma_start3A_300] : memref<2x80x128xf32, #tpu.memory_space<vmem>> -> memref<1x80x128xf32, #tpu.memory_space<vmem>>
      %dma_start3A_302 = tpu.memref_squeeze %dma_start3A_301 : memref<1x80x128xf32, #tpu.memory_space<vmem>> -> memref<80x128xf32, #tpu.memory_space<vmem>>
      %dma_start3A_303 = arith.constant 0 : i32
      %dma_start3A_304 = tpu.memref_slice %arg10[%add3A_265, %dma_start3A_303] : memref<10240x128xf32, #tpu.memory_space<vmem_shared>> -> memref<80x128xf32, #tpu.memory_space<vmem_shared>>
      tpu.enqueue_dma source(%dma_start3A_304 : memref<80x128xf32, #tpu.memory_space<vmem_shared>>) target(%dma_start3A_302 : memref<80x128xf32, #tpu.memory_space<vmem>>) target_semaphore(%run_scoped3A_292 : memref<!tpu.dma_semaphore, #tpu.memory_space<semaphore_mem>>)
      %dma_wait3A_305 = arith.constant 0 : i32
      %dma_wait3A_306 = arith.constant 0 : i32
      %dma_wait3A_307 = tpu.memref_slice %arg9[%run_scoped3A_266, %dma_wait3A_305, %dma_wait3A_306] : memref<2x80x128xf32, #tpu.memory_space<vmem>> -> memref<1x80x128xf32, #tpu.memory_space<vmem>>
      %dma_wait3A_308 = tpu.memref_squeeze %dma_wait3A_307 : memref<1x80x128xf32, #tpu.memory_space<vmem>> -> memref<80x128xf32, #tpu.memory_space<vmem>>
      %dma_wait3A_309 = arith.constant 0 : i32
      %dma_wait3A_310 = tpu.memref_slice %arg10[%add3A_265, %dma_wait3A_309] : memref<10240x128xf32, #tpu.memory_space<vmem_shared>> -> memref<80x128xf32, #tpu.memory_space<vmem_shared>>
      %dma_wait3A_311 = arith.constant 0 : i32
      %dma_wait3A_312 = arith.constant 0 : i32
      %dma_wait3A_313 = tpu.memref_slice %arg9[%run_scoped3A_266, %dma_wait3A_311, %dma_wait3A_312] : memref<2x80x128xf32, #tpu.memory_space<vmem>> -> memref<1x80x128xf32, #tpu.memory_space<vmem>>
      %dma_wait3A_314 = tpu.memref_squeeze %dma_wait3A_313 : memref<1x80x128xf32, #tpu.memory_space<vmem>> -> memref<80x128xf32, #tpu.memory_space<vmem>>
      %dma_wait3A_315 = arith.constant 0 : i32
      %dma_wait3A_316 = tpu.memref_slice %arg10[%add3A_265, %dma_wait3A_315] : memref<10240x128xf32, #tpu.memory_space<vmem_shared>> -> memref<80x128xf32, #tpu.memory_space<vmem_shared>>
      tpu.wait_dma2 semaphore(%run_scoped3A_292 : memref<!tpu.dma_semaphore, #tpu.memory_space<semaphore_mem>>) src(%dma_wait3A_316 : memref<80x128xf32, #tpu.memory_space<vmem_shared>>) dst(%dma_wait3A_314 : memref<80x128xf32, #tpu.memory_space<vmem>>)
      tpu.yield
    }) : () -> ()
    %run_scoped3A_267 = arith.constant 0 : i32
    "tpu.region"() ({
      %run_scoped3A_292 = tpu.sem_alloc : memref<!tpu.dma_semaphore, #tpu.memory_space<semaphore_mem>>
      %dma_start3A_293 = arith.constant 0 : i32
      %dma_start3A_294 = arith.constant 0 : i32
      %dma_start3A_295 = tpu.memref_slice %arg9[%run_scoped3A_267, %dma_start3A_293, %dma_start3A_294] : memref<2x80x128xf32, #tpu.memory_space<vmem>> -> memref<1x80x128xf32, #tpu.memory_space<vmem>>
      %dma_start3A_296 = tpu.memref_squeeze %dma_start3A_295 : memref<1x80x128xf32, #tpu.memory_space<vmem>> -> memref<80x128xf32, #tpu.memory_space<vmem>>
      %dma_start3A_297 = arith.constant 0 : i32
      %dma_start3A_298 = tpu.memref_slice %arg5[%arg0, %add3A_265, %dma_start3A_297] : memref<2x10240x128xf32, #tpu.memory_space<hbm>> -> memref<1x80x128xf32, #tpu.memory_space<hbm>>
      %dma_start3A_299 = tpu.memref_squeeze %dma_start3A_298 : memref<1x80x128xf32, #tpu.memory_space<hbm>> -> memref<80x128xf32, #tpu.memory_space<hbm>>
      %dma_start3A_300 = arith.constant 0 : i32
      %dma_start3A_301 = tpu.memref_slice %arg5[%arg0, %add3A_265, %dma_start3A_300] : memref<2x10240x128xf32, #tpu.memory_space<hbm>> -> memref<1x80x128xf32, #tpu.memory_space<hbm>>
      %dma_start3A_302 = tpu.memref_squeeze %dma_start3A_301 : memref<1x80x128xf32, #tpu.memory_space<hbm>> -> memref<80x128xf32, #tpu.memory_space<hbm>>
      %dma_start3A_303 = arith.constant 0 : i32
      %dma_start3A_304 = arith.constant 0 : i32
      %dma_start3A_305 = tpu.memref_slice %arg9[%run_scoped3A_267, %dma_start3A_303, %dma_start3A_304] : memref<2x80x128xf32, #tpu.memory_space<vmem>> -> memref<1x80x128xf32, #tpu.memory_space<vmem>>
      %dma_start3A_306 = tpu.memref_squeeze %dma_start3A_305 : memref<1x80x128xf32, #tpu.memory_space<vmem>> -> memref<80x128xf32, #tpu.memory_space<vmem>>
      tpu.enqueue_dma source(%dma_start3A_306 : memref<80x128xf32, #tpu.memory_space<vmem>>) target(%dma_start3A_302 : memref<80x128xf32, #tpu.memory_space<hbm>>) target_semaphore(%run_scoped3A_292 : memref<!tpu.dma_semaphore, #tpu.memory_space<semaphore_mem>>)
      %dma_wait3A_307 = arith.constant 0 : i32
      %dma_wait3A_308 = arith.constant 0 : i32
      %dma_wait3A_309 = tpu.memref_slice %arg9[%run_scoped3A_267, %dma_wait3A_307, %dma_wait3A_308] : memref<2x80x128xf32, #tpu.memory_space<vmem>> -> memref<1x80x128xf32, #tpu.memory_space<vmem>>
      %dma_wait3A_310 = tpu.memref_squeeze %dma_wait3A_309 : memref<1x80x128xf32, #tpu.memory_space<vmem>> -> memref<80x128xf32, #tpu.memory_space<vmem>>
      %dma_wait3A_311 = arith.constant 0 : i32
      %dma_wait3A_312 = tpu.memref_slice %arg5[%arg0, %add3A_265, %dma_wait3A_311] : memref<2x10240x128xf32, #tpu.memory_space<hbm>> -> memref<1x80x128xf32, #tpu.memory_space<hbm>>
      %dma_wait3A_313 = tpu.memref_squeeze %dma_wait3A_312 : memref<1x80x128xf32, #tpu.memory_space<hbm>> -> memref<80x128xf32, #tpu.memory_space<hbm>>
      %dma_wait3A_314 = arith.constant 0 : i32
      %dma_wait3A_315 = tpu.memref_slice %arg5[%arg0, %add3A_265, %dma_wait3A_314] : memref<2x10240x128xf32, #tpu.memory_space<hbm>> -> memref<1x80x128xf32, #tpu.memory_space<hbm>>
      %dma_wait3A_316 = tpu.memref_squeeze %dma_wait3A_315 : memref<1x80x128xf32, #tpu.memory_space<hbm>> -> memref<80x128xf32, #tpu.memory_space<hbm>>
      %dma_wait3A_317 = arith.constant 0 : i32
      %dma_wait3A_318 = arith.constant 0 : i32
      %dma_wait3A_319 = tpu.memref_slice %arg9[%run_scoped3A_267, %dma_wait3A_317, %dma_wait3A_318] : memref<2x80x128xf32, #tpu.memory_space<vmem>> -> memref<1x80x128xf32, #tpu.memory_space<vmem>>
      %dma_wait3A_320 = tpu.memref_squeeze %dma_wait3A_319 : memref<1x80x128xf32, #tpu.memory_space<vmem>> -> memref<80x128xf32, #tpu.memory_space<vmem>>
      tpu.wait_dma2 semaphore(%run_scoped3A_292 : memref<!tpu.dma_semaphore, #tpu.memory_space<semaphore_mem>>) src(%dma_wait3A_320 : memref<80x128xf32, #tpu.memory_space<vmem>>) dst(%dma_wait3A_316 : memref<80x128xf32, #tpu.memory_space<hbm>>)
      tpu.yield
    }) : () -> ()
    %add3A_268 = arith.constant 160 : i32
    %add3A_269 = arith.addi %mul3A_43, %add3A_268 : i32
    %run_scoped3A_270 = arith.constant 0 : i32
    "tpu.region"() ({
      %run_scoped3A_292 = tpu.sem_alloc : memref<!tpu.dma_semaphore, #tpu.memory_space<semaphore_mem>>
      %dma_start3A_293 = arith.constant 0 : i32
      %dma_start3A_294 = arith.constant 0 : i32
      %dma_start3A_295 = tpu.memref_slice %arg9[%run_scoped3A_270, %dma_start3A_293, %dma_start3A_294] : memref<2x80x128xf32, #tpu.memory_space<vmem>> -> memref<1x80x128xf32, #tpu.memory_space<vmem>>
      %dma_start3A_296 = tpu.memref_squeeze %dma_start3A_295 : memref<1x80x128xf32, #tpu.memory_space<vmem>> -> memref<80x128xf32, #tpu.memory_space<vmem>>
      %dma_start3A_297 = arith.constant 0 : i32
      %dma_start3A_298 = tpu.memref_slice %arg10[%add3A_269, %dma_start3A_297] : memref<10240x128xf32, #tpu.memory_space<vmem_shared>> -> memref<80x128xf32, #tpu.memory_space<vmem_shared>>
      %dma_start3A_299 = arith.constant 0 : i32
      %dma_start3A_300 = arith.constant 0 : i32
      %dma_start3A_301 = tpu.memref_slice %arg9[%run_scoped3A_270, %dma_start3A_299, %dma_start3A_300] : memref<2x80x128xf32, #tpu.memory_space<vmem>> -> memref<1x80x128xf32, #tpu.memory_space<vmem>>
      %dma_start3A_302 = tpu.memref_squeeze %dma_start3A_301 : memref<1x80x128xf32, #tpu.memory_space<vmem>> -> memref<80x128xf32, #tpu.memory_space<vmem>>
      %dma_start3A_303 = arith.constant 0 : i32
      %dma_start3A_304 = tpu.memref_slice %arg10[%add3A_269, %dma_start3A_303] : memref<10240x128xf32, #tpu.memory_space<vmem_shared>> -> memref<80x128xf32, #tpu.memory_space<vmem_shared>>
      tpu.enqueue_dma source(%dma_start3A_304 : memref<80x128xf32, #tpu.memory_space<vmem_shared>>) target(%dma_start3A_302 : memref<80x128xf32, #tpu.memory_space<vmem>>) target_semaphore(%run_scoped3A_292 : memref<!tpu.dma_semaphore, #tpu.memory_space<semaphore_mem>>)
      %dma_wait3A_305 = arith.constant 0 : i32
      %dma_wait3A_306 = arith.constant 0 : i32
      %dma_wait3A_307 = tpu.memref_slice %arg9[%run_scoped3A_270, %dma_wait3A_305, %dma_wait3A_306] : memref<2x80x128xf32, #tpu.memory_space<vmem>> -> memref<1x80x128xf32, #tpu.memory_space<vmem>>
      %dma_wait3A_308 = tpu.memref_squeeze %dma_wait3A_307 : memref<1x80x128xf32, #tpu.memory_space<vmem>> -> memref<80x128xf32, #tpu.memory_space<vmem>>
      %dma_wait3A_309 = arith.constant 0 : i32
      %dma_wait3A_310 = tpu.memref_slice %arg10[%add3A_269, %dma_wait3A_309] : memref<10240x128xf32, #tpu.memory_space<vmem_shared>> -> memref<80x128xf32, #tpu.memory_space<vmem_shared>>
      %dma_wait3A_311 = arith.constant 0 : i32
      %dma_wait3A_312 = arith.constant 0 : i32
      %dma_wait3A_313 = tpu.memref_slice %arg9[%run_scoped3A_270, %dma_wait3A_311, %dma_wait3A_312] : memref<2x80x128xf32, #tpu.memory_space<vmem>> -> memref<1x80x128xf32, #tpu.memory_space<vmem>>
      %dma_wait3A_314 = tpu.memref_squeeze %dma_wait3A_313 : memref<1x80x128xf32, #tpu.memory_space<vmem>> -> memref<80x128xf32, #tpu.memory_space<vmem>>
      %dma_wait3A_315 = arith.constant 0 : i32
      %dma_wait3A_316 = tpu.memref_slice %arg10[%add3A_269, %dma_wait3A_315] : memref<10240x128xf32, #tpu.memory_space<vmem_shared>> -> memref<80x128xf32, #tpu.memory_space<vmem_shared>>
      tpu.wait_dma2 semaphore(%run_scoped3A_292 : memref<!tpu.dma_semaphore, #tpu.memory_space<semaphore_mem>>) src(%dma_wait3A_316 : memref<80x128xf32, #tpu.memory_space<vmem_shared>>) dst(%dma_wait3A_314 : memref<80x128xf32, #tpu.memory_space<vmem>>)
      tpu.yield
    }) : () -> ()
    %run_scoped3A_271 = arith.constant 0 : i32
    "tpu.region"() ({
      %run_scoped3A_292 = tpu.sem_alloc : memref<!tpu.dma_semaphore, #tpu.memory_space<semaphore_mem>>
      %dma_start3A_293 = arith.constant 0 : i32
      %dma_start3A_294 = arith.constant 0 : i32
      %dma_start3A_295 = tpu.memref_slice %arg9[%run_scoped3A_271, %dma_start3A_293, %dma_start3A_294] : memref<2x80x128xf32, #tpu.memory_space<vmem>> -> memref<1x80x128xf32, #tpu.memory_space<vmem>>
      %dma_start3A_296 = tpu.memref_squeeze %dma_start3A_295 : memref<1x80x128xf32, #tpu.memory_space<vmem>> -> memref<80x128xf32, #tpu.memory_space<vmem>>
      %dma_start3A_297 = arith.constant 0 : i32
      %dma_start3A_298 = tpu.memref_slice %arg5[%arg0, %add3A_269, %dma_start3A_297] : memref<2x10240x128xf32, #tpu.memory_space<hbm>> -> memref<1x80x128xf32, #tpu.memory_space<hbm>>
      %dma_start3A_299 = tpu.memref_squeeze %dma_start3A_298 : memref<1x80x128xf32, #tpu.memory_space<hbm>> -> memref<80x128xf32, #tpu.memory_space<hbm>>
      %dma_start3A_300 = arith.constant 0 : i32
      %dma_start3A_301 = tpu.memref_slice %arg5[%arg0, %add3A_269, %dma_start3A_300] : memref<2x10240x128xf32, #tpu.memory_space<hbm>> -> memref<1x80x128xf32, #tpu.memory_space<hbm>>
      %dma_start3A_302 = tpu.memref_squeeze %dma_start3A_301 : memref<1x80x128xf32, #tpu.memory_space<hbm>> -> memref<80x128xf32, #tpu.memory_space<hbm>>
      %dma_start3A_303 = arith.constant 0 : i32
      %dma_start3A_304 = arith.constant 0 : i32
      %dma_start3A_305 = tpu.memref_slice %arg9[%run_scoped3A_271, %dma_start3A_303, %dma_start3A_304] : memref<2x80x128xf32, #tpu.memory_space<vmem>> -> memref<1x80x128xf32, #tpu.memory_space<vmem>>
      %dma_start3A_306 = tpu.memref_squeeze %dma_start3A_305 : memref<1x80x128xf32, #tpu.memory_space<vmem>> -> memref<80x128xf32, #tpu.memory_space<vmem>>
      tpu.enqueue_dma source(%dma_start3A_306 : memref<80x128xf32, #tpu.memory_space<vmem>>) target(%dma_start3A_302 : memref<80x128xf32, #tpu.memory_space<hbm>>) target_semaphore(%run_scoped3A_292 : memref<!tpu.dma_semaphore, #tpu.memory_space<semaphore_mem>>)
      %dma_wait3A_307 = arith.constant 0 : i32
      %dma_wait3A_308 = arith.constant 0 : i32
      %dma_wait3A_309 = tpu.memref_slice %arg9[%run_scoped3A_271, %dma_wait3A_307, %dma_wait3A_308] : memref<2x80x128xf32, #tpu.memory_space<vmem>> -> memref<1x80x128xf32, #tpu.memory_space<vmem>>
      %dma_wait3A_310 = tpu.memref_squeeze %dma_wait3A_309 : memref<1x80x128xf32, #tpu.memory_space<vmem>> -> memref<80x128xf32, #tpu.memory_space<vmem>>
      %dma_wait3A_311 = arith.constant 0 : i32
      %dma_wait3A_312 = tpu.memref_slice %arg5[%arg0, %add3A_269, %dma_wait3A_311] : memref<2x10240x128xf32, #tpu.memory_space<hbm>> -> memref<1x80x128xf32, #tpu.memory_space<hbm>>
      %dma_wait3A_313 = tpu.memref_squeeze %dma_wait3A_312 : memref<1x80x128xf32, #tpu.memory_space<hbm>> -> memref<80x128xf32, #tpu.memory_space<hbm>>
      %dma_wait3A_314 = arith.constant 0 : i32
      %dma_wait3A_315 = tpu.memref_slice %arg5[%arg0, %add3A_269, %dma_wait3A_314] : memref<2x10240x128xf32, #tpu.memory_space<hbm>> -> memref<1x80x128xf32, #tpu.memory_space<hbm>>
      %dma_wait3A_316 = tpu.memref_squeeze %dma_wait3A_315 : memref<1x80x128xf32, #tpu.memory_space<hbm>> -> memref<80x128xf32, #tpu.memory_space<hbm>>
      %dma_wait3A_317 = arith.constant 0 : i32
      %dma_wait3A_318 = arith.constant 0 : i32
      %dma_wait3A_319 = tpu.memref_slice %arg9[%run_scoped3A_271, %dma_wait3A_317, %dma_wait3A_318] : memref<2x80x128xf32, #tpu.memory_space<vmem>> -> memref<1x80x128xf32, #tpu.memory_space<vmem>>
      %dma_wait3A_320 = tpu.memref_squeeze %dma_wait3A_319 : memref<1x80x128xf32, #tpu.memory_space<vmem>> -> memref<80x128xf32, #tpu.memory_space<vmem>>
      tpu.wait_dma2 semaphore(%run_scoped3A_292 : memref<!tpu.dma_semaphore, #tpu.memory_space<semaphore_mem>>) src(%dma_wait3A_320 : memref<80x128xf32, #tpu.memory_space<vmem>>) dst(%dma_wait3A_316 : memref<80x128xf32, #tpu.memory_space<hbm>>)
      tpu.yield
    }) : () -> ()
    %add3A_272 = arith.constant 240 : i32
    %add3A_273 = arith.addi %mul3A_43, %add3A_272 : i32
    %run_scoped3A_274 = arith.constant 0 : i32
    "tpu.region"() ({
      %run_scoped3A_292 = tpu.sem_alloc : memref<!tpu.dma_semaphore, #tpu.memory_space<semaphore_mem>>
      %dma_start3A_293 = arith.constant 0 : i32
      %dma_start3A_294 = arith.constant 0 : i32
      %dma_start3A_295 = tpu.memref_slice %arg9[%run_scoped3A_274, %dma_start3A_293, %dma_start3A_294] : memref<2x80x128xf32, #tpu.memory_space<vmem>> -> memref<1x80x128xf32, #tpu.memory_space<vmem>>
      %dma_start3A_296 = tpu.memref_squeeze %dma_start3A_295 : memref<1x80x128xf32, #tpu.memory_space<vmem>> -> memref<80x128xf32, #tpu.memory_space<vmem>>
      %dma_start3A_297 = arith.constant 0 : i32
      %dma_start3A_298 = tpu.memref_slice %arg10[%add3A_273, %dma_start3A_297] : memref<10240x128xf32, #tpu.memory_space<vmem_shared>> -> memref<80x128xf32, #tpu.memory_space<vmem_shared>>
      %dma_start3A_299 = arith.constant 0 : i32
      %dma_start3A_300 = arith.constant 0 : i32
      %dma_start3A_301 = tpu.memref_slice %arg9[%run_scoped3A_274, %dma_start3A_299, %dma_start3A_300] : memref<2x80x128xf32, #tpu.memory_space<vmem>> -> memref<1x80x128xf32, #tpu.memory_space<vmem>>
      %dma_start3A_302 = tpu.memref_squeeze %dma_start3A_301 : memref<1x80x128xf32, #tpu.memory_space<vmem>> -> memref<80x128xf32, #tpu.memory_space<vmem>>
      %dma_start3A_303 = arith.constant 0 : i32
      %dma_start3A_304 = tpu.memref_slice %arg10[%add3A_273, %dma_start3A_303] : memref<10240x128xf32, #tpu.memory_space<vmem_shared>> -> memref<80x128xf32, #tpu.memory_space<vmem_shared>>
      tpu.enqueue_dma source(%dma_start3A_304 : memref<80x128xf32, #tpu.memory_space<vmem_shared>>) target(%dma_start3A_302 : memref<80x128xf32, #tpu.memory_space<vmem>>) target_semaphore(%run_scoped3A_292 : memref<!tpu.dma_semaphore, #tpu.memory_space<semaphore_mem>>)
      %dma_wait3A_305 = arith.constant 0 : i32
      %dma_wait3A_306 = arith.constant 0 : i32
      %dma_wait3A_307 = tpu.memref_slice %arg9[%run_scoped3A_274, %dma_wait3A_305, %dma_wait3A_306] : memref<2x80x128xf32, #tpu.memory_space<vmem>> -> memref<1x80x128xf32, #tpu.memory_space<vmem>>
      %dma_wait3A_308 = tpu.memref_squeeze %dma_wait3A_307 : memref<1x80x128xf32, #tpu.memory_space<vmem>> -> memref<80x128xf32, #tpu.memory_space<vmem>>
      %dma_wait3A_309 = arith.constant 0 : i32
      %dma_wait3A_310 = tpu.memref_slice %arg10[%add3A_273, %dma_wait3A_309] : memref<10240x128xf32, #tpu.memory_space<vmem_shared>> -> memref<80x128xf32, #tpu.memory_space<vmem_shared>>
      %dma_wait3A_311 = arith.constant 0 : i32
      %dma_wait3A_312 = arith.constant 0 : i32
      %dma_wait3A_313 = tpu.memref_slice %arg9[%run_scoped3A_274, %dma_wait3A_311, %dma_wait3A_312] : memref<2x80x128xf32, #tpu.memory_space<vmem>> -> memref<1x80x128xf32, #tpu.memory_space<vmem>>
      %dma_wait3A_314 = tpu.memref_squeeze %dma_wait3A_313 : memref<1x80x128xf32, #tpu.memory_space<vmem>> -> memref<80x128xf32, #tpu.memory_space<vmem>>
      %dma_wait3A_315 = arith.constant 0 : i32
      %dma_wait3A_316 = tpu.memref_slice %arg10[%add3A_273, %dma_wait3A_315] : memref<10240x128xf32, #tpu.memory_space<vmem_shared>> -> memref<80x128xf32, #tpu.memory_space<vmem_shared>>
      tpu.wait_dma2 semaphore(%run_scoped3A_292 : memref<!tpu.dma_semaphore, #tpu.memory_space<semaphore_mem>>) src(%dma_wait3A_316 : memref<80x128xf32, #tpu.memory_space<vmem_shared>>) dst(%dma_wait3A_314 : memref<80x128xf32, #tpu.memory_space<vmem>>)
      tpu.yield
    }) : () -> ()
    %run_scoped3A_275 = arith.constant 0 : i32
    "tpu.region"() ({
      %run_scoped3A_292 = tpu.sem_alloc : memref<!tpu.dma_semaphore, #tpu.memory_space<semaphore_mem>>
      %dma_start3A_293 = arith.constant 0 : i32
      %dma_start3A_294 = arith.constant 0 : i32
      %dma_start3A_295 = tpu.memref_slice %arg9[%run_scoped3A_275, %dma_start3A_293, %dma_start3A_294] : memref<2x80x128xf32, #tpu.memory_space<vmem>> -> memref<1x80x128xf32, #tpu.memory_space<vmem>>
      %dma_start3A_296 = tpu.memref_squeeze %dma_start3A_295 : memref<1x80x128xf32, #tpu.memory_space<vmem>> -> memref<80x128xf32, #tpu.memory_space<vmem>>
      %dma_start3A_297 = arith.constant 0 : i32
      %dma_start3A_298 = tpu.memref_slice %arg5[%arg0, %add3A_273, %dma_start3A_297] : memref<2x10240x128xf32, #tpu.memory_space<hbm>> -> memref<1x80x128xf32, #tpu.memory_space<hbm>>
      %dma_start3A_299 = tpu.memref_squeeze %dma_start3A_298 : memref<1x80x128xf32, #tpu.memory_space<hbm>> -> memref<80x128xf32, #tpu.memory_space<hbm>>
      %dma_start3A_300 = arith.constant 0 : i32
      %dma_start3A_301 = tpu.memref_slice %arg5[%arg0, %add3A_273, %dma_start3A_300] : memref<2x10240x128xf32, #tpu.memory_space<hbm>> -> memref<1x80x128xf32, #tpu.memory_space<hbm>>
      %dma_start3A_302 = tpu.memref_squeeze %dma_start3A_301 : memref<1x80x128xf32, #tpu.memory_space<hbm>> -> memref<80x128xf32, #tpu.memory_space<hbm>>
      %dma_start3A_303 = arith.constant 0 : i32
      %dma_start3A_304 = arith.constant 0 : i32
      %dma_start3A_305 = tpu.memref_slice %arg9[%run_scoped3A_275, %dma_start3A_303, %dma_start3A_304] : memref<2x80x128xf32, #tpu.memory_space<vmem>> -> memref<1x80x128xf32, #tpu.memory_space<vmem>>
      %dma_start3A_306 = tpu.memref_squeeze %dma_start3A_305 : memref<1x80x128xf32, #tpu.memory_space<vmem>> -> memref<80x128xf32, #tpu.memory_space<vmem>>
      tpu.enqueue_dma source(%dma_start3A_306 : memref<80x128xf32, #tpu.memory_space<vmem>>) target(%dma_start3A_302 : memref<80x128xf32, #tpu.memory_space<hbm>>) target_semaphore(%run_scoped3A_292 : memref<!tpu.dma_semaphore, #tpu.memory_space<semaphore_mem>>)
      %dma_wait3A_307 = arith.constant 0 : i32
      %dma_wait3A_308 = arith.constant 0 : i32
      %dma_wait3A_309 = tpu.memref_slice %arg9[%run_scoped3A_275, %dma_wait3A_307, %dma_wait3A_308] : memref<2x80x128xf32, #tpu.memory_space<vmem>> -> memref<1x80x128xf32, #tpu.memory_space<vmem>>
      %dma_wait3A_310 = tpu.memref_squeeze %dma_wait3A_309 : memref<1x80x128xf32, #tpu.memory_space<vmem>> -> memref<80x128xf32, #tpu.memory_space<vmem>>
      %dma_wait3A_311 = arith.constant 0 : i32
      %dma_wait3A_312 = tpu.memref_slice %arg5[%arg0, %add3A_273, %dma_wait3A_311] : memref<2x10240x128xf32, #tpu.memory_space<hbm>> -> memref<1x80x128xf32, #tpu.memory_space<hbm>>
      %dma_wait3A_313 = tpu.memref_squeeze %dma_wait3A_312 : memref<1x80x128xf32, #tpu.memory_space<hbm>> -> memref<80x128xf32, #tpu.memory_space<hbm>>
      %dma_wait3A_314 = arith.constant 0 : i32
      %dma_wait3A_315 = tpu.memref_slice %arg5[%arg0, %add3A_273, %dma_wait3A_314] : memref<2x10240x128xf32, #tpu.memory_space<hbm>> -> memref<1x80x128xf32, #tpu.memory_space<hbm>>
      %dma_wait3A_316 = tpu.memref_squeeze %dma_wait3A_315 : memref<1x80x128xf32, #tpu.memory_space<hbm>> -> memref<80x128xf32, #tpu.memory_space<hbm>>
      %dma_wait3A_317 = arith.constant 0 : i32
      %dma_wait3A_318 = arith.constant 0 : i32
      %dma_wait3A_319 = tpu.memref_slice %arg9[%run_scoped3A_275, %dma_wait3A_317, %dma_wait3A_318] : memref<2x80x128xf32, #tpu.memory_space<vmem>> -> memref<1x80x128xf32, #tpu.memory_space<vmem>>
      %dma_wait3A_320 = tpu.memref_squeeze %dma_wait3A_319 : memref<1x80x128xf32, #tpu.memory_space<vmem>> -> memref<80x128xf32, #tpu.memory_space<vmem>>
      tpu.wait_dma2 semaphore(%run_scoped3A_292 : memref<!tpu.dma_semaphore, #tpu.memory_space<semaphore_mem>>) src(%dma_wait3A_320 : memref<80x128xf32, #tpu.memory_space<vmem>>) dst(%dma_wait3A_316 : memref<80x128xf32, #tpu.memory_space<hbm>>)
      tpu.yield
    }) : () -> ()
    %add3A_276 = arith.constant 320 : i32
    %add3A_277 = arith.addi %mul3A_43, %add3A_276 : i32
    %run_scoped3A_278 = arith.constant 0 : i32
    "tpu.region"() ({
      %run_scoped3A_292 = tpu.sem_alloc : memref<!tpu.dma_semaphore, #tpu.memory_space<semaphore_mem>>
      %dma_start3A_293 = arith.constant 0 : i32
      %dma_start3A_294 = arith.constant 0 : i32
      %dma_start3A_295 = tpu.memref_slice %arg9[%run_scoped3A_278, %dma_start3A_293, %dma_start3A_294] : memref<2x80x128xf32, #tpu.memory_space<vmem>> -> memref<1x80x128xf32, #tpu.memory_space<vmem>>
      %dma_start3A_296 = tpu.memref_squeeze %dma_start3A_295 : memref<1x80x128xf32, #tpu.memory_space<vmem>> -> memref<80x128xf32, #tpu.memory_space<vmem>>
      %dma_start3A_297 = arith.constant 0 : i32
      %dma_start3A_298 = tpu.memref_slice %arg10[%add3A_277, %dma_start3A_297] : memref<10240x128xf32, #tpu.memory_space<vmem_shared>> -> memref<80x128xf32, #tpu.memory_space<vmem_shared>>
      %dma_start3A_299 = arith.constant 0 : i32
      %dma_start3A_300 = arith.constant 0 : i32
      %dma_start3A_301 = tpu.memref_slice %arg9[%run_scoped3A_278, %dma_start3A_299, %dma_start3A_300] : memref<2x80x128xf32, #tpu.memory_space<vmem>> -> memref<1x80x128xf32, #tpu.memory_space<vmem>>
      %dma_start3A_302 = tpu.memref_squeeze %dma_start3A_301 : memref<1x80x128xf32, #tpu.memory_space<vmem>> -> memref<80x128xf32, #tpu.memory_space<vmem>>
      %dma_start3A_303 = arith.constant 0 : i32
      %dma_start3A_304 = tpu.memref_slice %arg10[%add3A_277, %dma_start3A_303] : memref<10240x128xf32, #tpu.memory_space<vmem_shared>> -> memref<80x128xf32, #tpu.memory_space<vmem_shared>>
      tpu.enqueue_dma source(%dma_start3A_304 : memref<80x128xf32, #tpu.memory_space<vmem_shared>>) target(%dma_start3A_302 : memref<80x128xf32, #tpu.memory_space<vmem>>) target_semaphore(%run_scoped3A_292 : memref<!tpu.dma_semaphore, #tpu.memory_space<semaphore_mem>>)
      %dma_wait3A_305 = arith.constant 0 : i32
      %dma_wait3A_306 = arith.constant 0 : i32
      %dma_wait3A_307 = tpu.memref_slice %arg9[%run_scoped3A_278, %dma_wait3A_305, %dma_wait3A_306] : memref<2x80x128xf32, #tpu.memory_space<vmem>> -> memref<1x80x128xf32, #tpu.memory_space<vmem>>
      %dma_wait3A_308 = tpu.memref_squeeze %dma_wait3A_307 : memref<1x80x128xf32, #tpu.memory_space<vmem>> -> memref<80x128xf32, #tpu.memory_space<vmem>>
      %dma_wait3A_309 = arith.constant 0 : i32
      %dma_wait3A_310 = tpu.memref_slice %arg10[%add3A_277, %dma_wait3A_309] : memref<10240x128xf32, #tpu.memory_space<vmem_shared>> -> memref<80x128xf32, #tpu.memory_space<vmem_shared>>
      %dma_wait3A_311 = arith.constant 0 : i32
      %dma_wait3A_312 = arith.constant 0 : i32
      %dma_wait3A_313 = tpu.memref_slice %arg9[%run_scoped3A_278, %dma_wait3A_311, %dma_wait3A_312] : memref<2x80x128xf32, #tpu.memory_space<vmem>> -> memref<1x80x128xf32, #tpu.memory_space<vmem>>
      %dma_wait3A_314 = tpu.memref_squeeze %dma_wait3A_313 : memref<1x80x128xf32, #tpu.memory_space<vmem>> -> memref<80x128xf32, #tpu.memory_space<vmem>>
      %dma_wait3A_315 = arith.constant 0 : i32
      %dma_wait3A_316 = tpu.memref_slice %arg10[%add3A_277, %dma_wait3A_315] : memref<10240x128xf32, #tpu.memory_space<vmem_shared>> -> memref<80x128xf32, #tpu.memory_space<vmem_shared>>
      tpu.wait_dma2 semaphore(%run_scoped3A_292 : memref<!tpu.dma_semaphore, #tpu.memory_space<semaphore_mem>>) src(%dma_wait3A_316 : memref<80x128xf32, #tpu.memory_space<vmem_shared>>) dst(%dma_wait3A_314 : memref<80x128xf32, #tpu.memory_space<vmem>>)
      tpu.yield
    }) : () -> ()
    %run_scoped3A_279 = arith.constant 0 : i32
    "tpu.region"() ({
      %run_scoped3A_292 = tpu.sem_alloc : memref<!tpu.dma_semaphore, #tpu.memory_space<semaphore_mem>>
      %dma_start3A_293 = arith.constant 0 : i32
      %dma_start3A_294 = arith.constant 0 : i32
      %dma_start3A_295 = tpu.memref_slice %arg9[%run_scoped3A_279, %dma_start3A_293, %dma_start3A_294] : memref<2x80x128xf32, #tpu.memory_space<vmem>> -> memref<1x80x128xf32, #tpu.memory_space<vmem>>
      %dma_start3A_296 = tpu.memref_squeeze %dma_start3A_295 : memref<1x80x128xf32, #tpu.memory_space<vmem>> -> memref<80x128xf32, #tpu.memory_space<vmem>>
      %dma_start3A_297 = arith.constant 0 : i32
      %dma_start3A_298 = tpu.memref_slice %arg5[%arg0, %add3A_277, %dma_start3A_297] : memref<2x10240x128xf32, #tpu.memory_space<hbm>> -> memref<1x80x128xf32, #tpu.memory_space<hbm>>
      %dma_start3A_299 = tpu.memref_squeeze %dma_start3A_298 : memref<1x80x128xf32, #tpu.memory_space<hbm>> -> memref<80x128xf32, #tpu.memory_space<hbm>>
      %dma_start3A_300 = arith.constant 0 : i32
      %dma_start3A_301 = tpu.memref_slice %arg5[%arg0, %add3A_277, %dma_start3A_300] : memref<2x10240x128xf32, #tpu.memory_space<hbm>> -> memref<1x80x128xf32, #tpu.memory_space<hbm>>
      %dma_start3A_302 = tpu.memref_squeeze %dma_start3A_301 : memref<1x80x128xf32, #tpu.memory_space<hbm>> -> memref<80x128xf32, #tpu.memory_space<hbm>>
      %dma_start3A_303 = arith.constant 0 : i32
      %dma_start3A_304 = arith.constant 0 : i32
      %dma_start3A_305 = tpu.memref_slice %arg9[%run_scoped3A_279, %dma_start3A_303, %dma_start3A_304] : memref<2x80x128xf32, #tpu.memory_space<vmem>> -> memref<1x80x128xf32, #tpu.memory_space<vmem>>
      %dma_start3A_306 = tpu.memref_squeeze %dma_start3A_305 : memref<1x80x128xf32, #tpu.memory_space<vmem>> -> memref<80x128xf32, #tpu.memory_space<vmem>>
      tpu.enqueue_dma source(%dma_start3A_306 : memref<80x128xf32, #tpu.memory_space<vmem>>) target(%dma_start3A_302 : memref<80x128xf32, #tpu.memory_space<hbm>>) target_semaphore(%run_scoped3A_292 : memref<!tpu.dma_semaphore, #tpu.memory_space<semaphore_mem>>)
      %dma_wait3A_307 = arith.constant 0 : i32
      %dma_wait3A_308 = arith.constant 0 : i32
      %dma_wait3A_309 = tpu.memref_slice %arg9[%run_scoped3A_279, %dma_wait3A_307, %dma_wait3A_308] : memref<2x80x128xf32, #tpu.memory_space<vmem>> -> memref<1x80x128xf32, #tpu.memory_space<vmem>>
      %dma_wait3A_310 = tpu.memref_squeeze %dma_wait3A_309 : memref<1x80x128xf32, #tpu.memory_space<vmem>> -> memref<80x128xf32, #tpu.memory_space<vmem>>
      %dma_wait3A_311 = arith.constant 0 : i32
      %dma_wait3A_312 = tpu.memref_slice %arg5[%arg0, %add3A_277, %dma_wait3A_311] : memref<2x10240x128xf32, #tpu.memory_space<hbm>> -> memref<1x80x128xf32, #tpu.memory_space<hbm>>
      %dma_wait3A_313 = tpu.memref_squeeze %dma_wait3A_312 : memref<1x80x128xf32, #tpu.memory_space<hbm>> -> memref<80x128xf32, #tpu.memory_space<hbm>>
      %dma_wait3A_314 = arith.constant 0 : i32
      %dma_wait3A_315 = tpu.memref_slice %arg5[%arg0, %add3A_277, %dma_wait3A_314] : memref<2x10240x128xf32, #tpu.memory_space<hbm>> -> memref<1x80x128xf32, #tpu.memory_space<hbm>>
      %dma_wait3A_316 = tpu.memref_squeeze %dma_wait3A_315 : memref<1x80x128xf32, #tpu.memory_space<hbm>> -> memref<80x128xf32, #tpu.memory_space<hbm>>
      %dma_wait3A_317 = arith.constant 0 : i32
      %dma_wait3A_318 = arith.constant 0 : i32
      %dma_wait3A_319 = tpu.memref_slice %arg9[%run_scoped3A_279, %dma_wait3A_317, %dma_wait3A_318] : memref<2x80x128xf32, #tpu.memory_space<vmem>> -> memref<1x80x128xf32, #tpu.memory_space<vmem>>
      %dma_wait3A_320 = tpu.memref_squeeze %dma_wait3A_319 : memref<1x80x128xf32, #tpu.memory_space<vmem>> -> memref<80x128xf32, #tpu.memory_space<vmem>>
      tpu.wait_dma2 semaphore(%run_scoped3A_292 : memref<!tpu.dma_semaphore, #tpu.memory_space<semaphore_mem>>) src(%dma_wait3A_320 : memref<80x128xf32, #tpu.memory_space<vmem>>) dst(%dma_wait3A_316 : memref<80x128xf32, #tpu.memory_space<hbm>>)
      tpu.yield
    }) : () -> ()
    %add3A_280 = arith.constant 400 : i32
    %add3A_281 = arith.addi %mul3A_43, %add3A_280 : i32
    %run_scoped3A_282 = arith.constant 0 : i32
    "tpu.region"() ({
      %run_scoped3A_292 = tpu.sem_alloc : memref<!tpu.dma_semaphore, #tpu.memory_space<semaphore_mem>>
      %dma_start3A_293 = arith.constant 0 : i32
      %dma_start3A_294 = arith.constant 0 : i32
      %dma_start3A_295 = tpu.memref_slice %arg9[%run_scoped3A_282, %dma_start3A_293, %dma_start3A_294] : memref<2x80x128xf32, #tpu.memory_space<vmem>> -> memref<1x80x128xf32, #tpu.memory_space<vmem>>
      %dma_start3A_296 = tpu.memref_squeeze %dma_start3A_295 : memref<1x80x128xf32, #tpu.memory_space<vmem>> -> memref<80x128xf32, #tpu.memory_space<vmem>>
      %dma_start3A_297 = arith.constant 0 : i32
      %dma_start3A_298 = tpu.memref_slice %arg10[%add3A_281, %dma_start3A_297] : memref<10240x128xf32, #tpu.memory_space<vmem_shared>> -> memref<80x128xf32, #tpu.memory_space<vmem_shared>>
      %dma_start3A_299 = arith.constant 0 : i32
      %dma_start3A_300 = arith.constant 0 : i32
      %dma_start3A_301 = tpu.memref_slice %arg9[%run_scoped3A_282, %dma_start3A_299, %dma_start3A_300] : memref<2x80x128xf32, #tpu.memory_space<vmem>> -> memref<1x80x128xf32, #tpu.memory_space<vmem>>
      %dma_start3A_302 = tpu.memref_squeeze %dma_start3A_301 : memref<1x80x128xf32, #tpu.memory_space<vmem>> -> memref<80x128xf32, #tpu.memory_space<vmem>>
      %dma_start3A_303 = arith.constant 0 : i32
      %dma_start3A_304 = tpu.memref_slice %arg10[%add3A_281, %dma_start3A_303] : memref<10240x128xf32, #tpu.memory_space<vmem_shared>> -> memref<80x128xf32, #tpu.memory_space<vmem_shared>>
      tpu.enqueue_dma source(%dma_start3A_304 : memref<80x128xf32, #tpu.memory_space<vmem_shared>>) target(%dma_start3A_302 : memref<80x128xf32, #tpu.memory_space<vmem>>) target_semaphore(%run_scoped3A_292 : memref<!tpu.dma_semaphore, #tpu.memory_space<semaphore_mem>>)
      %dma_wait3A_305 = arith.constant 0 : i32
      %dma_wait3A_306 = arith.constant 0 : i32
      %dma_wait3A_307 = tpu.memref_slice %arg9[%run_scoped3A_282, %dma_wait3A_305, %dma_wait3A_306] : memref<2x80x128xf32, #tpu.memory_space<vmem>> -> memref<1x80x128xf32, #tpu.memory_space<vmem>>
      %dma_wait3A_308 = tpu.memref_squeeze %dma_wait3A_307 : memref<1x80x128xf32, #tpu.memory_space<vmem>> -> memref<80x128xf32, #tpu.memory_space<vmem>>
      %dma_wait3A_309 = arith.constant 0 : i32
      %dma_wait3A_310 = tpu.memref_slice %arg10[%add3A_281, %dma_wait3A_309] : memref<10240x128xf32, #tpu.memory_space<vmem_shared>> -> memref<80x128xf32, #tpu.memory_space<vmem_shared>>
      %dma_wait3A_311 = arith.constant 0 : i32
      %dma_wait3A_312 = arith.constant 0 : i32
      %dma_wait3A_313 = tpu.memref_slice %arg9[%run_scoped3A_282, %dma_wait3A_311, %dma_wait3A_312] : memref<2x80x128xf32, #tpu.memory_space<vmem>> -> memref<1x80x128xf32, #tpu.memory_space<vmem>>
      %dma_wait3A_314 = tpu.memref_squeeze %dma_wait3A_313 : memref<1x80x128xf32, #tpu.memory_space<vmem>> -> memref<80x128xf32, #tpu.memory_space<vmem>>
      %dma_wait3A_315 = arith.constant 0 : i32
      %dma_wait3A_316 = tpu.memref_slice %arg10[%add3A_281, %dma_wait3A_315] : memref<10240x128xf32, #tpu.memory_space<vmem_shared>> -> memref<80x128xf32, #tpu.memory_space<vmem_shared>>
      tpu.wait_dma2 semaphore(%run_scoped3A_292 : memref<!tpu.dma_semaphore, #tpu.memory_space<semaphore_mem>>) src(%dma_wait3A_316 : memref<80x128xf32, #tpu.memory_space<vmem_shared>>) dst(%dma_wait3A_314 : memref<80x128xf32, #tpu.memory_space<vmem>>)
      tpu.yield
    }) : () -> ()
    %run_scoped3A_283 = arith.constant 0 : i32
    "tpu.region"() ({
      %run_scoped3A_292 = tpu.sem_alloc : memref<!tpu.dma_semaphore, #tpu.memory_space<semaphore_mem>>
      %dma_start3A_293 = arith.constant 0 : i32
      %dma_start3A_294 = arith.constant 0 : i32
      %dma_start3A_295 = tpu.memref_slice %arg9[%run_scoped3A_283, %dma_start3A_293, %dma_start3A_294] : memref<2x80x128xf32, #tpu.memory_space<vmem>> -> memref<1x80x128xf32, #tpu.memory_space<vmem>>
      %dma_start3A_296 = tpu.memref_squeeze %dma_start3A_295 : memref<1x80x128xf32, #tpu.memory_space<vmem>> -> memref<80x128xf32, #tpu.memory_space<vmem>>
      %dma_start3A_297 = arith.constant 0 : i32
      %dma_start3A_298 = tpu.memref_slice %arg5[%arg0, %add3A_281, %dma_start3A_297] : memref<2x10240x128xf32, #tpu.memory_space<hbm>> -> memref<1x80x128xf32, #tpu.memory_space<hbm>>
      %dma_start3A_299 = tpu.memref_squeeze %dma_start3A_298 : memref<1x80x128xf32, #tpu.memory_space<hbm>> -> memref<80x128xf32, #tpu.memory_space<hbm>>
      %dma_start3A_300 = arith.constant 0 : i32
      %dma_start3A_301 = tpu.memref_slice %arg5[%arg0, %add3A_281, %dma_start3A_300] : memref<2x10240x128xf32, #tpu.memory_space<hbm>> -> memref<1x80x128xf32, #tpu.memory_space<hbm>>
      %dma_start3A_302 = tpu.memref_squeeze %dma_start3A_301 : memref<1x80x128xf32, #tpu.memory_space<hbm>> -> memref<80x128xf32, #tpu.memory_space<hbm>>
      %dma_start3A_303 = arith.constant 0 : i32
      %dma_start3A_304 = arith.constant 0 : i32
      %dma_start3A_305 = tpu.memref_slice %arg9[%run_scoped3A_283, %dma_start3A_303, %dma_start3A_304] : memref<2x80x128xf32, #tpu.memory_space<vmem>> -> memref<1x80x128xf32, #tpu.memory_space<vmem>>
      %dma_start3A_306 = tpu.memref_squeeze %dma_start3A_305 : memref<1x80x128xf32, #tpu.memory_space<vmem>> -> memref<80x128xf32, #tpu.memory_space<vmem>>
      tpu.enqueue_dma source(%dma_start3A_306 : memref<80x128xf32, #tpu.memory_space<vmem>>) target(%dma_start3A_302 : memref<80x128xf32, #tpu.memory_space<hbm>>) target_semaphore(%run_scoped3A_292 : memref<!tpu.dma_semaphore, #tpu.memory_space<semaphore_mem>>)
      %dma_wait3A_307 = arith.constant 0 : i32
      %dma_wait3A_308 = arith.constant 0 : i32
      %dma_wait3A_309 = tpu.memref_slice %arg9[%run_scoped3A_283, %dma_wait3A_307, %dma_wait3A_308] : memref<2x80x128xf32, #tpu.memory_space<vmem>> -> memref<1x80x128xf32, #tpu.memory_space<vmem>>
      %dma_wait3A_310 = tpu.memref_squeeze %dma_wait3A_309 : memref<1x80x128xf32, #tpu.memory_space<vmem>> -> memref<80x128xf32, #tpu.memory_space<vmem>>
      %dma_wait3A_311 = arith.constant 0 : i32
      %dma_wait3A_312 = tpu.memref_slice %arg5[%arg0, %add3A_281, %dma_wait3A_311] : memref<2x10240x128xf32, #tpu.memory_space<hbm>> -> memref<1x80x128xf32, #tpu.memory_space<hbm>>
      %dma_wait3A_313 = tpu.memref_squeeze %dma_wait3A_312 : memref<1x80x128xf32, #tpu.memory_space<hbm>> -> memref<80x128xf32, #tpu.memory_space<hbm>>
      %dma_wait3A_314 = arith.constant 0 : i32
      %dma_wait3A_315 = tpu.memref_slice %arg5[%arg0, %add3A_281, %dma_wait3A_314] : memref<2x10240x128xf32, #tpu.memory_space<hbm>> -> memref<1x80x128xf32, #tpu.memory_space<hbm>>
      %dma_wait3A_316 = tpu.memref_squeeze %dma_wait3A_315 : memref<1x80x128xf32, #tpu.memory_space<hbm>> -> memref<80x128xf32, #tpu.memory_space<hbm>>
      %dma_wait3A_317 = arith.constant 0 : i32
      %dma_wait3A_318 = arith.constant 0 : i32
      %dma_wait3A_319 = tpu.memref_slice %arg9[%run_scoped3A_283, %dma_wait3A_317, %dma_wait3A_318] : memref<2x80x128xf32, #tpu.memory_space<vmem>> -> memref<1x80x128xf32, #tpu.memory_space<vmem>>
      %dma_wait3A_320 = tpu.memref_squeeze %dma_wait3A_319 : memref<1x80x128xf32, #tpu.memory_space<vmem>> -> memref<80x128xf32, #tpu.memory_space<vmem>>
      tpu.wait_dma2 semaphore(%run_scoped3A_292 : memref<!tpu.dma_semaphore, #tpu.memory_space<semaphore_mem>>) src(%dma_wait3A_320 : memref<80x128xf32, #tpu.memory_space<vmem>>) dst(%dma_wait3A_316 : memref<80x128xf32, #tpu.memory_space<hbm>>)
      tpu.yield
    }) : () -> ()
    %add3A_284 = arith.constant 480 : i32
    %add3A_285 = arith.addi %mul3A_43, %add3A_284 : i32
    %run_scoped3A_286 = arith.constant 0 : i32
    "tpu.region"() ({
      %run_scoped3A_292 = tpu.sem_alloc : memref<!tpu.dma_semaphore, #tpu.memory_space<semaphore_mem>>
      %dma_start3A_293 = arith.constant 0 : i32
      %dma_start3A_294 = arith.constant 0 : i32
      %dma_start3A_295 = tpu.memref_slice %arg9[%run_scoped3A_286, %dma_start3A_293, %dma_start3A_294] : memref<2x80x128xf32, #tpu.memory_space<vmem>> -> memref<1x80x128xf32, #tpu.memory_space<vmem>>
      %dma_start3A_296 = tpu.memref_squeeze %dma_start3A_295 : memref<1x80x128xf32, #tpu.memory_space<vmem>> -> memref<80x128xf32, #tpu.memory_space<vmem>>
      %dma_start3A_297 = arith.constant 0 : i32
      %dma_start3A_298 = tpu.memref_slice %arg10[%add3A_285, %dma_start3A_297] : memref<10240x128xf32, #tpu.memory_space<vmem_shared>> -> memref<80x128xf32, #tpu.memory_space<vmem_shared>>
      %dma_start3A_299 = arith.constant 0 : i32
      %dma_start3A_300 = arith.constant 0 : i32
      %dma_start3A_301 = tpu.memref_slice %arg9[%run_scoped3A_286, %dma_start3A_299, %dma_start3A_300] : memref<2x80x128xf32, #tpu.memory_space<vmem>> -> memref<1x80x128xf32, #tpu.memory_space<vmem>>
      %dma_start3A_302 = tpu.memref_squeeze %dma_start3A_301 : memref<1x80x128xf32, #tpu.memory_space<vmem>> -> memref<80x128xf32, #tpu.memory_space<vmem>>
      %dma_start3A_303 = arith.constant 0 : i32
      %dma_start3A_304 = tpu.memref_slice %arg10[%add3A_285, %dma_start3A_303] : memref<10240x128xf32, #tpu.memory_space<vmem_shared>> -> memref<80x128xf32, #tpu.memory_space<vmem_shared>>
      tpu.enqueue_dma source(%dma_start3A_304 : memref<80x128xf32, #tpu.memory_space<vmem_shared>>) target(%dma_start3A_302 : memref<80x128xf32, #tpu.memory_space<vmem>>) target_semaphore(%run_scoped3A_292 : memref<!tpu.dma_semaphore, #tpu.memory_space<semaphore_mem>>)
      %dma_wait3A_305 = arith.constant 0 : i32
      %dma_wait3A_306 = arith.constant 0 : i32
      %dma_wait3A_307 = tpu.memref_slice %arg9[%run_scoped3A_286, %dma_wait3A_305, %dma_wait3A_306] : memref<2x80x128xf32, #tpu.memory_space<vmem>> -> memref<1x80x128xf32, #tpu.memory_space<vmem>>
      %dma_wait3A_308 = tpu.memref_squeeze %dma_wait3A_307 : memref<1x80x128xf32, #tpu.memory_space<vmem>> -> memref<80x128xf32, #tpu.memory_space<vmem>>
      %dma_wait3A_309 = arith.constant 0 : i32
      %dma_wait3A_310 = tpu.memref_slice %arg10[%add3A_285, %dma_wait3A_309] : memref<10240x128xf32, #tpu.memory_space<vmem_shared>> -> memref<80x128xf32, #tpu.memory_space<vmem_shared>>
      %dma_wait3A_311 = arith.constant 0 : i32
      %dma_wait3A_312 = arith.constant 0 : i32
      %dma_wait3A_313 = tpu.memref_slice %arg9[%run_scoped3A_286, %dma_wait3A_311, %dma_wait3A_312] : memref<2x80x128xf32, #tpu.memory_space<vmem>> -> memref<1x80x128xf32, #tpu.memory_space<vmem>>
      %dma_wait3A_314 = tpu.memref_squeeze %dma_wait3A_313 : memref<1x80x128xf32, #tpu.memory_space<vmem>> -> memref<80x128xf32, #tpu.memory_space<vmem>>
      %dma_wait3A_315 = arith.constant 0 : i32
      %dma_wait3A_316 = tpu.memref_slice %arg10[%add3A_285, %dma_wait3A_315] : memref<10240x128xf32, #tpu.memory_space<vmem_shared>> -> memref<80x128xf32, #tpu.memory_space<vmem_shared>>
      tpu.wait_dma2 semaphore(%run_scoped3A_292 : memref<!tpu.dma_semaphore, #tpu.memory_space<semaphore_mem>>) src(%dma_wait3A_316 : memref<80x128xf32, #tpu.memory_space<vmem_shared>>) dst(%dma_wait3A_314 : memref<80x128xf32, #tpu.memory_space<vmem>>)
      tpu.yield
    }) : () -> ()
    %run_scoped3A_287 = arith.constant 0 : i32
    "tpu.region"() ({
      %run_scoped3A_292 = tpu.sem_alloc : memref<!tpu.dma_semaphore, #tpu.memory_space<semaphore_mem>>
      %dma_start3A_293 = arith.constant 0 : i32
      %dma_start3A_294 = arith.constant 0 : i32
      %dma_start3A_295 = tpu.memref_slice %arg9[%run_scoped3A_287, %dma_start3A_293, %dma_start3A_294] : memref<2x80x128xf32, #tpu.memory_space<vmem>> -> memref<1x80x128xf32, #tpu.memory_space<vmem>>
      %dma_start3A_296 = tpu.memref_squeeze %dma_start3A_295 : memref<1x80x128xf32, #tpu.memory_space<vmem>> -> memref<80x128xf32, #tpu.memory_space<vmem>>
      %dma_start3A_297 = arith.constant 0 : i32
      %dma_start3A_298 = tpu.memref_slice %arg5[%arg0, %add3A_285, %dma_start3A_297] : memref<2x10240x128xf32, #tpu.memory_space<hbm>> -> memref<1x80x128xf32, #tpu.memory_space<hbm>>
      %dma_start3A_299 = tpu.memref_squeeze %dma_start3A_298 : memref<1x80x128xf32, #tpu.memory_space<hbm>> -> memref<80x128xf32, #tpu.memory_space<hbm>>
      %dma_start3A_300 = arith.constant 0 : i32
      %dma_start3A_301 = tpu.memref_slice %arg5[%arg0, %add3A_285, %dma_start3A_300] : memref<2x10240x128xf32, #tpu.memory_space<hbm>> -> memref<1x80x128xf32, #tpu.memory_space<hbm>>
      %dma_start3A_302 = tpu.memref_squeeze %dma_start3A_301 : memref<1x80x128xf32, #tpu.memory_space<hbm>> -> memref<80x128xf32, #tpu.memory_space<hbm>>
      %dma_start3A_303 = arith.constant 0 : i32
      %dma_start3A_304 = arith.constant 0 : i32
      %dma_start3A_305 = tpu.memref_slice %arg9[%run_scoped3A_287, %dma_start3A_303, %dma_start3A_304] : memref<2x80x128xf32, #tpu.memory_space<vmem>> -> memref<1x80x128xf32, #tpu.memory_space<vmem>>
      %dma_start3A_306 = tpu.memref_squeeze %dma_start3A_305 : memref<1x80x128xf32, #tpu.memory_space<vmem>> -> memref<80x128xf32, #tpu.memory_space<vmem>>
      tpu.enqueue_dma source(%dma_start3A_306 : memref<80x128xf32, #tpu.memory_space<vmem>>) target(%dma_start3A_302 : memref<80x128xf32, #tpu.memory_space<hbm>>) target_semaphore(%run_scoped3A_292 : memref<!tpu.dma_semaphore, #tpu.memory_space<semaphore_mem>>)
      %dma_wait3A_307 = arith.constant 0 : i32
      %dma_wait3A_308 = arith.constant 0 : i32
      %dma_wait3A_309 = tpu.memref_slice %arg9[%run_scoped3A_287, %dma_wait3A_307, %dma_wait3A_308] : memref<2x80x128xf32, #tpu.memory_space<vmem>> -> memref<1x80x128xf32, #tpu.memory_space<vmem>>
      %dma_wait3A_310 = tpu.memref_squeeze %dma_wait3A_309 : memref<1x80x128xf32, #tpu.memory_space<vmem>> -> memref<80x128xf32, #tpu.memory_space<vmem>>
      %dma_wait3A_311 = arith.constant 0 : i32
      %dma_wait3A_312 = tpu.memref_slice %arg5[%arg0, %add3A_285, %dma_wait3A_311] : memref<2x10240x128xf32, #tpu.memory_space<hbm>> -> memref<1x80x128xf32, #tpu.memory_space<hbm>>
      %dma_wait3A_313 = tpu.memref_squeeze %dma_wait3A_312 : memref<1x80x128xf32, #tpu.memory_space<hbm>> -> memref<80x128xf32, #tpu.memory_space<hbm>>
      %dma_wait3A_314 = arith.constant 0 : i32
      %dma_wait3A_315 = tpu.memref_slice %arg5[%arg0, %add3A_285, %dma_wait3A_314] : memref<2x10240x128xf32, #tpu.memory_space<hbm>> -> memref<1x80x128xf32, #tpu.memory_space<hbm>>
      %dma_wait3A_316 = tpu.memref_squeeze %dma_wait3A_315 : memref<1x80x128xf32, #tpu.memory_space<hbm>> -> memref<80x128xf32, #tpu.memory_space<hbm>>
      %dma_wait3A_317 = arith.constant 0 : i32
      %dma_wait3A_318 = arith.constant 0 : i32
      %dma_wait3A_319 = tpu.memref_slice %arg9[%run_scoped3A_287, %dma_wait3A_317, %dma_wait3A_318] : memref<2x80x128xf32, #tpu.memory_space<vmem>> -> memref<1x80x128xf32, #tpu.memory_space<vmem>>
      %dma_wait3A_320 = tpu.memref_squeeze %dma_wait3A_319 : memref<1x80x128xf32, #tpu.memory_space<vmem>> -> memref<80x128xf32, #tpu.memory_space<vmem>>
      tpu.wait_dma2 semaphore(%run_scoped3A_292 : memref<!tpu.dma_semaphore, #tpu.memory_space<semaphore_mem>>) src(%dma_wait3A_320 : memref<80x128xf32, #tpu.memory_space<vmem>>) dst(%dma_wait3A_316 : memref<80x128xf32, #tpu.memory_space<hbm>>)
      tpu.yield
    }) : () -> ()
    %add3A_288 = arith.constant 560 : i32
    %add3A_289 = arith.addi %mul3A_43, %add3A_288 : i32
    %run_scoped3A_290 = arith.constant 0 : i32
    "tpu.region"() ({
      %run_scoped3A_292 = tpu.sem_alloc : memref<!tpu.dma_semaphore, #tpu.memory_space<semaphore_mem>>
      %dma_start3A_293 = arith.constant 0 : i32
      %dma_start3A_294 = arith.constant 0 : i32
      %dma_start3A_295 = tpu.memref_slice %arg9[%run_scoped3A_290, %dma_start3A_293, %dma_start3A_294] : memref<2x80x128xf32, #tpu.memory_space<vmem>> -> memref<1x80x128xf32, #tpu.memory_space<vmem>>
      %dma_start3A_296 = tpu.memref_squeeze %dma_start3A_295 : memref<1x80x128xf32, #tpu.memory_space<vmem>> -> memref<80x128xf32, #tpu.memory_space<vmem>>
      %dma_start3A_297 = arith.constant 0 : i32
      %dma_start3A_298 = tpu.memref_slice %arg10[%add3A_289, %dma_start3A_297] : memref<10240x128xf32, #tpu.memory_space<vmem_shared>> -> memref<80x128xf32, #tpu.memory_space<vmem_shared>>
      %dma_start3A_299 = arith.constant 0 : i32
      %dma_start3A_300 = arith.constant 0 : i32
      %dma_start3A_301 = tpu.memref_slice %arg9[%run_scoped3A_290, %dma_start3A_299, %dma_start3A_300] : memref<2x80x128xf32, #tpu.memory_space<vmem>> -> memref<1x80x128xf32, #tpu.memory_space<vmem>>
      %dma_start3A_302 = tpu.memref_squeeze %dma_start3A_301 : memref<1x80x128xf32, #tpu.memory_space<vmem>> -> memref<80x128xf32, #tpu.memory_space<vmem>>
      %dma_start3A_303 = arith.constant 0 : i32
      %dma_start3A_304 = tpu.memref_slice %arg10[%add3A_289, %dma_start3A_303] : memref<10240x128xf32, #tpu.memory_space<vmem_shared>> -> memref<80x128xf32, #tpu.memory_space<vmem_shared>>
      tpu.enqueue_dma source(%dma_start3A_304 : memref<80x128xf32, #tpu.memory_space<vmem_shared>>) target(%dma_start3A_302 : memref<80x128xf32, #tpu.memory_space<vmem>>) target_semaphore(%run_scoped3A_292 : memref<!tpu.dma_semaphore, #tpu.memory_space<semaphore_mem>>)
      %dma_wait3A_305 = arith.constant 0 : i32
      %dma_wait3A_306 = arith.constant 0 : i32
      %dma_wait3A_307 = tpu.memref_slice %arg9[%run_scoped3A_290, %dma_wait3A_305, %dma_wait3A_306] : memref<2x80x128xf32, #tpu.memory_space<vmem>> -> memref<1x80x128xf32, #tpu.memory_space<vmem>>
      %dma_wait3A_308 = tpu.memref_squeeze %dma_wait3A_307 : memref<1x80x128xf32, #tpu.memory_space<vmem>> -> memref<80x128xf32, #tpu.memory_space<vmem>>
      %dma_wait3A_309 = arith.constant 0 : i32
      %dma_wait3A_310 = tpu.memref_slice %arg10[%add3A_289, %dma_wait3A_309] : memref<10240x128xf32, #tpu.memory_space<vmem_shared>> -> memref<80x128xf32, #tpu.memory_space<vmem_shared>>
      %dma_wait3A_311 = arith.constant 0 : i32
      %dma_wait3A_312 = arith.constant 0 : i32
      %dma_wait3A_313 = tpu.memref_slice %arg9[%run_scoped3A_290, %dma_wait3A_311, %dma_wait3A_312] : memref<2x80x128xf32, #tpu.memory_space<vmem>> -> memref<1x80x128xf32, #tpu.memory_space<vmem>>
      %dma_wait3A_314 = tpu.memref_squeeze %dma_wait3A_313 : memref<1x80x128xf32, #tpu.memory_space<vmem>> -> memref<80x128xf32, #tpu.memory_space<vmem>>
      %dma_wait3A_315 = arith.constant 0 : i32
      %dma_wait3A_316 = tpu.memref_slice %arg10[%add3A_289, %dma_wait3A_315] : memref<10240x128xf32, #tpu.memory_space<vmem_shared>> -> memref<80x128xf32, #tpu.memory_space<vmem_shared>>
      tpu.wait_dma2 semaphore(%run_scoped3A_292 : memref<!tpu.dma_semaphore, #tpu.memory_space<semaphore_mem>>) src(%dma_wait3A_316 : memref<80x128xf32, #tpu.memory_space<vmem_shared>>) dst(%dma_wait3A_314 : memref<80x128xf32, #tpu.memory_space<vmem>>)
      tpu.yield
    }) : () -> ()
    %run_scoped3A_291 = arith.constant 0 : i32
    "tpu.region"() ({
      %run_scoped3A_292 = tpu.sem_alloc : memref<!tpu.dma_semaphore, #tpu.memory_space<semaphore_mem>>
      %dma_start3A_293 = arith.constant 0 : i32
      %dma_start3A_294 = arith.constant 0 : i32
      %dma_start3A_295 = tpu.memref_slice %arg9[%run_scoped3A_291, %dma_start3A_293, %dma_start3A_294] : memref<2x80x128xf32, #tpu.memory_space<vmem>> -> memref<1x80x128xf32, #tpu.memory_space<vmem>>
      %dma_start3A_296 = tpu.memref_squeeze %dma_start3A_295 : memref<1x80x128xf32, #tpu.memory_space<vmem>> -> memref<80x128xf32, #tpu.memory_space<vmem>>
      %dma_start3A_297 = arith.constant 0 : i32
      %dma_start3A_298 = tpu.memref_slice %arg5[%arg0, %add3A_289, %dma_start3A_297] : memref<2x10240x128xf32, #tpu.memory_space<hbm>> -> memref<1x80x128xf32, #tpu.memory_space<hbm>>
      %dma_start3A_299 = tpu.memref_squeeze %dma_start3A_298 : memref<1x80x128xf32, #tpu.memory_space<hbm>> -> memref<80x128xf32, #tpu.memory_space<hbm>>
      %dma_start3A_300 = arith.constant 0 : i32
      %dma_start3A_301 = tpu.memref_slice %arg5[%arg0, %add3A_289, %dma_start3A_300] : memref<2x10240x128xf32, #tpu.memory_space<hbm>> -> memref<1x80x128xf32, #tpu.memory_space<hbm>>
      %dma_start3A_302 = tpu.memref_squeeze %dma_start3A_301 : memref<1x80x128xf32, #tpu.memory_space<hbm>> -> memref<80x128xf32, #tpu.memory_space<hbm>>
      %dma_start3A_303 = arith.constant 0 : i32
      %dma_start3A_304 = arith.constant 0 : i32
      %dma_start3A_305 = tpu.memref_slice %arg9[%run_scoped3A_291, %dma_start3A_303, %dma_start3A_304] : memref<2x80x128xf32, #tpu.memory_space<vmem>> -> memref<1x80x128xf32, #tpu.memory_space<vmem>>
      %dma_start3A_306 = tpu.memref_squeeze %dma_start3A_305 : memref<1x80x128xf32, #tpu.memory_space<vmem>> -> memref<80x128xf32, #tpu.memory_space<vmem>>
      tpu.enqueue_dma source(%dma_start3A_306 : memref<80x128xf32, #tpu.memory_space<vmem>>) target(%dma_start3A_302 : memref<80x128xf32, #tpu.memory_space<hbm>>) target_semaphore(%run_scoped3A_292 : memref<!tpu.dma_semaphore, #tpu.memory_space<semaphore_mem>>)
      %dma_wait3A_307 = arith.constant 0 : i32
      %dma_wait3A_308 = arith.constant 0 : i32
      %dma_wait3A_309 = tpu.memref_slice %arg9[%run_scoped3A_291, %dma_wait3A_307, %dma_wait3A_308] : memref<2x80x128xf32, #tpu.memory_space<vmem>> -> memref<1x80x128xf32, #tpu.memory_space<vmem>>
      %dma_wait3A_310 = tpu.memref_squeeze %dma_wait3A_309 : memref<1x80x128xf32, #tpu.memory_space<vmem>> -> memref<80x128xf32, #tpu.memory_space<vmem>>
      %dma_wait3A_311 = arith.constant 0 : i32
      %dma_wait3A_312 = tpu.memref_slice %arg5[%arg0, %add3A_289, %dma_wait3A_311] : memref<2x10240x128xf32, #tpu.memory_space<hbm>> -> memref<1x80x128xf32, #tpu.memory_space<hbm>>
      %dma_wait3A_313 = tpu.memref_squeeze %dma_wait3A_312 : memref<1x80x128xf32, #tpu.memory_space<hbm>> -> memref<80x128xf32, #tpu.memory_space<hbm>>
      %dma_wait3A_314 = arith.constant 0 : i32
      %dma_wait3A_315 = tpu.memref_slice %arg5[%arg0, %add3A_289, %dma_wait3A_314] : memref<2x10240x128xf32, #tpu.memory_space<hbm>> -> memref<1x80x128xf32, #tpu.memory_space<hbm>>
      %dma_wait3A_316 = tpu.memref_squeeze %dma_wait3A_315 : memref<1x80x128xf32, #tpu.memory_space<hbm>> -> memref<80x128xf32, #tpu.memory_space<hbm>>
      %dma_wait3A_317 = arith.constant 0 : i32
      %dma_wait3A_318 = arith.constant 0 : i32
      %dma_wait3A_319 = tpu.memref_slice %arg9[%run_scoped3A_291, %dma_wait3A_317, %dma_wait3A_318] : memref<2x80x128xf32, #tpu.memory_space<vmem>> -> memref<1x80x128xf32, #tpu.memory_space<vmem>>
      %dma_wait3A_320 = tpu.memref_squeeze %dma_wait3A_319 : memref<1x80x128xf32, #tpu.memory_space<vmem>> -> memref<80x128xf32, #tpu.memory_space<vmem>>
      tpu.wait_dma2 semaphore(%run_scoped3A_292 : memref<!tpu.dma_semaphore, #tpu.memory_space<semaphore_mem>>) src(%dma_wait3A_320 : memref<80x128xf32, #tpu.memory_space<vmem>>) dst(%dma_wait3A_316 : memref<80x128xf32, #tpu.memory_space<hbm>>)
      tpu.yield
    }) : () -> ()
    return
  }
}

module attributes {stable_mosaic.version = 14 : i64} {
  func.func @_h_body(%arg0: i32, %arg1: memref<2000x128xf32, #tpu.memory_space<vmem>>, %arg2: memref<128x128xf32, #tpu.memory_space<vmem>>, %arg3: memref<2000x128xf32, #tpu.memory_space<vmem>>) attributes {dimension_semantics = [#tpu.dimension_semantics<arbitrary>], iteration_bounds = array<i64: 5>, scalar_prefetch = 0 : i64, scratch_operands = 0 : i64, tpu.core_type = #tpu.core_type<tc>, window_params = [{transform_indices = @transform_0, window_bounds = array<i64: 2000, 128>}, {pipeline_mode = #tpu.pipeline_mode<synchronous>, transform_indices = @transform_1, window_bounds = array<i64: 128, 128>}, {transform_indices = @transform_2, window_bounds = array<i64: 2000, 128>}]} {
    %get3A = arith.constant 0 : index
    %get3A_0 = arith.constant 0 : index
    %get3A_1 = vector.load %arg1[%get3A, %get3A_0] : memref<2000x128xf32, #tpu.memory_space<vmem>>, vector<2000x128xf32>
    %get3A_2 = arith.constant 0 : index
    %get3A_3 = arith.constant 0 : index
    %get3A_4 = vector.load %arg2[%get3A_2, %get3A_3] : memref<128x128xf32, #tpu.memory_space<vmem>>, vector<128x128xf32>
    %dot_general3A = arith.constant dense<0.000000e+00> : vector<2000x128xf32>
    %dot_general3A_5 = tpu.matmul %get3A_1, %get3A_4, %dot_general3A {dimension_numbers = #tpu.dot_dimension_numbers<[1], [0], [0], [1], [0, 0, 1, 1], [], []>, transpose_lhs_hint = false} : vector<2000x128xf32>, vector<128x128xf32>, vector<2000x128xf32> -> vector<2000x128xf32>
    %mul3A = arith.constant 0.0883883461 : f32
    %mul3A_6 = vector.broadcast %mul3A : f32 to vector<2000x128xf32>
    %mul3A_7 = arith.mulf %dot_general3A_5, %mul3A_6 : vector<2000x128xf32>
    %swap3A = arith.constant 0 : index
    %swap3A_8 = arith.constant 0 : index
    %swap3A_9 = vector.load %arg3[%swap3A, %swap3A_8] : memref<2000x128xf32, #tpu.memory_space<vmem>>, vector<2000x128xf32>
    tpu.vector_store %arg3[%swap3A, %swap3A_8], %mul3A_7 {strides = array<i32>} : memref<2000x128xf32, #tpu.memory_space<vmem>>, vector<2000x128xf32>,
    return
  }
  func.func @transform_0(%arg0: i32) -> (i32, i32) {
    %c0_i32 = arith.constant 0 : i32
    %c0_i32_0 = arith.constant 0 : i32
    return %arg0, %c0_i32 : i32, i32
  }
  func.func @transform_1(%arg0: i32) -> (i32, i32) {
    %c0_i32 = arith.constant 0 : i32
    %c0_i32_0 = arith.constant 0 : i32
    %c0_i32_1 = arith.constant 0 : i32
    return %c0_i32, %c0_i32_0 : i32, i32
  }
  func.func @transform_2(%arg0: i32) -> (i32, i32) {
    %c0_i32 = arith.constant 0 : i32
    %c0_i32_0 = arith.constant 0 : i32
    return %arg0, %c0_i32 : i32, i32
  }
}

module attributes {stable_mosaic.version = 14 : i64} {
  func.func @_q_body(%arg0: i32, %arg1: memref<8x12800xf32, #tpu.memory_space<vmem>>, %arg2: memref<1x12800xf32, #tpu.memory_space<vmem>>, %arg3: memref<8x64xf32, #tpu.memory_space<vmem>>, %arg4: memref<64x64xf32, #tpu.memory_space<vmem>>, %arg5: memref<64x64xf32, #tpu.memory_space<vmem>>, %arg6: memref<64x128xf32, #tpu.memory_space<vmem>>, %arg7: memref<12800x128xf32, #tpu.memory_space<vmem>>) attributes {dimension_semantics = [#tpu.dimension_semantics<arbitrary>], iteration_bounds = array<i64: 25>, scalar_prefetch = 0 : i64, scratch_operands = 0 : i64, tpu.core_type = #tpu.core_type<tc>, window_params = [{transform_indices = @transform_0, window_bounds = array<i64: 8, 12800>}, {transform_indices = @transform_1, window_bounds = array<i64: 1, 12800>}, {pipeline_mode = #tpu.pipeline_mode<synchronous>, transform_indices = @transform_2, window_bounds = array<i64: 8, 64>}, {pipeline_mode = #tpu.pipeline_mode<synchronous>, transform_indices = @transform_3, window_bounds = array<i64: 64, 64>}, {pipeline_mode = #tpu.pipeline_mode<synchronous>, transform_indices = @transform_4, window_bounds = array<i64: 64, 64>}, {pipeline_mode = #tpu.pipeline_mode<synchronous>, transform_indices = @transform_5, window_bounds = array<i64: 64, 128>}, {transform_indices = @transform_6, window_bounds = array<i64: 12800, 128>}]} {
    %get3A = arith.constant 0 : index
    %get3A_0 = arith.constant 0 : index
    %get3A_1 = vector.load %arg1[%get3A, %get3A_0] : memref<8x12800xf32, #tpu.memory_space<vmem>>, vector<8x12800xf32>
    %get3A_2 = arith.constant 0 : index
    %get3A_3 = arith.constant 0 : index
    %get3A_4 = vector.load %arg3[%get3A_2, %get3A_3] : memref<8x64xf32, #tpu.memory_space<vmem>>, vector<8x64xf32>
    %dot_general3A = arith.constant dense<0.000000e+00> : vector<12800x64xf32>
    %dot_general3A_5 = tpu.matmul %get3A_1, %get3A_4, %dot_general3A {dimension_numbers = #tpu.dot_dimension_numbers<[0], [0], [1], [1], [0, 1, 1, 1], [], []>, transpose_lhs_hint = false} : vector<8x12800xf32>, vector<8x64xf32>, vector<12800x64xf32> -> vector<12800x64xf32>
    %mul3A = arith.constant 0.353553385 : f32
    %mul3A_6 = vector.broadcast %mul3A : f32 to vector<12800x64xf32>
    %mul3A_7 = arith.mulf %dot_general3A_5, %mul3A_6 : vector<12800x64xf32>
    %logistic3A = arith.negf %mul3A_7 : vector<12800x64xf32>
    %logistic3A_8 = math.exp %logistic3A : vector<12800x64xf32>
    %logistic3A_9 = arith.constant 1.000000e+00 : f32
    %logistic3A_10 = vector.broadcast %logistic3A_9 : f32 to vector<12800x64xf32>
    %logistic3A_11 = arith.addf %logistic3A_10, %logistic3A_8 : vector<12800x64xf32>
    %logistic3A_12 = arith.divf %logistic3A_10, %logistic3A_11 : vector<12800x64xf32>
    %mul3A_13 = arith.mulf %mul3A_7, %logistic3A_12 : vector<12800x64xf32>
    %get3A_14 = arith.constant 0 : index
    %get3A_15 = arith.constant 0 : index
    %get3A_16 = vector.load %arg4[%get3A_14, %get3A_15] : memref<64x64xf32, #tpu.memory_space<vmem>>, vector<64x64xf32>
    %dot_general3A_17 = arith.constant dense<0.000000e+00> : vector<12800x64xf32>
    %dot_general3A_18 = tpu.matmul %mul3A_13, %get3A_16, %dot_general3A_17 {dimension_numbers = #tpu.dot_dimension_numbers<[1], [0], [0], [1], [0, 0, 1, 1], [], []>, transpose_lhs_hint = false} : vector<12800x64xf32>, vector<64x64xf32>, vector<12800x64xf32> -> vector<12800x64xf32>
    %mul3A_19 = arith.constant 1.250000e-01 : f32
    %mul3A_20 = vector.broadcast %mul3A_19 : f32 to vector<12800x64xf32>
    %mul3A_21 = arith.mulf %dot_general3A_18, %mul3A_20 : vector<12800x64xf32>
    %logistic3A_22 = arith.negf %mul3A_21 : vector<12800x64xf32>
    %logistic3A_23 = math.exp %logistic3A_22 : vector<12800x64xf32>
    %logistic3A_24 = arith.constant 1.000000e+00 : f32
    %logistic3A_25 = vector.broadcast %logistic3A_24 : f32 to vector<12800x64xf32>
    %logistic3A_26 = arith.addf %logistic3A_25, %logistic3A_23 : vector<12800x64xf32>
    %logistic3A_27 = arith.divf %logistic3A_25, %logistic3A_26 : vector<12800x64xf32>
    %mul3A_28 = arith.mulf %mul3A_21, %logistic3A_27 : vector<12800x64xf32>
    %get3A_29 = arith.constant 0 : index
    %get3A_30 = arith.constant 0 : index
    %get3A_31 = vector.load %arg5[%get3A_29, %get3A_30] : memref<64x64xf32, #tpu.memory_space<vmem>>, vector<64x64xf32>
    %dot_general3A_32 = arith.constant dense<0.000000e+00> : vector<12800x64xf32>
    %dot_general3A_33 = tpu.matmul %mul3A_28, %get3A_31, %dot_general3A_32 {dimension_numbers = #tpu.dot_dimension_numbers<[1], [0], [0], [1], [0, 0, 1, 1], [], []>, transpose_lhs_hint = false} : vector<12800x64xf32>, vector<64x64xf32>, vector<12800x64xf32> -> vector<12800x64xf32>
    %mul3A_34 = arith.constant 1.250000e-01 : f32
    %mul3A_35 = vector.broadcast %mul3A_34 : f32 to vector<12800x64xf32>
    %mul3A_36 = arith.mulf %dot_general3A_33, %mul3A_35 : vector<12800x64xf32>
    %logistic3A_37 = arith.negf %mul3A_36 : vector<12800x64xf32>
    %logistic3A_38 = math.exp %logistic3A_37 : vector<12800x64xf32>
    %logistic3A_39 = arith.constant 1.000000e+00 : f32
    %logistic3A_40 = vector.broadcast %logistic3A_39 : f32 to vector<12800x64xf32>
    %logistic3A_41 = arith.addf %logistic3A_40, %logistic3A_38 : vector<12800x64xf32>
    %logistic3A_42 = arith.divf %logistic3A_40, %logistic3A_41 : vector<12800x64xf32>
    %mul3A_43 = arith.mulf %mul3A_36, %logistic3A_42 : vector<12800x64xf32>
    %get3A_44 = arith.constant 0 : index
    %get3A_45 = arith.constant 0 : index
    %get3A_46 = vector.load %arg6[%get3A_44, %get3A_45] : memref<64x128xf32, #tpu.memory_space<vmem>>, vector<64x128xf32>
    %dot_general3A_47 = arith.constant dense<0.000000e+00> : vector<12800x128xf32>
    %dot_general3A_48 = tpu.matmul %mul3A_43, %get3A_46, %dot_general3A_47 {dimension_numbers = #tpu.dot_dimension_numbers<[1], [0], [0], [1], [0, 0, 1, 1], [], []>, transpose_lhs_hint = false} : vector<12800x64xf32>, vector<64x128xf32>, vector<12800x128xf32> -> vector<12800x128xf32>
    %mul3A_49 = arith.constant 1.250000e-01 : f32
    %mul3A_50 = vector.broadcast %mul3A_49 : f32 to vector<12800x128xf32>
    %mul3A_51 = arith.mulf %dot_general3A_48, %mul3A_50 : vector<12800x128xf32>
    %get3A_52 = arith.constant 0 : index
    %get3A_53 = arith.constant 0 : index
    %get3A_54 = vector.load %arg2[%get3A_52, %get3A_53] : memref<1x12800xf32, #tpu.memory_space<vmem>>, vector<1x12800xf32>
    %transpose3A = tpu.transpose %get3A_54, [1, 0] : vector<1x12800xf32> -> vector<12800x1xf32>
    %mul3A_55 = vector.broadcast %transpose3A : vector<12800x1xf32> to vector<12800x128xf32>
    %mul3A_56 = arith.mulf %mul3A_51, %mul3A_55 : vector<12800x128xf32>
    %swap3A = arith.constant 0 : index
    %swap3A_57 = arith.constant 0 : index
    %swap3A_58 = vector.load %arg7[%swap3A, %swap3A_57] : memref<12800x128xf32, #tpu.memory_space<vmem>>, vector<12800x128xf32>
    tpu.vector_store %arg7[%swap3A, %swap3A_57], %mul3A_56 {strides = array<i32>} : memref<12800x128xf32, #tpu.memory_space<vmem>>, vector<12800x128xf32>,
    return
  }
  func.func @transform_0(%arg0: i32) -> (i32, i32) {
    %c0_i32 = arith.constant 0 : i32
    %c0_i32_0 = arith.constant 0 : i32
    return %c0_i32, %arg0 : i32, i32
  }
  func.func @transform_1(%arg0: i32) -> (i32, i32) {
    %c0_i32 = arith.constant 0 : i32
    %c0_i32_0 = arith.constant 0 : i32
    return %c0_i32, %arg0 : i32, i32
  }
  func.func @transform_2(%arg0: i32) -> (i32, i32) {
    %c0_i32 = arith.constant 0 : i32
    %c0_i32_0 = arith.constant 0 : i32
    %c0_i32_1 = arith.constant 0 : i32
    return %c0_i32, %c0_i32_0 : i32, i32
  }
  func.func @transform_3(%arg0: i32) -> (i32, i32) {
    %c0_i32 = arith.constant 0 : i32
    %c0_i32_0 = arith.constant 0 : i32
    %c0_i32_1 = arith.constant 0 : i32
    return %c0_i32, %c0_i32_0 : i32, i32
  }
  func.func @transform_4(%arg0: i32) -> (i32, i32) {
    %c0_i32 = arith.constant 0 : i32
    %c0_i32_0 = arith.constant 0 : i32
    %c0_i32_1 = arith.constant 0 : i32
    return %c0_i32, %c0_i32_0 : i32, i32
  }
  func.func @transform_5(%arg0: i32) -> (i32, i32) {
    %c0_i32 = arith.constant 0 : i32
    %c0_i32_0 = arith.constant 0 : i32
    %c0_i32_1 = arith.constant 0 : i32
    return %c0_i32, %c0_i32_0 : i32, i32
  }
  func.func @transform_6(%arg0: i32) -> (i32, i32) {
    %c0_i32 = arith.constant 0 : i32
    %c0_i32_0 = arith.constant 0 : i32
    return %arg0, %c0_i32 : i32, i32
  }
}

module attributes {stable_mosaic.version = 14 : i64} {
  func.func @_fin_body(%arg0: i32, %arg1: memref<2x1000x128xf32, #tpu.memory_space<vmem>>, %arg2: memref<128x128xf32, #tpu.memory_space<vmem>>, %arg3: memref<1000x128xf32, #tpu.memory_space<vmem>>) attributes {dimension_semantics = [#tpu.dimension_semantics<arbitrary>], iteration_bounds = array<i64: 10>, scalar_prefetch = 0 : i64, scratch_operands = 0 : i64, tpu.core_type = #tpu.core_type<tc>, window_params = [{transform_indices = @transform_0, window_bounds = array<i64: 2, 1000, 128>}, {pipeline_mode = #tpu.pipeline_mode<synchronous>, transform_indices = @transform_1, window_bounds = array<i64: 128, 128>}, {transform_indices = @transform_2, window_bounds = array<i64: 1000, 128>}]} {
    %get3A = arith.constant 0 : index
    %get3A_0 = arith.constant 0 : index
    %get3A_1 = arith.constant 0 : index
    %get3A_2 = vector.load %arg1[%get3A, %get3A_0, %get3A_1] : memref<2x1000x128xf32, #tpu.memory_space<vmem>>, vector<1x1000x128xf32>
    %get3A_3 = vector.shape_cast %get3A_2 : vector<1x1000x128xf32> to vector<1000x128xf32>
    %get3A_4 = arith.constant 1 : index
    %get3A_5 = arith.constant 0 : index
    %get3A_6 = arith.constant 0 : index
    %get3A_7 = vector.load %arg1[%get3A_4, %get3A_5, %get3A_6] : memref<2x1000x128xf32, #tpu.memory_space<vmem>>, vector<1x1000x128xf32>
    %get3A_8 = vector.shape_cast %get3A_7 : vector<1x1000x128xf32> to vector<1000x128xf32>
    %add3A = arith.addf %get3A_3, %get3A_8 : vector<1000x128xf32>
    %get3A_9 = arith.constant 0 : index
    %get3A_10 = arith.constant 0 : index
    %get3A_11 = vector.load %arg2[%get3A_9, %get3A_10] : memref<128x128xf32, #tpu.memory_space<vmem>>, vector<128x128xf32>
    %dot_general3A = arith.constant dense<0.000000e+00> : vector<1000x128xf32>
    %dot_general3A_12 = tpu.matmul %add3A, %get3A_11, %dot_general3A {dimension_numbers = #tpu.dot_dimension_numbers<[1], [0], [0], [1], [0, 0, 1, 1], [], []>, transpose_lhs_hint = false} : vector<1000x128xf32>, vector<128x128xf32>, vector<1000x128xf32> -> vector<1000x128xf32>
    %mul3A = arith.constant 0.00276213582 : f32
    %mul3A_13 = vector.broadcast %mul3A : f32 to vector<1000x128xf32>
    %mul3A_14 = arith.mulf %dot_general3A_12, %mul3A_13 : vector<1000x128xf32>
    %swap3A = arith.constant 0 : index
    %swap3A_15 = arith.constant 0 : index
    %swap3A_16 = vector.load %arg3[%swap3A, %swap3A_15] : memref<1000x128xf32, #tpu.memory_space<vmem>>, vector<1000x128xf32>
    tpu.vector_store %arg3[%swap3A, %swap3A_15], %mul3A_14 {strides = array<i32>} : memref<1000x128xf32, #tpu.memory_space<vmem>>, vector<1000x128xf32>,
    return
  }
  func.func @transform_0(%arg0: i32) -> (i32, i32, i32) {
    %c0_i32 = arith.constant 0 : i32
    %c0_i32_0 = arith.constant 0 : i32
    %c0_i32_1 = arith.constant 0 : i32
    return %c0_i32, %arg0, %c0_i32_0 : i32, i32, i32
  }
  func.func @transform_1(%arg0: i32) -> (i32, i32) {
    %c0_i32 = arith.constant 0 : i32
    %c0_i32_0 = arith.constant 0 : i32
    %c0_i32_1 = arith.constant 0 : i32
    return %c0_i32, %c0_i32_0 : i32, i32
  }
  func.func @transform_2(%arg0: i32) -> (i32, i32) {
    %c0_i32 = arith.constant 0 : i32
    %c0_i32_0 = arith.constant 0 : i32
    return %arg0, %c0_i32 : i32, i32
  }
}

</mosaic_0001>

<sc_bundles>
// kernel: kernel.6.cloned.1.call-start
scs
__scs_entry_jumppad:
0x0: {  	(pc) =	sbr.rel $0x88, $3  }
0x1: {  	(tag) =	ssettag $0x0;
	lr =	simm.s32 $0x1  }
0x2: {  	[smem:$0x3F97] =	sst lr;
	_ =	strace $0xD0000000  }
0x3: {  	_ = 	snop  }
0x4: {  	_ = 	snop  }
0x5: {  	_ = 	snop  }
0x6: {  	_ = 	snop  }
0x7: {  	_ = 	snop  }
__scs_overlays_trampoline_lowered:
0x8: {  	[smem:$0x3FA6] =	sst s0  }
0x9: {  	[smem:$0x3FA7] =	sst s1  }
0xa: {  	[smem:$0x3FA8] =	sst s2  }
0xb: {  	[smem:$0x3FA9] =	sst s3  }
0xc: {  	[smem:$0x3FAA] =	sst s4  }
0xd: {  	[smem:$0x3FAB] =	sst s5  }
0xe: {  	[smem:$0x3FAC] =	sst s6  }
0xf: {  	[smem:$0x3FAD] =	sst s7  }
0x10: {  	[smem:$0x3FAE] =	sst s8  }
0x11: {  	[smem:$0x3FAF] =	sst s9;
	s0 =	simm.s32 @!p0 $0x0  }
0x12: {  	s1 =	sld [smem:$0x3F95];
	s0 =	simm.s32 @p0 $0x1  }
0x13: {  	[smem:$0x3FB0] =	sst s0;
	s0 =	simm.s32 @!p1 $0x0  }
0x14: {  	s2 =	sld [smem:$0x3F94];
	s0 =	simm.s32 @p1 $0x1  }
0x15: {  	[smem:$0x3FB1] =	sst s0;
	s0 =	simm.s32 @!p2 $0x0  }
0x16: {  	s3 =	sld [smem:$0x3FDB];
	s0 =	simm.s32 @p2 $0x1  }
0x17: {  	s4 =	simm.s32 $0x1BF5;
	[smem:$0x3FB3] =	sst s0  }
0x18: {  	s0 =	sld [smem:$0x3F96];
	_ =	swait.ge [sflag:s4], $0x0  }
0x19: {  	s7 =	sld [smem:$0x3F97]  }
0x1a: {  	s8 =	sadd.s32 $0xFFFFE003, lr  }
0x1b: {  	s9 =	sadd.s32 $0xFFFFFEF7, lr;
	s5 =	simm.s32 $0xFFFFFFFF;
	p2 =	slt.u32 s8, $0xFFFFF086  }
0x1c: {  	p1 =	slt.u32 s9, $0xF7A;
	s5 =	simm.s32 @!p2 $0x0  }
0x1d: {  	s5 =	simm.s32 @p1 $0x1;
	p0 =	seq.s32 s7, s2  }
0x1e: {  	s7 =	smul.u32 @!p0 $0xF7A, s2;
	p2 =	seq.s32 @!p0 s5, $0x0  }
0x1f: {  	s9 =	smul.u32 $0xF7A, s1;
	s8 =	simm.s32 @!p0 $0x1BF5;
	p2 =	por !p2, p0  }
0x20: {  	[sflag:s8] =	ssyncset.s32 @!p0 $0xFFFFF086;
	s6 =	sadd.s32 @!p0 s3, s7;
	s7 =	simm.s32 @!p0 $0x108  }
0x21: {  	s3 =	sadd.s32 s3, s9;
	s6 =	sadd.s32 @!p0 $0x88, s6;
	s7 =	simm.s32 @p2 $0x1082  }
0x22: {  	[simem:s7], [sflag:s8] =	dma.local @!p0 [hbm:s6], $0xF7A  }
0x23: {  	s9 =	sor.u32 $0xD0000000, s2;
	s6 =	simm.s32 $0x108;
	_ =	swait.ge @!p0 [sflag:s8], $0x0  }
0x24: {  	s3 =	sadd.s32 $0x88, s3;
	s6 =	simm.s32 @!p1 $0x1082;
	[sflag:s4] =	ssyncset.s32 $0xFFFFF086  }
0x25: {  	[simem:s6], [sflag:s4] =	dma.local [hbm:s3], $0xF7A  }
0x26: {  	[smem:$0x3F97] =	sst s1;
	(tag) =	ssettag s2;
	_ =	strace s9  }
0x27: {  	s1 =	sld [smem:$0x3FA7]  }
0x28: {  	s2 =	sld [smem:$0x3FA8]  }
0x29: {  	s4 =	sld [smem:$0x3FAA]  }
0x2a: {  	p0 =	seq.s32 s5, $0x0;
	s5 =	sld [smem:$0x3FAB]  }
0x2b: {  	s6 =	sld [smem:$0x3FAC]  }
0x2c: {  	s7 =	sld [smem:$0x3FAD]  }
0x2d: {  	s3 =	simm.s32 $0x108;
	s8 =	sld [smem:$0x3FAE]  }
0x2e: {  	s3 =	simm.s32 @!p0 $0x1082;
	s9 =	sld [smem:$0x3FAF]  }
0x2f: {  	lr =	sadd.s32 s0, s3;
	s0 =	sld [smem:$0x3FA6]  }
0x30: {  	s3 =	sld [smem:$0x3FA9]  }
0x31: {  	[smem:$0x3FB2] =	sst s10  }
0x32: {  	s10 =	sld [smem:$0x3FB0];
	_ =	sdelay $0x3  }
0x33: {  	p0 =	seq.s32 s10, $0x1;
	s10 =	sld [smem:$0x3FB2];
	_ =	sdelay $0x3  }
0x34: {  	[smem:$0x3FB2] =	sst s10  }
0x35: {  	s10 =	sld [smem:$0x3FB1];
	_ =	sdelay $0x3  }
0x36: {  	p1 =	seq.s32 s10, $0x1;
	s10 =	sld [smem:$0x3FB2];
	_ =	sdelay $0x3  }
0x37: {  	[smem:$0x3FB2] =	sst s10  }
0x38: {  	s10 =	sld [smem:$0x3FB3]  }
0x39: {  	_ = 	snop;
	(pc) =	sbr.ind lr, $3  }
0x3a: {  	_ = 	snop  }
0x3b: {  	_ = 	snop  }
0x3c: {  	p2 =	seq.s32 s10, $0x1;
	s10 =	sld [smem:$0x3FB2]  }
0x3d: {  	_ =	shalt  }
0x3e: {  	_ =	shalt  }
0x3f: {  	_ =	shalt  }
0x40: {  	_ =	shalt  }
0x41: {  	_ =	shalt  }
0x42: {  	_ =	shalt  }
0x43: {  	_ =	shalt  }
0x44: {  	_ =	shalt  }
0x45: {  	_ =	shalt  }
0x46: {  	_ =	shalt  }
0x47: {  	_ =	shalt  }
0x48: {  	_ =	shalt  }
0x49: {  	_ =	shalt  }
0x4a: {  	_ =	shalt  }
0x4b: {  	_ =	shalt  }
0x4c: {  	_ =	shalt  }
0x4d: {  	_ =	shalt  }
0x4e: {  	_ =	shalt  }
0x4f: {  	_ =	shalt  }
0x50: {  	_ =	shalt  }
0x51: {  	_ =	shalt  }
0x52: {  	_ =	shalt  }
0x53: {  	_ =	shalt  }
0x54: {  	_ =	shalt  }
0x55: {  	_ =	shalt  }
0x56: {  	_ =	shalt  }
0x57: {  	_ =	shalt  }
0x58: {  	_ =	shalt  }
0x59: {  	_ =	shalt  }
0x5a: {  	_ =	shalt  }
0x5b: {  	_ =	shalt  }
0x5c: {  	_ =	shalt  }
0x5d: {  	_ =	shalt  }
0x5e: {  	_ =	shalt  }
0x5f: {  	_ =	shalt  }
0x60: {  	_ =	shalt  }
0x61: {  	_ =	shalt  }
0x62: {  	_ =	shalt  }
0x63: {  	_ =	shalt  }
0x64: {  	_ =	shalt  }
0x65: {  	_ =	shalt  }
0x66: {  	_ =	shalt  }
0x67: {  	_ =	shalt  }
0x68: {  	_ =	shalt  }
0x69: {  	_ =	shalt  }
0x6a: {  	_ =	shalt  }
0x6b: {  	_ =	shalt  }
0x6c: {  	_ =	shalt  }
0x6d: {  	_ =	shalt  }
0x6e: {  	_ =	shalt  }
0x6f: {  	_ =	shalt  }
0x70: {  	_ =	shalt  }
0x71: {  	_ =	shalt  }
0x72: {  	_ =	shalt  }
0x73: {  	_ =	shalt  }
0x74: {  	_ =	shalt  }
0x75: {  	_ =	shalt  }
0x76: {  	_ =	shalt  }
0x77: {  	_ =	shalt  }
0x78: {  	_ =	shalt  }
0x79: {  	_ =	shalt  }
0x7a: {  	_ =	shalt  }
0x7b: {  	_ =	shalt  }
0x7c: {  	_ =	shalt  }
0x7d: {  	_ =	shalt  }
0x7e: {  	_ =	shalt  }
0x7f: {  	_ =	shalt  }
0x80: {  	_ =	shalt  }
0x81: {  	_ =	shalt  }
0x82: {  	_ =	shalt  }
0x83: {  	_ =	shalt  }
0x84: {  	_ =	shalt  }
0x85: {  	_ =	shalt  }
0x86: {  	_ =	shalt  }
0x87: {  	_ =	shalt  }
.Lfunc_end0:
.L_simem_size_0:
called_computation_lowered:
.L_overlay_start_0:
0x88: {  	s2 =	sld [smem:$0x3FD9]  }
0x89: {  	s3 =	sld [smem:$0x3FFE];
	_ =	sdelay $0x1  }
0x8a: {  	s1 =	srdreg.scid  }
0x8b: {  	s0 =	sand.u32 $0x1, s1  }
0x8c: {  	s17 =	sshll.u32 s0, $0xA;
	s2 =	sadd.s32 s3, s2  }
0x8d: {  	s2 =	sadd.s32 s2, s17  }
0x8e: {  	[smem:$0x3FBE] =	sst s2  }
0x8f: {  	_ = 	snop  }
0x90: {  	s2 =	sld [smem:$0x3FD0];
	(tm) =	ssettm $0x1  }
0x91: {  	s18 =	sld [smem:$0x3FFB];
	_ =	sdelay $0x3  }
0x92: {  	_ =	strace s18  }
0x93: {  	s3 =	sld [smem:$0x3FFC];
	_ =	sdelay $0x3  }
0x94: {  	_ =	strace s3  }
0x95: {  	s3 =	sld [smem:$0x3FFD];
	_ =	sdelay $0x3  }
0x96: {  	_ =	strace s3  }
0x97: {  	_ =	strace $0x8FFFFFFF  }
0x98: {  	s19 =	sld [smem:$0x3FDB];
	_ =	sdelay $0x1  }
0x99: {  	s4 =	simm.s32 $_scs_section_size  }
0x9a: {  	s5 =	simm.s32 $_size__tile_overlayer_lowered;
	s6 =	simm.s32 $_tile_overlayer_lowered  }
0x9b: {  	s22 =	simm.s32 $0x1BFF;
	s21 =	sshll.u32 s6, $0x1;
	s3 =	sadd.s32 s4, s19  }
0x9c: {  	s7 =	simm.s32 $0x0;
	s20 =	sshll.u32 s5, $0x1;
	s5 =	sadd.s32 s21, s3  }
0x9d: {  	[timem:s7], [sflag:s22] =	dma.local [hbm:s5], s20  }
0x9e: {  	_ =	swait.ge [sflag:s22], s20  }
0x9f: {  	s4 =	ssub.s32 $0x0, s20;
	[sflag:s22] =	ssyncset.done $0x0  }
0xa0: {  	[sflag:s22] =	ssyncadd.s32 s4;
	_ =	sdelay $0x1  }
0xa1: {  	s23 =	simm.s32 $0x1B8B  }
0xa2: {  	_ =	swait.ge [sflag:s23], $0x1  }
0xa3: {  	[sflag:s23] =	ssyncset.done $0x0  }
0xa4: {  	s25 =	simm.s32 $0x1B8E;
	s24 =	sld [smem:$0x3FFE];
	[sflag:s23] =	ssyncadd.s32 $0xFFFFFFFF  }
0xa5: {  	s26 =	simm.s32 $execute0_lowered;
	[smem:$0x3FD2] =	sst s25  }
0xa6: {  	s5 =	sshll.u32 s26, $0x1;
	_ =	strace $0x80000046;
	[dreg:$0x1] =	wrdreg $0xFFFFFFFF  }
0xa7: {  	s28 =	simm.s32 $_size_execute0_lowered;
	s3 =	sadd.s32 s3, s5;
	[dreg:$0x0] =	wrdreg $0x0  }
0xa8: {  	s5 =	sshll.u32 s28, $0x1;
	[dreg:$0x2] =	wrdreg s3  }
0xa9: {  	[dreg:$0x3] =	wrdreg s5  }
0xaa: {  	[dreg:$0x4] =	wrdreg $0xC0  }
0xab: {  	_ =	task [dreg:s7], $0x5FFFF  }
0xac: {  	[dreg:$0x1] =	wrdreg $0xFFFFFFFF  }
0xad: {  	[dreg:$0x0] =	wrdreg $0x60  }
0xae: {  	[dreg:$0x2] =	wrdreg s24  }
0xaf: {  	[dreg:$0x3] =	wrdreg s2  }
0xb0: {  	[dreg:$0x4] =	wrdreg $0xA3000  }
0xb1: {  	[dreg:$0x5] =	wrdreg $0x9  }
0xb2: {  	_ =	task.clear_ibuf [dreg:s7], $0x6FFFF;
	_ =	strace $0x90000046  }
0xb3: {  	s29 =	simm.s32 $0x9;
	_ =	strace $0x80000048  }
0xb4: {  	_ =	swait.ge [sflag:s29], $0x1  }
0xb5: {  	[sflag:s29] =	ssyncadd.s32 $0xFFFFFFFF  }
0xb6: {  	_ =	strace $0x90000048  }
0xb7: {  	_ =	sfence  }
0xb8: {  	s30 =	sld [smem:$0x0];
	_ =	sdelay $0x2  }
0xb9: {  	s31 =	sshll.u32 s1, $0xD;
	s1 =	sshrl.u32 s1, $0x2  }
0xba: {  	s3 =	sand.u32 $0x4000, s31;
	s1 =	sadd.s32 s1, s30  }
0xbb: {  	s0 =	sor.u32 s3, s0;
	s1 =	sshll.u32 s1, $0x11  }
0xbc: {  	s0 =	sor.u32 s1, s0  }
0xbd: {  	s0 =	sadd.s32 $0x8F2B, s0  }
0xbe: {  	[sflag:s0] =	ssyncadd.remote.s32 $0x1  }
0xbf: {  	_ =	sfence.sel $0xFFFF  }
0xc0: {  	[dreg:$0x0] =	wrdreg $0xFFFFFFFF;
	(pc) =	sbr.abs _section_cstart, $3  }
0xc1: {  	[dreg:$0x1] =	wrdreg $0xFFFFFFFF  }
0xc2: {  	_ =	task.clear_ibuf [dreg:s7], $0x2FFFF;
	_ =	strace $0x9FFFFFFF  }
0xc3: {  	(tm) =	ssettm $0x7FFFFFFF  }
tec
execute0_lowered:
.L_overlay_start_1:
0x0: {  	(tag) =	ssettag $0x1  }
0x1: {  	s0 =	rddreg [dreg:$0x0]  }
0x2: {  	s1 =	srdreg.scid;
	s2 =	rddreg [dreg:$0x1]  }
0x3: {  	s10 =	stileid.u32;
	s3 =	rddreg [dreg:$0x2]  }
0x4: {  	s28 =	simm.s32 $0x200;
	s29 =	simm.s32 $0x5;
	s8 =	smul.u32 $0x50000, s10  }
0x5: {  	s1 =	sand.u32 $0x1, s1;
	s4 =	sshll.u32 s10, $0x1;
	s10 =	smul.u32 $0x14000, s10  }
0x6: {  	s6 =	sor.u32 s1, s4;
	s7 =	ssub.s32 $0x2, s1;
	s1 =	smul.u32 $0x140000, s1  }
0x7: {  	s11 =	sadd.s32 $0x503600, s0;
	s4 =	simm.s32 $0x0;
	s5 =	smul.u32 $0x7D00, s6  }
0x8: {  	[smem:$0x7FF] =	sst s4;
	s9 =	sshrl.u32 s7, $0x1;
	s12 =	sadd.s32 $0x5000, s10  }
0x9: {  	s13 =	sadd.s32 $0x7800, s10;
	s16 =	sadd.s32 $0xA000, s10;
	s17 =	sadd.s32 $0xC800, s10  }
0xa: {  	s18 =	sadd.s32 $0xF000, s10;
	_ =	strace $0x80000047;
	s7 =	ssub.s32 s7, s9  }
0xb: {  	s9 =	sor.u32 $0x2800, s10;
	s14 =	sadd.s32 s10, s1;
	s10 =	sadd.s32 $0x11800, s10  }
0xc: {  	s19 =	sadd.s32 s1, s12;
	s20 =	sadd.s32 s1, s13;
	s23 =	sadd.s32 s1, s17  }
0xd: {  	s24 =	sadd.s32 s1, s18;
	s17 =	sadd.s32 s17, s3;
	s18 =	sadd.s32 s18, s3  }
0xe: {  	s14 =	sshrl.u32 s14, $0x3;
	s15 =	sadd.s32 s1, s9;
	[dreg:$0x11] =	wrdreg s17  }
0xf: {  	s26 =	sshrl.u32 s5, $0x3;
	[dreg:$0x12] =	wrdreg s18;
	s31 =	sadd.s32 $0x300, s5  }
0x10: {  	s17 =	simm.s32 $0x0;
	s14 =	sadd.s32 s11, s14;
	s15 =	sshrl.u32 s15, $0x3  }
0x11: {  	[dreg:$0x4] =	wrdreg s14;
	s14 =	sadd.s32 s11, s15;
	s15 =	sshrl.u32 s20, $0x3  }
0x12: {  	[dreg:$0x5] =	wrdreg s14;
	s14 =	sshrl.u32 s19, $0x3;
	s19 =	sadd.s32 s1, s16  }
0x13: {  	s21 =	sadd.s32 s11, s15;
	s15 =	sshrl.u32 s24, $0x3;
	s1 =	sadd.s32 s1, s10  }
0x14: {  	s24 =	smul.u32 $0x2710, s6;
	s14 =	sadd.s32 s11, s14;
	[dreg:$0x7] =	wrdreg s21  }
0x15: {  	s22 =	sshrl.u32 s19, $0x3;
	s25 =	sadd.s32 s11, s15;
	s1 =	sshrl.u32 s1, $0x3  }
0x16: {  	s15 =	sadd.s32 $0x21600, s0;
	s21 =	sadd.s32 s9, s3;
	[dreg:$0x6] =	wrdreg s14  }
0x17: {  	s19 =	sadd.s32 s10, s3;
	s9 =	simm.s32 $0x50;
	[dreg:$0xa] =	wrdreg s25  }
0x18: {  	s10 =	simm.s32 $0x3;
	s14 =	sadd.s32 s11, s22;
	[dreg:$0x13] =	wrdreg s19  }
0x19: {  	s1 =	sadd.s32 s11, s1;
	s22 =	sadd.s32 s12, s3;
	[dreg:$0xd] =	wrdreg s21  }
0x1a: {  	s25 =	smax.u32 s7, $0x1;
	s30 =	sadd.s32 $0x50, s24;
	[dreg:$0x8] =	wrdreg s14  }
0x1b: {  	s7 =	simm.s32 $0x1;
	s12 =	simm.s32 $0x2;
	[dreg:$0xb] =	wrdreg s1  }
0x1c: {  	s14 =	sshrl.u32 s23, $0x3;
	s23 =	sadd.s32 s13, s3;
	[dreg:$0x15] =	wrdreg s25  }
0x1d: {  	s13 =	sadd.s32 s16, s3;
	s16 =	smul.u32 $0x27100, s6;
	[dreg:$0xe] =	wrdreg s22  }
0x1e: {  	s6 =	simm.s32 $0x6;
	s14 =	sadd.s32 s11, s14;
	[dreg:$0x10] =	wrdreg s13  }
0x1f: {  	s11 =	sshrl.u32 s8, $0x2;
	s8 =	simm.s32 $0x300;
	[dreg:$0xf] =	wrdreg s23  }
0x20: {  	s13 =	simm.s32 $0x2B00;
	[dreg:$0x9] =	wrdreg s14;
	s14 =	sadd.s32 $0x2200, s0  }
0x21: {  	s20 =	sadd.s32 s11, s3;
	s0 =	sadd.s32 s15, s16;
	s11 =	simm.s32 $0x4  }
0x22: {  	s16 =	simm.s32 $0x280;
	s1 =	sadd.s32 s14, s26;
	[dreg:$0x14] =	wrdreg s0  }
0x23: {  	s0 =	simm.s32 $0x5300;
	[dreg:$0xc] =	wrdreg s1;
	s26 =	sadd.s32 $0x20, s1  }
0x24: {  	v0 =	vimm.f32 $0.0e+00;
	s1 =	simm.s32 $0x100;
	[dreg:$0x16] =	wrdreg s26;
	s26 =	simm.s32 $0x7B00  }
.LBB2_1:
0x25: {  	s18 =	rddreg [dreg:$0xc]  }
0x26: {  	[tilespmem:s4], [sflag:$0x1] =	stream.linear.gather [hbm4b:s18+s4], $0x100, $0x38;
	[tilespmem:$0x1E300] =	vst v63  }
0x27: {  	s25 =	rddreg [dreg:$0x16];
	s19 =	simm.s32 $0x200;
	s18 =	simm.s32 $0x0  }
0x28: {  	[tilespmem:s1], [sflag:$0x2] =	stream.linear.gather [hbm4b:s25+s4], $0x100, $0x38;
	[tilespmem:$0x1E300] =	vst v63  }
.LBB2_2:
0x29: {  	p0 =	sne.s32 s19, $0x9E00;
	[tilespmem:s18+$0x5370] =	vst v0  }
0x2a: {  	[tilespmem:s18+$0x5300] =	vst v0  }
0x2b: {  	[tilespmem:s18+$0x5310] =	vst v0  }
.Ltmp0:
0x2c: {  	[tilespmem:s18+$0x5320] =	vst v0;
	(pc) =	sbr.rel @p0 .LBB2_2-.Ltmp0, $4  }
0x2d: {  	[tilespmem:s18+$0x5330] =	vst v0  }
0x2e: {  	[tilespmem:s18+$0x5340] =	vst v0  }
0x2f: {  	[tilespmem:s18+$0x5350] =	vst v0  }
0x30: {  	[tilespmem:s18+$0x5360] =	vst v0;
	s18 =	sshra.s32 s19, $0x2;
	s19 =	sadd.s32 $0x200, s19  }
0x31: {  	[tilespmem:s18+$0x5370] =	vst v0  }
0x32: {  	[tilespmem:s18+$0x5300] =	vst v0  }
0x33: {  	[tilespmem:s18+$0x5310] =	vst v0  }
0x34: {  	[tilespmem:s18+$0x5320] =	vst v0  }
0x35: {  	[tilespmem:s18+$0x5330] =	vst v0  }
0x36: {  	[tilespmem:s18+$0x5340] =	vst v0  }
0x37: {  	[tilespmem:s18+$0x5350] =	vst v0  }
0x38: {  	[tilespmem:s18+$0x5360] =	vst v0  }
0x39: {  	[spmem:s20] =	stream.linear.scatter [tilespmem:s0], [sflag:$0x6], $0x2800, $0x38;
	[tilespmem:$0x1E300] =	vst v63  }
0x3a: {  	_ =	swait.ge [sflag:s6], $0x2800  }
0x3b: {  	[sflag:s6] =	ssyncset.done $0x0  }
0x3c: {  	[sflag:s6] =	ssyncadd.s32 $0xFFFFD800  }
0x3d: {  	[spmem:s21] =	stream.linear.scatter [tilespmem:s0], [sflag:$0x6], $0x2800, $0x38;
	[tilespmem:$0x1E300] =	vst v63  }
0x3e: {  	_ =	swait.ge [sflag:s6], $0x2800  }
0x3f: {  	[sflag:s6] =	ssyncset.done $0x0  }
0x40: {  	[sflag:s6] =	ssyncadd.s32 $0xFFFFD800  }
0x41: {  	[spmem:s22] =	stream.linear.scatter [tilespmem:s0], [sflag:$0x6], $0x2800, $0x38;
	[tilespmem:$0x1E300] =	vst v63  }
0x42: {  	_ =	swait.ge [sflag:s6], $0x2800  }
0x43: {  	[sflag:s6] =	ssyncset.done $0x0  }
0x44: {  	[sflag:s6] =	ssyncadd.s32 $0xFFFFD800  }
0x45: {  	[spmem:s23] =	stream.linear.scatter [tilespmem:s0], [sflag:$0x6], $0x2800, $0x38;
	[tilespmem:$0x1E300] =	vst v63  }
0x46: {  	_ =	swait.ge [sflag:s6], $0x2800  }
0x47: {  	[sflag:s6] =	ssyncset.done $0x0  }
0x48: {  	s25 =	smov.u32 s20;
	s20 =	rddreg [dreg:$0x10];
	[sflag:s6] =	ssyncadd.s32 $0xFFFFD800  }
0x49: {  	[spmem:s20] =	stream.linear.scatter [tilespmem:s0], [sflag:$0x6], $0x2800, $0x38;
	[tilespmem:$0x1E300] =	vst v63  }
0x4a: {  	_ =	swait.ge [sflag:s6], $0x2800  }
0x4b: {  	[sflag:s6] =	ssyncset.done $0x0  }
0x4c: {  	s21 =	rddreg [dreg:$0x11];
	[sflag:s6] =	ssyncadd.s32 $0xFFFFD800  }
0x4d: {  	[spmem:s21] =	stream.linear.scatter [tilespmem:s0], [sflag:$0x6], $0x2800, $0x38;
	[tilespmem:$0x1E300] =	vst v63  }
0x4e: {  	_ =	swait.ge [sflag:s6], $0x2800  }
0x4f: {  	[sflag:s6] =	ssyncset.done $0x0  }
0x50: {  	s22 =	rddreg [dreg:$0x12];
	[sflag:s6] =	ssyncadd.s32 $0xFFFFD800  }
0x51: {  	[spmem:s22] =	stream.linear.scatter [tilespmem:s0], [sflag:$0x6], $0x2800, $0x38;
	[tilespmem:$0x1E300] =	vst v63  }
0x52: {  	_ =	swait.ge [sflag:s6], $0x2800  }
0x53: {  	[sflag:s6] =	ssyncset.done $0x0  }
0x54: {  	s23 =	rddreg [dreg:$0x13];
	[sflag:s6] =	ssyncadd.s32 $0xFFFFD800  }
0x55: {  	[spmem:s23] =	stream.linear.scatter [tilespmem:s0], [sflag:$0x6], $0x2800, $0x38;
	[tilespmem:$0x1E300] =	vst v63  }
0x56: {  	_ =	swait.ge [sflag:s6], $0x2800  }
0x57: {  	[sflag:s6] =	ssyncset.done $0x0  }
0x58: {  	[sflag:s6] =	ssyncadd.s32 $0xFFFFD800  }
0x59: {  	[bflag:$0x0] =	sbarrier.arrive $0xFFFF  }
0x5a: {  	_ =	swait.ge [sflag:s7], $0x100  }
0x5b: {  	[sflag:s7] =	ssyncset.done $0x0  }
0x5c: {  	s18 =	simm.s32 $0x0;
	s19 =	rddreg [dreg:$0x14];
	[sflag:s7] =	ssyncadd.s32 $0xFFFFFF00  }
0x5d: {  	[tilespmem:s8], [sflag:$0x3] =	stream.linear.gather [hbm4b:s19+s18], $0x2800, $0x38;
	[tilespmem:$0x1E300] =	vst v63  }
0x5e: {  	s19 =	simm.s32 $0x0  }
0x5f: {  	[tilespmem:s0], [sflag:$0x4] =	stream.indirect.gather [hbm4b:s2+s9], $0x80, s18, s9, $0xb8;
	[tilespmem:$0x1E300] =	vst v63  }
.LBB2_4:
0x60: {  	_ =	swait.ge [sflag:s10], $0x2800  }
0x61: {  	[sflag:s10] =	ssyncset.done $0x0  }
0x62: {  	[sflag:s10] =	ssyncadd.s32 $0xFFFFD800  }
0x63: {  	_ =	swait.ge [sflag:s11], $0x2800  }
0x64: {  	[sflag:s11] =	ssyncset.done $0x0  }
0x65: {  	[sflag:s11] =	ssyncadd.s32 $0xFFFFD800  }
0x66: {  	v1 =	vld [tilespmem:$0x80]  }
0x67: {  	v2 =	vld [tilespmem:$0x90]  }
0x68: {  	v3 =	vld [tilespmem:$0xA0]  }
0x69: {  	v4 =	vld [tilespmem:$0xB0]  }
0x6a: {  	s20 =	sshll.u32 s19, $0x1;
	v5 =	vld [tilespmem:$0xC0]  }
0x6b: {  	s20 =	sadd.s32 $0x2, s20;
	[tilespmem:$0x200] =	vst v1  }
0x6c: {  	s21 =	sshll.u32 s20, $0x8;
	[tilespmem:$0x210] =	vst v2  }
0x6d: {  	s21 =	sadd.s32 s5, s21;
	[tilespmem:$0x220] =	vst v3  }
0x6e: {  	s21 =	sshrl.u32 s21, $0x3;
	[tilespmem:$0x230] =	vst v4  }
0x6f: {  	p0 =	seq.s32 s19, $0x0;
	s21 =	sadd.s32 s14, s21;
	[tilespmem:$0x240] =	vst v5  }
0x70: {  	[tilespmem:s4], [sflag:$0x1] =	stream.linear.gather [hbm4b:s21+s4], $0x100, $0x38;
	[tilespmem:$0x1E300] =	vst v63  }
0x71: {  	s21 =	simm.s32 @!p0 $0x5  }
0x72: {  	_ =	swait.ge @!p0 [sflag:s21], $0x2800  }
0x73: {  	s22 =	smul.u32 $0xA0, s19;
	[sflag:s21] =	ssyncset.done @!p0 $0x0  }
0x74: {  	[sflag:s21] =	ssyncadd.s32 @!p0 $0xFFFFD800  }
0x75: {  	s23 =	sadd.s32 s22, s30;
	_ =	swait.ge [sflag:s12], $0x100  }
0x76: {  	s21 =	sshll.u32 s23, $0x4;
	[sflag:s12] =	ssyncset.done $0x0  }
0x77: {  	s21 =	sadd.s32 s15, s21;
	[sflag:s12] =	ssyncadd.s32 $0xFFFFFF00  }
0x78: {  	[tilespmem:s13], [sflag:$0x3] =	stream.linear.gather [hbm4b:s21+s18], $0x2800, $0x38;
	[tilespmem:$0x1E300] =	vst v63  }
0x79: {  	s21 =	simm.s32 $0x0  }
0x7a: {  	[tilespmem:s26], [sflag:$0x4] =	stream.indirect.gather [hbm4b:s2+s9], $0x80, s1, s9, $0xb8;
	[tilespmem:$0x1E300] =	vst v63  }
0x7b: {  	v7 =	vld [tilespmem:s21+$0x5300]  }
0x7c: {  	v8 =	vld [tilespmem:s21+$0x5310]  }
0x7d: {  	v9 =	vld [tilespmem:s21+$0x5320]  }
0x7e: {  	v10 =	vld [tilespmem:s21+$0x5330]  }
0x7f: {  	v11 =	vld [tilespmem:s21+$0x5340]  }
0x80: {  	v12 =	vld [tilespmem:s21+$0x5350]  }
0x81: {  	v13 =	vld [tilespmem:s21+$0x5360]  }
0x82: {  	v14 =	vld [tilespmem:s21+$0x5370]  }
0x83: {  	v15 =	vld [tilespmem:s21+$0x5380]  }
0x84: {  	v16 =	vld [tilespmem:s21+$0x5390]  }
0x85: {  	v17 =	vld [tilespmem:s21+$0x53A0]  }
0x86: {  	v18 =	vld [tilespmem:s21+$0x53B0]  }
0x87: {  	v19 =	vld [tilespmem:s21+$0x53C0]  }
0x88: {  	v20 =	vld [tilespmem:s21+$0x53D0]  }
0x89: {  	v21 =	vld [tilespmem:s21+$0x53E0]  }
0x8a: {  	v22 =	vld [tilespmem:s21+$0x53F0]  }
0x8b: {  	v23 =	vld [tilespmem:s21+$0x5400]  }
0x8c: {  	v24 =	vld [tilespmem:s21+$0x5410]  }
0x8d: {  	v25 =	vld [tilespmem:s21+$0x5420]  }
0x8e: {  	v26 =	vld [tilespmem:s21+$0x5430]  }
0x8f: {  	v27 =	vld [tilespmem:s21+$0x5440]  }
0x90: {  	v28 =	vld [tilespmem:s21+$0x5450]  }
0x91: {  	v29 =	vld [tilespmem:s21+$0x5460]  }
0x92: {  	v30 =	vld [tilespmem:s21+$0x5470]  }
0x93: {  	v31 =	vld [tilespmem:s21+$0x5480]  }
0x94: {  	v32 =	vld [tilespmem:s21+$0x5490]  }
0x95: {  	v6 =	vld [tilespmem:s21+$0x54A0]  }
0x96: {  	v5 =	vld [tilespmem:s21+$0x54B0]  }
0x97: {  	v4 =	vld [tilespmem:s21+$0x54C0]  }
0x98: {  	v3 =	vld [tilespmem:s21+$0x54D0]  }
0x99: {  	v2 =	vld [tilespmem:s21+$0x54E0]  }
0x9a: {  	v33 =	vld [tilespmem:s21+$0x300]  }
0x9b: {  	v34 =	vld [tilespmem:s21+$0x310]  }
0x9c: {  	v35 =	vld [tilespmem:s21+$0x320]  }
0x9d: {  	v36 =	vld [tilespmem:s21+$0x330]  }
0x9e: {  	v37 =	vld [tilespmem:s21+$0x340]  }
0x9f: {  	v63 =	vld [tilespmem:s21+$0x350];
	v7 =	vmul.f32 v7, v33  }
0xa0: {  	v38 =	vld [tilespmem:s21+$0x360];
	v8 =	vmul.f32 v8, v34  }
0xa1: {  	v9 =	vmul.f32 v9, v35;
	[tilespmem:s21+$0x300] =	vst v7;
	v7 =	vld [tilespmem:s21+$0x370]  }
0xa2: {  	v10 =	vmul.f32 v10, v36;
	[tilespmem:s21+$0x310] =	vst v8;
	v8 =	vld [tilespmem:s21+$0x380]  }
0xa3: {  	v11 =	vmul.f32 v11, v37;
	[tilespmem:s21+$0x320] =	vst v9;
	v9 =	vld [tilespmem:s21+$0x390]  }
0xa4: {  	v12 =	vmul.f32 v12, v63;
	[tilespmem:s21+$0x330] =	vst v10;
	v10 =	vld [tilespmem:s21+$0x3A0]  }
0xa5: {  	v13 =	vmul.f32 v13, v38;
	[tilespmem:s21+$0x340] =	vst v11;
	v11 =	vld [tilespmem:s21+$0x3B0]  }
0xa6: {  	[tilespmem:s21+$0x350] =	vst v12;
	v12 =	vld [tilespmem:s21+$0x3C0];
	v7 =	vmul.f32 v14, v7  }
0xa7: {  	[tilespmem:s21+$0x360] =	vst v13;
	v13 =	vld [tilespmem:s21+$0x3D0];
	v8 =	vmul.f32 v15, v8  }
0xa8: {  	v9 =	vmul.f32 v16, v9;
	[tilespmem:s21+$0x370] =	vst v7;
	v7 =	vld [tilespmem:s21+$0x3E0]  }
0xa9: {  	v10 =	vmul.f32 v17, v10;
	[tilespmem:s21+$0x380] =	vst v8;
	v8 =	vld [tilespmem:s21+$0x3F0]  }
0xaa: {  	v11 =	vmul.f32 v18, v11;
	[tilespmem:s21+$0x390] =	vst v9;
	v9 =	vld [tilespmem:s21+$0x400]  }
0xab: {  	v12 =	vmul.f32 v19, v12;
	[tilespmem:s21+$0x3A0] =	vst v10;
	v10 =	vld [tilespmem:s21+$0x410]  }
0xac: {  	v13 =	vmul.f32 v20, v13;
	[tilespmem:s21+$0x3B0] =	vst v11;
	v11 =	vld [tilespmem:s21+$0x420]  }
0xad: {  	[tilespmem:s21+$0x3C0] =	vst v12;
	v12 =	vld [tilespmem:s21+$0x430];
	v7 =	vmul.f32 v21, v7  }
0xae: {  	[tilespmem:s21+$0x3D0] =	vst v13;
	v13 =	vld [tilespmem:s21+$0x440]  }
0xaf: {  	v8 =	vmul.f32 v22, v8;
	[tilespmem:s21+$0x3E0] =	vst v7;
	v7 =	vld [tilespmem:s21+$0x450]  }
0xb0: {  	v1 =	vld [tilespmem:s21+$0x54F0];
	v9 =	vmul.f32 v23, v9  }
0xb1: {  	[tilespmem:s21+$0x3F0] =	vst v8;
	v8 =	vmul.f32 v24, v10;
	v10 =	vld [tilespmem:s21+$0x470]  }
0xb2: {  	v14 =	vld [tilespmem:s21+$0x460];
	[tilespmem:s21+$0x400] =	vst v9;
	v9 =	vmul.f32 v25, v11  }
0xb3: {  	v11 =	vld [tilespmem:s21+$0x480];
	[tilespmem:s21+$0x410] =	vst v8;
	v8 =	vmul.f32 v26, v12  }
0xb4: {  	[tilespmem:s21+$0x420] =	vst v9;
	v12 =	vld [tilespmem:s21+$0x490];
	v9 =	vmul.f32 v27, v13;
	v13 =	vmul.f32 v28, v7  }
0xb5: {  	[tilespmem:s21+$0x430] =	vst v8;
	v8 =	vld [tilespmem:s21+$0x4A0]  }
0xb6: {  	v7 =	vld [tilespmem:s21+$0x4B0];
	[tilespmem:s21+$0x450] =	vst v13;
	v13 =	vmul.f32 v30, v10  }
0xb7: {  	v14 =	vmul.f32 v29, v14;
	[tilespmem:s21+$0x440] =	vst v9;
	v9 =	vld [tilespmem:s21+$0x4C0]  }
0xb8: {  	v10 =	vld [tilespmem:s21+$0x4D0];
	[tilespmem:s21+$0x470] =	vst v13;
	v13 =	vmul.f32 v31, v11  }
0xb9: {  	s22 =	simm.s32 $0x800;
	[tilespmem:s21+$0x460] =	vst v14;
	v12 =	vmul.f32 v32, v12;
	v11 =	vld [tilespmem:s21+$0x4E0]  }
.LBB2_5:
0xba: {  	s23 =	sshra.s32 s22, $0x2;
	p0 =	sne.s32 s22, $0x9800;
	[tilespmem:s21+$0x480] =	vst v13;
	v6 =	vmul.f32 v6, v8;
	v8 =	vld [tilespmem:s21+$0x4F0]  }
0xbb: {  	v13 =	vld [tilespmem:s23+$0x5300];
	[tilespmem:s21+$0x490] =	vst v12;
	v5 =	vmul.f32 v5, v7  }
0xbc: {  	v7 =	vld [tilespmem:s23+$0x5310];
	[tilespmem:s21+$0x4A0] =	vst v6;
	v4 =	vmul.f32 v4, v9  }
0xbd: {  	v9 =	vld [tilespmem:s23+$0x5320];
	[tilespmem:s21+$0x4B0] =	vst v5;
	v3 =	vmul.f32 v3, v10  }
0xbe: {  	v10 =	vld [tilespmem:s23+$0x5330];
	[tilespmem:s21+$0x4C0] =	vst v4;
	v2 =	vmul.f32 v2, v11  }
0xbf: {  	v11 =	vld [tilespmem:s23+$0x5340];
	[tilespmem:s21+$0x4D0] =	vst v3;
	v1 =	vmul.f32 v1, v8  }
0xc0: {  	v8 =	vld [tilespmem:s23+$0x5350];
	[tilespmem:s21+$0x4E0] =	vst v2  }
0xc1: {  	v12 =	vld [tilespmem:s23+$0x5360];
	[tilespmem:s21+$0x4F0] =	vst v1;
	s21 =	smov.u32 s23  }
0xc2: {  	v14 =	vld [tilespmem:s21+$0x5370]  }
0xc3: {  	v15 =	vld [tilespmem:s21+$0x5380]  }
0xc4: {  	v16 =	vld [tilespmem:s21+$0x5390]  }
0xc5: {  	v17 =	vld [tilespmem:s21+$0x53A0]  }
0xc6: {  	v18 =	vld [tilespmem:s21+$0x53B0]  }
0xc7: {  	v19 =	vld [tilespmem:s21+$0x53C0]  }
0xc8: {  	v20 =	vld [tilespmem:s21+$0x53D0]  }
0xc9: {  	v21 =	vld [tilespmem:s21+$0x53E0]  }
0xca: {  	v22 =	vld [tilespmem:s21+$0x53F0]  }
0xcb: {  	v23 =	vld [tilespmem:s21+$0x5400]  }
0xcc: {  	v24 =	vld [tilespmem:s21+$0x5410]  }
0xcd: {  	v25 =	vld [tilespmem:s21+$0x5420]  }
0xce: {  	v26 =	vld [tilespmem:s21+$0x5430]  }
0xcf: {  	v27 =	vld [tilespmem:s21+$0x5440]  }
0xd0: {  	v28 =	vld [tilespmem:s21+$0x5450]  }
0xd1: {  	v29 =	vld [tilespmem:s21+$0x5460]  }
0xd2: {  	v30 =	vld [tilespmem:s21+$0x5470]  }
0xd3: {  	v31 =	vld [tilespmem:s21+$0x5480]  }
0xd4: {  	v32 =	vld [tilespmem:s21+$0x5490]  }
0xd5: {  	v6 =	vld [tilespmem:s21+$0x54A0]  }
0xd6: {  	v5 =	vld [tilespmem:s21+$0x54B0]  }
0xd7: {  	v4 =	vld [tilespmem:s21+$0x54C0]  }
0xd8: {  	v3 =	vld [tilespmem:s21+$0x54D0]  }
0xd9: {  	v2 =	vld [tilespmem:s21+$0x54E0]  }
0xda: {  	v1 =	vld [tilespmem:s21+$0x54F0]  }
0xdb: {  	v33 =	vld [tilespmem:s21+$0x300]  }
0xdc: {  	v34 =	vld [tilespmem:s21+$0x310]  }
0xdd: {  	v35 =	vld [tilespmem:s21+$0x320]  }
0xde: {  	v36 =	vld [tilespmem:s21+$0x330]  }
0xdf: {  	v37 =	vld [tilespmem:s21+$0x340]  }
0xe0: {  	v13 =	vmul.f32 v13, v33;
	v33 =	vld [tilespmem:s21+$0x350]  }
0xe1: {  	v7 =	vmul.f32 v7, v34;
	v34 =	vld [tilespmem:s21+$0x360]  }
0xe2: {  	[tilespmem:s21+$0x300] =	vst v13;
	v9 =	vmul.f32 v9, v35;
	v13 =	vld [tilespmem:s21+$0x370]  }
0xe3: {  	[tilespmem:s21+$0x310] =	vst v7;
	v7 =	vmul.f32 v10, v36;
	v10 =	vld [tilespmem:s21+$0x380]  }
0xe4: {  	[tilespmem:s21+$0x320] =	vst v9;
	v9 =	vmul.f32 v11, v37;
	v11 =	vld [tilespmem:s21+$0x390]  }
0xe5: {  	[tilespmem:s21+$0x330] =	vst v7;
	v7 =	vmul.f32 v8, v33;
	v8 =	vld [tilespmem:s21+$0x3A0]  }
0xe6: {  	[tilespmem:s21+$0x340] =	vst v9;
	v9 =	vmul.f32 v12, v34;
	v12 =	vld [tilespmem:s21+$0x3B0]  }
0xe7: {  	[tilespmem:s21+$0x350] =	vst v7;
	v7 =	vmul.f32 v14, v13;
	v13 =	vld [tilespmem:s21+$0x3C0]  }
0xe8: {  	[tilespmem:s21+$0x360] =	vst v9;
	v9 =	vmul.f32 v15, v10;
	v10 =	vld [tilespmem:s21+$0x3D0]  }
0xe9: {  	[tilespmem:s21+$0x370] =	vst v7;
	v7 =	vmul.f32 v16, v11;
	v11 =	vld [tilespmem:s21+$0x3E0]  }
0xea: {  	[tilespmem:s21+$0x380] =	vst v9;
	v8 =	vmul.f32 v17, v8;
	v9 =	vld [tilespmem:s21+$0x3F0]  }
0xeb: {  	[tilespmem:s21+$0x390] =	vst v7;
	v7 =	vmul.f32 v18, v12;
	v12 =	vld [tilespmem:s21+$0x400]  }
0xec: {  	[tilespmem:s21+$0x3A0] =	vst v8;
	v8 =	vmul.f32 v19, v13;
	v13 =	vld [tilespmem:s21+$0x410]  }
0xed: {  	[tilespmem:s21+$0x3B0] =	vst v7;
	v7 =	vmul.f32 v20, v10;
	v10 =	vld [tilespmem:s21+$0x420]  }
0xee: {  	[tilespmem:s21+$0x3C0] =	vst v8;
	v8 =	vmul.f32 v21, v11;
	v11 =	vld [tilespmem:s21+$0x430]  }
0xef: {  	[tilespmem:s21+$0x3D0] =	vst v7;
	v7 =	vmul.f32 v22, v9;
	v9 =	vld [tilespmem:s21+$0x440]  }
0xf0: {  	[tilespmem:s21+$0x3E0] =	vst v8;
	v8 =	vmul.f32 v23, v12;
	v12 =	vld [tilespmem:s21+$0x450]  }
0xf1: {  	[tilespmem:s21+$0x3F0] =	vst v7;
	v7 =	vmul.f32 v24, v13;
	v13 =	vld [tilespmem:s21+$0x460]  }
0xf2: {  	[tilespmem:s21+$0x400] =	vst v8;
	v8 =	vmul.f32 v25, v10;
	v10 =	vld [tilespmem:s21+$0x470]  }
0xf3: {  	[tilespmem:s21+$0x410] =	vst v7;
	v7 =	vmul.f32 v26, v11;
	v11 =	vld [tilespmem:s21+$0x480]  }
0xf4: {  	[tilespmem:s21+$0x420] =	vst v8;
	v9 =	vmul.f32 v27, v9;
	v14 =	vld [tilespmem:s21+$0x490]  }
.Ltmp1:
0xf5: {  	[tilespmem:s21+$0x430] =	vst v7;
	v12 =	vmul.f32 v28, v12;
	v8 =	vld [tilespmem:s21+$0x4A0];
	(pc) =	sbr.rel @p0 .LBB2_5-.Ltmp1, $4  }
0xf6: {  	[tilespmem:s21+$0x440] =	vst v9;
	v13 =	vmul.f32 v29, v13;
	v7 =	vld [tilespmem:s21+$0x4B0]  }
0xf7: {  	[tilespmem:s21+$0x450] =	vst v12;
	v12 =	vmul.f32 v30, v10;
	v9 =	vld [tilespmem:s21+$0x4C0]  }
0xf8: {  	[tilespmem:s21+$0x460] =	vst v13;
	v13 =	vmul.f32 v31, v11;
	v10 =	vld [tilespmem:s21+$0x4D0]  }
0xf9: {  	s22 =	sadd.s32 $0x800, s22;
	[tilespmem:s21+$0x470] =	vst v12;
	v12 =	vmul.f32 v32, v14;
	v11 =	vld [tilespmem:s21+$0x4E0]  }
0xfa: {  	[tilespmem:s21+$0x480] =	vst v13;
	v6 =	vmul.f32 v6, v8;
	v8 =	vld [tilespmem:s21+$0x4F0]  }
0xfb: {  	[tilespmem:s21+$0x490] =	vst v12;
	v5 =	vmul.f32 v5, v7  }
0xfc: {  	[tilespmem:s21+$0x4A0] =	vst v6;
	v4 =	vmul.f32 v4, v9  }
0xfd: {  	[tilespmem:s21+$0x4B0] =	vst v5;
	v3 =	vmul.f32 v3, v10  }
0xfe: {  	[tilespmem:s21+$0x4C0] =	vst v4;
	v2 =	vmul.f32 v2, v11  }
0xff: {  	[tilespmem:s21+$0x4D0] =	vst v3;
	v1 =	vmul.f32 v1, v8  }
0x100: {  	[tilespmem:s21+$0x4E0] =	vst v2  }
0x101: {  	[tilespmem:s21+$0x4F0] =	vst v1  }
0x102: {  	[spmem:s3] =	stream.indirect.scatter.add.f32 [tilespmem:s8], [sflag:$0x5], $0x80, s28, s9, $0xb8;
	[tilespmem:$0x1E300] =	vst v63  }
0x103: {  	_ =	swait.ge [sflag:s10], $0x2800  }
0x104: {  	[sflag:s10] =	ssyncset.done $0x0  }
0x105: {  	[sflag:s10] =	ssyncadd.s32 $0xFFFFD800  }
0x106: {  	_ =	swait.ge [sflag:s11], $0x2800  }
0x107: {  	[sflag:s11] =	ssyncset.done $0x0  }
0x108: {  	[sflag:s11] =	ssyncadd.s32 $0xFFFFD800  }
0x109: {  	v1 =	vld [tilespmem:$0x180]  }
0x10a: {  	v2 =	vld [tilespmem:$0x190]  }
0x10b: {  	v3 =	vld [tilespmem:$0x1A0]  }
0x10c: {  	v4 =	vld [tilespmem:$0x1B0]  }
0x10d: {  	v5 =	vld [tilespmem:$0x1C0]  }
0x10e: {  	p0 =	seq.s32 s19, $0x3D;
	[tilespmem:$0x280] =	vst v1  }
0x10f: {  	s21 =	sshll.u32 @!p0 s19, $0x9;
	[tilespmem:$0x290] =	vst v2  }
0x110: {  	s21 =	sadd.s32 @!p0 s21, s31;
	[tilespmem:$0x2A0] =	vst v3  }
0x111: {  	s21 =	sshrl.u32 @!p0 s21, $0x3;
	[tilespmem:$0x2B0] =	vst v4  }
0x112: {  	s22 =	simm.s32 @!p0 $0x0;
	s23 =	simm.s32 @!p0 $0x100;
	s21 =	sadd.s32 @!p0 s14, s21;
	[tilespmem:$0x2C0] =	vst v5  }
0x113: {  	[tilespmem:s23], [sflag:$0x2] =	stream.linear.gather @!p0 [hbm4b:s21+s22], $0x100, $0x38;
	[tilespmem:$0x1E300] =	vst v63  }
0x114: {  	_ =	swait.ge [sflag:s29], $0x2800  }
0x115: {  	s20 =	smul.u32 $0x50, s20;
	[sflag:s29] =	ssyncset.done $0x0  }
0x116: {  	[sflag:s29] =	ssyncadd.s32 $0xFFFFD800  }
0x117: {  	s20 =	sadd.s32 s24, s20;
	_ =	swait.ge [sflag:s7], $0x100  }
0x118: {  	s20 =	sshll.u32 s20, $0x4;
	[sflag:s7] =	ssyncset.done $0x0  }
0x119: {  	s20 =	sadd.s32 s15, s20;
	s23 =	simm.s32 $0x0;
	[sflag:s7] =	ssyncadd.s32 $0xFFFFFF00  }
0x11a: {  	[tilespmem:s8], [sflag:$0x3] =	stream.linear.gather [hbm4b:s20+s23], $0x2800, $0x38;
	[tilespmem:$0x1E300] =	vst v63  }
0x11b: {  	s20 =	simm.s32 $0x0  }
0x11c: {  	[tilespmem:s0], [sflag:$0x4] =	stream.indirect.gather [hbm4b:s2+s9], $0x80, s23, s9, $0xb8;
	[tilespmem:$0x1E300] =	vst v63  }
0x11d: {  	v7 =	vld [tilespmem:s20+$0x7B00]  }
0x11e: {  	v8 =	vld [tilespmem:s20+$0x7B10]  }
0x11f: {  	v9 =	vld [tilespmem:s20+$0x7B20]  }
0x120: {  	v10 =	vld [tilespmem:s20+$0x7B30]  }
0x121: {  	v11 =	vld [tilespmem:s20+$0x7B40]  }
0x122: {  	v12 =	vld [tilespmem:s20+$0x7B50]  }
0x123: {  	v13 =	vld [tilespmem:s20+$0x7B60]  }
0x124: {  	v14 =	vld [tilespmem:s20+$0x7B70]  }
0x125: {  	v15 =	vld [tilespmem:s20+$0x7B80]  }
0x126: {  	v16 =	vld [tilespmem:s20+$0x7B90]  }
0x127: {  	v17 =	vld [tilespmem:s20+$0x7BA0]  }
0x128: {  	v18 =	vld [tilespmem:s20+$0x7BB0]  }
0x129: {  	v19 =	vld [tilespmem:s20+$0x7BC0]  }
0x12a: {  	v20 =	vld [tilespmem:s20+$0x7BD0]  }
0x12b: {  	v21 =	vld [tilespmem:s20+$0x7BE0]  }
0x12c: {  	v22 =	vld [tilespmem:s20+$0x7BF0]  }
0x12d: {  	v23 =	vld [tilespmem:s20+$0x7C00]  }
0x12e: {  	v24 =	vld [tilespmem:s20+$0x7C10]  }
0x12f: {  	v25 =	vld [tilespmem:s20+$0x7C20]  }
0x130: {  	v26 =	vld [tilespmem:s20+$0x7C30]  }
0x131: {  	v27 =	vld [tilespmem:s20+$0x7C40]  }
0x132: {  	v28 =	vld [tilespmem:s20+$0x7C50]  }
0x133: {  	v29 =	vld [tilespmem:s20+$0x7C60]  }
0x134: {  	v30 =	vld [tilespmem:s20+$0x7C70]  }
0x135: {  	v31 =	vld [tilespmem:s20+$0x7C80]  }
0x136: {  	v32 =	vld [tilespmem:s20+$0x7C90]  }
0x137: {  	v6 =	vld [tilespmem:s20+$0x7CA0]  }
0x138: {  	v5 =	vld [tilespmem:s20+$0x7CB0]  }
0x139: {  	v4 =	vld [tilespmem:s20+$0x7CC0]  }
0x13a: {  	v3 =	vld [tilespmem:s20+$0x7CD0]  }
0x13b: {  	v2 =	vld [tilespmem:s20+$0x7CE0]  }
0x13c: {  	v33 =	vld [tilespmem:s20+$0x2B00]  }
0x13d: {  	v34 =	vld [tilespmem:s20+$0x2B10]  }
0x13e: {  	v35 =	vld [tilespmem:s20+$0x2B20]  }
0x13f: {  	v36 =	vld [tilespmem:s20+$0x2B30]  }
0x140: {  	v37 =	vld [tilespmem:s20+$0x2B40]  }
0x141: {  	v63 =	vld [tilespmem:s20+$0x2B50];
	v7 =	vmul.f32 v7, v33  }
0x142: {  	v38 =	vld [tilespmem:s20+$0x2B60];
	v8 =	vmul.f32 v8, v34  }
0x143: {  	v9 =	vmul.f32 v9, v35;
	[tilespmem:s20+$0x2B00] =	vst v7;
	v7 =	vld [tilespmem:s20+$0x2B70]  }
0x144: {  	v10 =	vmul.f32 v10, v36;
	[tilespmem:s20+$0x2B10] =	vst v8;
	v8 =	vld [tilespmem:s20+$0x2B80]  }
0x145: {  	v11 =	vmul.f32 v11, v37;
	[tilespmem:s20+$0x2B20] =	vst v9;
	v9 =	vld [tilespmem:s20+$0x2B90]  }
0x146: {  	v12 =	vmul.f32 v12, v63;
	[tilespmem:s20+$0x2B30] =	vst v10;
	v10 =	vld [tilespmem:s20+$0x2BA0]  }
0x147: {  	v13 =	vmul.f32 v13, v38;
	[tilespmem:s20+$0x2B40] =	vst v11;
	v11 =	vld [tilespmem:s20+$0x2BB0]  }
0x148: {  	[tilespmem:s20+$0x2B50] =	vst v12;
	v12 =	vld [tilespmem:s20+$0x2BC0];
	v7 =	vmul.f32 v14, v7  }
0x149: {  	[tilespmem:s20+$0x2B60] =	vst v13;
	v13 =	vld [tilespmem:s20+$0x2BD0];
	v8 =	vmul.f32 v15, v8  }
0x14a: {  	v9 =	vmul.f32 v16, v9;
	[tilespmem:s20+$0x2B70] =	vst v7;
	v7 =	vld [tilespmem:s20+$0x2BE0]  }
0x14b: {  	v10 =	vmul.f32 v17, v10;
	[tilespmem:s20+$0x2B80] =	vst v8;
	v8 =	vld [tilespmem:s20+$0x2BF0]  }
0x14c: {  	v11 =	vmul.f32 v18, v11;
	[tilespmem:s20+$0x2B90] =	vst v9;
	v9 =	vld [tilespmem:s20+$0x2C00]  }
0x14d: {  	v12 =	vmul.f32 v19, v12;
	[tilespmem:s20+$0x2BA0] =	vst v10;
	v10 =	vld [tilespmem:s20+$0x2C10]  }
0x14e: {  	v13 =	vmul.f32 v20, v13;
	[tilespmem:s20+$0x2BB0] =	vst v11;
	v11 =	vld [tilespmem:s20+$0x2C20]  }
0x14f: {  	[tilespmem:s20+$0x2BC0] =	vst v12;
	v12 =	vld [tilespmem:s20+$0x2C30];
	v7 =	vmul.f32 v21, v7  }
0x150: {  	[tilespmem:s20+$0x2BD0] =	vst v13;
	v13 =	vld [tilespmem:s20+$0x2C40]  }
0x151: {  	v8 =	vmul.f32 v22, v8;
	[tilespmem:s20+$0x2BE0] =	vst v7;
	v7 =	vld [tilespmem:s20+$0x2C50]  }
0x152: {  	v1 =	vld [tilespmem:s20+$0x7CF0];
	v9 =	vmul.f32 v23, v9  }
0x153: {  	[tilespmem:s20+$0x2BF0] =	vst v8;
	v8 =	vmul.f32 v24, v10;
	v10 =	vld [tilespmem:s20+$0x2C70]  }
0x154: {  	v14 =	vld [tilespmem:s20+$0x2C60];
	[tilespmem:s20+$0x2C00] =	vst v9;
	v9 =	vmul.f32 v25, v11  }
0x155: {  	v11 =	vld [tilespmem:s20+$0x2C80];
	[tilespmem:s20+$0x2C10] =	vst v8;
	v8 =	vmul.f32 v26, v12  }
0x156: {  	[tilespmem:s20+$0x2C20] =	vst v9;
	v12 =	vld [tilespmem:s20+$0x2C90];
	v9 =	vmul.f32 v27, v13;
	v13 =	vmul.f32 v28, v7  }
0x157: {  	[tilespmem:s20+$0x2C30] =	vst v8;
	v8 =	vld [tilespmem:s20+$0x2CA0]  }
0x158: {  	v7 =	vld [tilespmem:s20+$0x2CB0];
	[tilespmem:s20+$0x2C50] =	vst v13;
	v13 =	vmul.f32 v30, v10  }
0x159: {  	v14 =	vmul.f32 v29, v14;
	[tilespmem:s20+$0x2C40] =	vst v9;
	v9 =	vld [tilespmem:s20+$0x2CC0]  }
0x15a: {  	v10 =	vld [tilespmem:s20+$0x2CD0];
	[tilespmem:s20+$0x2C70] =	vst v13;
	v13 =	vmul.f32 v31, v11  }
0x15b: {  	s21 =	simm.s32 $0x800;
	[tilespmem:s20+$0x2C60] =	vst v14;
	v12 =	vmul.f32 v32, v12;
	v11 =	vld [tilespmem:s20+$0x2CE0]  }
.LBB2_7:
0x15c: {  	s22 =	sshra.s32 s21, $0x2;
	p0 =	sne.s32 s21, $0x9800;
	[tilespmem:s20+$0x2C80] =	vst v13;
	v6 =	vmul.f32 v6, v8;
	v8 =	vld [tilespmem:s20+$0x2CF0]  }
0x15d: {  	v13 =	vld [tilespmem:s22+$0x7B00];
	[tilespmem:s20+$0x2C90] =	vst v12;
	v5 =	vmul.f32 v5, v7  }
0x15e: {  	v7 =	vld [tilespmem:s22+$0x7B10];
	[tilespmem:s20+$0x2CA0] =	vst v6;
	v4 =	vmul.f32 v4, v9  }
0x15f: {  	v9 =	vld [tilespmem:s22+$0x7B20];
	[tilespmem:s20+$0x2CB0] =	vst v5;
	v3 =	vmul.f32 v3, v10  }
0x160: {  	v10 =	vld [tilespmem:s22+$0x7B30];
	[tilespmem:s20+$0x2CC0] =	vst v4;
	v2 =	vmul.f32 v2, v11  }
0x161: {  	v11 =	vld [tilespmem:s22+$0x7B40];
	[tilespmem:s20+$0x2CD0] =	vst v3;
	v1 =	vmul.f32 v1, v8  }
0x162: {  	v8 =	vld [tilespmem:s22+$0x7B50];
	[tilespmem:s20+$0x2CE0] =	vst v2  }
0x163: {  	v12 =	vld [tilespmem:s22+$0x7B60];
	[tilespmem:s20+$0x2CF0] =	vst v1;
	s20 =	smov.u32 s22  }
0x164: {  	v14 =	vld [tilespmem:s20+$0x7B70]  }
0x165: {  	v15 =	vld [tilespmem:s20+$0x7B80]  }
0x166: {  	v16 =	vld [tilespmem:s20+$0x7B90]  }
0x167: {  	v17 =	vld [tilespmem:s20+$0x7BA0]  }
0x168: {  	v18 =	vld [tilespmem:s20+$0x7BB0]  }
0x169: {  	v19 =	vld [tilespmem:s20+$0x7BC0]  }
0x16a: {  	v20 =	vld [tilespmem:s20+$0x7BD0]  }
0x16b: {  	v21 =	vld [tilespmem:s20+$0x7BE0]  }
0x16c: {  	v22 =	vld [tilespmem:s20+$0x7BF0]  }
0x16d: {  	v23 =	vld [tilespmem:s20+$0x7C00]  }
0x16e: {  	v24 =	vld [tilespmem:s20+$0x7C10]  }
0x16f: {  	v25 =	vld [tilespmem:s20+$0x7C20]  }
0x170: {  	v26 =	vld [tilespmem:s20+$0x7C30]  }
0x171: {  	v27 =	vld [tilespmem:s20+$0x7C40]  }
0x172: {  	v28 =	vld [tilespmem:s20+$0x7C50]  }
0x173: {  	v29 =	vld [tilespmem:s20+$0x7C60]  }
0x174: {  	v30 =	vld [tilespmem:s20+$0x7C70]  }
0x175: {  	v31 =	vld [tilespmem:s20+$0x7C80]  }
0x176: {  	v32 =	vld [tilespmem:s20+$0x7C90]  }
0x177: {  	v6 =	vld [tilespmem:s20+$0x7CA0]  }
0x178: {  	v5 =	vld [tilespmem:s20+$0x7CB0]  }
0x179: {  	v4 =	vld [tilespmem:s20+$0x7CC0]  }
0x17a: {  	v3 =	vld [tilespmem:s20+$0x7CD0]  }
0x17b: {  	v2 =	vld [tilespmem:s20+$0x7CE0]  }
0x17c: {  	v1 =	vld [tilespmem:s20+$0x7CF0]  }
0x17d: {  	v33 =	vld [tilespmem:s20+$0x2B00]  }
0x17e: {  	v34 =	vld [tilespmem:s20+$0x2B10]  }
0x17f: {  	v35 =	vld [tilespmem:s20+$0x2B20]  }
0x180: {  	v36 =	vld [tilespmem:s20+$0x2B30]  }
0x181: {  	v37 =	vld [tilespmem:s20+$0x2B40]  }
0x182: {  	v13 =	vmul.f32 v13, v33;
	v33 =	vld [tilespmem:s20+$0x2B50]  }
0x183: {  	v7 =	vmul.f32 v7, v34;
	v34 =	vld [tilespmem:s20+$0x2B60]  }
0x184: {  	[tilespmem:s20+$0x2B00] =	vst v13;
	v9 =	vmul.f32 v9, v35;
	v13 =	vld [tilespmem:s20+$0x2B70]  }
0x185: {  	[tilespmem:s20+$0x2B10] =	vst v7;
	v7 =	vmul.f32 v10, v36;
	v10 =	vld [tilespmem:s20+$0x2B80]  }
0x186: {  	[tilespmem:s20+$0x2B20] =	vst v9;
	v9 =	vmul.f32 v11, v37;
	v11 =	vld [tilespmem:s20+$0x2B90]  }
0x187: {  	[tilespmem:s20+$0x2B30] =	vst v7;
	v7 =	vmul.f32 v8, v33;
	v8 =	vld [tilespmem:s20+$0x2BA0]  }
0x188: {  	[tilespmem:s20+$0x2B40] =	vst v9;
	v9 =	vmul.f32 v12, v34;
	v12 =	vld [tilespmem:s20+$0x2BB0]  }
0x189: {  	[tilespmem:s20+$0x2B50] =	vst v7;
	v7 =	vmul.f32 v14, v13;
	v13 =	vld [tilespmem:s20+$0x2BC0]  }
0x18a: {  	[tilespmem:s20+$0x2B60] =	vst v9;
	v9 =	vmul.f32 v15, v10;
	v10 =	vld [tilespmem:s20+$0x2BD0]  }
0x18b: {  	[tilespmem:s20+$0x2B70] =	vst v7;
	v7 =	vmul.f32 v16, v11;
	v11 =	vld [tilespmem:s20+$0x2BE0]  }
0x18c: {  	[tilespmem:s20+$0x2B80] =	vst v9;
	v8 =	vmul.f32 v17, v8;
	v9 =	vld [tilespmem:s20+$0x2BF0]  }
0x18d: {  	[tilespmem:s20+$0x2B90] =	vst v7;
	v7 =	vmul.f32 v18, v12;
	v12 =	vld [tilespmem:s20+$0x2C00]  }
0x18e: {  	[tilespmem:s20+$0x2BA0] =	vst v8;
	v8 =	vmul.f32 v19, v13;
	v13 =	vld [tilespmem:s20+$0x2C10]  }
0x18f: {  	[tilespmem:s20+$0x2BB0] =	vst v7;
	v7 =	vmul.f32 v20, v10;
	v10 =	vld [tilespmem:s20+$0x2C20]  }
0x190: {  	[tilespmem:s20+$0x2BC0] =	vst v8;
	v8 =	vmul.f32 v21, v11;
	v11 =	vld [tilespmem:s20+$0x2C30]  }
0x191: {  	[tilespmem:s20+$0x2BD0] =	vst v7;
	v7 =	vmul.f32 v22, v9;
	v9 =	vld [tilespmem:s20+$0x2C40]  }
0x192: {  	[tilespmem:s20+$0x2BE0] =	vst v8;
	v8 =	vmul.f32 v23, v12;
	v12 =	vld [tilespmem:s20+$0x2C50]  }
0x193: {  	[tilespmem:s20+$0x2BF0] =	vst v7;
	v7 =	vmul.f32 v24, v13;
	v13 =	vld [tilespmem:s20+$0x2C60]  }
0x194: {  	[tilespmem:s20+$0x2C00] =	vst v8;
	v8 =	vmul.f32 v25, v10;
	v10 =	vld [tilespmem:s20+$0x2C70]  }
0x195: {  	[tilespmem:s20+$0x2C10] =	vst v7;
	v7 =	vmul.f32 v26, v11;
	v11 =	vld [tilespmem:s20+$0x2C80]  }
0x196: {  	[tilespmem:s20+$0x2C20] =	vst v8;
	v9 =	vmul.f32 v27, v9;
	v14 =	vld [tilespmem:s20+$0x2C90]  }
.Ltmp2:
0x197: {  	[tilespmem:s20+$0x2C30] =	vst v7;
	v12 =	vmul.f32 v28, v12;
	v8 =	vld [tilespmem:s20+$0x2CA0];
	(pc) =	sbr.rel @p0 .LBB2_7-.Ltmp2, $4  }
0x198: {  	[tilespmem:s20+$0x2C40] =	vst v9;
	v13 =	vmul.f32 v29, v13;
	v7 =	vld [tilespmem:s20+$0x2CB0]  }
0x199: {  	[tilespmem:s20+$0x2C50] =	vst v12;
	v12 =	vmul.f32 v30, v10;
	v9 =	vld [tilespmem:s20+$0x2CC0]  }
0x19a: {  	[tilespmem:s20+$0x2C60] =	vst v13;
	v13 =	vmul.f32 v31, v11;
	v10 =	vld [tilespmem:s20+$0x2CD0]  }
0x19b: {  	s21 =	sadd.s32 $0x800, s21;
	[tilespmem:s20+$0x2C70] =	vst v12;
	v12 =	vmul.f32 v32, v14;
	v11 =	vld [tilespmem:s20+$0x2CE0]  }
0x19c: {  	[tilespmem:s20+$0x2C80] =	vst v13;
	v6 =	vmul.f32 v6, v8;
	v63 =	vld [tilespmem:s20+$0x2CF0]  }
0x19d: {  	[tilespmem:s20+$0x2C90] =	vst v12;
	v5 =	vmul.f32 v5, v7  }
0x19e: {  	s19 =	sadd.s32 $0x1, s19;
	[tilespmem:s20+$0x2CA0] =	vst v6;
	v4 =	vmul.f32 v4, v9  }
0x19f: {  	p0 =	sne.s32 s19, $0x3E;
	[tilespmem:s20+$0x2CB0] =	vst v5;
	v3 =	vmul.f32 v3, v10  }
.Ltmp3:
0x1a0: {  	[tilespmem:s20+$0x2CC0] =	vst v4;
	v2 =	vmul.f32 v2, v11;
	(pc) =	sbr.rel @p0 .LBB2_4-.Ltmp3, $4  }
0x1a1: {  	[tilespmem:s20+$0x2CD0] =	vst v3;
	v1 =	vmul.f32 v1, v63  }
0x1a2: {  	[tilespmem:s20+$0x2CE0] =	vst v2  }
0x1a3: {  	[tilespmem:s20+$0x2CF0] =	vst v1  }
0x1a4: {  	[spmem:s3] =	stream.indirect.scatter.add.f32 [tilespmem:s13], [sflag:$0x5], $0x80, s16, s9, $0xb8;
	[tilespmem:$0x1E300] =	vst v63  }
0x1a5: {  	_ =	swait.ge [sflag:s10], $0x2800  }
0x1a6: {  	[sflag:s10] =	ssyncset.done $0x0  }
0x1a7: {  	[sflag:s10] =	ssyncadd.s32 $0xFFFFD800  }
0x1a8: {  	_ =	swait.ge [sflag:s11], $0x2800  }
0x1a9: {  	[sflag:s11] =	ssyncset.done $0x0  }
0x1aa: {  	[sflag:s11] =	ssyncadd.s32 $0xFFFFD800  }
0x1ab: {  	v1 =	vld [tilespmem:$0x80]  }
0x1ac: {  	v2 =	vld [tilespmem:$0x90]  }
0x1ad: {  	v3 =	vld [tilespmem:$0xA0]  }
0x1ae: {  	v4 =	vld [tilespmem:$0xB0]  }
0x1af: {  	v5 =	vld [tilespmem:$0xC0]  }
0x1b0: {  	[tilespmem:$0x200] =	vst v1  }
0x1b1: {  	[tilespmem:$0x210] =	vst v2  }
0x1b2: {  	[tilespmem:$0x220] =	vst v3  }
0x1b3: {  	[tilespmem:$0x230] =	vst v4  }
0x1b4: {  	s18 =	simm.s32 $0x0;
	[tilespmem:$0x240] =	vst v5  }
0x1b5: {  	v7 =	vld [tilespmem:s18+$0x5300]  }
0x1b6: {  	v8 =	vld [tilespmem:s18+$0x5310]  }
0x1b7: {  	v9 =	vld [tilespmem:s18+$0x5320]  }
0x1b8: {  	v10 =	vld [tilespmem:s18+$0x5330]  }
0x1b9: {  	v11 =	vld [tilespmem:s18+$0x5340]  }
0x1ba: {  	v12 =	vld [tilespmem:s18+$0x5350]  }
0x1bb: {  	v13 =	vld [tilespmem:s18+$0x5360]  }
0x1bc: {  	v14 =	vld [tilespmem:s18+$0x5370]  }
0x1bd: {  	v15 =	vld [tilespmem:s18+$0x5380]  }
0x1be: {  	v16 =	vld [tilespmem:s18+$0x5390]  }
0x1bf: {  	v17 =	vld [tilespmem:s18+$0x53A0]  }
0x1c0: {  	v18 =	vld [tilespmem:s18+$0x53B0]  }
0x1c1: {  	v19 =	vld [tilespmem:s18+$0x53C0]  }
0x1c2: {  	v20 =	vld [tilespmem:s18+$0x53D0]  }
0x1c3: {  	v21 =	vld [tilespmem:s18+$0x53E0]  }
0x1c4: {  	v22 =	vld [tilespmem:s18+$0x53F0]  }
0x1c5: {  	v23 =	vld [tilespmem:s18+$0x5400]  }
0x1c6: {  	v24 =	vld [tilespmem:s18+$0x5410]  }
0x1c7: {  	v25 =	vld [tilespmem:s18+$0x5420]  }
0x1c8: {  	v26 =	vld [tilespmem:s18+$0x5430]  }
0x1c9: {  	v27 =	vld [tilespmem:s18+$0x5440]  }
0x1ca: {  	v28 =	vld [tilespmem:s18+$0x5450]  }
0x1cb: {  	v29 =	vld [tilespmem:s18+$0x5460]  }
0x1cc: {  	v30 =	vld [tilespmem:s18+$0x5470]  }
0x1cd: {  	v31 =	vld [tilespmem:s18+$0x5480]  }
0x1ce: {  	v32 =	vld [tilespmem:s18+$0x5490]  }
0x1cf: {  	v6 =	vld [tilespmem:s18+$0x54A0]  }
0x1d0: {  	v5 =	vld [tilespmem:s18+$0x54B0]  }
0x1d1: {  	v4 =	vld [tilespmem:s18+$0x54C0]  }
0x1d2: {  	v3 =	vld [tilespmem:s18+$0x54D0]  }
0x1d3: {  	v2 =	vld [tilespmem:s18+$0x54E0]  }
0x1d4: {  	v33 =	vld [tilespmem:s18+$0x300]  }
0x1d5: {  	v34 =	vld [tilespmem:s18+$0x310]  }
0x1d6: {  	v35 =	vld [tilespmem:s18+$0x320]  }
0x1d7: {  	v36 =	vld [tilespmem:s18+$0x330]  }
0x1d8: {  	v37 =	vld [tilespmem:s18+$0x340]  }
0x1d9: {  	v63 =	vld [tilespmem:s18+$0x350];
	v7 =	vmul.f32 v7, v33  }
0x1da: {  	v38 =	vld [tilespmem:s18+$0x360];
	v8 =	vmul.f32 v8, v34  }
0x1db: {  	v9 =	vmul.f32 v9, v35;
	[tilespmem:s18+$0x300] =	vst v7;
	v7 =	vld [tilespmem:s18+$0x370]  }
0x1dc: {  	v10 =	vmul.f32 v10, v36;
	[tilespmem:s18+$0x310] =	vst v8;
	v8 =	vld [tilespmem:s18+$0x380]  }
0x1dd: {  	v11 =	vmul.f32 v11, v37;
	[tilespmem:s18+$0x320] =	vst v9;
	v9 =	vld [tilespmem:s18+$0x390]  }
0x1de: {  	v12 =	vmul.f32 v12, v63;
	[tilespmem:s18+$0x330] =	vst v10;
	v10 =	vld [tilespmem:s18+$0x3A0]  }
0x1df: {  	v13 =	vmul.f32 v13, v38;
	[tilespmem:s18+$0x340] =	vst v11;
	v11 =	vld [tilespmem:s18+$0x3B0]  }
0x1e0: {  	[tilespmem:s18+$0x350] =	vst v12;
	v12 =	vld [tilespmem:s18+$0x3C0];
	v7 =	vmul.f32 v14, v7  }
0x1e1: {  	[tilespmem:s18+$0x360] =	vst v13;
	v13 =	vld [tilespmem:s18+$0x3D0];
	v8 =	vmul.f32 v15, v8  }
0x1e2: {  	v9 =	vmul.f32 v16, v9;
	[tilespmem:s18+$0x370] =	vst v7;
	v7 =	vld [tilespmem:s18+$0x3E0]  }
0x1e3: {  	v10 =	vmul.f32 v17, v10;
	[tilespmem:s18+$0x380] =	vst v8;
	v8 =	vld [tilespmem:s18+$0x3F0]  }
0x1e4: {  	v11 =	vmul.f32 v18, v11;
	[tilespmem:s18+$0x390] =	vst v9;
	v9 =	vld [tilespmem:s18+$0x400]  }
0x1e5: {  	v12 =	vmul.f32 v19, v12;
	[tilespmem:s18+$0x3A0] =	vst v10;
	v10 =	vld [tilespmem:s18+$0x410]  }
0x1e6: {  	v13 =	vmul.f32 v20, v13;
	[tilespmem:s18+$0x3B0] =	vst v11;
	v11 =	vld [tilespmem:s18+$0x420]  }
0x1e7: {  	[tilespmem:s18+$0x3C0] =	vst v12;
	v12 =	vld [tilespmem:s18+$0x430];
	v7 =	vmul.f32 v21, v7  }
0x1e8: {  	[tilespmem:s18+$0x3D0] =	vst v13;
	v13 =	vld [tilespmem:s18+$0x440]  }
0x1e9: {  	v8 =	vmul.f32 v22, v8;
	[tilespmem:s18+$0x3E0] =	vst v7;
	v7 =	vld [tilespmem:s18+$0x450]  }
0x1ea: {  	v1 =	vld [tilespmem:s18+$0x54F0];
	v9 =	vmul.f32 v23, v9  }
0x1eb: {  	[tilespmem:s18+$0x3F0] =	vst v8;
	v8 =	vmul.f32 v24, v10;
	v10 =	vld [tilespmem:s18+$0x470]  }
0x1ec: {  	v14 =	vld [tilespmem:s18+$0x460];
	[tilespmem:s18+$0x400] =	vst v9;
	v9 =	vmul.f32 v25, v11  }
0x1ed: {  	v11 =	vld [tilespmem:s18+$0x480];
	[tilespmem:s18+$0x410] =	vst v8;
	v8 =	vmul.f32 v26, v12  }
0x1ee: {  	[tilespmem:s18+$0x420] =	vst v9;
	v12 =	vld [tilespmem:s18+$0x490];
	v9 =	vmul.f32 v27, v13;
	v13 =	vmul.f32 v28, v7  }
0x1ef: {  	[tilespmem:s18+$0x430] =	vst v8;
	v8 =	vld [tilespmem:s18+$0x4A0]  }
0x1f0: {  	v7 =	vld [tilespmem:s18+$0x4B0];
	[tilespmem:s18+$0x450] =	vst v13;
	v13 =	vmul.f32 v30, v10  }
0x1f1: {  	v14 =	vmul.f32 v29, v14;
	[tilespmem:s18+$0x440] =	vst v9;
	v9 =	vld [tilespmem:s18+$0x4C0]  }
0x1f2: {  	v10 =	vld [tilespmem:s18+$0x4D0];
	[tilespmem:s18+$0x470] =	vst v13;
	v13 =	vmul.f32 v31, v11  }
0x1f3: {  	s19 =	simm.s32 $0x800;
	[tilespmem:s18+$0x460] =	vst v14;
	v12 =	vmul.f32 v32, v12;
	v11 =	vld [tilespmem:s18+$0x4E0]  }
.LBB2_10:
0x1f4: {  	s20 =	sshra.s32 s19, $0x2;
	p0 =	sne.s32 s19, $0x9800;
	[tilespmem:s18+$0x480] =	vst v13;
	v6 =	vmul.f32 v6, v8;
	v8 =	vld [tilespmem:s18+$0x4F0]  }
0x1f5: {  	v13 =	vld [tilespmem:s20+$0x5300];
	[tilespmem:s18+$0x490] =	vst v12;
	v5 =	vmul.f32 v5, v7  }
0x1f6: {  	v7 =	vld [tilespmem:s20+$0x5310];
	[tilespmem:s18+$0x4A0] =	vst v6;
	v4 =	vmul.f32 v4, v9  }
0x1f7: {  	v9 =	vld [tilespmem:s20+$0x5320];
	[tilespmem:s18+$0x4B0] =	vst v5;
	v3 =	vmul.f32 v3, v10  }
0x1f8: {  	v10 =	vld [tilespmem:s20+$0x5330];
	[tilespmem:s18+$0x4C0] =	vst v4;
	v2 =	vmul.f32 v2, v11  }
0x1f9: {  	v11 =	vld [tilespmem:s20+$0x5340];
	[tilespmem:s18+$0x4D0] =	vst v3;
	v1 =	vmul.f32 v1, v8  }
0x1fa: {  	v8 =	vld [tilespmem:s20+$0x5350];
	[tilespmem:s18+$0x4E0] =	vst v2  }
0x1fb: {  	v12 =	vld [tilespmem:s20+$0x5360];
	[tilespmem:s18+$0x4F0] =	vst v1;
	s18 =	smov.u32 s20  }
0x1fc: {  	v14 =	vld [tilespmem:s18+$0x5370]  }
0x1fd: {  	v15 =	vld [tilespmem:s18+$0x5380]  }
0x1fe: {  	v16 =	vld [tilespmem:s18+$0x5390]  }
0x1ff: {  	v17 =	vld [tilespmem:s18+$0x53A0]  }
0x200: {  	v18 =	vld [tilespmem:s18+$0x53B0]  }
0x201: {  	v19 =	vld [tilespmem:s18+$0x53C0]  }
0x202: {  	v20 =	vld [tilespmem:s18+$0x53D0]  }
0x203: {  	v21 =	vld [tilespmem:s18+$0x53E0]  }
0x204: {  	v22 =	vld [tilespmem:s18+$0x53F0]  }
0x205: {  	v23 =	vld [tilespmem:s18+$0x5400]  }
0x206: {  	v24 =	vld [tilespmem:s18+$0x5410]  }
0x207: {  	v25 =	vld [tilespmem:s18+$0x5420]  }
0x208: {  	v26 =	vld [tilespmem:s18+$0x5430]  }
0x209: {  	v27 =	vld [tilespmem:s18+$0x5440]  }
0x20a: {  	v28 =	vld [tilespmem:s18+$0x5450]  }
0x20b: {  	v29 =	vld [tilespmem:s18+$0x5460]  }
0x20c: {  	v30 =	vld [tilespmem:s18+$0x5470]  }
0x20d: {  	v31 =	vld [tilespmem:s18+$0x5480]  }
0x20e: {  	v32 =	vld [tilespmem:s18+$0x5490]  }
0x20f: {  	v6 =	vld [tilespmem:s18+$0x54A0]  }
0x210: {  	v5 =	vld [tilespmem:s18+$0x54B0]  }
0x211: {  	v4 =	vld [tilespmem:s18+$0x54C0]  }
0x212: {  	v3 =	vld [tilespmem:s18+$0x54D0]  }
0x213: {  	v2 =	vld [tilespmem:s18+$0x54E0]  }
0x214: {  	v1 =	vld [tilespmem:s18+$0x54F0]  }
0x215: {  	v33 =	vld [tilespmem:s18+$0x300]  }
0x216: {  	v34 =	vld [tilespmem:s18+$0x310]  }
0x217: {  	v35 =	vld [tilespmem:s18+$0x320]  }
0x218: {  	v36 =	vld [tilespmem:s18+$0x330]  }
0x219: {  	v37 =	vld [tilespmem:s18+$0x340]  }
0x21a: {  	v13 =	vmul.f32 v13, v33;
	v33 =	vld [tilespmem:s18+$0x350]  }
0x21b: {  	v7 =	vmul.f32 v7, v34;
	v34 =	vld [tilespmem:s18+$0x360]  }
0x21c: {  	[tilespmem:s18+$0x300] =	vst v13;
	v9 =	vmul.f32 v9, v35;
	v13 =	vld [tilespmem:s18+$0x370]  }
0x21d: {  	[tilespmem:s18+$0x310] =	vst v7;
	v7 =	vmul.f32 v10, v36;
	v10 =	vld [tilespmem:s18+$0x380]  }
0x21e: {  	[tilespmem:s18+$0x320] =	vst v9;
	v9 =	vmul.f32 v11, v37;
	v11 =	vld [tilespmem:s18+$0x390]  }
0x21f: {  	[tilespmem:s18+$0x330] =	vst v7;
	v7 =	vmul.f32 v8, v33;
	v8 =	vld [tilespmem:s18+$0x3A0]  }
0x220: {  	[tilespmem:s18+$0x340] =	vst v9;
	v9 =	vmul.f32 v12, v34;
	v12 =	vld [tilespmem:s18+$0x3B0]  }
0x221: {  	[tilespmem:s18+$0x350] =	vst v7;
	v7 =	vmul.f32 v14, v13;
	v13 =	vld [tilespmem:s18+$0x3C0]  }
0x222: {  	[tilespmem:s18+$0x360] =	vst v9;
	v9 =	vmul.f32 v15, v10;
	v10 =	vld [tilespmem:s18+$0x3D0]  }
0x223: {  	[tilespmem:s18+$0x370] =	vst v7;
	v7 =	vmul.f32 v16, v11;
	v11 =	vld [tilespmem:s18+$0x3E0]  }
0x224: {  	[tilespmem:s18+$0x380] =	vst v9;
	v8 =	vmul.f32 v17, v8;
	v9 =	vld [tilespmem:s18+$0x3F0]  }
0x225: {  	[tilespmem:s18+$0x390] =	vst v7;
	v7 =	vmul.f32 v18, v12;
	v12 =	vld [tilespmem:s18+$0x400]  }
0x226: {  	[tilespmem:s18+$0x3A0] =	vst v8;
	v8 =	vmul.f32 v19, v13;
	v13 =	vld [tilespmem:s18+$0x410]  }
0x227: {  	[tilespmem:s18+$0x3B0] =	vst v7;
	v7 =	vmul.f32 v20, v10;
	v10 =	vld [tilespmem:s18+$0x420]  }
0x228: {  	[tilespmem:s18+$0x3C0] =	vst v8;
	v8 =	vmul.f32 v21, v11;
	v11 =	vld [tilespmem:s18+$0x430]  }
0x229: {  	[tilespmem:s18+$0x3D0] =	vst v7;
	v7 =	vmul.f32 v22, v9;
	v9 =	vld [tilespmem:s18+$0x440]  }
0x22a: {  	[tilespmem:s18+$0x3E0] =	vst v8;
	v8 =	vmul.f32 v23, v12;
	v12 =	vld [tilespmem:s18+$0x450]  }
0x22b: {  	[tilespmem:s18+$0x3F0] =	vst v7;
	v7 =	vmul.f32 v24, v13;
	v13 =	vld [tilespmem:s18+$0x460]  }
0x22c: {  	[tilespmem:s18+$0x400] =	vst v8;
	v8 =	vmul.f32 v25, v10;
	v10 =	vld [tilespmem:s18+$0x470]  }
0x22d: {  	[tilespmem:s18+$0x410] =	vst v7;
	v7 =	vmul.f32 v26, v11;
	v11 =	vld [tilespmem:s18+$0x480]  }
0x22e: {  	[tilespmem:s18+$0x420] =	vst v8;
	v9 =	vmul.f32 v27, v9;
	v14 =	vld [tilespmem:s18+$0x490]  }
.Ltmp4:
0x22f: {  	[tilespmem:s18+$0x430] =	vst v7;
	v12 =	vmul.f32 v28, v12;
	v8 =	vld [tilespmem:s18+$0x4A0];
	(pc) =	sbr.rel @p0 .LBB2_10-.Ltmp4, $4  }
0x230: {  	[tilespmem:s18+$0x440] =	vst v9;
	v13 =	vmul.f32 v29, v13;
	v7 =	vld [tilespmem:s18+$0x4B0]  }
0x231: {  	[tilespmem:s18+$0x450] =	vst v12;
	v12 =	vmul.f32 v30, v10;
	v9 =	vld [tilespmem:s18+$0x4C0]  }
0x232: {  	[tilespmem:s18+$0x460] =	vst v13;
	v13 =	vmul.f32 v31, v11;
	v10 =	vld [tilespmem:s18+$0x4D0]  }
0x233: {  	s19 =	sadd.s32 $0x800, s19;
	[tilespmem:s18+$0x470] =	vst v12;
	v12 =	vmul.f32 v32, v14;
	v11 =	vld [tilespmem:s18+$0x4E0]  }
0x234: {  	[tilespmem:s18+$0x480] =	vst v13;
	v6 =	vmul.f32 v6, v8;
	v63 =	vld [tilespmem:s18+$0x4F0]  }
0x235: {  	[tilespmem:s18+$0x490] =	vst v12;
	v5 =	vmul.f32 v5, v7  }
0x236: {  	[tilespmem:s18+$0x4A0] =	vst v6;
	v4 =	vmul.f32 v4, v9  }
0x237: {  	[tilespmem:s18+$0x4B0] =	vst v5;
	v3 =	vmul.f32 v3, v10  }
0x238: {  	[tilespmem:s18+$0x4C0] =	vst v4;
	v2 =	vmul.f32 v2, v11  }
0x239: {  	[tilespmem:s18+$0x4D0] =	vst v3;
	v1 =	vmul.f32 v1, v63  }
0x23a: {  	[tilespmem:s18+$0x4E0] =	vst v2  }
0x23b: {  	[tilespmem:s18+$0x4F0] =	vst v1  }
0x23c: {  	[spmem:s3] =	stream.indirect.scatter.add.f32 [tilespmem:s8], [sflag:$0x5], $0x80, s28, s9, $0xb8;
	[tilespmem:$0x1E300] =	vst v63  }
0x23d: {  	_ =	swait.ge [sflag:s29], $0x2800  }
0x23e: {  	[sflag:s29] =	ssyncset.done $0x0  }
0x23f: {  	[sflag:s29] =	ssyncadd.s32 $0xFFFFD800  }
0x240: {  	_ =	swait.ge [sflag:s29], $0x2800  }
0x241: {  	[sflag:s29] =	ssyncset.done $0x0  }
0x242: {  	[sflag:s29] =	ssyncadd.s32 $0xFFFFD800  }
0x243: {  	[bflag:$0x0] =	sbarrier.arrive $0xFFFF  }
0x244: {  	[tilespmem:s0], [sflag:$0x6] =	stream.linear.gather [spmem:s25], $0x2800, $0x38;
	[tilespmem:$0x1E300] =	vst v63  }
0x245: {  	_ =	swait.ge [sflag:s6], $0x2800  }
0x246: {  	[sflag:s6] =	ssyncset.done $0x0  }
0x247: {  	s22 =	rddreg [dreg:$0x4];
	[sflag:s6] =	ssyncadd.s32 $0xFFFFD800  }
0x248: {  	[hbm4b:s22+s4] =	stream.linear.scatter [tilespmem:s0], [sflag:$0x6], $0x2800, $0x38;
	[tilespmem:$0x1E300] =	vst v63  }
0x249: {  	_ =	swait.ge [sflag:s6], $0x2800  }
0x24a: {  	[sflag:s6] =	ssyncset.done $0x0  }
0x24b: {  	s21 =	rddreg [dreg:$0xd];
	[sflag:s6] =	ssyncadd.s32 $0xFFFFD800  }
0x24c: {  	[tilespmem:s0], [sflag:$0x6] =	stream.linear.gather [spmem:s21], $0x2800, $0x38;
	[tilespmem:$0x1E300] =	vst v63  }
0x24d: {  	_ =	swait.ge [sflag:s6], $0x2800  }
0x24e: {  	[sflag:s6] =	ssyncset.done $0x0  }
0x24f: {  	s23 =	rddreg [dreg:$0x5];
	[sflag:s6] =	ssyncadd.s32 $0xFFFFD800  }
0x250: {  	[hbm4b:s23+s4] =	stream.linear.scatter [tilespmem:s0], [sflag:$0x6], $0x2800, $0x38;
	[tilespmem:$0x1E300] =	vst v63  }
0x251: {  	_ =	swait.ge [sflag:s6], $0x2800  }
0x252: {  	[sflag:s6] =	ssyncset.done $0x0  }
0x253: {  	s22 =	rddreg [dreg:$0xe];
	[sflag:s6] =	ssyncadd.s32 $0xFFFFD800  }
0x254: {  	[tilespmem:s0], [sflag:$0x6] =	stream.linear.gather [spmem:s22], $0x2800, $0x38;
	[tilespmem:$0x1E300] =	vst v63  }
0x255: {  	_ =	swait.ge [sflag:s6], $0x2800  }
0x256: {  	[sflag:s6] =	ssyncset.done $0x0  }
0x257: {  	s20 =	smov.u32 s25;
	s25 =	rddreg [dreg:$0x6];
	[sflag:s6] =	ssyncadd.s32 $0xFFFFD800  }
0x258: {  	[hbm4b:s25+s4] =	stream.linear.scatter [tilespmem:s0], [sflag:$0x6], $0x2800, $0x38;
	[tilespmem:$0x1E300] =	vst v63  }
0x259: {  	_ =	swait.ge [sflag:s6], $0x2800  }
0x25a: {  	[sflag:s6] =	ssyncset.done $0x0  }
0x25b: {  	s23 =	rddreg [dreg:$0xf];
	[sflag:s6] =	ssyncadd.s32 $0xFFFFD800  }
0x25c: {  	[tilespmem:s0], [sflag:$0x6] =	stream.linear.gather [spmem:s23], $0x2800, $0x38;
	[tilespmem:$0x1E300] =	vst v63  }
0x25d: {  	_ =	swait.ge [sflag:s6], $0x2800  }
0x25e: {  	[sflag:s6] =	ssyncset.done $0x0  }
0x25f: {  	s19 =	rddreg [dreg:$0x7];
	[sflag:s6] =	ssyncadd.s32 $0xFFFFD800  }
0x260: {  	[hbm4b:s19+s4] =	stream.linear.scatter [tilespmem:s0], [sflag:$0x6], $0x2800, $0x38;
	[tilespmem:$0x1E300] =	vst v63  }
0x261: {  	_ =	swait.ge [sflag:s6], $0x2800  }
0x262: {  	[sflag:s6] =	ssyncset.done $0x0  }
0x263: {  	s25 =	rddreg [dreg:$0x10];
	[sflag:s6] =	ssyncadd.s32 $0xFFFFD800  }
0x264: {  	[tilespmem:s0], [sflag:$0x6] =	stream.linear.gather [spmem:s25], $0x2800, $0x38;
	[tilespmem:$0x1E300] =	vst v63  }
0x265: {  	_ =	swait.ge [sflag:s6], $0x2800  }
0x266: {  	[sflag:s6] =	ssyncset.done $0x0  }
0x267: {  	s19 =	rddreg [dreg:$0x8];
	[sflag:s6] =	ssyncadd.s32 $0xFFFFD800  }
0x268: {  	[hbm4b:s19+s4] =	stream.linear.scatter [tilespmem:s0], [sflag:$0x6], $0x2800, $0x38;
	[tilespmem:$0x1E300] =	vst v63  }
0x269: {  	_ =	swait.ge [sflag:s6], $0x2800  }
0x26a: {  	[sflag:s6] =	ssyncset.done $0x0  }
0x26b: {  	s25 =	rddreg [dreg:$0x11];
	[sflag:s6] =	ssyncadd.s32 $0xFFFFD800  }
0x26c: {  	[tilespmem:s0], [sflag:$0x6] =	stream.linear.gather [spmem:s25], $0x2800, $0x38;
	[tilespmem:$0x1E300] =	vst v63  }
0x26d: {  	_ =	swait.ge [sflag:s6], $0x2800  }
0x26e: {  	[sflag:s6] =	ssyncset.done $0x0  }
0x26f: {  	s19 =	rddreg [dreg:$0x9];
	[sflag:s6] =	ssyncadd.s32 $0xFFFFD800  }
0x270: {  	[hbm4b:s19+s4] =	stream.linear.scatter [tilespmem:s0], [sflag:$0x6], $0x2800, $0x38;
	[tilespmem:$0x1E300] =	vst v63  }
0x271: {  	_ =	swait.ge [sflag:s6], $0x2800  }
0x272: {  	[sflag:s6] =	ssyncset.done $0x0  }
0x273: {  	s25 =	rddreg [dreg:$0x12];
	[sflag:s6] =	ssyncadd.s32 $0xFFFFD800  }
0x274: {  	[tilespmem:s0], [sflag:$0x6] =	stream.linear.gather [spmem:s25], $0x2800, $0x38;
	[tilespmem:$0x1E300] =	vst v63  }
0x275: {  	_ =	swait.ge [sflag:s6], $0x2800  }
0x276: {  	[sflag:s6] =	ssyncset.done $0x0  }
0x277: {  	s19 =	rddreg [dreg:$0xa];
	[sflag:s6] =	ssyncadd.s32 $0xFFFFD800  }
0x278: {  	[hbm4b:s19+s4] =	stream.linear.scatter [tilespmem:s0], [sflag:$0x6], $0x2800, $0x38;
	[tilespmem:$0x1E300] =	vst v63  }
0x279: {  	_ =	swait.ge [sflag:s6], $0x2800  }
0x27a: {  	[sflag:s6] =	ssyncset.done $0x0  }
0x27b: {  	s25 =	rddreg [dreg:$0x13];
	[sflag:s6] =	ssyncadd.s32 $0xFFFFD800  }
0x27c: {  	[tilespmem:s0], [sflag:$0x6] =	stream.linear.gather [spmem:s25], $0x2800, $0x38;
	[tilespmem:$0x1E300] =	vst v63  }
0x27d: {  	_ =	swait.ge [sflag:s6], $0x2800  }
0x27e: {  	[sflag:s6] =	ssyncset.done $0x0  }
0x27f: {  	s19 =	rddreg [dreg:$0xb];
	[sflag:s6] =	ssyncadd.s32 $0xFFFFD800  }
0x280: {  	[hbm4b:s19+s4] =	stream.linear.scatter [tilespmem:s0], [sflag:$0x6], $0x2800, $0x38;
	[tilespmem:$0x1E300] =	vst v63  }
0x281: {  	_ =	swait.ge [sflag:s6], $0x2800  }
0x282: {  	s17 =	sadd.s32 $0x1, s17;
	s25 =	rddreg [dreg:$0x15]  }
0x283: {  	p0 =	sne.s32 s17, s25  }
.Ltmp5:
0x284: {  	_ = 	snop;
	(pc) =	sbr.rel @p0 .LBB2_1-.Ltmp5, $3  }
0x285: {  	_ =	sdelay $0x1  }
0x286: {  	[sflag:s6] =	ssyncset.done $0x0  }
0x287: {  	[sflag:s6] =	ssyncadd.s32 $0xFFFFD800  }
0x288: {  	_ =	sfence.sel $0x180000  }
0x289: {  	[bflag:$0x0] =	sbarrier.arrive $0xFFFF  }
0x28a: {  	_ =	strace $0x90000047  }
0x28b: {  	s0 =	stileid.u32;
	[bflag:$0x2] =	sbarrier.arrive $0xFFFF  }
0x28c: {  	p0 =	sne.s32 s0, $0x0;
	s0 =	rddreg [dreg:$0x3]  }
0x28d: {  	s0 =	sadd.s32 @!p0 $0x100000, s0  }
0x28e: {  	[sflag:s0] =	ssyncadd.tile.s32 @!p0 $0x1;
	_ =	shalt  }
.Lfunc_end2:
_tile_overlayer_lowered:
.L_overlay_start_2:
0x28f: {  	(tag) =	ssettag $0x2  }
0x290: {  	s0 =	rddreg [dreg:$0x0];
	s2 =	stileid.u32  }
0x291: {  	s1 =	rddreg [dreg:$0x1];
	p0 =	sne.s32 s2, $0x0  }
0x292: {  	s3 =	rddreg [dreg:$0x2];
	[bflag:$0x3] =	sbarrier.arrive $0xFFFF;
	s2 =	simm.s32 @!p0 $0x1C06  }
0x293: {  	[timem:s3], [sflag:s2] =	dma.local @!p0 [hbm:s0], s1  }
0x294: {  	s0 =	simm.s32 @!p0 $0x6  }
0x295: {  	_ =	swait.ge @!p0 [sflag:s0], s1  }
0x296: {  	s1 =	ssub.s32 @!p0 $0x0, s1;
	[sflag:s0] =	ssyncset.done @!p0 $0x0  }
0x297: {  	[sflag:s0] =	ssyncadd.s32 @!p0 s1  }
0x298: {  	[bflag:$0x3] =	sbarrier.arrive $0xFFFF  }
0x299: {  	_ =	shalt  }

</sc_bundles>
